<compile_context>
chip_gen: v7x
topology: tpu7x:2x2x1
jax: 0.10.2.dev20260603
libtpu: 0.0.44.dev20260713+nightly
codegen_flags: <defaults>
</compile_context>

<pallas_src>
import functools

import jax
import jax.numpy as jnp
from jax import lax
from jax.experimental import pallas as pl
from jax.experimental.pallas import tpu as pltpu
from jax.experimental.pallas import tpu_sc as plsc

_N = 10000
_E = 640000
_F_IN = 128
_H = 256
_C = 12
_G = 64

_NSC = 2
_NTILE = 16
_CHUNK = 128

_NP = 10240
_ROWS_PT = _NP // _NTILE
_CPT_HALF = 160
_EPAD = _NSC * _NTILE * _CHUNK * _CPT_HALF
_CPT_ALL = _EPAD // (_NTILE * _CHUNK)
_NCHUNK = _EPAD // _CHUNK



@functools.cache
def _sc_kernels():
    mesh = plsc.VectorSubcoreMesh(
        core_axis_name="c", subcore_axis_name="s",
        num_cores=_NSC, num_subcores=_NTILE)

    @functools.partial(
        pl.kernel,
        out_type=jax.ShapeDtypeStruct((_NSC, _NP, 16), jnp.float32),
        mesh=mesh,
        compiler_params=pltpu.CompilerParams(use_tc_tiling_on_sc=False),
        scratch_types=[
            pltpu.VMEM((_CPT_HALF, _CHUNK), jnp.int32),
            pltpu.VMEM((_CHUNK, 16), jnp.float32),
            pltpu.VMEM_SHARED((_NP, 16), jnp.float32),
            pltpu.SemaphoreType.DMA,
        ],
    )
    def sc_deg(dst_hbm, ones_hbm, zeros_hbm, out_hbm, dst_v, ones_v, acc_sh, sem):
        c = lax.axis_index("c")
        s = lax.axis_index("s")
        r0 = s * _ROWS_PT
        pltpu.sync_copy(zeros_hbm.at[pl.ds(r0, _ROWS_PT)],
                        acc_sh.at[pl.ds(r0, _ROWS_PT)])
        pltpu.sync_copy(ones_hbm, ones_v)
        base_c = (c * _NTILE + s) * _CPT_HALF
        pltpu.sync_copy(dst_hbm.at[pl.ds(base_c, _CPT_HALF)], dst_v)
        plsc.subcore_barrier()

        grp = 16

        def body(g, carry):
            for k in range(grp):
                pltpu.async_copy(ones_v, acc_sh.at[dst_v.at[g * grp + k]],
                                 sem, add=True)
            for k in range(grp):
                pltpu.make_async_copy(ones_v, acc_sh.at[dst_v.at[g * grp + k]],
                                      sem).wait()
            return carry

        lax.fori_loop(0, _CPT_HALF // grp, body, 0)
        plsc.subcore_barrier()
        pltpu.sync_copy(acc_sh.at[pl.ds(r0, _ROWS_PT)],
                        out_hbm.at[c, pl.ds(r0, _ROWS_PT)])

    gc = 16

    def make_agg(cpt, srck_rank3):
        ngroups = cpt // gc

        @functools.partial(
            pl.kernel,
            out_type=jax.ShapeDtypeStruct((_NSC, _NP, 128), jnp.float32),
            mesh=mesh,
            scratch_types=[
                pltpu.VMEM((2, gc, _CHUNK), jnp.int32),
                pltpu.VMEM((2, gc, _CHUNK), jnp.int32),
                pltpu.VMEM((2, _CHUNK, 128), jnp.float32),
                pltpu.VMEM_SHARED((_NP, 128), jnp.float32),
                pltpu.SemaphoreType.DMA((2,)),
                pltpu.SemaphoreType.DMA((2,)),
                pltpu.SemaphoreType.DMA((2,)),
            ],
        )
        def agg(ys_hbm, src_hbm, dst_hbm, zeros_hbm, out_hbm,
                src_v, dst_v, msg_v, acc_sh, sem_i, sem_g, sem_s):
            c = lax.axis_index("c")
            s = lax.axis_index("s")
            r0 = s * _ROWS_PT
            if srck_rank3:
                base_c = s * cpt

                def src_slice(g):
                    return src_hbm.at[c, pl.ds(base_c + g * gc, gc)]
            else:
                base_c = (c * _NTILE + s) * cpt

                def src_slice(g):
                    return src_hbm.at[pl.ds(base_c + g * gc, gc)]

            def dst_slice(g):
                return dst_hbm.at[pl.ds(base_c + g * gc, gc)]

            pltpu.async_copy(src_slice(0), src_v.at[0], sem_i.at[0])
            pltpu.async_copy(dst_slice(0), dst_v.at[0], sem_i.at[0])
            pltpu.sync_copy(zeros_hbm.at[pl.ds(r0, _ROWS_PT)],
                            acc_sh.at[pl.ds(r0, _ROWS_PT)])
            pltpu.make_async_copy(src_slice(0), src_v.at[0], sem_i.at[0]).wait()
            pltpu.make_async_copy(dst_slice(0), dst_v.at[0], sem_i.at[0]).wait()
            plsc.subcore_barrier()

            def gbody(g, carry):
                gs = lax.rem(g, 2)
                ns = 1 - gs

                @pl.when(g > 0)
                def _():
                    pltpu.make_async_copy(src_slice(g), src_v.at[gs],
                                          sem_i.at[gs]).wait()
                    pltpu.make_async_copy(dst_slice(g), dst_v.at[gs],
                                          sem_i.at[gs]).wait()

                @pl.when(g + 1 < ngroups)
                def _():
                    pltpu.async_copy(src_slice(g + 1), src_v.at[ns],
                                     sem_i.at[ns])
                    pltpu.async_copy(dst_slice(g + 1), dst_v.at[ns],
                                     sem_i.at[ns])

                pltpu.async_copy(ys_hbm.at[src_v.at[gs, 0]], msg_v.at[0],
                                 sem_g.at[0])
                for k in range(gc):
                    b = k % 2
                    nb = 1 - b
                    if k + 1 < gc:
                        if k >= 1:
                            pltpu.make_async_copy(
                                msg_v.at[nb], acc_sh.at[dst_v.at[gs, k - 1]],
                                sem_s.at[nb]).wait()
                        pltpu.async_copy(ys_hbm.at[src_v.at[gs, k + 1]],
                                         msg_v.at[nb], sem_g.at[nb])
                    pltpu.make_async_copy(ys_hbm.at[src_v.at[gs, k]],
                                          msg_v.at[b], sem_g.at[b]).wait()
                    pltpu.async_copy(msg_v.at[b], acc_sh.at[dst_v.at[gs, k]],
                                     sem_s.at[b], add=True)
                pltpu.make_async_copy(msg_v.at[0], acc_sh.at[dst_v.at[gs, gc - 2]],
                                      sem_s.at[0]).wait()
                pltpu.make_async_copy(msg_v.at[1], acc_sh.at[dst_v.at[gs, gc - 1]],
                                      sem_s.at[1]).wait()
                return carry

            lax.fori_loop(0, ngroups, gbody, 0)
            plsc.subcore_barrier()
            pltpu.sync_copy(acc_sh.at[pl.ds(r0, _ROWS_PT)],
                            out_hbm.at[c, pl.ds(r0, _ROWS_PT)])

        return agg

    return (sc_deg,
            make_agg(_CPT_HALF, srck_rank3=False),
            make_agg(_CPT_ALL, srck_rank3=True))



def _dinv_of(deg_ref):
    deg = 1.0 + deg_ref[0][:, :1] + deg_ref[1][:, :1]
    return lax.rsqrt(deg)


_BR = 2048


def _y1_body(x_ref, deg_ref, o_ref):
    o_ref[...] = x_ref[...] * _dinv_of(deg_ref)


def _tc_y1(x_p, deg2):
    return pl.pallas_call(
        _y1_body,
        grid=(_NP // _BR,),
        in_specs=[
            pl.BlockSpec((_BR, _F_IN), lambda i: (i, 0)),
            pl.BlockSpec((_NSC, _BR, 16), lambda i: (0, i, 0)),
        ],
        out_specs=pl.BlockSpec((_BR, _F_IN), lambda i: (i, 0)),
        out_shape=jax.ShapeDtypeStruct((_NP, _F_IN), jnp.float32),
    )(x_p, deg2)


def _l1_body(s_ref, y_ref, deg_ref, w_ref, b_ref, o_ref):
    dinv = _dinv_of(deg_ref)
    t = (s_ref[0] + s_ref[1] + y_ref[...]) * dinv
    acc = jnp.dot(t, w_ref[...], preferred_element_type=jnp.float32)
    h = jnp.maximum(acc + b_ref[...], 0.0)
    y2 = h * dinv
    o_ref[0] = y2[:, :128]
    o_ref[1] = y2[:, 128:]


def _tc_l1(s1, y1, deg2, W1, b1):
    return pl.pallas_call(
        _l1_body,
        grid=(_NP // _BR,),
        in_specs=[
            pl.BlockSpec((_NSC, _BR, 128), lambda i: (0, i, 0)),
            pl.BlockSpec((_BR, _F_IN), lambda i: (i, 0)),
            pl.BlockSpec((_NSC, _BR, 16), lambda i: (0, i, 0)),
            pl.BlockSpec((_F_IN, _H), lambda i: (0, 0)),
            pl.BlockSpec((1, _H), lambda i: (0, 0)),
        ],
        out_specs=pl.BlockSpec((_NSC, _BR, 128), lambda i: (0, i, 0)),
        out_shape=jax.ShapeDtypeStruct((_NSC, _NP, 128), jnp.float32),
    )(s1, y1, deg2, W1, b1.reshape(1, _H))


def _l2_body(s_ref, y_ref, deg_ref, w_ref, b_ref, batch_ref, wfc_ref, bfc_ref,
             o_ref, pooled):
    i = pl.program_id(0)
    dinv = _dinv_of(deg_ref)
    ta = (s_ref[0] + y_ref[0]) * dinv
    tb = (s_ref[1] + y_ref[1]) * dinv
    acc = jnp.dot(ta, w_ref[:128, :], preferred_element_type=jnp.float32)
    acc += jnp.dot(tb, w_ref[128:, :], preferred_element_type=jnp.float32)
    h = jnp.maximum(acc + b_ref[...], 0.0)

    @pl.when(i == 0)
    def _():
        pooled[...] = jnp.full((_G, _H), -jnp.inf, jnp.float32)

    bm = batch_ref[...]
    g_lo = bm[0, 0]
    g_hi = jnp.minimum(bm[_BR - 1, 0], _G - 1)
    neg = jnp.float32(-jnp.inf)

    def seg_body(g, carry):
        m = bm == g
        colmax = jnp.max(jnp.where(m, h, neg), axis=0, keepdims=True)
        cur = pooled[pl.ds(g, 1), :]
        pooled[pl.ds(g, 1), :] = jnp.maximum(cur, colmax)
        return carry

    lax.fori_loop(g_lo, g_hi + 1, seg_body, 0)

    @pl.when(i == pl.num_programs(0) - 1)
    def _():
        p = pooled[...]
        logits = jnp.dot(p, wfc_ref[...], preferred_element_type=jnp.float32)
        logits += bfc_ref[...]
        mx = jnp.max(logits, axis=1, keepdims=True)
        lse = jnp.log(jnp.sum(jnp.exp(logits - mx), axis=1, keepdims=True)) + mx
        o_ref[...] = logits - lse


def _tc_l2(s2, y2, deg2, W2, b2, batch_p, Wfc, bfc):
    return pl.pallas_call(
        _l2_body,
        grid=(_NP // _BR,),
        in_specs=[
            pl.BlockSpec((_NSC, _BR, 128), lambda i: (0, i, 0)),
            pl.BlockSpec((_NSC, _BR, 128), lambda i: (0, i, 0)),
            pl.BlockSpec((_NSC, _BR, 16), lambda i: (0, i, 0)),
            pl.BlockSpec((_H, _H), lambda i: (0, 0)),
            pl.BlockSpec((1, _H), lambda i: (0, 0)),
            pl.BlockSpec((_BR, 1), lambda i: (i, 0)),
            pl.BlockSpec((_H, _C), lambda i: (0, 0)),
            pl.BlockSpec((1, _C), lambda i: (0, 0)),
        ],
        out_specs=pl.BlockSpec((_G, _C), lambda i: (0, 0)),
        out_shape=jax.ShapeDtypeStruct((_G, _C), jnp.float32),
        scratch_shapes=[pltpu.VMEM((_G, _H), jnp.float32)],
    )(s2, y2, deg2, W2, b2.reshape(1, _H), batch_p, Wfc, bfc.reshape(1, _C))



def kernel(x, edge_index, batch, W1, b1, W2, b2, Wfc, bfc):
    src = edge_index[0]
    dst = edge_index[1]
    pad_e = _EPAD - _E
    pad_idx = jnp.arange(pad_e, dtype=jnp.int32)
    pad_dst = _N + jax.lax.rem(pad_idx, _NP - _N)
    src_p = jnp.concatenate([src, jax.lax.rem(pad_idx, _N)])
    dst_p = jnp.concatenate([dst, pad_dst])
    src2d = src_p.reshape(_NCHUNK, _CHUNK)
    dst2d = dst_p.reshape(_NCHUNK, _CHUNK)
    srck = jnp.stack([src2d, src2d + _NP])
    x_p = jnp.concatenate([x, jnp.zeros((_NP - _N, _F_IN), jnp.float32)])
    batch_p = jnp.concatenate(
        [batch, jnp.full((_NP - _N,), _G, jnp.int32)]).reshape(_NP, 1)
    ones_c = jnp.ones((_CHUNK, 16), jnp.float32)
    z16 = jnp.zeros((_NP, 16), jnp.float32)
    z128 = jnp.zeros((_NP, 128), jnp.float32)

    sc_deg, sc_agg1, sc_agg2 = _sc_kernels()
    deg2 = sc_deg(dst2d, ones_c, z16)
    y1 = _tc_y1(x_p, deg2)
    s1 = sc_agg1(y1, src2d, dst2d, z128)
    y2 = _tc_l1(s1, y1, deg2, W1, b1)
    s2 = sc_agg2(y2.reshape(_NSC * _NP, 128), srck, dst2d, z128)
    return _tc_l2(s2, y2, deg2, W2, b2, batch_p, Wfc, bfc)

# --- scband reference (transcript-rebuilt; emitter-appended) ---
"""Pipeline reference for scband-net-11682311045608 (READ-ONLY COPY).

The authoritative reference and input builder live on the scoring server;
editing this copy changes nothing except your own understanding.
"""

import jax, jax.numpy as jnp
import numpy as np

N = 10000
E = 640000
F_IN = 128
H = 256
C = 12
G = 64


def gcn_conv(x, edge_index, W, b, num_nodes):
    src = edge_index[0]
    dst = edge_index[1]
    loop = jnp.arange(num_nodes, dtype=src.dtype)
    src = jnp.concatenate([src, loop])
    dst = jnp.concatenate([dst, loop])
    deg = jnp.zeros((num_nodes,), dtype=x.dtype).at[dst].add(1.0)
    deg_inv_sqrt = jnp.where(deg > 0, deg ** -0.5, 0.0)
    norm = deg_inv_sqrt[src] * deg_inv_sqrt[dst]
    xw = x @ W
    msg = xw[src] * norm[:, None]
    out = jnp.zeros((num_nodes, W.shape[1]), dtype=x.dtype).at[dst].add(msg)
    return out + b


def setup_inputs(seed: int = 0) -> dict:
    key = jax.random.key(seed)
    ks = jax.random.split(key, 9)
    x = jax.random.normal(ks[0], (N, F_IN), dtype=jnp.float32)
    edge_index = jax.random.randint(ks[1], (2, E), 0, N, dtype=jnp.int32)
    batch = jnp.sort(jax.random.randint(ks[2], (N,), 0, G, dtype=jnp.int32))
    W1 = jax.random.normal(ks[3], (F_IN, H), dtype=jnp.float32) * 0.05
    b1 = jnp.zeros((H,), dtype=jnp.float32)
    W2 = jax.random.normal(ks[4], (H, H), dtype=jnp.float32) * 0.05
    b2 = jnp.zeros((H,), dtype=jnp.float32)
    Wfc = jax.random.normal(ks[5], (H, C), dtype=jnp.float32) * 0.05
    bfc = jnp.zeros((C,), dtype=jnp.float32)
    return {"x": x, "edge_index": edge_index, "batch": batch, "W1": W1, "b1": b1, "W2": W2, "b2": b2, "Wfc": Wfc, "bfc": bfc}


def reference(x, edge_index, batch, W1, b1, W2, b2, Wfc, bfc):
    h = jax.nn.relu(gcn_conv(x, edge_index, W1, b1, N))
    h = jax.nn.relu(gcn_conv(h, edge_index, W2, b2, N))
    pooled = jax.ops.segment_max(h, batch, num_segments=G)
    out = pooled @ Wfc + bfc
    return jax.nn.log_softmax(out, axis=1)

if __name__ == "__main__":
    import jax
    _d = setup_inputs()
    print(jax.jit(kernel)(*tuple(_d.values())))

</pallas_src>

<mosaic_0001>
#map = affine_map<(d0, d1) -> (0, 0)>
#map1 = affine_map<(d0, d1) -> (0, 0, 0)>
module attributes {stable_mosaic.version = 14 : i64} {
  func.func @agg(%arg0: i32, %arg1: i32, %arg2: memref<20480x128xf32, #tpu.memory_space<hbm>>, %arg3: memref<2x5120x128xi32, #tpu.memory_space<hbm>>, %arg4: memref<5120x128xi32, #tpu.memory_space<hbm>>, %arg5: memref<10240x128xf32, #tpu.memory_space<hbm>>, %arg6: memref<2x10240x128xf32, #tpu.memory_space<hbm>>, %arg7: memref<2x16x128xi32, #tpu.memory_space<vmem>>, %arg8: memref<2x16x128xi32, #tpu.memory_space<vmem>>, %arg9: memref<2x128x128xf32, #tpu.memory_space<vmem>>, %arg10: memref<10240x128xf32, #tpu.memory_space<vmem_shared>>, %arg11: memref<2x!tpu.dma_semaphore, #tpu.memory_space<semaphore_mem>>, %arg12: memref<2x!tpu.dma_semaphore, #tpu.memory_space<semaphore_mem>>, %arg13: memref<2x!tpu.dma_semaphore, #tpu.memory_space<semaphore_mem>>) attributes {dimension_semantics = [#tpu.dimension_semantics<core_parallel>, #tpu.dimension_semantics<subcore_parallel>], iteration_bounds = array<i64: 2, 16>, scalar_prefetch = 0 : i64, scratch_operands = 7 : i64, tpu.core_type = #tpu.core_type<sc_vector_subcore>, window_params = [{transform_indices = #map}, {transform_indices = #map1}, {transform_indices = #map}, {transform_indices = #map}, {transform_indices = #map1}]} {
    %mul3A = arith.constant 640 : i32
    %mul3A_0 = arith.muli %arg1, %mul3A : i32
    %mul3A_1 = arith.constant 320 : i32
    %mul3A_2 = arith.muli %arg1, %mul3A_1 : i32
    %add3A = arith.constant 0 : i32
    %add3A_3 = arith.addi %mul3A_2, %add3A : i32
    %dma_start3A = arith.constant 0 : i32
    %dma_start3A_4 = arith.constant 0 : i32
    %dma_start3A_5 = arith.constant 0 : i32
    %dma_start3A_6 = arith.constant 0 : i32
    %dma_start3A_7 = tpu.memref_slice %arg7[%dma_start3A, %dma_start3A_5, %dma_start3A_6] : memref<2x16x128xi32, #tpu.memory_space<vmem>> -> memref<1x16x128xi32, #tpu.memory_space<vmem>>
    %dma_start3A_8 = tpu.memref_squeeze %dma_start3A_7 : memref<1x16x128xi32, #tpu.memory_space<vmem>> -> memref<16x128xi32, #tpu.memory_space<vmem>>
    %dma_start3A_9 = arith.constant 0 : i32
    %dma_start3A_10 = tpu.memref_slice %arg3[%arg0, %add3A_3, %dma_start3A_9] : memref<2x5120x128xi32, #tpu.memory_space<hbm>> -> memref<1x16x128xi32, #tpu.memory_space<hbm>>
    %dma_start3A_11 = tpu.memref_squeeze %dma_start3A_10 : memref<1x16x128xi32, #tpu.memory_space<hbm>> -> memref<16x128xi32, #tpu.memory_space<hbm>>
    %dma_start3A_12 = tpu.memref_slice %arg11[%dma_start3A_4] : memref<2x!tpu.dma_semaphore, #tpu.memory_space<semaphore_mem>> -> memref<1x!tpu.dma_semaphore, #tpu.memory_space<semaphore_mem>>
    %dma_start3A_13 = tpu.memref_squeeze %dma_start3A_12 : memref<1x!tpu.dma_semaphore, #tpu.memory_space<semaphore_mem>> -> memref<!tpu.dma_semaphore, #tpu.memory_space<semaphore_mem>>
    %dma_start3A_14 = arith.constant 0 : i32
    %dma_start3A_15 = arith.constant 0 : i32
    %dma_start3A_16 = tpu.memref_slice %arg7[%dma_start3A, %dma_start3A_14, %dma_start3A_15] : memref<2x16x128xi32, #tpu.memory_space<vmem>> -> memref<1x16x128xi32, #tpu.memory_space<vmem>>
    %dma_start3A_17 = tpu.memref_squeeze %dma_start3A_16 : memref<1x16x128xi32, #tpu.memory_space<vmem>> -> memref<16x128xi32, #tpu.memory_space<vmem>>
    %dma_start3A_18 = arith.constant 0 : i32
    %dma_start3A_19 = tpu.memref_slice %arg3[%arg0, %add3A_3, %dma_start3A_18] : memref<2x5120x128xi32, #tpu.memory_space<hbm>> -> memref<1x16x128xi32, #tpu.memory_space<hbm>>
    %dma_start3A_20 = tpu.memref_squeeze %dma_start3A_19 : memref<1x16x128xi32, #tpu.memory_space<hbm>> -> memref<16x128xi32, #tpu.memory_space<hbm>>
    tpu.enqueue_dma source(%dma_start3A_20 : memref<16x128xi32, #tpu.memory_space<hbm>>) target(%dma_start3A_17 : memref<16x128xi32, #tpu.memory_space<vmem>>) target_semaphore(%dma_start3A_13 : memref<!tpu.dma_semaphore, #tpu.memory_space<semaphore_mem>>)
    %add3A_21 = arith.constant 0 : i32
    %add3A_22 = arith.addi %mul3A_2, %add3A_21 : i32
    %dma_start3A_23 = arith.constant 0 : i32
    %dma_start3A_24 = arith.constant 0 : i32
    %dma_start3A_25 = arith.constant 0 : i32
    %dma_start3A_26 = arith.constant 0 : i32
    %dma_start3A_27 = tpu.memref_slice %arg8[%dma_start3A_23, %dma_start3A_25, %dma_start3A_26] : memref<2x16x128xi32, #tpu.memory_space<vmem>> -> memref<1x16x128xi32, #tpu.memory_space<vmem>>
    %dma_start3A_28 = tpu.memref_squeeze %dma_start3A_27 : memref<1x16x128xi32, #tpu.memory_space<vmem>> -> memref<16x128xi32, #tpu.memory_space<vmem>>
    %dma_start3A_29 = arith.constant 0 : i32
    %dma_start3A_30 = tpu.memref_slice %arg4[%add3A_22, %dma_start3A_29] : memref<5120x128xi32, #tpu.memory_space<hbm>> -> memref<16x128xi32, #tpu.memory_space<hbm>>
    %dma_start3A_31 = tpu.memref_slice %arg11[%dma_start3A_24] : memref<2x!tpu.dma_semaphore, #tpu.memory_space<semaphore_mem>> -> memref<1x!tpu.dma_semaphore, #tpu.memory_space<semaphore_mem>>
    %dma_start3A_32 = tpu.memref_squeeze %dma_start3A_31 : memref<1x!tpu.dma_semaphore, #tpu.memory_space<semaphore_mem>> -> memref<!tpu.dma_semaphore, #tpu.memory_space<semaphore_mem>>
    %dma_start3A_33 = arith.constant 0 : i32
    %dma_start3A_34 = arith.constant 0 : i32
    %dma_start3A_35 = tpu.memref_slice %arg8[%dma_start3A_23, %dma_start3A_33, %dma_start3A_34] : memref<2x16x128xi32, #tpu.memory_space<vmem>> -> memref<1x16x128xi32, #tpu.memory_space<vmem>>
    %dma_start3A_36 = tpu.memref_squeeze %dma_start3A_35 : memref<1x16x128xi32, #tpu.memory_space<vmem>> -> memref<16x128xi32, #tpu.memory_space<vmem>>
    %dma_start3A_37 = arith.constant 0 : i32
    %dma_start3A_38 = tpu.memref_slice %arg4[%add3A_22, %dma_start3A_37] : memref<5120x128xi32, #tpu.memory_space<hbm>> -> memref<16x128xi32, #tpu.memory_space<hbm>>
    tpu.enqueue_dma source(%dma_start3A_38 : memref<16x128xi32, #tpu.memory_space<hbm>>) target(%dma_start3A_36 : memref<16x128xi32, #tpu.memory_space<vmem>>) target_semaphore(%dma_start3A_32 : memref<!tpu.dma_semaphore, #tpu.memory_space<semaphore_mem>>)
    "tpu.region"() ({
      %run_scoped3A = tpu.sem_alloc : memref<!tpu.dma_semaphore, #tpu.memory_space<semaphore_mem>>
      %dma_start3A_82 = arith.constant 0 : i32
      %dma_start3A_83 = tpu.memref_slice %arg10[%mul3A_0, %dma_start3A_82] : memref<10240x128xf32, #tpu.memory_space<vmem_shared>> -> memref<640x128xf32, #tpu.memory_space<vmem_shared>>
      %dma_start3A_84 = arith.constant 0 : i32
      %dma_start3A_85 = tpu.memref_slice %arg5[%mul3A_0, %dma_start3A_84] : memref<10240x128xf32, #tpu.memory_space<hbm>> -> memref<640x128xf32, #tpu.memory_space<hbm>>
      tpu.enqueue_dma source(%dma_start3A_85 : memref<640x128xf32, #tpu.memory_space<hbm>>) target(%dma_start3A_83 : memref<640x128xf32, #tpu.memory_space<vmem_shared>>) target_semaphore(%run_scoped3A : memref<!tpu.dma_semaphore, #tpu.memory_space<semaphore_mem>>)
      %dma_wait3A_86 = arith.constant 0 : i32
      %dma_wait3A_87 = tpu.memref_slice %arg10[%mul3A_0, %dma_wait3A_86] : memref<10240x128xf32, #tpu.memory_space<vmem_shared>> -> memref<640x128xf32, #tpu.memory_space<vmem_shared>>
      %dma_wait3A_88 = arith.constant 0 : i32
      %dma_wait3A_89 = tpu.memref_slice %arg5[%mul3A_0, %dma_wait3A_88] : memref<10240x128xf32, #tpu.memory_space<hbm>> -> memref<640x128xf32, #tpu.memory_space<hbm>>
      tpu.wait_dma2 semaphore(%run_scoped3A : memref<!tpu.dma_semaphore, #tpu.memory_space<semaphore_mem>>) src(%dma_wait3A_89 : memref<640x128xf32, #tpu.memory_space<hbm>>) dst(%dma_wait3A_87 : memref<640x128xf32, #tpu.memory_space<vmem_shared>>)
      tpu.yield
    }) : () -> ()
    %add3A_39 = arith.constant 0 : i32
    %add3A_40 = arith.addi %mul3A_2, %add3A_39 : i32
    %dma_wait3A = arith.constant 0 : i32
    %dma_wait3A_41 = arith.constant 0 : i32
    %dma_wait3A_42 = arith.constant 0 : i32
    %dma_wait3A_43 = arith.constant 0 : i32
    %dma_wait3A_44 = tpu.memref_slice %arg7[%dma_wait3A, %dma_wait3A_42, %dma_wait3A_43] : memref<2x16x128xi32, #tpu.memory_space<vmem>> -> memref<1x16x128xi32, #tpu.memory_space<vmem>>
    %dma_wait3A_45 = tpu.memref_squeeze %dma_wait3A_44 : memref<1x16x128xi32, #tpu.memory_space<vmem>> -> memref<16x128xi32, #tpu.memory_space<vmem>>
    %dma_wait3A_46 = arith.constant 0 : i32
    %dma_wait3A_47 = tpu.memref_slice %arg3[%arg0, %add3A_40, %dma_wait3A_46] : memref<2x5120x128xi32, #tpu.memory_space<hbm>> -> memref<1x16x128xi32, #tpu.memory_space<hbm>>
    %dma_wait3A_48 = tpu.memref_squeeze %dma_wait3A_47 : memref<1x16x128xi32, #tpu.memory_space<hbm>> -> memref<16x128xi32, #tpu.memory_space<hbm>>
    %dma_wait3A_49 = tpu.memref_slice %arg11[%dma_wait3A_41] : memref<2x!tpu.dma_semaphore, #tpu.memory_space<semaphore_mem>> -> memref<1x!tpu.dma_semaphore, #tpu.memory_space<semaphore_mem>>
    %dma_wait3A_50 = tpu.memref_squeeze %dma_wait3A_49 : memref<1x!tpu.dma_semaphore, #tpu.memory_space<semaphore_mem>> -> memref<!tpu.dma_semaphore, #tpu.memory_space<semaphore_mem>>
    %dma_wait3A_51 = arith.constant 0 : i32
    %dma_wait3A_52 = arith.constant 0 : i32
    %dma_wait3A_53 = tpu.memref_slice %arg7[%dma_wait3A, %dma_wait3A_51, %dma_wait3A_52] : memref<2x16x128xi32, #tpu.memory_space<vmem>> -> memref<1x16x128xi32, #tpu.memory_space<vmem>>
    %dma_wait3A_54 = tpu.memref_squeeze %dma_wait3A_53 : memref<1x16x128xi32, #tpu.memory_space<vmem>> -> memref<16x128xi32, #tpu.memory_space<vmem>>
    %dma_wait3A_55 = arith.constant 0 : i32
    %dma_wait3A_56 = tpu.memref_slice %arg3[%arg0, %add3A_40, %dma_wait3A_55] : memref<2x5120x128xi32, #tpu.memory_space<hbm>> -> memref<1x16x128xi32, #tpu.memory_space<hbm>>
    %dma_wait3A_57 = tpu.memref_squeeze %dma_wait3A_56 : memref<1x16x128xi32, #tpu.memory_space<hbm>> -> memref<16x128xi32, #tpu.memory_space<hbm>>
    tpu.wait_dma2 semaphore(%dma_wait3A_50 : memref<!tpu.dma_semaphore, #tpu.memory_space<semaphore_mem>>) src(%dma_wait3A_57 : memref<16x128xi32, #tpu.memory_space<hbm>>) dst(%dma_wait3A_54 : memref<16x128xi32, #tpu.memory_space<vmem>>)
    %add3A_58 = arith.constant 0 : i32
    %add3A_59 = arith.addi %mul3A_2, %add3A_58 : i32
    %dma_wait3A_60 = arith.constant 0 : i32
    %dma_wait3A_61 = arith.constant 0 : i32
    %dma_wait3A_62 = arith.constant 0 : i32
    %dma_wait3A_63 = arith.constant 0 : i32
    %dma_wait3A_64 = tpu.memref_slice %arg8[%dma_wait3A_60, %dma_wait3A_62, %dma_wait3A_63] : memref<2x16x128xi32, #tpu.memory_space<vmem>> -> memref<1x16x128xi32, #tpu.memory_space<vmem>>
    %dma_wait3A_65 = tpu.memref_squeeze %dma_wait3A_64 : memref<1x16x128xi32, #tpu.memory_space<vmem>> -> memref<16x128xi32, #tpu.memory_space<vmem>>
    %dma_wait3A_66 = arith.constant 0 : i32
    %dma_wait3A_67 = tpu.memref_slice %arg4[%add3A_59, %dma_wait3A_66] : memref<5120x128xi32, #tpu.memory_space<hbm>> -> memref<16x128xi32, #tpu.memory_space<hbm>>
    %dma_wait3A_68 = tpu.memref_slice %arg11[%dma_wait3A_61] : memref<2x!tpu.dma_semaphore, #tpu.memory_space<semaphore_mem>> -> memref<1x!tpu.dma_semaphore, #tpu.memory_space<semaphore_mem>>
    %dma_wait3A_69 = tpu.memref_squeeze %dma_wait3A_68 : memref<1x!tpu.dma_semaphore, #tpu.memory_space<semaphore_mem>> -> memref<!tpu.dma_semaphore, #tpu.memory_space<semaphore_mem>>
    %dma_wait3A_70 = arith.constant 0 : i32
    %dma_wait3A_71 = arith.constant 0 : i32
    %dma_wait3A_72 = tpu.memref_slice %arg8[%dma_wait3A_60, %dma_wait3A_70, %dma_wait3A_71] : memref<2x16x128xi32, #tpu.memory_space<vmem>> -> memref<1x16x128xi32, #tpu.memory_space<vmem>>
    %dma_wait3A_73 = tpu.memref_squeeze %dma_wait3A_72 : memref<1x16x128xi32, #tpu.memory_space<vmem>> -> memref<16x128xi32, #tpu.memory_space<vmem>>
    %dma_wait3A_74 = arith.constant 0 : i32
    %dma_wait3A_75 = tpu.memref_slice %arg4[%add3A_59, %dma_wait3A_74] : memref<5120x128xi32, #tpu.memory_space<hbm>> -> memref<16x128xi32, #tpu.memory_space<hbm>>
    tpu.wait_dma2 semaphore(%dma_wait3A_69 : memref<!tpu.dma_semaphore, #tpu.memory_space<semaphore_mem>>) src(%dma_wait3A_75 : memref<16x128xi32, #tpu.memory_space<hbm>>) dst(%dma_wait3A_73 : memref<16x128xi32, #tpu.memory_space<vmem>>)
    %barrier3A = arith.constant 0 : index
    tpu.barrier barrier_id(%barrier3A)
    %scan3A = arith.constant 0 : i32
    %scan3A_76 = arith.constant 0 : i32
    %scan3A_77 = arith.constant 20 : i32
    %scan3A_78 = arith.addi %scan3A_76, %scan3A_77 : i32
    %scan3A_79 = arith.constant 1 : i32
    scf.for %scan3A_82 = %scan3A_76 to %scan3A_78 step %scan3A_79  : i32 {
      %rem3A = arith.constant 2 : i32
      %rem3A_83 = arith.remsi %scan3A_82, %rem3A : i32
      %sub3A = arith.constant 1 : i32
      %sub3A_84 = arith.subi %sub3A, %rem3A_83 : i32
      %gt3A = arith.constant 0 : i32
      %gt3A_85 = arith.cmpi sgt, %scan3A_82, %gt3A : i32
      %convert_element_type3A = arith.extui %gt3A_85 : i1 to i32
      %cond3A = arith.constant 0 : i32
      %cond3A_86 = arith.cmpi ne, %convert_element_type3A, %cond3A : i32
      scf.if %cond3A_86 {
        %mul3A_1053 = arith.constant 16 : i32
        %mul3A_1054 = arith.muli %scan3A_82, %mul3A_1053 : i32
        %add3A_1055 = arith.addi %mul3A_2, %mul3A_1054 : i32
        %dma_wait3A_1056 = arith.constant 0 : i32
        %dma_wait3A_1057 = arith.constant 0 : i32
        %dma_wait3A_1058 = tpu.memref_slice %arg7[%rem3A_83, %dma_wait3A_1056, %dma_wait3A_1057] : memref<2x16x128xi32, #tpu.memory_space<vmem>> -> memref<1x16x128xi32, #tpu.memory_space<vmem>>
        %dma_wait3A_1059 = tpu.memref_squeeze %dma_wait3A_1058 : memref<1x16x128xi32, #tpu.memory_space<vmem>> -> memref<16x128xi32, #tpu.memory_space<vmem>>
        %dma_wait3A_1060 = arith.constant 0 : i32
        %dma_wait3A_1061 = tpu.memref_slice %arg3[%arg0, %add3A_1055, %dma_wait3A_1060] : memref<2x5120x128xi32, #tpu.memory_space<hbm>> -> memref<1x16x128xi32, #tpu.memory_space<hbm>>
        %dma_wait3A_1062 = tpu.memref_squeeze %dma_wait3A_1061 : memref<1x16x128xi32, #tpu.memory_space<hbm>> -> memref<16x128xi32, #tpu.memory_space<hbm>>
        %dma_wait3A_1063 = tpu.memref_slice %arg11[%rem3A_83] : memref<2x!tpu.dma_semaphore, #tpu.memory_space<semaphore_mem>> -> memref<1x!tpu.dma_semaphore, #tpu.memory_space<semaphore_mem>>
        %dma_wait3A_1064 = tpu.memref_squeeze %dma_wait3A_1063 : memref<1x!tpu.dma_semaphore, #tpu.memory_space<semaphore_mem>> -> memref<!tpu.dma_semaphore, #tpu.memory_space<semaphore_mem>>
        %dma_wait3A_1065 = arith.constant 0 : i32
        %dma_wait3A_1066 = arith.constant 0 : i32
        %dma_wait3A_1067 = tpu.memref_slice %arg7[%rem3A_83, %dma_wait3A_1065, %dma_wait3A_1066] : memref<2x16x128xi32, #tpu.memory_space<vmem>> -> memref<1x16x128xi32, #tpu.memory_space<vmem>>
        %dma_wait3A_1068 = tpu.memref_squeeze %dma_wait3A_1067 : memref<1x16x128xi32, #tpu.memory_space<vmem>> -> memref<16x128xi32, #tpu.memory_space<vmem>>
        %dma_wait3A_1069 = arith.constant 0 : i32
        %dma_wait3A_1070 = tpu.memref_slice %arg3[%arg0, %add3A_1055, %dma_wait3A_1069] : memref<2x5120x128xi32, #tpu.memory_space<hbm>> -> memref<1x16x128xi32, #tpu.memory_space<hbm>>
        %dma_wait3A_1071 = tpu.memref_squeeze %dma_wait3A_1070 : memref<1x16x128xi32, #tpu.memory_space<hbm>> -> memref<16x128xi32, #tpu.memory_space<hbm>>
        tpu.wait_dma2 semaphore(%dma_wait3A_1064 : memref<!tpu.dma_semaphore, #tpu.memory_space<semaphore_mem>>) src(%dma_wait3A_1071 : memref<16x128xi32, #tpu.memory_space<hbm>>) dst(%dma_wait3A_1068 : memref<16x128xi32, #tpu.memory_space<vmem>>)
        %mul3A_1072 = arith.constant 16 : i32
        %mul3A_1073 = arith.muli %scan3A_82, %mul3A_1072 : i32
        %add3A_1074 = arith.addi %mul3A_2, %mul3A_1073 : i32
        %dma_wait3A_1075 = arith.constant 0 : i32
        %dma_wait3A_1076 = arith.constant 0 : i32
        %dma_wait3A_1077 = tpu.memref_slice %arg8[%rem3A_83, %dma_wait3A_1075, %dma_wait3A_1076] : memref<2x16x128xi32, #tpu.memory_space<vmem>> -> memref<1x16x128xi32, #tpu.memory_space<vmem>>
        %dma_wait3A_1078 = tpu.memref_squeeze %dma_wait3A_1077 : memref<1x16x128xi32, #tpu.memory_space<vmem>> -> memref<16x128xi32, #tpu.memory_space<vmem>>
        %dma_wait3A_1079 = arith.constant 0 : i32
        %dma_wait3A_1080 = tpu.memref_slice %arg4[%add3A_1074, %dma_wait3A_1079] : memref<5120x128xi32, #tpu.memory_space<hbm>> -> memref<16x128xi32, #tpu.memory_space<hbm>>
        %dma_wait3A_1081 = tpu.memref_slice %arg11[%rem3A_83] : memref<2x!tpu.dma_semaphore, #tpu.memory_space<semaphore_mem>> -> memref<1x!tpu.dma_semaphore, #tpu.memory_space<semaphore_mem>>
        %dma_wait3A_1082 = tpu.memref_squeeze %dma_wait3A_1081 : memref<1x!tpu.dma_semaphore, #tpu.memory_space<semaphore_mem>> -> memref<!tpu.dma_semaphore, #tpu.memory_space<semaphore_mem>>
        %dma_wait3A_1083 = arith.constant 0 : i32
        %dma_wait3A_1084 = arith.constant 0 : i32
        %dma_wait3A_1085 = tpu.memref_slice %arg8[%rem3A_83, %dma_wait3A_1083, %dma_wait3A_1084] : memref<2x16x128xi32, #tpu.memory_space<vmem>> -> memref<1x16x128xi32, #tpu.memory_space<vmem>>
        %dma_wait3A_1086 = tpu.memref_squeeze %dma_wait3A_1085 : memref<1x16x128xi32, #tpu.memory_space<vmem>> -> memref<16x128xi32, #tpu.memory_space<vmem>>
        %dma_wait3A_1087 = arith.constant 0 : i32
        %dma_wait3A_1088 = tpu.memref_slice %arg4[%add3A_1074, %dma_wait3A_1087] : memref<5120x128xi32, #tpu.memory_space<hbm>> -> memref<16x128xi32, #tpu.memory_space<hbm>>
        tpu.wait_dma2 semaphore(%dma_wait3A_1082 : memref<!tpu.dma_semaphore, #tpu.memory_space<semaphore_mem>>) src(%dma_wait3A_1088 : memref<16x128xi32, #tpu.memory_space<hbm>>) dst(%dma_wait3A_1086 : memref<16x128xi32, #tpu.memory_space<vmem>>)
      } else {
      }
      %add3A_87 = arith.constant 1 : i32
      %add3A_88 = arith.addi %scan3A_82, %add3A_87 : i32
      %lt3A = arith.constant 20 : i32
      %lt3A_89 = arith.cmpi slt, %add3A_88, %lt3A : i32
      %convert_element_type3A_90 = arith.extui %lt3A_89 : i1 to i32
      %cond3A_91 = arith.constant 0 : i32
      %cond3A_92 = arith.cmpi ne, %convert_element_type3A_90, %cond3A_91 : i32
      scf.if %cond3A_92 {
        %add3A_1053 = arith.constant 1 : i32
        %add3A_1054 = arith.addi %scan3A_82, %add3A_1053 : i32
        %mul3A_1055 = arith.constant 16 : i32
        %mul3A_1056 = arith.muli %add3A_1054, %mul3A_1055 : i32
        %add3A_1057 = arith.addi %mul3A_2, %mul3A_1056 : i32
        %dma_start3A_1058 = arith.constant 0 : i32
        %dma_start3A_1059 = arith.constant 0 : i32
        %dma_start3A_1060 = tpu.memref_slice %arg7[%sub3A_84, %dma_start3A_1058, %dma_start3A_1059] : memref<2x16x128xi32, #tpu.memory_space<vmem>> -> memref<1x16x128xi32, #tpu.memory_space<vmem>>
        %dma_start3A_1061 = tpu.memref_squeeze %dma_start3A_1060 : memref<1x16x128xi32, #tpu.memory_space<vmem>> -> memref<16x128xi32, #tpu.memory_space<vmem>>
        %dma_start3A_1062 = arith.constant 0 : i32
        %dma_start3A_1063 = tpu.memref_slice %arg3[%arg0, %add3A_1057, %dma_start3A_1062] : memref<2x5120x128xi32, #tpu.memory_space<hbm>> -> memref<1x16x128xi32, #tpu.memory_space<hbm>>
        %dma_start3A_1064 = tpu.memref_squeeze %dma_start3A_1063 : memref<1x16x128xi32, #tpu.memory_space<hbm>> -> memref<16x128xi32, #tpu.memory_space<hbm>>
        %dma_start3A_1065 = tpu.memref_slice %arg11[%sub3A_84] : memref<2x!tpu.dma_semaphore, #tpu.memory_space<semaphore_mem>> -> memref<1x!tpu.dma_semaphore, #tpu.memory_space<semaphore_mem>>
        %dma_start3A_1066 = tpu.memref_squeeze %dma_start3A_1065 : memref<1x!tpu.dma_semaphore, #tpu.memory_space<semaphore_mem>> -> memref<!tpu.dma_semaphore, #tpu.memory_space<semaphore_mem>>
        %dma_start3A_1067 = arith.constant 0 : i32
        %dma_start3A_1068 = arith.constant 0 : i32
        %dma_start3A_1069 = tpu.memref_slice %arg7[%sub3A_84, %dma_start3A_1067, %dma_start3A_1068] : memref<2x16x128xi32, #tpu.memory_space<vmem>> -> memref<1x16x128xi32, #tpu.memory_space<vmem>>
        %dma_start3A_1070 = tpu.memref_squeeze %dma_start3A_1069 : memref<1x16x128xi32, #tpu.memory_space<vmem>> -> memref<16x128xi32, #tpu.memory_space<vmem>>
        %dma_start3A_1071 = arith.constant 0 : i32
        %dma_start3A_1072 = tpu.memref_slice %arg3[%arg0, %add3A_1057, %dma_start3A_1071] : memref<2x5120x128xi32, #tpu.memory_space<hbm>> -> memref<1x16x128xi32, #tpu.memory_space<hbm>>
        %dma_start3A_1073 = tpu.memref_squeeze %dma_start3A_1072 : memref<1x16x128xi32, #tpu.memory_space<hbm>> -> memref<16x128xi32, #tpu.memory_space<hbm>>
        tpu.enqueue_dma source(%dma_start3A_1073 : memref<16x128xi32, #tpu.memory_space<hbm>>) target(%dma_start3A_1070 : memref<16x128xi32, #tpu.memory_space<vmem>>) target_semaphore(%dma_start3A_1066 : memref<!tpu.dma_semaphore, #tpu.memory_space<semaphore_mem>>)
        %add3A_1074 = arith.constant 1 : i32
        %add3A_1075 = arith.addi %scan3A_82, %add3A_1074 : i32
        %mul3A_1076 = arith.constant 16 : i32
        %mul3A_1077 = arith.muli %add3A_1075, %mul3A_1076 : i32
        %add3A_1078 = arith.addi %mul3A_2, %mul3A_1077 : i32
        %dma_start3A_1079 = arith.constant 0 : i32
        %dma_start3A_1080 = arith.constant 0 : i32
        %dma_start3A_1081 = tpu.memref_slice %arg8[%sub3A_84, %dma_start3A_1079, %dma_start3A_1080] : memref<2x16x128xi32, #tpu.memory_space<vmem>> -> memref<1x16x128xi32, #tpu.memory_space<vmem>>
        %dma_start3A_1082 = tpu.memref_squeeze %dma_start3A_1081 : memref<1x16x128xi32, #tpu.memory_space<vmem>> -> memref<16x128xi32, #tpu.memory_space<vmem>>
        %dma_start3A_1083 = arith.constant 0 : i32
        %dma_start3A_1084 = tpu.memref_slice %arg4[%add3A_1078, %dma_start3A_1083] : memref<5120x128xi32, #tpu.memory_space<hbm>> -> memref<16x128xi32, #tpu.memory_space<hbm>>
        %dma_start3A_1085 = tpu.memref_slice %arg11[%sub3A_84] : memref<2x!tpu.dma_semaphore, #tpu.memory_space<semaphore_mem>> -> memref<1x!tpu.dma_semaphore, #tpu.memory_space<semaphore_mem>>
        %dma_start3A_1086 = tpu.memref_squeeze %dma_start3A_1085 : memref<1x!tpu.dma_semaphore, #tpu.memory_space<semaphore_mem>> -> memref<!tpu.dma_semaphore, #tpu.memory_space<semaphore_mem>>
        %dma_start3A_1087 = arith.constant 0 : i32
        %dma_start3A_1088 = arith.constant 0 : i32
        %dma_start3A_1089 = tpu.memref_slice %arg8[%sub3A_84, %dma_start3A_1087, %dma_start3A_1088] : memref<2x16x128xi32, #tpu.memory_space<vmem>> -> memref<1x16x128xi32, #tpu.memory_space<vmem>>
        %dma_start3A_1090 = tpu.memref_squeeze %dma_start3A_1089 : memref<1x16x128xi32, #tpu.memory_space<vmem>> -> memref<16x128xi32, #tpu.memory_space<vmem>>
        %dma_start3A_1091 = arith.constant 0 : i32
        %dma_start3A_1092 = tpu.memref_slice %arg4[%add3A_1078, %dma_start3A_1091] : memref<5120x128xi32, #tpu.memory_space<hbm>> -> memref<16x128xi32, #tpu.memory_space<hbm>>
        tpu.enqueue_dma source(%dma_start3A_1092 : memref<16x128xi32, #tpu.memory_space<hbm>>) target(%dma_start3A_1090 : memref<16x128xi32, #tpu.memory_space<vmem>>) target_semaphore(%dma_start3A_1086 : memref<!tpu.dma_semaphore, #tpu.memory_space<semaphore_mem>>)
      } else {
      }
      %dma_start3A_93 = arith.constant 0 : i32
      %dma_start3A_94 = arith.constant 0 : i32
      %dma_start3A_95 = arith.constant 0 : i32
      %dma_start3A_96 = arith.constant 0 : i32
      %dma_start3A_97 = arith.constant 0 : i32
      %dma_start3A_98 = tpu.memref_slice %arg9[%dma_start3A_94, %dma_start3A_96, %dma_start3A_97] : memref<2x128x128xf32, #tpu.memory_space<vmem>> -> memref<1x128x128xf32, #tpu.memory_space<vmem>>
      %dma_start3A_99 = tpu.memref_squeeze %dma_start3A_98 : memref<1x128x128xf32, #tpu.memory_space<vmem>> -> memref<128x128xf32, #tpu.memory_space<vmem>>
      %dma_start3A_100 = arith.constant 0 : i32
      %dma_start3A_101 = tpu.memref_slice %arg7[%rem3A_83, %dma_start3A_93, %dma_start3A_100] : memref<2x16x128xi32, #tpu.memory_space<vmem>> -> memref<1x1x128xi32, #tpu.memory_space<vmem>>
      %dma_start3A_102 = tpu.memref_squeeze %dma_start3A_101 : memref<1x1x128xi32, #tpu.memory_space<vmem>> -> memref<128xi32, #tpu.memory_space<vmem>>
      %dma_start3A_103 = arith.constant 0 : i32
      %dma_start3A_104 = arith.constant 0 : i32
      %dma_start3A_105 = tpu.memref_slice %arg2[%dma_start3A_103, %dma_start3A_104] : memref<20480x128xf32, #tpu.memory_space<hbm>> -> memref<20480x128xf32, #tpu.memory_space<hbm>>
      %dma_start3A_106 = tpu.memref_slice %arg12[%dma_start3A_95] : memref<2x!tpu.dma_semaphore, #tpu.memory_space<semaphore_mem>> -> memref<1x!tpu.dma_semaphore, #tpu.memory_space<semaphore_mem>>
      %dma_start3A_107 = tpu.memref_squeeze %dma_start3A_106 : memref<1x!tpu.dma_semaphore, #tpu.memory_space<semaphore_mem>> -> memref<!tpu.dma_semaphore, #tpu.memory_space<semaphore_mem>>
      tpu.enqueue_indirect_dma source(%dma_start3A_105 : memref<20480x128xf32, #tpu.memory_space<hbm>>) target(%dma_start3A_99 : memref<128x128xf32, #tpu.memory_space<vmem>>) offsets(%dma_start3A_102 : memref<128xi32, #tpu.memory_space<vmem>>) semaphore(%dma_start3A_107 : memref<!tpu.dma_semaphore, #tpu.memory_space<semaphore_mem>>)
      %dma_start3A_108 = arith.constant 1 : i32
      %dma_start3A_109 = arith.constant 1 : i32
      %dma_start3A_110 = arith.constant 1 : i32
      %dma_start3A_111 = arith.constant 0 : i32
      %dma_start3A_112 = arith.constant 0 : i32
      %dma_start3A_113 = tpu.memref_slice %arg9[%dma_start3A_109, %dma_start3A_111, %dma_start3A_112] : memref<2x128x128xf32, #tpu.memory_space<vmem>> -> memref<1x128x128xf32, #tpu.memory_space<vmem>>
      %dma_start3A_114 = tpu.memref_squeeze %dma_start3A_113 : memref<1x128x128xf32, #tpu.memory_space<vmem>> -> memref<128x128xf32, #tpu.memory_space<vmem>>
      %dma_start3A_115 = arith.constant 0 : i32
      %dma_start3A_116 = tpu.memref_slice %arg7[%rem3A_83, %dma_start3A_108, %dma_start3A_115] : memref<2x16x128xi32, #tpu.memory_space<vmem>> -> memref<1x1x128xi32, #tpu.memory_space<vmem>>
      %dma_start3A_117 = tpu.memref_squeeze %dma_start3A_116 : memref<1x1x128xi32, #tpu.memory_space<vmem>> -> memref<128xi32, #tpu.memory_space<vmem>>
      %dma_start3A_118 = arith.constant 0 : i32
      %dma_start3A_119 = arith.constant 0 : i32
      %dma_start3A_120 = tpu.memref_slice %arg2[%dma_start3A_118, %dma_start3A_119] : memref<20480x128xf32, #tpu.memory_space<hbm>> -> memref<20480x128xf32, #tpu.memory_space<hbm>>
      %dma_start3A_121 = tpu.memref_slice %arg12[%dma_start3A_110] : memref<2x!tpu.dma_semaphore, #tpu.memory_space<semaphore_mem>> -> memref<1x!tpu.dma_semaphore, #tpu.memory_space<semaphore_mem>>
      %dma_start3A_122 = tpu.memref_squeeze %dma_start3A_121 : memref<1x!tpu.dma_semaphore, #tpu.memory_space<semaphore_mem>> -> memref<!tpu.dma_semaphore, #tpu.memory_space<semaphore_mem>>
      tpu.enqueue_indirect_dma source(%dma_start3A_120 : memref<20480x128xf32, #tpu.memory_space<hbm>>) target(%dma_start3A_114 : memref<128x128xf32, #tpu.memory_space<vmem>>) offsets(%dma_start3A_117 : memref<128xi32, #tpu.memory_space<vmem>>) semaphore(%dma_start3A_122 : memref<!tpu.dma_semaphore, #tpu.memory_space<semaphore_mem>>)
      %dma_wait3A_123 = arith.constant 0 : i32
      %dma_wait3A_124 = arith.constant 0 : i32
      %dma_wait3A_125 = arith.constant 0 : i32
      %dma_wait3A_126 = arith.constant 0 : i32
      %dma_wait3A_127 = arith.constant 0 : i32
      %dma_wait3A_128 = tpu.memref_slice %arg9[%dma_wait3A_124, %dma_wait3A_126, %dma_wait3A_127] : memref<2x128x128xf32, #tpu.memory_space<vmem>> -> memref<1x128x128xf32, #tpu.memory_space<vmem>>
      %dma_wait3A_129 = tpu.memref_squeeze %dma_wait3A_128 : memref<1x128x128xf32, #tpu.memory_space<vmem>> -> memref<128x128xf32, #tpu.memory_space<vmem>>
      %dma_wait3A_130 = arith.constant 0 : i32
      %dma_wait3A_131 = tpu.memref_slice %arg7[%rem3A_83, %dma_wait3A_123, %dma_wait3A_130] : memref<2x16x128xi32, #tpu.memory_space<vmem>> -> memref<1x1x128xi32, #tpu.memory_space<vmem>>
      %dma_wait3A_132 = tpu.memref_squeeze %dma_wait3A_131 : memref<1x1x128xi32, #tpu.memory_space<vmem>> -> memref<128xi32, #tpu.memory_space<vmem>>
      %dma_wait3A_133 = arith.constant 0 : i32
      %dma_wait3A_134 = arith.constant 0 : i32
      %dma_wait3A_135 = tpu.memref_slice %arg2[%dma_wait3A_133, %dma_wait3A_134] : memref<20480x128xf32, #tpu.memory_space<hbm>> -> memref<20480x128xf32, #tpu.memory_space<hbm>>
      %dma_wait3A_136 = tpu.memref_slice %arg12[%dma_wait3A_125] : memref<2x!tpu.dma_semaphore, #tpu.memory_space<semaphore_mem>> -> memref<1x!tpu.dma_semaphore, #tpu.memory_space<semaphore_mem>>
      %dma_wait3A_137 = tpu.memref_squeeze %dma_wait3A_136 : memref<1x!tpu.dma_semaphore, #tpu.memory_space<semaphore_mem>> -> memref<!tpu.dma_semaphore, #tpu.memory_space<semaphore_mem>>
      tpu.wait_indirect_dma semaphore(%dma_wait3A_137 : memref<!tpu.dma_semaphore, #tpu.memory_space<semaphore_mem>>) src(%dma_wait3A_135 : memref<20480x128xf32, #tpu.memory_space<hbm>>) dst(%dma_wait3A_129 : memref<128x128xf32, #tpu.memory_space<vmem>>)
      %dma_start3A_138 = arith.constant 0 : i32
      %dma_start3A_139 = arith.constant 0 : i32
      %dma_start3A_140 = arith.constant 0 : i32
      %dma_start3A_141 = arith.constant 0 : i32
      %dma_start3A_142 = arith.constant 0 : i32
      %dma_start3A_143 = tpu.memref_slice %arg9[%dma_start3A_138, %dma_start3A_141, %dma_start3A_142] : memref<2x128x128xf32, #tpu.memory_space<vmem>> -> memref<1x128x128xf32, #tpu.memory_space<vmem>>
      %dma_start3A_144 = tpu.memref_squeeze %dma_start3A_143 : memref<1x128x128xf32, #tpu.memory_space<vmem>> -> memref<128x128xf32, #tpu.memory_space<vmem>>
      %dma_start3A_145 = arith.constant 0 : i32
      %dma_start3A_146 = tpu.memref_slice %arg8[%rem3A_83, %dma_start3A_139, %dma_start3A_145] : memref<2x16x128xi32, #tpu.memory_space<vmem>> -> memref<1x1x128xi32, #tpu.memory_space<vmem>>
      %dma_start3A_147 = tpu.memref_squeeze %dma_start3A_146 : memref<1x1x128xi32, #tpu.memory_space<vmem>> -> memref<128xi32, #tpu.memory_space<vmem>>
      %dma_start3A_148 = arith.constant 0 : i32
      %dma_start3A_149 = arith.constant 0 : i32
      %dma_start3A_150 = tpu.memref_slice %arg10[%dma_start3A_148, %dma_start3A_149] : memref<10240x128xf32, #tpu.memory_space<vmem_shared>> -> memref<10240x128xf32, #tpu.memory_space<vmem_shared>>
      %dma_start3A_151 = tpu.memref_slice %arg13[%dma_start3A_140] : memref<2x!tpu.dma_semaphore, #tpu.memory_space<semaphore_mem>> -> memref<1x!tpu.dma_semaphore, #tpu.memory_space<semaphore_mem>>
      %dma_start3A_152 = tpu.memref_squeeze %dma_start3A_151 : memref<1x!tpu.dma_semaphore, #tpu.memory_space<semaphore_mem>> -> memref<!tpu.dma_semaphore, #tpu.memory_space<semaphore_mem>>
      tpu.enqueue_indirect_dma source(%dma_start3A_144 : memref<128x128xf32, #tpu.memory_space<vmem>>) target(%dma_start3A_150 : memref<10240x128xf32, #tpu.memory_space<vmem_shared>>) offsets(%dma_start3A_147 : memref<128xi32, #tpu.memory_space<vmem>>) semaphore(%dma_start3A_152 : memref<!tpu.dma_semaphore, #tpu.memory_space<semaphore_mem>>) {add = true}
      %dma_wait3A_153 = arith.constant 0 : i32
      %dma_wait3A_154 = arith.constant 0 : i32
      %dma_wait3A_155 = arith.constant 0 : i32
      %dma_wait3A_156 = arith.constant 0 : i32
      %dma_wait3A_157 = arith.constant 0 : i32
      %dma_wait3A_158 = tpu.memref_slice %arg9[%dma_wait3A_153, %dma_wait3A_156, %dma_wait3A_157] : memref<2x128x128xf32, #tpu.memory_space<vmem>> -> memref<1x128x128xf32, #tpu.memory_space<vmem>>
      %dma_wait3A_159 = tpu.memref_squeeze %dma_wait3A_158 : memref<1x128x128xf32, #tpu.memory_space<vmem>> -> memref<128x128xf32, #tpu.memory_space<vmem>>
      %dma_wait3A_160 = arith.constant 0 : i32
      %dma_wait3A_161 = tpu.memref_slice %arg8[%rem3A_83, %dma_wait3A_154, %dma_wait3A_160] : memref<2x16x128xi32, #tpu.memory_space<vmem>> -> memref<1x1x128xi32, #tpu.memory_space<vmem>>
      %dma_wait3A_162 = tpu.memref_squeeze %dma_wait3A_161 : memref<1x1x128xi32, #tpu.memory_space<vmem>> -> memref<128xi32, #tpu.memory_space<vmem>>
      %dma_wait3A_163 = arith.constant 0 : i32
      %dma_wait3A_164 = arith.constant 0 : i32
      %dma_wait3A_165 = tpu.memref_slice %arg10[%dma_wait3A_163, %dma_wait3A_164] : memref<10240x128xf32, #tpu.memory_space<vmem_shared>> -> memref<10240x128xf32, #tpu.memory_space<vmem_shared>>
      %dma_wait3A_166 = tpu.memref_slice %arg13[%dma_wait3A_155] : memref<2x!tpu.dma_semaphore, #tpu.memory_space<semaphore_mem>> -> memref<1x!tpu.dma_semaphore, #tpu.memory_space<semaphore_mem>>
      %dma_wait3A_167 = tpu.memref_squeeze %dma_wait3A_166 : memref<1x!tpu.dma_semaphore, #tpu.memory_space<semaphore_mem>> -> memref<!tpu.dma_semaphore, #tpu.memory_space<semaphore_mem>>
      tpu.wait_indirect_dma semaphore(%dma_wait3A_167 : memref<!tpu.dma_semaphore, #tpu.memory_space<semaphore_mem>>) src(%dma_wait3A_159 : memref<128x128xf32, #tpu.memory_space<vmem>>) dst(%dma_wait3A_165 : memref<10240x128xf32, #tpu.memory_space<vmem_shared>>)
      %dma_start3A_168 = arith.constant 2 : i32
      %dma_start3A_169 = arith.constant 0 : i32
      %dma_start3A_170 = arith.constant 0 : i32
      %dma_start3A_171 = arith.constant 0 : i32
      %dma_start3A_172 = arith.constant 0 : i32
      %dma_start3A_173 = tpu.memref_slice %arg9[%dma_start3A_169, %dma_start3A_171, %dma_start3A_172] : memref<2x128x128xf32, #tpu.memory_space<vmem>> -> memref<1x128x128xf32, #tpu.memory_space<vmem>>
      %dma_start3A_174 = tpu.memref_squeeze %dma_start3A_173 : memref<1x128x128xf32, #tpu.memory_space<vmem>> -> memref<128x128xf32, #tpu.memory_space<vmem>>
      %dma_start3A_175 = arith.constant 0 : i32
      %dma_start3A_176 = tpu.memref_slice %arg7[%rem3A_83, %dma_start3A_168, %dma_start3A_175] : memref<2x16x128xi32, #tpu.memory_space<vmem>> -> memref<1x1x128xi32, #tpu.memory_space<vmem>>
      %dma_start3A_177 = tpu.memref_squeeze %dma_start3A_176 : memref<1x1x128xi32, #tpu.memory_space<vmem>> -> memref<128xi32, #tpu.memory_space<vmem>>
      %dma_start3A_178 = arith.constant 0 : i32
      %dma_start3A_179 = arith.constant 0 : i32
      %dma_start3A_180 = tpu.memref_slice %arg2[%dma_start3A_178, %dma_start3A_179] : memref<20480x128xf32, #tpu.memory_space<hbm>> -> memref<20480x128xf32, #tpu.memory_space<hbm>>
      %dma_start3A_181 = tpu.memref_slice %arg12[%dma_start3A_170] : memref<2x!tpu.dma_semaphore, #tpu.memory_space<semaphore_mem>> -> memref<1x!tpu.dma_semaphore, #tpu.memory_space<semaphore_mem>>
      %dma_start3A_182 = tpu.memref_squeeze %dma_start3A_181 : memref<1x!tpu.dma_semaphore, #tpu.memory_space<semaphore_mem>> -> memref<!tpu.dma_semaphore, #tpu.memory_space<semaphore_mem>>
      tpu.enqueue_indirect_dma source(%dma_start3A_180 : memref<20480x128xf32, #tpu.memory_space<hbm>>) target(%dma_start3A_174 : memref<128x128xf32, #tpu.memory_space<vmem>>) offsets(%dma_start3A_177 : memref<128xi32, #tpu.memory_space<vmem>>) semaphore(%dma_start3A_182 : memref<!tpu.dma_semaphore, #tpu.memory_space<semaphore_mem>>)
      %dma_wait3A_183 = arith.constant 1 : i32
      %dma_wait3A_184 = arith.constant 1 : i32
      %dma_wait3A_185 = arith.constant 1 : i32
      %dma_wait3A_186 = arith.constant 0 : i32
      %dma_wait3A_187 = arith.constant 0 : i32
      %dma_wait3A_188 = tpu.memref_slice %arg9[%dma_wait3A_184, %dma_wait3A_186, %dma_wait3A_187] : memref<2x128x128xf32, #tpu.memory_space<vmem>> -> memref<1x128x128xf32, #tpu.memory_space<vmem>>
      %dma_wait3A_189 = tpu.memref_squeeze %dma_wait3A_188 : memref<1x128x128xf32, #tpu.memory_space<vmem>> -> memref<128x128xf32, #tpu.memory_space<vmem>>
      %dma_wait3A_190 = arith.constant 0 : i32
      %dma_wait3A_191 = tpu.memref_slice %arg7[%rem3A_83, %dma_wait3A_183, %dma_wait3A_190] : memref<2x16x128xi32, #tpu.memory_space<vmem>> -> memref<1x1x128xi32, #tpu.memory_space<vmem>>
      %dma_wait3A_192 = tpu.memref_squeeze %dma_wait3A_191 : memref<1x1x128xi32, #tpu.memory_space<vmem>> -> memref<128xi32, #tpu.memory_space<vmem>>
      %dma_wait3A_193 = arith.constant 0 : i32
      %dma_wait3A_194 = arith.constant 0 : i32
      %dma_wait3A_195 = tpu.memref_slice %arg2[%dma_wait3A_193, %dma_wait3A_194] : memref<20480x128xf32, #tpu.memory_space<hbm>> -> memref<20480x128xf32, #tpu.memory_space<hbm>>
      %dma_wait3A_196 = tpu.memref_slice %arg12[%dma_wait3A_185] : memref<2x!tpu.dma_semaphore, #tpu.memory_space<semaphore_mem>> -> memref<1x!tpu.dma_semaphore, #tpu.memory_space<semaphore_mem>>
      %dma_wait3A_197 = tpu.memref_squeeze %dma_wait3A_196 : memref<1x!tpu.dma_semaphore, #tpu.memory_space<semaphore_mem>> -> memref<!tpu.dma_semaphore, #tpu.memory_space<semaphore_mem>>
      tpu.wait_indirect_dma semaphore(%dma_wait3A_197 : memref<!tpu.dma_semaphore, #tpu.memory_space<semaphore_mem>>) src(%dma_wait3A_195 : memref<20480x128xf32, #tpu.memory_space<hbm>>) dst(%dma_wait3A_189 : memref<128x128xf32, #tpu.memory_space<vmem>>)
      %dma_start3A_198 = arith.constant 1 : i32
      %dma_start3A_199 = arith.constant 1 : i32
      %dma_start3A_200 = arith.constant 1 : i32
      %dma_start3A_201 = arith.constant 0 : i32
      %dma_start3A_202 = arith.constant 0 : i32
      %dma_start3A_203 = tpu.memref_slice %arg9[%dma_start3A_198, %dma_start3A_201, %dma_start3A_202] : memref<2x128x128xf32, #tpu.memory_space<vmem>> -> memref<1x128x128xf32, #tpu.memory_space<vmem>>
      %dma_start3A_204 = tpu.memref_squeeze %dma_start3A_203 : memref<1x128x128xf32, #tpu.memory_space<vmem>> -> memref<128x128xf32, #tpu.memory_space<vmem>>
      %dma_start3A_205 = arith.constant 0 : i32
      %dma_start3A_206 = tpu.memref_slice %arg8[%rem3A_83, %dma_start3A_199, %dma_start3A_205] : memref<2x16x128xi32, #tpu.memory_space<vmem>> -> memref<1x1x128xi32, #tpu.memory_space<vmem>>
      %dma_start3A_207 = tpu.memref_squeeze %dma_start3A_206 : memref<1x1x128xi32, #tpu.memory_space<vmem>> -> memref<128xi32, #tpu.memory_space<vmem>>
      %dma_start3A_208 = arith.constant 0 : i32
      %dma_start3A_209 = arith.constant 0 : i32
      %dma_start3A_210 = tpu.memref_slice %arg10[%dma_start3A_208, %dma_start3A_209] : memref<10240x128xf32, #tpu.memory_space<vmem_shared>> -> memref<10240x128xf32, #tpu.memory_space<vmem_shared>>
      %dma_start3A_211 = tpu.memref_slice %arg13[%dma_start3A_200] : memref<2x!tpu.dma_semaphore, #tpu.memory_space<semaphore_mem>> -> memref<1x!tpu.dma_semaphore, #tpu.memory_space<semaphore_mem>>
      %dma_start3A_212 = tpu.memref_squeeze %dma_start3A_211 : memref<1x!tpu.dma_semaphore, #tpu.memory_space<semaphore_mem>> -> memref<!tpu.dma_semaphore, #tpu.memory_space<semaphore_mem>>
      tpu.enqueue_indirect_dma source(%dma_start3A_204 : memref<128x128xf32, #tpu.memory_space<vmem>>) target(%dma_start3A_210 : memref<10240x128xf32, #tpu.memory_space<vmem_shared>>) offsets(%dma_start3A_207 : memref<128xi32, #tpu.memory_space<vmem>>) semaphore(%dma_start3A_212 : memref<!tpu.dma_semaphore, #tpu.memory_space<semaphore_mem>>) {add = true}
      %dma_wait3A_213 = arith.constant 1 : i32
      %dma_wait3A_214 = arith.constant 1 : i32
      %dma_wait3A_215 = arith.constant 1 : i32
      %dma_wait3A_216 = arith.constant 0 : i32
      %dma_wait3A_217 = arith.constant 0 : i32
      %dma_wait3A_218 = tpu.memref_slice %arg9[%dma_wait3A_213, %dma_wait3A_216, %dma_wait3A_217] : memref<2x128x128xf32, #tpu.memory_space<vmem>> -> memref<1x128x128xf32, #tpu.memory_space<vmem>>
      %dma_wait3A_219 = tpu.memref_squeeze %dma_wait3A_218 : memref<1x128x128xf32, #tpu.memory_space<vmem>> -> memref<128x128xf32, #tpu.memory_space<vmem>>
      %dma_wait3A_220 = arith.constant 0 : i32
      %dma_wait3A_221 = tpu.memref_slice %arg8[%rem3A_83, %dma_wait3A_214, %dma_wait3A_220] : memref<2x16x128xi32, #tpu.memory_space<vmem>> -> memref<1x1x128xi32, #tpu.memory_space<vmem>>
      %dma_wait3A_222 = tpu.memref_squeeze %dma_wait3A_221 : memref<1x1x128xi32, #tpu.memory_space<vmem>> -> memref<128xi32, #tpu.memory_space<vmem>>
      %dma_wait3A_223 = arith.constant 0 : i32
      %dma_wait3A_224 = arith.constant 0 : i32
      %dma_wait3A_225 = tpu.memref_slice %arg10[%dma_wait3A_223, %dma_wait3A_224] : memref<10240x128xf32, #tpu.memory_space<vmem_shared>> -> memref<10240x128xf32, #tpu.memory_space<vmem_shared>>
      %dma_wait3A_226 = tpu.memref_slice %arg13[%dma_wait3A_215] : memref<2x!tpu.dma_semaphore, #tpu.memory_space<semaphore_mem>> -> memref<1x!tpu.dma_semaphore, #tpu.memory_space<semaphore_mem>>
      %dma_wait3A_227 = tpu.memref_squeeze %dma_wait3A_226 : memref<1x!tpu.dma_semaphore, #tpu.memory_space<semaphore_mem>> -> memref<!tpu.dma_semaphore, #tpu.memory_space<semaphore_mem>>
      tpu.wait_indirect_dma semaphore(%dma_wait3A_227 : memref<!tpu.dma_semaphore, #tpu.memory_space<semaphore_mem>>) src(%dma_wait3A_219 : memref<128x128xf32, #tpu.memory_space<vmem>>) dst(%dma_wait3A_225 : memref<10240x128xf32, #tpu.memory_space<vmem_shared>>)
      %dma_start3A_228 = arith.constant 3 : i32
      %dma_start3A_229 = arith.constant 1 : i32
      %dma_start3A_230 = arith.constant 1 : i32
      %dma_start3A_231 = arith.constant 0 : i32
      %dma_start3A_232 = arith.constant 0 : i32
      %dma_start3A_233 = tpu.memref_slice %arg9[%dma_start3A_229, %dma_start3A_231, %dma_start3A_232] : memref<2x128x128xf32, #tpu.memory_space<vmem>> -> memref<1x128x128xf32, #tpu.memory_space<vmem>>
      %dma_start3A_234 = tpu.memref_squeeze %dma_start3A_233 : memref<1x128x128xf32, #tpu.memory_space<vmem>> -> memref<128x128xf32, #tpu.memory_space<vmem>>
      %dma_start3A_235 = arith.constant 0 : i32
      %dma_start3A_236 = tpu.memref_slice %arg7[%rem3A_83, %dma_start3A_228, %dma_start3A_235] : memref<2x16x128xi32, #tpu.memory_space<vmem>> -> memref<1x1x128xi32, #tpu.memory_space<vmem>>
      %dma_start3A_237 = tpu.memref_squeeze %dma_start3A_236 : memref<1x1x128xi32, #tpu.memory_space<vmem>> -> memref<128xi32, #tpu.memory_space<vmem>>
      %dma_start3A_238 = arith.constant 0 : i32
      %dma_start3A_239 = arith.constant 0 : i32
      %dma_start3A_240 = tpu.memref_slice %arg2[%dma_start3A_238, %dma_start3A_239] : memref<20480x128xf32, #tpu.memory_space<hbm>> -> memref<20480x128xf32, #tpu.memory_space<hbm>>
      %dma_start3A_241 = tpu.memref_slice %arg12[%dma_start3A_230] : memref<2x!tpu.dma_semaphore, #tpu.memory_space<semaphore_mem>> -> memref<1x!tpu.dma_semaphore, #tpu.memory_space<semaphore_mem>>
      %dma_start3A_242 = tpu.memref_squeeze %dma_start3A_241 : memref<1x!tpu.dma_semaphore, #tpu.memory_space<semaphore_mem>> -> memref<!tpu.dma_semaphore, #tpu.memory_space<semaphore_mem>>
      tpu.enqueue_indirect_dma source(%dma_start3A_240 : memref<20480x128xf32, #tpu.memory_space<hbm>>) target(%dma_start3A_234 : memref<128x128xf32, #tpu.memory_space<vmem>>) offsets(%dma_start3A_237 : memref<128xi32, #tpu.memory_space<vmem>>) semaphore(%dma_start3A_242 : memref<!tpu.dma_semaphore, #tpu.memory_space<semaphore_mem>>)
      %dma_wait3A_243 = arith.constant 2 : i32
      %dma_wait3A_244 = arith.constant 0 : i32
      %dma_wait3A_245 = arith.constant 0 : i32
      %dma_wait3A_246 = arith.constant 0 : i32
      %dma_wait3A_247 = arith.constant 0 : i32
      %dma_wait3A_248 = tpu.memref_slice %arg9[%dma_wait3A_244, %dma_wait3A_246, %dma_wait3A_247] : memref<2x128x128xf32, #tpu.memory_space<vmem>> -> memref<1x128x128xf32, #tpu.memory_space<vmem>>
      %dma_wait3A_249 = tpu.memref_squeeze %dma_wait3A_248 : memref<1x128x128xf32, #tpu.memory_space<vmem>> -> memref<128x128xf32, #tpu.memory_space<vmem>>
      %dma_wait3A_250 = arith.constant 0 : i32
      %dma_wait3A_251 = tpu.memref_slice %arg7[%rem3A_83, %dma_wait3A_243, %dma_wait3A_250] : memref<2x16x128xi32, #tpu.memory_space<vmem>> -> memref<1x1x128xi32, #tpu.memory_space<vmem>>
      %dma_wait3A_252 = tpu.memref_squeeze %dma_wait3A_251 : memref<1x1x128xi32, #tpu.memory_space<vmem>> -> memref<128xi32, #tpu.memory_space<vmem>>
      %dma_wait3A_253 = arith.constant 0 : i32
      %dma_wait3A_254 = arith.constant 0 : i32
      %dma_wait3A_255 = tpu.memref_slice %arg2[%dma_wait3A_253, %dma_wait3A_254] : memref<20480x128xf32, #tpu.memory_space<hbm>> -> memref<20480x128xf32, #tpu.memory_space<hbm>>
      %dma_wait3A_256 = tpu.memref_slice %arg12[%dma_wait3A_245] : memref<2x!tpu.dma_semaphore, #tpu.memory_space<semaphore_mem>> -> memref<1x!tpu.dma_semaphore, #tpu.memory_space<semaphore_mem>>
      %dma_wait3A_257 = tpu.memref_squeeze %dma_wait3A_256 : memref<1x!tpu.dma_semaphore, #tpu.memory_space<semaphore_mem>> -> memref<!tpu.dma_semaphore, #tpu.memory_space<semaphore_mem>>
      tpu.wait_indirect_dma semaphore(%dma_wait3A_257 : memref<!tpu.dma_semaphore, #tpu.memory_space<semaphore_mem>>) src(%dma_wait3A_255 : memref<20480x128xf32, #tpu.memory_space<hbm>>) dst(%dma_wait3A_249 : memref<128x128xf32, #tpu.memory_space<vmem>>)
      %dma_start3A_258 = arith.constant 0 : i32
      %dma_start3A_259 = arith.constant 2 : i32
      %dma_start3A_260 = arith.constant 0 : i32
      %dma_start3A_261 = arith.constant 0 : i32
      %dma_start3A_262 = arith.constant 0 : i32
      %dma_start3A_263 = tpu.memref_slice %arg9[%dma_start3A_258, %dma_start3A_261, %dma_start3A_262] : memref<2x128x128xf32, #tpu.memory_space<vmem>> -> memref<1x128x128xf32, #tpu.memory_space<vmem>>
      %dma_start3A_264 = tpu.memref_squeeze %dma_start3A_263 : memref<1x128x128xf32, #tpu.memory_space<vmem>> -> memref<128x128xf32, #tpu.memory_space<vmem>>
      %dma_start3A_265 = arith.constant 0 : i32
      %dma_start3A_266 = tpu.memref_slice %arg8[%rem3A_83, %dma_start3A_259, %dma_start3A_265] : memref<2x16x128xi32, #tpu.memory_space<vmem>> -> memref<1x1x128xi32, #tpu.memory_space<vmem>>
      %dma_start3A_267 = tpu.memref_squeeze %dma_start3A_266 : memref<1x1x128xi32, #tpu.memory_space<vmem>> -> memref<128xi32, #tpu.memory_space<vmem>>
      %dma_start3A_268 = arith.constant 0 : i32
      %dma_start3A_269 = arith.constant 0 : i32
      %dma_start3A_270 = tpu.memref_slice %arg10[%dma_start3A_268, %dma_start3A_269] : memref<10240x128xf32, #tpu.memory_space<vmem_shared>> -> memref<10240x128xf32, #tpu.memory_space<vmem_shared>>
      %dma_start3A_271 = tpu.memref_slice %arg13[%dma_start3A_260] : memref<2x!tpu.dma_semaphore, #tpu.memory_space<semaphore_mem>> -> memref<1x!tpu.dma_semaphore, #tpu.memory_space<semaphore_mem>>
      %dma_start3A_272 = tpu.memref_squeeze %dma_start3A_271 : memref<1x!tpu.dma_semaphore, #tpu.memory_space<semaphore_mem>> -> memref<!tpu.dma_semaphore, #tpu.memory_space<semaphore_mem>>
      tpu.enqueue_indirect_dma source(%dma_start3A_264 : memref<128x128xf32, #tpu.memory_space<vmem>>) target(%dma_start3A_270 : memref<10240x128xf32, #tpu.memory_space<vmem_shared>>) offsets(%dma_start3A_267 : memref<128xi32, #tpu.memory_space<vmem>>) semaphore(%dma_start3A_272 : memref<!tpu.dma_semaphore, #tpu.memory_space<semaphore_mem>>) {add = true}
      %dma_wait3A_273 = arith.constant 0 : i32
      %dma_wait3A_274 = arith.constant 2 : i32
      %dma_wait3A_275 = arith.constant 0 : i32
      %dma_wait3A_276 = arith.constant 0 : i32
      %dma_wait3A_277 = arith.constant 0 : i32
      %dma_wait3A_278 = tpu.memref_slice %arg9[%dma_wait3A_273, %dma_wait3A_276, %dma_wait3A_277] : memref<2x128x128xf32, #tpu.memory_space<vmem>> -> memref<1x128x128xf32, #tpu.memory_space<vmem>>
      %dma_wait3A_279 = tpu.memref_squeeze %dma_wait3A_278 : memref<1x128x128xf32, #tpu.memory_space<vmem>> -> memref<128x128xf32, #tpu.memory_space<vmem>>
      %dma_wait3A_280 = arith.constant 0 : i32
      %dma_wait3A_281 = tpu.memref_slice %arg8[%rem3A_83, %dma_wait3A_274, %dma_wait3A_280] : memref<2x16x128xi32, #tpu.memory_space<vmem>> -> memref<1x1x128xi32, #tpu.memory_space<vmem>>
      %dma_wait3A_282 = tpu.memref_squeeze %dma_wait3A_281 : memref<1x1x128xi32, #tpu.memory_space<vmem>> -> memref<128xi32, #tpu.memory_space<vmem>>
      %dma_wait3A_283 = arith.constant 0 : i32
      %dma_wait3A_284 = arith.constant 0 : i32
      %dma_wait3A_285 = tpu.memref_slice %arg10[%dma_wait3A_283, %dma_wait3A_284] : memref<10240x128xf32, #tpu.memory_space<vmem_shared>> -> memref<10240x128xf32, #tpu.memory_space<vmem_shared>>
      %dma_wait3A_286 = tpu.memref_slice %arg13[%dma_wait3A_275] : memref<2x!tpu.dma_semaphore, #tpu.memory_space<semaphore_mem>> -> memref<1x!tpu.dma_semaphore, #tpu.memory_space<semaphore_mem>>
      %dma_wait3A_287 = tpu.memref_squeeze %dma_wait3A_286 : memref<1x!tpu.dma_semaphore, #tpu.memory_space<semaphore_mem>> -> memref<!tpu.dma_semaphore, #tpu.memory_space<semaphore_mem>>
      tpu.wait_indirect_dma semaphore(%dma_wait3A_287 : memref<!tpu.dma_semaphore, #tpu.memory_space<semaphore_mem>>) src(%dma_wait3A_279 : memref<128x128xf32, #tpu.memory_space<vmem>>) dst(%dma_wait3A_285 : memref<10240x128xf32, #tpu.memory_space<vmem_shared>>)
      %dma_start3A_288 = arith.constant 4 : i32
      %dma_start3A_289 = arith.constant 0 : i32
      %dma_start3A_290 = arith.constant 0 : i32
      %dma_start3A_291 = arith.constant 0 : i32
      %dma_start3A_292 = arith.constant 0 : i32
      %dma_start3A_293 = tpu.memref_slice %arg9[%dma_start3A_289, %dma_start3A_291, %dma_start3A_292] : memref<2x128x128xf32, #tpu.memory_space<vmem>> -> memref<1x128x128xf32, #tpu.memory_space<vmem>>
      %dma_start3A_294 = tpu.memref_squeeze %dma_start3A_293 : memref<1x128x128xf32, #tpu.memory_space<vmem>> -> memref<128x128xf32, #tpu.memory_space<vmem>>
      %dma_start3A_295 = arith.constant 0 : i32
      %dma_start3A_296 = tpu.memref_slice %arg7[%rem3A_83, %dma_start3A_288, %dma_start3A_295] : memref<2x16x128xi32, #tpu.memory_space<vmem>> -> memref<1x1x128xi32, #tpu.memory_space<vmem>>
      %dma_start3A_297 = tpu.memref_squeeze %dma_start3A_296 : memref<1x1x128xi32, #tpu.memory_space<vmem>> -> memref<128xi32, #tpu.memory_space<vmem>>
      %dma_start3A_298 = arith.constant 0 : i32
      %dma_start3A_299 = arith.constant 0 : i32
      %dma_start3A_300 = tpu.memref_slice %arg2[%dma_start3A_298, %dma_start3A_299] : memref<20480x128xf32, #tpu.memory_space<hbm>> -> memref<20480x128xf32, #tpu.memory_space<hbm>>
      %dma_start3A_301 = tpu.memref_slice %arg12[%dma_start3A_290] : memref<2x!tpu.dma_semaphore, #tpu.memory_space<semaphore_mem>> -> memref<1x!tpu.dma_semaphore, #tpu.memory_space<semaphore_mem>>
      %dma_start3A_302 = tpu.memref_squeeze %dma_start3A_301 : memref<1x!tpu.dma_semaphore, #tpu.memory_space<semaphore_mem>> -> memref<!tpu.dma_semaphore, #tpu.memory_space<semaphore_mem>>
      tpu.enqueue_indirect_dma source(%dma_start3A_300 : memref<20480x128xf32, #tpu.memory_space<hbm>>) target(%dma_start3A_294 : memref<128x128xf32, #tpu.memory_space<vmem>>) offsets(%dma_start3A_297 : memref<128xi32, #tpu.memory_space<vmem>>) semaphore(%dma_start3A_302 : memref<!tpu.dma_semaphore, #tpu.memory_space<semaphore_mem>>)
      %dma_wait3A_303 = arith.constant 3 : i32
      %dma_wait3A_304 = arith.constant 1 : i32
      %dma_wait3A_305 = arith.constant 1 : i32
      %dma_wait3A_306 = arith.constant 0 : i32
      %dma_wait3A_307 = arith.constant 0 : i32
      %dma_wait3A_308 = tpu.memref_slice %arg9[%dma_wait3A_304, %dma_wait3A_306, %dma_wait3A_307] : memref<2x128x128xf32, #tpu.memory_space<vmem>> -> memref<1x128x128xf32, #tpu.memory_space<vmem>>
      %dma_wait3A_309 = tpu.memref_squeeze %dma_wait3A_308 : memref<1x128x128xf32, #tpu.memory_space<vmem>> -> memref<128x128xf32, #tpu.memory_space<vmem>>
      %dma_wait3A_310 = arith.constant 0 : i32
      %dma_wait3A_311 = tpu.memref_slice %arg7[%rem3A_83, %dma_wait3A_303, %dma_wait3A_310] : memref<2x16x128xi32, #tpu.memory_space<vmem>> -> memref<1x1x128xi32, #tpu.memory_space<vmem>>
      %dma_wait3A_312 = tpu.memref_squeeze %dma_wait3A_311 : memref<1x1x128xi32, #tpu.memory_space<vmem>> -> memref<128xi32, #tpu.memory_space<vmem>>
      %dma_wait3A_313 = arith.constant 0 : i32
      %dma_wait3A_314 = arith.constant 0 : i32
      %dma_wait3A_315 = tpu.memref_slice %arg2[%dma_wait3A_313, %dma_wait3A_314] : memref<20480x128xf32, #tpu.memory_space<hbm>> -> memref<20480x128xf32, #tpu.memory_space<hbm>>
      %dma_wait3A_316 = tpu.memref_slice %arg12[%dma_wait3A_305] : memref<2x!tpu.dma_semaphore, #tpu.memory_space<semaphore_mem>> -> memref<1x!tpu.dma_semaphore, #tpu.memory_space<semaphore_mem>>
      %dma_wait3A_317 = tpu.memref_squeeze %dma_wait3A_316 : memref<1x!tpu.dma_semaphore, #tpu.memory_space<semaphore_mem>> -> memref<!tpu.dma_semaphore, #tpu.memory_space<semaphore_mem>>
      tpu.wait_indirect_dma semaphore(%dma_wait3A_317 : memref<!tpu.dma_semaphore, #tpu.memory_space<semaphore_mem>>) src(%dma_wait3A_315 : memref<20480x128xf32, #tpu.memory_space<hbm>>) dst(%dma_wait3A_309 : memref<128x128xf32, #tpu.memory_space<vmem>>)
      %dma_start3A_318 = arith.constant 1 : i32
      %dma_start3A_319 = arith.constant 3 : i32
      %dma_start3A_320 = arith.constant 1 : i32
      %dma_start3A_321 = arith.constant 0 : i32
      %dma_start3A_322 = arith.constant 0 : i32
      %dma_start3A_323 = tpu.memref_slice %arg9[%dma_start3A_318, %dma_start3A_321, %dma_start3A_322] : memref<2x128x128xf32, #tpu.memory_space<vmem>> -> memref<1x128x128xf32, #tpu.memory_space<vmem>>
      %dma_start3A_324 = tpu.memref_squeeze %dma_start3A_323 : memref<1x128x128xf32, #tpu.memory_space<vmem>> -> memref<128x128xf32, #tpu.memory_space<vmem>>
      %dma_start3A_325 = arith.constant 0 : i32
      %dma_start3A_326 = tpu.memref_slice %arg8[%rem3A_83, %dma_start3A_319, %dma_start3A_325] : memref<2x16x128xi32, #tpu.memory_space<vmem>> -> memref<1x1x128xi32, #tpu.memory_space<vmem>>
      %dma_start3A_327 = tpu.memref_squeeze %dma_start3A_326 : memref<1x1x128xi32, #tpu.memory_space<vmem>> -> memref<128xi32, #tpu.memory_space<vmem>>
      %dma_start3A_328 = arith.constant 0 : i32
      %dma_start3A_329 = arith.constant 0 : i32
      %dma_start3A_330 = tpu.memref_slice %arg10[%dma_start3A_328, %dma_start3A_329] : memref<10240x128xf32, #tpu.memory_space<vmem_shared>> -> memref<10240x128xf32, #tpu.memory_space<vmem_shared>>
      %dma_start3A_331 = tpu.memref_slice %arg13[%dma_start3A_320] : memref<2x!tpu.dma_semaphore, #tpu.memory_space<semaphore_mem>> -> memref<1x!tpu.dma_semaphore, #tpu.memory_space<semaphore_mem>>
      %dma_start3A_332 = tpu.memref_squeeze %dma_start3A_331 : memref<1x!tpu.dma_semaphore, #tpu.memory_space<semaphore_mem>> -> memref<!tpu.dma_semaphore, #tpu.memory_space<semaphore_mem>>
      tpu.enqueue_indirect_dma source(%dma_start3A_324 : memref<128x128xf32, #tpu.memory_space<vmem>>) target(%dma_start3A_330 : memref<10240x128xf32, #tpu.memory_space<vmem_shared>>) offsets(%dma_start3A_327 : memref<128xi32, #tpu.memory_space<vmem>>) semaphore(%dma_start3A_332 : memref<!tpu.dma_semaphore, #tpu.memory_space<semaphore_mem>>) {add = true}
      %dma_wait3A_333 = arith.constant 1 : i32
      %dma_wait3A_334 = arith.constant 3 : i32
      %dma_wait3A_335 = arith.constant 1 : i32
      %dma_wait3A_336 = arith.constant 0 : i32
      %dma_wait3A_337 = arith.constant 0 : i32
      %dma_wait3A_338 = tpu.memref_slice %arg9[%dma_wait3A_333, %dma_wait3A_336, %dma_wait3A_337] : memref<2x128x128xf32, #tpu.memory_space<vmem>> -> memref<1x128x128xf32, #tpu.memory_space<vmem>>
      %dma_wait3A_339 = tpu.memref_squeeze %dma_wait3A_338 : memref<1x128x128xf32, #tpu.memory_space<vmem>> -> memref<128x128xf32, #tpu.memory_space<vmem>>
      %dma_wait3A_340 = arith.constant 0 : i32
      %dma_wait3A_341 = tpu.memref_slice %arg8[%rem3A_83, %dma_wait3A_334, %dma_wait3A_340] : memref<2x16x128xi32, #tpu.memory_space<vmem>> -> memref<1x1x128xi32, #tpu.memory_space<vmem>>
      %dma_wait3A_342 = tpu.memref_squeeze %dma_wait3A_341 : memref<1x1x128xi32, #tpu.memory_space<vmem>> -> memref<128xi32, #tpu.memory_space<vmem>>
      %dma_wait3A_343 = arith.constant 0 : i32
      %dma_wait3A_344 = arith.constant 0 : i32
      %dma_wait3A_345 = tpu.memref_slice %arg10[%dma_wait3A_343, %dma_wait3A_344] : memref<10240x128xf32, #tpu.memory_space<vmem_shared>> -> memref<10240x128xf32, #tpu.memory_space<vmem_shared>>
      %dma_wait3A_346 = tpu.memref_slice %arg13[%dma_wait3A_335] : memref<2x!tpu.dma_semaphore, #tpu.memory_space<semaphore_mem>> -> memref<1x!tpu.dma_semaphore, #tpu.memory_space<semaphore_mem>>
      %dma_wait3A_347 = tpu.memref_squeeze %dma_wait3A_346 : memref<1x!tpu.dma_semaphore, #tpu.memory_space<semaphore_mem>> -> memref<!tpu.dma_semaphore, #tpu.memory_space<semaphore_mem>>
      tpu.wait_indirect_dma semaphore(%dma_wait3A_347 : memref<!tpu.dma_semaphore, #tpu.memory_space<semaphore_mem>>) src(%dma_wait3A_339 : memref<128x128xf32, #tpu.memory_space<vmem>>) dst(%dma_wait3A_345 : memref<10240x128xf32, #tpu.memory_space<vmem_shared>>)
      %dma_start3A_348 = arith.constant 5 : i32
      %dma_start3A_349 = arith.constant 1 : i32
      %dma_start3A_350 = arith.constant 1 : i32
      %dma_start3A_351 = arith.constant 0 : i32
      %dma_start3A_352 = arith.constant 0 : i32
      %dma_start3A_353 = tpu.memref_slice %arg9[%dma_start3A_349, %dma_start3A_351, %dma_start3A_352] : memref<2x128x128xf32, #tpu.memory_space<vmem>> -> memref<1x128x128xf32, #tpu.memory_space<vmem>>
      %dma_start3A_354 = tpu.memref_squeeze %dma_start3A_353 : memref<1x128x128xf32, #tpu.memory_space<vmem>> -> memref<128x128xf32, #tpu.memory_space<vmem>>
      %dma_start3A_355 = arith.constant 0 : i32
      %dma_start3A_356 = tpu.memref_slice %arg7[%rem3A_83, %dma_start3A_348, %dma_start3A_355] : memref<2x16x128xi32, #tpu.memory_space<vmem>> -> memref<1x1x128xi32, #tpu.memory_space<vmem>>
      %dma_start3A_357 = tpu.memref_squeeze %dma_start3A_356 : memref<1x1x128xi32, #tpu.memory_space<vmem>> -> memref<128xi32, #tpu.memory_space<vmem>>
      %dma_start3A_358 = arith.constant 0 : i32
      %dma_start3A_359 = arith.constant 0 : i32
      %dma_start3A_360 = tpu.memref_slice %arg2[%dma_start3A_358, %dma_start3A_359] : memref<20480x128xf32, #tpu.memory_space<hbm>> -> memref<20480x128xf32, #tpu.memory_space<hbm>>
      %dma_start3A_361 = tpu.memref_slice %arg12[%dma_start3A_350] : memref<2x!tpu.dma_semaphore, #tpu.memory_space<semaphore_mem>> -> memref<1x!tpu.dma_semaphore, #tpu.memory_space<semaphore_mem>>
      %dma_start3A_362 = tpu.memref_squeeze %dma_start3A_361 : memref<1x!tpu.dma_semaphore, #tpu.memory_space<semaphore_mem>> -> memref<!tpu.dma_semaphore, #tpu.memory_space<semaphore_mem>>
      tpu.enqueue_indirect_dma source(%dma_start3A_360 : memref<20480x128xf32, #tpu.memory_space<hbm>>) target(%dma_start3A_354 : memref<128x128xf32, #tpu.memory_space<vmem>>) offsets(%dma_start3A_357 : memref<128xi32, #tpu.memory_space<vmem>>) semaphore(%dma_start3A_362 : memref<!tpu.dma_semaphore, #tpu.memory_space<semaphore_mem>>)
      %dma_wait3A_363 = arith.constant 4 : i32
      %dma_wait3A_364 = arith.constant 0 : i32
      %dma_wait3A_365 = arith.constant 0 : i32
      %dma_wait3A_366 = arith.constant 0 : i32
      %dma_wait3A_367 = arith.constant 0 : i32
      %dma_wait3A_368 = tpu.memref_slice %arg9[%dma_wait3A_364, %dma_wait3A_366, %dma_wait3A_367] : memref<2x128x128xf32, #tpu.memory_space<vmem>> -> memref<1x128x128xf32, #tpu.memory_space<vmem>>
      %dma_wait3A_369 = tpu.memref_squeeze %dma_wait3A_368 : memref<1x128x128xf32, #tpu.memory_space<vmem>> -> memref<128x128xf32, #tpu.memory_space<vmem>>
      %dma_wait3A_370 = arith.constant 0 : i32
      %dma_wait3A_371 = tpu.memref_slice %arg7[%rem3A_83, %dma_wait3A_363, %dma_wait3A_370] : memref<2x16x128xi32, #tpu.memory_space<vmem>> -> memref<1x1x128xi32, #tpu.memory_space<vmem>>
      %dma_wait3A_372 = tpu.memref_squeeze %dma_wait3A_371 : memref<1x1x128xi32, #tpu.memory_space<vmem>> -> memref<128xi32, #tpu.memory_space<vmem>>
      %dma_wait3A_373 = arith.constant 0 : i32
      %dma_wait3A_374 = arith.constant 0 : i32
      %dma_wait3A_375 = tpu.memref_slice %arg2[%dma_wait3A_373, %dma_wait3A_374] : memref<20480x128xf32, #tpu.memory_space<hbm>> -> memref<20480x128xf32, #tpu.memory_space<hbm>>
      %dma_wait3A_376 = tpu.memref_slice %arg12[%dma_wait3A_365] : memref<2x!tpu.dma_semaphore, #tpu.memory_space<semaphore_mem>> -> memref<1x!tpu.dma_semaphore, #tpu.memory_space<semaphore_mem>>
      %dma_wait3A_377 = tpu.memref_squeeze %dma_wait3A_376 : memref<1x!tpu.dma_semaphore, #tpu.memory_space<semaphore_mem>> -> memref<!tpu.dma_semaphore, #tpu.memory_space<semaphore_mem>>
      tpu.wait_indirect_dma semaphore(%dma_wait3A_377 : memref<!tpu.dma_semaphore, #tpu.memory_space<semaphore_mem>>) src(%dma_wait3A_375 : memref<20480x128xf32, #tpu.memory_space<hbm>>) dst(%dma_wait3A_369 : memref<128x128xf32, #tpu.memory_space<vmem>>)
      %dma_start3A_378 = arith.constant 0 : i32
      %dma_start3A_379 = arith.constant 4 : i32
      %dma_start3A_380 = arith.constant 0 : i32
      %dma_start3A_381 = arith.constant 0 : i32
      %dma_start3A_382 = arith.constant 0 : i32
      %dma_start3A_383 = tpu.memref_slice %arg9[%dma_start3A_378, %dma_start3A_381, %dma_start3A_382] : memref<2x128x128xf32, #tpu.memory_space<vmem>> -> memref<1x128x128xf32, #tpu.memory_space<vmem>>
      %dma_start3A_384 = tpu.memref_squeeze %dma_start3A_383 : memref<1x128x128xf32, #tpu.memory_space<vmem>> -> memref<128x128xf32, #tpu.memory_space<vmem>>
      %dma_start3A_385 = arith.constant 0 : i32
      %dma_start3A_386 = tpu.memref_slice %arg8[%rem3A_83, %dma_start3A_379, %dma_start3A_385] : memref<2x16x128xi32, #tpu.memory_space<vmem>> -> memref<1x1x128xi32, #tpu.memory_space<vmem>>
      %dma_start3A_387 = tpu.memref_squeeze %dma_start3A_386 : memref<1x1x128xi32, #tpu.memory_space<vmem>> -> memref<128xi32, #tpu.memory_space<vmem>>
      %dma_start3A_388 = arith.constant 0 : i32
      %dma_start3A_389 = arith.constant 0 : i32
      %dma_start3A_390 = tpu.memref_slice %arg10[%dma_start3A_388, %dma_start3A_389] : memref<10240x128xf32, #tpu.memory_space<vmem_shared>> -> memref<10240x128xf32, #tpu.memory_space<vmem_shared>>
      %dma_start3A_391 = tpu.memref_slice %arg13[%dma_start3A_380] : memref<2x!tpu.dma_semaphore, #tpu.memory_space<semaphore_mem>> -> memref<1x!tpu.dma_semaphore, #tpu.memory_space<semaphore_mem>>
      %dma_start3A_392 = tpu.memref_squeeze %dma_start3A_391 : memref<1x!tpu.dma_semaphore, #tpu.memory_space<semaphore_mem>> -> memref<!tpu.dma_semaphore, #tpu.memory_space<semaphore_mem>>
      tpu.enqueue_indirect_dma source(%dma_start3A_384 : memref<128x128xf32, #tpu.memory_space<vmem>>) target(%dma_start3A_390 : memref<10240x128xf32, #tpu.memory_space<vmem_shared>>) offsets(%dma_start3A_387 : memref<128xi32, #tpu.memory_space<vmem>>) semaphore(%dma_start3A_392 : memref<!tpu.dma_semaphore, #tpu.memory_space<semaphore_mem>>) {add = true}
      %dma_wait3A_393 = arith.constant 0 : i32
      %dma_wait3A_394 = arith.constant 4 : i32
      %dma_wait3A_395 = arith.constant 0 : i32
      %dma_wait3A_396 = arith.constant 0 : i32
      %dma_wait3A_397 = arith.constant 0 : i32
      %dma_wait3A_398 = tpu.memref_slice %arg9[%dma_wait3A_393, %dma_wait3A_396, %dma_wait3A_397] : memref<2x128x128xf32, #tpu.memory_space<vmem>> -> memref<1x128x128xf32, #tpu.memory_space<vmem>>
      %dma_wait3A_399 = tpu.memref_squeeze %dma_wait3A_398 : memref<1x128x128xf32, #tpu.memory_space<vmem>> -> memref<128x128xf32, #tpu.memory_space<vmem>>
      %dma_wait3A_400 = arith.constant 0 : i32
      %dma_wait3A_401 = tpu.memref_slice %arg8[%rem3A_83, %dma_wait3A_394, %dma_wait3A_400] : memref<2x16x128xi32, #tpu.memory_space<vmem>> -> memref<1x1x128xi32, #tpu.memory_space<vmem>>
      %dma_wait3A_402 = tpu.memref_squeeze %dma_wait3A_401 : memref<1x1x128xi32, #tpu.memory_space<vmem>> -> memref<128xi32, #tpu.memory_space<vmem>>
      %dma_wait3A_403 = arith.constant 0 : i32
      %dma_wait3A_404 = arith.constant 0 : i32
      %dma_wait3A_405 = tpu.memref_slice %arg10[%dma_wait3A_403, %dma_wait3A_404] : memref<10240x128xf32, #tpu.memory_space<vmem_shared>> -> memref<10240x128xf32, #tpu.memory_space<vmem_shared>>
      %dma_wait3A_406 = tpu.memref_slice %arg13[%dma_wait3A_395] : memref<2x!tpu.dma_semaphore, #tpu.memory_space<semaphore_mem>> -> memref<1x!tpu.dma_semaphore, #tpu.memory_space<semaphore_mem>>
      %dma_wait3A_407 = tpu.memref_squeeze %dma_wait3A_406 : memref<1x!tpu.dma_semaphore, #tpu.memory_space<semaphore_mem>> -> memref<!tpu.dma_semaphore, #tpu.memory_space<semaphore_mem>>
      tpu.wait_indirect_dma semaphore(%dma_wait3A_407 : memref<!tpu.dma_semaphore, #tpu.memory_space<semaphore_mem>>) src(%dma_wait3A_399 : memref<128x128xf32, #tpu.memory_space<vmem>>) dst(%dma_wait3A_405 : memref<10240x128xf32, #tpu.memory_space<vmem_shared>>)
      %dma_start3A_408 = arith.constant 6 : i32
      %dma_start3A_409 = arith.constant 0 : i32
      %dma_start3A_410 = arith.constant 0 : i32
      %dma_start3A_411 = arith.constant 0 : i32
      %dma_start3A_412 = arith.constant 0 : i32
      %dma_start3A_413 = tpu.memref_slice %arg9[%dma_start3A_409, %dma_start3A_411, %dma_start3A_412] : memref<2x128x128xf32, #tpu.memory_space<vmem>> -> memref<1x128x128xf32, #tpu.memory_space<vmem>>
      %dma_start3A_414 = tpu.memref_squeeze %dma_start3A_413 : memref<1x128x128xf32, #tpu.memory_space<vmem>> -> memref<128x128xf32, #tpu.memory_space<vmem>>
      %dma_start3A_415 = arith.constant 0 : i32
      %dma_start3A_416 = tpu.memref_slice %arg7[%rem3A_83, %dma_start3A_408, %dma_start3A_415] : memref<2x16x128xi32, #tpu.memory_space<vmem>> -> memref<1x1x128xi32, #tpu.memory_space<vmem>>
      %dma_start3A_417 = tpu.memref_squeeze %dma_start3A_416 : memref<1x1x128xi32, #tpu.memory_space<vmem>> -> memref<128xi32, #tpu.memory_space<vmem>>
      %dma_start3A_418 = arith.constant 0 : i32
      %dma_start3A_419 = arith.constant 0 : i32
      %dma_start3A_420 = tpu.memref_slice %arg2[%dma_start3A_418, %dma_start3A_419] : memref<20480x128xf32, #tpu.memory_space<hbm>> -> memref<20480x128xf32, #tpu.memory_space<hbm>>
      %dma_start3A_421 = tpu.memref_slice %arg12[%dma_start3A_410] : memref<2x!tpu.dma_semaphore, #tpu.memory_space<semaphore_mem>> -> memref<1x!tpu.dma_semaphore, #tpu.memory_space<semaphore_mem>>
      %dma_start3A_422 = tpu.memref_squeeze %dma_start3A_421 : memref<1x!tpu.dma_semaphore, #tpu.memory_space<semaphore_mem>> -> memref<!tpu.dma_semaphore, #tpu.memory_space<semaphore_mem>>
      tpu.enqueue_indirect_dma source(%dma_start3A_420 : memref<20480x128xf32, #tpu.memory_space<hbm>>) target(%dma_start3A_414 : memref<128x128xf32, #tpu.memory_space<vmem>>) offsets(%dma_start3A_417 : memref<128xi32, #tpu.memory_space<vmem>>) semaphore(%dma_start3A_422 : memref<!tpu.dma_semaphore, #tpu.memory_space<semaphore_mem>>)
      %dma_wait3A_423 = arith.constant 5 : i32
      %dma_wait3A_424 = arith.constant 1 : i32
      %dma_wait3A_425 = arith.constant 1 : i32
      %dma_wait3A_426 = arith.constant 0 : i32
      %dma_wait3A_427 = arith.constant 0 : i32
      %dma_wait3A_428 = tpu.memref_slice %arg9[%dma_wait3A_424, %dma_wait3A_426, %dma_wait3A_427] : memref<2x128x128xf32, #tpu.memory_space<vmem>> -> memref<1x128x128xf32, #tpu.memory_space<vmem>>
      %dma_wait3A_429 = tpu.memref_squeeze %dma_wait3A_428 : memref<1x128x128xf32, #tpu.memory_space<vmem>> -> memref<128x128xf32, #tpu.memory_space<vmem>>
      %dma_wait3A_430 = arith.constant 0 : i32
      %dma_wait3A_431 = tpu.memref_slice %arg7[%rem3A_83, %dma_wait3A_423, %dma_wait3A_430] : memref<2x16x128xi32, #tpu.memory_space<vmem>> -> memref<1x1x128xi32, #tpu.memory_space<vmem>>
      %dma_wait3A_432 = tpu.memref_squeeze %dma_wait3A_431 : memref<1x1x128xi32, #tpu.memory_space<vmem>> -> memref<128xi32, #tpu.memory_space<vmem>>
      %dma_wait3A_433 = arith.constant 0 : i32
      %dma_wait3A_434 = arith.constant 0 : i32
      %dma_wait3A_435 = tpu.memref_slice %arg2[%dma_wait3A_433, %dma_wait3A_434] : memref<20480x128xf32, #tpu.memory_space<hbm>> -> memref<20480x128xf32, #tpu.memory_space<hbm>>
      %dma_wait3A_436 = tpu.memref_slice %arg12[%dma_wait3A_425] : memref<2x!tpu.dma_semaphore, #tpu.memory_space<semaphore_mem>> -> memref<1x!tpu.dma_semaphore, #tpu.memory_space<semaphore_mem>>
      %dma_wait3A_437 = tpu.memref_squeeze %dma_wait3A_436 : memref<1x!tpu.dma_semaphore, #tpu.memory_space<semaphore_mem>> -> memref<!tpu.dma_semaphore, #tpu.memory_space<semaphore_mem>>
      tpu.wait_indirect_dma semaphore(%dma_wait3A_437 : memref<!tpu.dma_semaphore, #tpu.memory_space<semaphore_mem>>) src(%dma_wait3A_435 : memref<20480x128xf32, #tpu.memory_space<hbm>>) dst(%dma_wait3A_429 : memref<128x128xf32, #tpu.memory_space<vmem>>)
      %dma_start3A_438 = arith.constant 1 : i32
      %dma_start3A_439 = arith.constant 5 : i32
      %dma_start3A_440 = arith.constant 1 : i32
      %dma_start3A_441 = arith.constant 0 : i32
      %dma_start3A_442 = arith.constant 0 : i32
      %dma_start3A_443 = tpu.memref_slice %arg9[%dma_start3A_438, %dma_start3A_441, %dma_start3A_442] : memref<2x128x128xf32, #tpu.memory_space<vmem>> -> memref<1x128x128xf32, #tpu.memory_space<vmem>>
      %dma_start3A_444 = tpu.memref_squeeze %dma_start3A_443 : memref<1x128x128xf32, #tpu.memory_space<vmem>> -> memref<128x128xf32, #tpu.memory_space<vmem>>
      %dma_start3A_445 = arith.constant 0 : i32
      %dma_start3A_446 = tpu.memref_slice %arg8[%rem3A_83, %dma_start3A_439, %dma_start3A_445] : memref<2x16x128xi32, #tpu.memory_space<vmem>> -> memref<1x1x128xi32, #tpu.memory_space<vmem>>
      %dma_start3A_447 = tpu.memref_squeeze %dma_start3A_446 : memref<1x1x128xi32, #tpu.memory_space<vmem>> -> memref<128xi32, #tpu.memory_space<vmem>>
      %dma_start3A_448 = arith.constant 0 : i32
      %dma_start3A_449 = arith.constant 0 : i32
      %dma_start3A_450 = tpu.memref_slice %arg10[%dma_start3A_448, %dma_start3A_449] : memref<10240x128xf32, #tpu.memory_space<vmem_shared>> -> memref<10240x128xf32, #tpu.memory_space<vmem_shared>>
      %dma_start3A_451 = tpu.memref_slice %arg13[%dma_start3A_440] : memref<2x!tpu.dma_semaphore, #tpu.memory_space<semaphore_mem>> -> memref<1x!tpu.dma_semaphore, #tpu.memory_space<semaphore_mem>>
      %dma_start3A_452 = tpu.memref_squeeze %dma_start3A_451 : memref<1x!tpu.dma_semaphore, #tpu.memory_space<semaphore_mem>> -> memref<!tpu.dma_semaphore, #tpu.memory_space<semaphore_mem>>
      tpu.enqueue_indirect_dma source(%dma_start3A_444 : memref<128x128xf32, #tpu.memory_space<vmem>>) target(%dma_start3A_450 : memref<10240x128xf32, #tpu.memory_space<vmem_shared>>) offsets(%dma_start3A_447 : memref<128xi32, #tpu.memory_space<vmem>>) semaphore(%dma_start3A_452 : memref<!tpu.dma_semaphore, #tpu.memory_space<semaphore_mem>>) {add = true}
      %dma_wait3A_453 = arith.constant 1 : i32
      %dma_wait3A_454 = arith.constant 5 : i32
      %dma_wait3A_455 = arith.constant 1 : i32
      %dma_wait3A_456 = arith.constant 0 : i32
      %dma_wait3A_457 = arith.constant 0 : i32
      %dma_wait3A_458 = tpu.memref_slice %arg9[%dma_wait3A_453, %dma_wait3A_456, %dma_wait3A_457] : memref<2x128x128xf32, #tpu.memory_space<vmem>> -> memref<1x128x128xf32, #tpu.memory_space<vmem>>
      %dma_wait3A_459 = tpu.memref_squeeze %dma_wait3A_458 : memref<1x128x128xf32, #tpu.memory_space<vmem>> -> memref<128x128xf32, #tpu.memory_space<vmem>>
      %dma_wait3A_460 = arith.constant 0 : i32
      %dma_wait3A_461 = tpu.memref_slice %arg8[%rem3A_83, %dma_wait3A_454, %dma_wait3A_460] : memref<2x16x128xi32, #tpu.memory_space<vmem>> -> memref<1x1x128xi32, #tpu.memory_space<vmem>>
      %dma_wait3A_462 = tpu.memref_squeeze %dma_wait3A_461 : memref<1x1x128xi32, #tpu.memory_space<vmem>> -> memref<128xi32, #tpu.memory_space<vmem>>
      %dma_wait3A_463 = arith.constant 0 : i32
      %dma_wait3A_464 = arith.constant 0 : i32
      %dma_wait3A_465 = tpu.memref_slice %arg10[%dma_wait3A_463, %dma_wait3A_464] : memref<10240x128xf32, #tpu.memory_space<vmem_shared>> -> memref<10240x128xf32, #tpu.memory_space<vmem_shared>>
      %dma_wait3A_466 = tpu.memref_slice %arg13[%dma_wait3A_455] : memref<2x!tpu.dma_semaphore, #tpu.memory_space<semaphore_mem>> -> memref<1x!tpu.dma_semaphore, #tpu.memory_space<semaphore_mem>>
      %dma_wait3A_467 = tpu.memref_squeeze %dma_wait3A_466 : memref<1x!tpu.dma_semaphore, #tpu.memory_space<semaphore_mem>> -> memref<!tpu.dma_semaphore, #tpu.memory_space<semaphore_mem>>
      tpu.wait_indirect_dma semaphore(%dma_wait3A_467 : memref<!tpu.dma_semaphore, #tpu.memory_space<semaphore_mem>>) src(%dma_wait3A_459 : memref<128x128xf32, #tpu.memory_space<vmem>>) dst(%dma_wait3A_465 : memref<10240x128xf32, #tpu.memory_space<vmem_shared>>)
      %dma_start3A_468 = arith.constant 7 : i32
      %dma_start3A_469 = arith.constant 1 : i32
      %dma_start3A_470 = arith.constant 1 : i32
      %dma_start3A_471 = arith.constant 0 : i32
      %dma_start3A_472 = arith.constant 0 : i32
      %dma_start3A_473 = tpu.memref_slice %arg9[%dma_start3A_469, %dma_start3A_471, %dma_start3A_472] : memref<2x128x128xf32, #tpu.memory_space<vmem>> -> memref<1x128x128xf32, #tpu.memory_space<vmem>>
      %dma_start3A_474 = tpu.memref_squeeze %dma_start3A_473 : memref<1x128x128xf32, #tpu.memory_space<vmem>> -> memref<128x128xf32, #tpu.memory_space<vmem>>
      %dma_start3A_475 = arith.constant 0 : i32
      %dma_start3A_476 = tpu.memref_slice %arg7[%rem3A_83, %dma_start3A_468, %dma_start3A_475] : memref<2x16x128xi32, #tpu.memory_space<vmem>> -> memref<1x1x128xi32, #tpu.memory_space<vmem>>
      %dma_start3A_477 = tpu.memref_squeeze %dma_start3A_476 : memref<1x1x128xi32, #tpu.memory_space<vmem>> -> memref<128xi32, #tpu.memory_space<vmem>>
      %dma_start3A_478 = arith.constant 0 : i32
      %dma_start3A_479 = arith.constant 0 : i32
      %dma_start3A_480 = tpu.memref_slice %arg2[%dma_start3A_478, %dma_start3A_479] : memref<20480x128xf32, #tpu.memory_space<hbm>> -> memref<20480x128xf32, #tpu.memory_space<hbm>>
      %dma_start3A_481 = tpu.memref_slice %arg12[%dma_start3A_470] : memref<2x!tpu.dma_semaphore, #tpu.memory_space<semaphore_mem>> -> memref<1x!tpu.dma_semaphore, #tpu.memory_space<semaphore_mem>>
      %dma_start3A_482 = tpu.memref_squeeze %dma_start3A_481 : memref<1x!tpu.dma_semaphore, #tpu.memory_space<semaphore_mem>> -> memref<!tpu.dma_semaphore, #tpu.memory_space<semaphore_mem>>
      tpu.enqueue_indirect_dma source(%dma_start3A_480 : memref<20480x128xf32, #tpu.memory_space<hbm>>) target(%dma_start3A_474 : memref<128x128xf32, #tpu.memory_space<vmem>>) offsets(%dma_start3A_477 : memref<128xi32, #tpu.memory_space<vmem>>) semaphore(%dma_start3A_482 : memref<!tpu.dma_semaphore, #tpu.memory_space<semaphore_mem>>)
      %dma_wait3A_483 = arith.constant 6 : i32
      %dma_wait3A_484 = arith.constant 0 : i32
      %dma_wait3A_485 = arith.constant 0 : i32
      %dma_wait3A_486 = arith.constant 0 : i32
      %dma_wait3A_487 = arith.constant 0 : i32
      %dma_wait3A_488 = tpu.memref_slice %arg9[%dma_wait3A_484, %dma_wait3A_486, %dma_wait3A_487] : memref<2x128x128xf32, #tpu.memory_space<vmem>> -> memref<1x128x128xf32, #tpu.memory_space<vmem>>
      %dma_wait3A_489 = tpu.memref_squeeze %dma_wait3A_488 : memref<1x128x128xf32, #tpu.memory_space<vmem>> -> memref<128x128xf32, #tpu.memory_space<vmem>>
      %dma_wait3A_490 = arith.constant 0 : i32
      %dma_wait3A_491 = tpu.memref_slice %arg7[%rem3A_83, %dma_wait3A_483, %dma_wait3A_490] : memref<2x16x128xi32, #tpu.memory_space<vmem>> -> memref<1x1x128xi32, #tpu.memory_space<vmem>>
      %dma_wait3A_492 = tpu.memref_squeeze %dma_wait3A_491 : memref<1x1x128xi32, #tpu.memory_space<vmem>> -> memref<128xi32, #tpu.memory_space<vmem>>
      %dma_wait3A_493 = arith.constant 0 : i32
      %dma_wait3A_494 = arith.constant 0 : i32
      %dma_wait3A_495 = tpu.memref_slice %arg2[%dma_wait3A_493, %dma_wait3A_494] : memref<20480x128xf32, #tpu.memory_space<hbm>> -> memref<20480x128xf32, #tpu.memory_space<hbm>>
      %dma_wait3A_496 = tpu.memref_slice %arg12[%dma_wait3A_485] : memref<2x!tpu.dma_semaphore, #tpu.memory_space<semaphore_mem>> -> memref<1x!tpu.dma_semaphore, #tpu.memory_space<semaphore_mem>>
      %dma_wait3A_497 = tpu.memref_squeeze %dma_wait3A_496 : memref<1x!tpu.dma_semaphore, #tpu.memory_space<semaphore_mem>> -> memref<!tpu.dma_semaphore, #tpu.memory_space<semaphore_mem>>
      tpu.wait_indirect_dma semaphore(%dma_wait3A_497 : memref<!tpu.dma_semaphore, #tpu.memory_space<semaphore_mem>>) src(%dma_wait3A_495 : memref<20480x128xf32, #tpu.memory_space<hbm>>) dst(%dma_wait3A_489 : memref<128x128xf32, #tpu.memory_space<vmem>>)
      %dma_start3A_498 = arith.constant 0 : i32
      %dma_start3A_499 = arith.constant 6 : i32
      %dma_start3A_500 = arith.constant 0 : i32
      %dma_start3A_501 = arith.constant 0 : i32
      %dma_start3A_502 = arith.constant 0 : i32
      %dma_start3A_503 = tpu.memref_slice %arg9[%dma_start3A_498, %dma_start3A_501, %dma_start3A_502] : memref<2x128x128xf32, #tpu.memory_space<vmem>> -> memref<1x128x128xf32, #tpu.memory_space<vmem>>
      %dma_start3A_504 = tpu.memref_squeeze %dma_start3A_503 : memref<1x128x128xf32, #tpu.memory_space<vmem>> -> memref<128x128xf32, #tpu.memory_space<vmem>>
      %dma_start3A_505 = arith.constant 0 : i32
      %dma_start3A_506 = tpu.memref_slice %arg8[%rem3A_83, %dma_start3A_499, %dma_start3A_505] : memref<2x16x128xi32, #tpu.memory_space<vmem>> -> memref<1x1x128xi32, #tpu.memory_space<vmem>>
      %dma_start3A_507 = tpu.memref_squeeze %dma_start3A_506 : memref<1x1x128xi32, #tpu.memory_space<vmem>> -> memref<128xi32, #tpu.memory_space<vmem>>
      %dma_start3A_508 = arith.constant 0 : i32
      %dma_start3A_509 = arith.constant 0 : i32
      %dma_start3A_510 = tpu.memref_slice %arg10[%dma_start3A_508, %dma_start3A_509] : memref<10240x128xf32, #tpu.memory_space<vmem_shared>> -> memref<10240x128xf32, #tpu.memory_space<vmem_shared>>
      %dma_start3A_511 = tpu.memref_slice %arg13[%dma_start3A_500] : memref<2x!tpu.dma_semaphore, #tpu.memory_space<semaphore_mem>> -> memref<1x!tpu.dma_semaphore, #tpu.memory_space<semaphore_mem>>
      %dma_start3A_512 = tpu.memref_squeeze %dma_start3A_511 : memref<1x!tpu.dma_semaphore, #tpu.memory_space<semaphore_mem>> -> memref<!tpu.dma_semaphore, #tpu.memory_space<semaphore_mem>>
      tpu.enqueue_indirect_dma source(%dma_start3A_504 : memref<128x128xf32, #tpu.memory_space<vmem>>) target(%dma_start3A_510 : memref<10240x128xf32, #tpu.memory_space<vmem_shared>>) offsets(%dma_start3A_507 : memref<128xi32, #tpu.memory_space<vmem>>) semaphore(%dma_start3A_512 : memref<!tpu.dma_semaphore, #tpu.memory_space<semaphore_mem>>) {add = true}
      %dma_wait3A_513 = arith.constant 0 : i32
      %dma_wait3A_514 = arith.constant 6 : i32
      %dma_wait3A_515 = arith.constant 0 : i32
      %dma_wait3A_516 = arith.constant 0 : i32
      %dma_wait3A_517 = arith.constant 0 : i32
      %dma_wait3A_518 = tpu.memref_slice %arg9[%dma_wait3A_513, %dma_wait3A_516, %dma_wait3A_517] : memref<2x128x128xf32, #tpu.memory_space<vmem>> -> memref<1x128x128xf32, #tpu.memory_space<vmem>>
      %dma_wait3A_519 = tpu.memref_squeeze %dma_wait3A_518 : memref<1x128x128xf32, #tpu.memory_space<vmem>> -> memref<128x128xf32, #tpu.memory_space<vmem>>
      %dma_wait3A_520 = arith.constant 0 : i32
      %dma_wait3A_521 = tpu.memref_slice %arg8[%rem3A_83, %dma_wait3A_514, %dma_wait3A_520] : memref<2x16x128xi32, #tpu.memory_space<vmem>> -> memref<1x1x128xi32, #tpu.memory_space<vmem>>
      %dma_wait3A_522 = tpu.memref_squeeze %dma_wait3A_521 : memref<1x1x128xi32, #tpu.memory_space<vmem>> -> memref<128xi32, #tpu.memory_space<vmem>>
      %dma_wait3A_523 = arith.constant 0 : i32
      %dma_wait3A_524 = arith.constant 0 : i32
      %dma_wait3A_525 = tpu.memref_slice %arg10[%dma_wait3A_523, %dma_wait3A_524] : memref<10240x128xf32, #tpu.memory_space<vmem_shared>> -> memref<10240x128xf32, #tpu.memory_space<vmem_shared>>
      %dma_wait3A_526 = tpu.memref_slice %arg13[%dma_wait3A_515] : memref<2x!tpu.dma_semaphore, #tpu.memory_space<semaphore_mem>> -> memref<1x!tpu.dma_semaphore, #tpu.memory_space<semaphore_mem>>
      %dma_wait3A_527 = tpu.memref_squeeze %dma_wait3A_526 : memref<1x!tpu.dma_semaphore, #tpu.memory_space<semaphore_mem>> -> memref<!tpu.dma_semaphore, #tpu.memory_space<semaphore_mem>>
      tpu.wait_indirect_dma semaphore(%dma_wait3A_527 : memref<!tpu.dma_semaphore, #tpu.memory_space<semaphore_mem>>) src(%dma_wait3A_519 : memref<128x128xf32, #tpu.memory_space<vmem>>) dst(%dma_wait3A_525 : memref<10240x128xf32, #tpu.memory_space<vmem_shared>>)
      %dma_start3A_528 = arith.constant 8 : i32
      %dma_start3A_529 = arith.constant 0 : i32
      %dma_start3A_530 = arith.constant 0 : i32
      %dma_start3A_531 = arith.constant 0 : i32
      %dma_start3A_532 = arith.constant 0 : i32
      %dma_start3A_533 = tpu.memref_slice %arg9[%dma_start3A_529, %dma_start3A_531, %dma_start3A_532] : memref<2x128x128xf32, #tpu.memory_space<vmem>> -> memref<1x128x128xf32, #tpu.memory_space<vmem>>
      %dma_start3A_534 = tpu.memref_squeeze %dma_start3A_533 : memref<1x128x128xf32, #tpu.memory_space<vmem>> -> memref<128x128xf32, #tpu.memory_space<vmem>>
      %dma_start3A_535 = arith.constant 0 : i32
      %dma_start3A_536 = tpu.memref_slice %arg7[%rem3A_83, %dma_start3A_528, %dma_start3A_535] : memref<2x16x128xi32, #tpu.memory_space<vmem>> -> memref<1x1x128xi32, #tpu.memory_space<vmem>>
      %dma_start3A_537 = tpu.memref_squeeze %dma_start3A_536 : memref<1x1x128xi32, #tpu.memory_space<vmem>> -> memref<128xi32, #tpu.memory_space<vmem>>
      %dma_start3A_538 = arith.constant 0 : i32
      %dma_start3A_539 = arith.constant 0 : i32
      %dma_start3A_540 = tpu.memref_slice %arg2[%dma_start3A_538, %dma_start3A_539] : memref<20480x128xf32, #tpu.memory_space<hbm>> -> memref<20480x128xf32, #tpu.memory_space<hbm>>
      %dma_start3A_541 = tpu.memref_slice %arg12[%dma_start3A_530] : memref<2x!tpu.dma_semaphore, #tpu.memory_space<semaphore_mem>> -> memref<1x!tpu.dma_semaphore, #tpu.memory_space<semaphore_mem>>
      %dma_start3A_542 = tpu.memref_squeeze %dma_start3A_541 : memref<1x!tpu.dma_semaphore, #tpu.memory_space<semaphore_mem>> -> memref<!tpu.dma_semaphore, #tpu.memory_space<semaphore_mem>>
      tpu.enqueue_indirect_dma source(%dma_start3A_540 : memref<20480x128xf32, #tpu.memory_space<hbm>>) target(%dma_start3A_534 : memref<128x128xf32, #tpu.memory_space<vmem>>) offsets(%dma_start3A_537 : memref<128xi32, #tpu.memory_space<vmem>>) semaphore(%dma_start3A_542 : memref<!tpu.dma_semaphore, #tpu.memory_space<semaphore_mem>>)
      %dma_wait3A_543 = arith.constant 7 : i32
      %dma_wait3A_544 = arith.constant 1 : i32
      %dma_wait3A_545 = arith.constant 1 : i32
      %dma_wait3A_546 = arith.constant 0 : i32
      %dma_wait3A_547 = arith.constant 0 : i32
      %dma_wait3A_548 = tpu.memref_slice %arg9[%dma_wait3A_544, %dma_wait3A_546, %dma_wait3A_547] : memref<2x128x128xf32, #tpu.memory_space<vmem>> -> memref<1x128x128xf32, #tpu.memory_space<vmem>>
      %dma_wait3A_549 = tpu.memref_squeeze %dma_wait3A_548 : memref<1x128x128xf32, #tpu.memory_space<vmem>> -> memref<128x128xf32, #tpu.memory_space<vmem>>
      %dma_wait3A_550 = arith.constant 0 : i32
      %dma_wait3A_551 = tpu.memref_slice %arg7[%rem3A_83, %dma_wait3A_543, %dma_wait3A_550] : memref<2x16x128xi32, #tpu.memory_space<vmem>> -> memref<1x1x128xi32, #tpu.memory_space<vmem>>
      %dma_wait3A_552 = tpu.memref_squeeze %dma_wait3A_551 : memref<1x1x128xi32, #tpu.memory_space<vmem>> -> memref<128xi32, #tpu.memory_space<vmem>>
      %dma_wait3A_553 = arith.constant 0 : i32
      %dma_wait3A_554 = arith.constant 0 : i32
      %dma_wait3A_555 = tpu.memref_slice %arg2[%dma_wait3A_553, %dma_wait3A_554] : memref<20480x128xf32, #tpu.memory_space<hbm>> -> memref<20480x128xf32, #tpu.memory_space<hbm>>
      %dma_wait3A_556 = tpu.memref_slice %arg12[%dma_wait3A_545] : memref<2x!tpu.dma_semaphore, #tpu.memory_space<semaphore_mem>> -> memref<1x!tpu.dma_semaphore, #tpu.memory_space<semaphore_mem>>
      %dma_wait3A_557 = tpu.memref_squeeze %dma_wait3A_556 : memref<1x!tpu.dma_semaphore, #tpu.memory_space<semaphore_mem>> -> memref<!tpu.dma_semaphore, #tpu.memory_space<semaphore_mem>>
      tpu.wait_indirect_dma semaphore(%dma_wait3A_557 : memref<!tpu.dma_semaphore, #tpu.memory_space<semaphore_mem>>) src(%dma_wait3A_555 : memref<20480x128xf32, #tpu.memory_space<hbm>>) dst(%dma_wait3A_549 : memref<128x128xf32, #tpu.memory_space<vmem>>)
      %dma_start3A_558 = arith.constant 1 : i32
      %dma_start3A_559 = arith.constant 7 : i32
      %dma_start3A_560 = arith.constant 1 : i32
      %dma_start3A_561 = arith.constant 0 : i32
      %dma_start3A_562 = arith.constant 0 : i32
      %dma_start3A_563 = tpu.memref_slice %arg9[%dma_start3A_558, %dma_start3A_561, %dma_start3A_562] : memref<2x128x128xf32, #tpu.memory_space<vmem>> -> memref<1x128x128xf32, #tpu.memory_space<vmem>>
      %dma_start3A_564 = tpu.memref_squeeze %dma_start3A_563 : memref<1x128x128xf32, #tpu.memory_space<vmem>> -> memref<128x128xf32, #tpu.memory_space<vmem>>
      %dma_start3A_565 = arith.constant 0 : i32
      %dma_start3A_566 = tpu.memref_slice %arg8[%rem3A_83, %dma_start3A_559, %dma_start3A_565] : memref<2x16x128xi32, #tpu.memory_space<vmem>> -> memref<1x1x128xi32, #tpu.memory_space<vmem>>
      %dma_start3A_567 = tpu.memref_squeeze %dma_start3A_566 : memref<1x1x128xi32, #tpu.memory_space<vmem>> -> memref<128xi32, #tpu.memory_space<vmem>>
      %dma_start3A_568 = arith.constant 0 : i32
      %dma_start3A_569 = arith.constant 0 : i32
      %dma_start3A_570 = tpu.memref_slice %arg10[%dma_start3A_568, %dma_start3A_569] : memref<10240x128xf32, #tpu.memory_space<vmem_shared>> -> memref<10240x128xf32, #tpu.memory_space<vmem_shared>>
      %dma_start3A_571 = tpu.memref_slice %arg13[%dma_start3A_560] : memref<2x!tpu.dma_semaphore, #tpu.memory_space<semaphore_mem>> -> memref<1x!tpu.dma_semaphore, #tpu.memory_space<semaphore_mem>>
      %dma_start3A_572 = tpu.memref_squeeze %dma_start3A_571 : memref<1x!tpu.dma_semaphore, #tpu.memory_space<semaphore_mem>> -> memref<!tpu.dma_semaphore, #tpu.memory_space<semaphore_mem>>
      tpu.enqueue_indirect_dma source(%dma_start3A_564 : memref<128x128xf32, #tpu.memory_space<vmem>>) target(%dma_start3A_570 : memref<10240x128xf32, #tpu.memory_space<vmem_shared>>) offsets(%dma_start3A_567 : memref<128xi32, #tpu.memory_space<vmem>>) semaphore(%dma_start3A_572 : memref<!tpu.dma_semaphore, #tpu.memory_space<semaphore_mem>>) {add = true}
      %dma_wait3A_573 = arith.constant 1 : i32
      %dma_wait3A_574 = arith.constant 7 : i32
      %dma_wait3A_575 = arith.constant 1 : i32
      %dma_wait3A_576 = arith.constant 0 : i32
      %dma_wait3A_577 = arith.constant 0 : i32
      %dma_wait3A_578 = tpu.memref_slice %arg9[%dma_wait3A_573, %dma_wait3A_576, %dma_wait3A_577] : memref<2x128x128xf32, #tpu.memory_space<vmem>> -> memref<1x128x128xf32, #tpu.memory_space<vmem>>
      %dma_wait3A_579 = tpu.memref_squeeze %dma_wait3A_578 : memref<1x128x128xf32, #tpu.memory_space<vmem>> -> memref<128x128xf32, #tpu.memory_space<vmem>>
      %dma_wait3A_580 = arith.constant 0 : i32
      %dma_wait3A_581 = tpu.memref_slice %arg8[%rem3A_83, %dma_wait3A_574, %dma_wait3A_580] : memref<2x16x128xi32, #tpu.memory_space<vmem>> -> memref<1x1x128xi32, #tpu.memory_space<vmem>>
      %dma_wait3A_582 = tpu.memref_squeeze %dma_wait3A_581 : memref<1x1x128xi32, #tpu.memory_space<vmem>> -> memref<128xi32, #tpu.memory_space<vmem>>
      %dma_wait3A_583 = arith.constant 0 : i32
      %dma_wait3A_584 = arith.constant 0 : i32
      %dma_wait3A_585 = tpu.memref_slice %arg10[%dma_wait3A_583, %dma_wait3A_584] : memref<10240x128xf32, #tpu.memory_space<vmem_shared>> -> memref<10240x128xf32, #tpu.memory_space<vmem_shared>>
      %dma_wait3A_586 = tpu.memref_slice %arg13[%dma_wait3A_575] : memref<2x!tpu.dma_semaphore, #tpu.memory_space<semaphore_mem>> -> memref<1x!tpu.dma_semaphore, #tpu.memory_space<semaphore_mem>>
      %dma_wait3A_587 = tpu.memref_squeeze %dma_wait3A_586 : memref<1x!tpu.dma_semaphore, #tpu.memory_space<semaphore_mem>> -> memref<!tpu.dma_semaphore, #tpu.memory_space<semaphore_mem>>
      tpu.wait_indirect_dma semaphore(%dma_wait3A_587 : memref<!tpu.dma_semaphore, #tpu.memory_space<semaphore_mem>>) src(%dma_wait3A_579 : memref<128x128xf32, #tpu.memory_space<vmem>>) dst(%dma_wait3A_585 : memref<10240x128xf32, #tpu.memory_space<vmem_shared>>)
      %dma_start3A_588 = arith.constant 9 : i32
      %dma_start3A_589 = arith.constant 1 : i32
      %dma_start3A_590 = arith.constant 1 : i32
      %dma_start3A_591 = arith.constant 0 : i32
      %dma_start3A_592 = arith.constant 0 : i32
      %dma_start3A_593 = tpu.memref_slice %arg9[%dma_start3A_589, %dma_start3A_591, %dma_start3A_592] : memref<2x128x128xf32, #tpu.memory_space<vmem>> -> memref<1x128x128xf32, #tpu.memory_space<vmem>>
      %dma_start3A_594 = tpu.memref_squeeze %dma_start3A_593 : memref<1x128x128xf32, #tpu.memory_space<vmem>> -> memref<128x128xf32, #tpu.memory_space<vmem>>
      %dma_start3A_595 = arith.constant 0 : i32
      %dma_start3A_596 = tpu.memref_slice %arg7[%rem3A_83, %dma_start3A_588, %dma_start3A_595] : memref<2x16x128xi32, #tpu.memory_space<vmem>> -> memref<1x1x128xi32, #tpu.memory_space<vmem>>
      %dma_start3A_597 = tpu.memref_squeeze %dma_start3A_596 : memref<1x1x128xi32, #tpu.memory_space<vmem>> -> memref<128xi32, #tpu.memory_space<vmem>>
      %dma_start3A_598 = arith.constant 0 : i32
      %dma_start3A_599 = arith.constant 0 : i32
      %dma_start3A_600 = tpu.memref_slice %arg2[%dma_start3A_598, %dma_start3A_599] : memref<20480x128xf32, #tpu.memory_space<hbm>> -> memref<20480x128xf32, #tpu.memory_space<hbm>>
      %dma_start3A_601 = tpu.memref_slice %arg12[%dma_start3A_590] : memref<2x!tpu.dma_semaphore, #tpu.memory_space<semaphore_mem>> -> memref<1x!tpu.dma_semaphore, #tpu.memory_space<semaphore_mem>>
      %dma_start3A_602 = tpu.memref_squeeze %dma_start3A_601 : memref<1x!tpu.dma_semaphore, #tpu.memory_space<semaphore_mem>> -> memref<!tpu.dma_semaphore, #tpu.memory_space<semaphore_mem>>
      tpu.enqueue_indirect_dma source(%dma_start3A_600 : memref<20480x128xf32, #tpu.memory_space<hbm>>) target(%dma_start3A_594 : memref<128x128xf32, #tpu.memory_space<vmem>>) offsets(%dma_start3A_597 : memref<128xi32, #tpu.memory_space<vmem>>) semaphore(%dma_start3A_602 : memref<!tpu.dma_semaphore, #tpu.memory_space<semaphore_mem>>)
      %dma_wait3A_603 = arith.constant 8 : i32
      %dma_wait3A_604 = arith.constant 0 : i32
      %dma_wait3A_605 = arith.constant 0 : i32
      %dma_wait3A_606 = arith.constant 0 : i32
      %dma_wait3A_607 = arith.constant 0 : i32
      %dma_wait3A_608 = tpu.memref_slice %arg9[%dma_wait3A_604, %dma_wait3A_606, %dma_wait3A_607] : memref<2x128x128xf32, #tpu.memory_space<vmem>> -> memref<1x128x128xf32, #tpu.memory_space<vmem>>
      %dma_wait3A_609 = tpu.memref_squeeze %dma_wait3A_608 : memref<1x128x128xf32, #tpu.memory_space<vmem>> -> memref<128x128xf32, #tpu.memory_space<vmem>>
      %dma_wait3A_610 = arith.constant 0 : i32
      %dma_wait3A_611 = tpu.memref_slice %arg7[%rem3A_83, %dma_wait3A_603, %dma_wait3A_610] : memref<2x16x128xi32, #tpu.memory_space<vmem>> -> memref<1x1x128xi32, #tpu.memory_space<vmem>>
      %dma_wait3A_612 = tpu.memref_squeeze %dma_wait3A_611 : memref<1x1x128xi32, #tpu.memory_space<vmem>> -> memref<128xi32, #tpu.memory_space<vmem>>
      %dma_wait3A_613 = arith.constant 0 : i32
      %dma_wait3A_614 = arith.constant 0 : i32
      %dma_wait3A_615 = tpu.memref_slice %arg2[%dma_wait3A_613, %dma_wait3A_614] : memref<20480x128xf32, #tpu.memory_space<hbm>> -> memref<20480x128xf32, #tpu.memory_space<hbm>>
      %dma_wait3A_616 = tpu.memref_slice %arg12[%dma_wait3A_605] : memref<2x!tpu.dma_semaphore, #tpu.memory_space<semaphore_mem>> -> memref<1x!tpu.dma_semaphore, #tpu.memory_space<semaphore_mem>>
      %dma_wait3A_617 = tpu.memref_squeeze %dma_wait3A_616 : memref<1x!tpu.dma_semaphore, #tpu.memory_space<semaphore_mem>> -> memref<!tpu.dma_semaphore, #tpu.memory_space<semaphore_mem>>
      tpu.wait_indirect_dma semaphore(%dma_wait3A_617 : memref<!tpu.dma_semaphore, #tpu.memory_space<semaphore_mem>>) src(%dma_wait3A_615 : memref<20480x128xf32, #tpu.memory_space<hbm>>) dst(%dma_wait3A_609 : memref<128x128xf32, #tpu.memory_space<vmem>>)
      %dma_start3A_618 = arith.constant 0 : i32
      %dma_start3A_619 = arith.constant 8 : i32
      %dma_start3A_620 = arith.constant 0 : i32
      %dma_start3A_621 = arith.constant 0 : i32
      %dma_start3A_622 = arith.constant 0 : i32
      %dma_start3A_623 = tpu.memref_slice %arg9[%dma_start3A_618, %dma_start3A_621, %dma_start3A_622] : memref<2x128x128xf32, #tpu.memory_space<vmem>> -> memref<1x128x128xf32, #tpu.memory_space<vmem>>
      %dma_start3A_624 = tpu.memref_squeeze %dma_start3A_623 : memref<1x128x128xf32, #tpu.memory_space<vmem>> -> memref<128x128xf32, #tpu.memory_space<vmem>>
      %dma_start3A_625 = arith.constant 0 : i32
      %dma_start3A_626 = tpu.memref_slice %arg8[%rem3A_83, %dma_start3A_619, %dma_start3A_625] : memref<2x16x128xi32, #tpu.memory_space<vmem>> -> memref<1x1x128xi32, #tpu.memory_space<vmem>>
      %dma_start3A_627 = tpu.memref_squeeze %dma_start3A_626 : memref<1x1x128xi32, #tpu.memory_space<vmem>> -> memref<128xi32, #tpu.memory_space<vmem>>
      %dma_start3A_628 = arith.constant 0 : i32
      %dma_start3A_629 = arith.constant 0 : i32
      %dma_start3A_630 = tpu.memref_slice %arg10[%dma_start3A_628, %dma_start3A_629] : memref<10240x128xf32, #tpu.memory_space<vmem_shared>> -> memref<10240x128xf32, #tpu.memory_space<vmem_shared>>
      %dma_start3A_631 = tpu.memref_slice %arg13[%dma_start3A_620] : memref<2x!tpu.dma_semaphore, #tpu.memory_space<semaphore_mem>> -> memref<1x!tpu.dma_semaphore, #tpu.memory_space<semaphore_mem>>
      %dma_start3A_632 = tpu.memref_squeeze %dma_start3A_631 : memref<1x!tpu.dma_semaphore, #tpu.memory_space<semaphore_mem>> -> memref<!tpu.dma_semaphore, #tpu.memory_space<semaphore_mem>>
      tpu.enqueue_indirect_dma source(%dma_start3A_624 : memref<128x128xf32, #tpu.memory_space<vmem>>) target(%dma_start3A_630 : memref<10240x128xf32, #tpu.memory_space<vmem_shared>>) offsets(%dma_start3A_627 : memref<128xi32, #tpu.memory_space<vmem>>) semaphore(%dma_start3A_632 : memref<!tpu.dma_semaphore, #tpu.memory_space<semaphore_mem>>) {add = true}
      %dma_wait3A_633 = arith.constant 0 : i32
      %dma_wait3A_634 = arith.constant 8 : i32
      %dma_wait3A_635 = arith.constant 0 : i32
      %dma_wait3A_636 = arith.constant 0 : i32
      %dma_wait3A_637 = arith.constant 0 : i32
      %dma_wait3A_638 = tpu.memref_slice %arg9[%dma_wait3A_633, %dma_wait3A_636, %dma_wait3A_637] : memref<2x128x128xf32, #tpu.memory_space<vmem>> -> memref<1x128x128xf32, #tpu.memory_space<vmem>>
      %dma_wait3A_639 = tpu.memref_squeeze %dma_wait3A_638 : memref<1x128x128xf32, #tpu.memory_space<vmem>> -> memref<128x128xf32, #tpu.memory_space<vmem>>
      %dma_wait3A_640 = arith.constant 0 : i32
      %dma_wait3A_641 = tpu.memref_slice %arg8[%rem3A_83, %dma_wait3A_634, %dma_wait3A_640] : memref<2x16x128xi32, #tpu.memory_space<vmem>> -> memref<1x1x128xi32, #tpu.memory_space<vmem>>
      %dma_wait3A_642 = tpu.memref_squeeze %dma_wait3A_641 : memref<1x1x128xi32, #tpu.memory_space<vmem>> -> memref<128xi32, #tpu.memory_space<vmem>>
      %dma_wait3A_643 = arith.constant 0 : i32
      %dma_wait3A_644 = arith.constant 0 : i32
      %dma_wait3A_645 = tpu.memref_slice %arg10[%dma_wait3A_643, %dma_wait3A_644] : memref<10240x128xf32, #tpu.memory_space<vmem_shared>> -> memref<10240x128xf32, #tpu.memory_space<vmem_shared>>
      %dma_wait3A_646 = tpu.memref_slice %arg13[%dma_wait3A_635] : memref<2x!tpu.dma_semaphore, #tpu.memory_space<semaphore_mem>> -> memref<1x!tpu.dma_semaphore, #tpu.memory_space<semaphore_mem>>
      %dma_wait3A_647 = tpu.memref_squeeze %dma_wait3A_646 : memref<1x!tpu.dma_semaphore, #tpu.memory_space<semaphore_mem>> -> memref<!tpu.dma_semaphore, #tpu.memory_space<semaphore_mem>>
      tpu.wait_indirect_dma semaphore(%dma_wait3A_647 : memref<!tpu.dma_semaphore, #tpu.memory_space<semaphore_mem>>) src(%dma_wait3A_639 : memref<128x128xf32, #tpu.memory_space<vmem>>) dst(%dma_wait3A_645 : memref<10240x128xf32, #tpu.memory_space<vmem_shared>>)
      %dma_start3A_648 = arith.constant 10 : i32
      %dma_start3A_649 = arith.constant 0 : i32
      %dma_start3A_650 = arith.constant 0 : i32
      %dma_start3A_651 = arith.constant 0 : i32
      %dma_start3A_652 = arith.constant 0 : i32
      %dma_start3A_653 = tpu.memref_slice %arg9[%dma_start3A_649, %dma_start3A_651, %dma_start3A_652] : memref<2x128x128xf32, #tpu.memory_space<vmem>> -> memref<1x128x128xf32, #tpu.memory_space<vmem>>
      %dma_start3A_654 = tpu.memref_squeeze %dma_start3A_653 : memref<1x128x128xf32, #tpu.memory_space<vmem>> -> memref<128x128xf32, #tpu.memory_space<vmem>>
      %dma_start3A_655 = arith.constant 0 : i32
      %dma_start3A_656 = tpu.memref_slice %arg7[%rem3A_83, %dma_start3A_648, %dma_start3A_655] : memref<2x16x128xi32, #tpu.memory_space<vmem>> -> memref<1x1x128xi32, #tpu.memory_space<vmem>>
      %dma_start3A_657 = tpu.memref_squeeze %dma_start3A_656 : memref<1x1x128xi32, #tpu.memory_space<vmem>> -> memref<128xi32, #tpu.memory_space<vmem>>
      %dma_start3A_658 = arith.constant 0 : i32
      %dma_start3A_659 = arith.constant 0 : i32
      %dma_start3A_660 = tpu.memref_slice %arg2[%dma_start3A_658, %dma_start3A_659] : memref<20480x128xf32, #tpu.memory_space<hbm>> -> memref<20480x128xf32, #tpu.memory_space<hbm>>
      %dma_start3A_661 = tpu.memref_slice %arg12[%dma_start3A_650] : memref<2x!tpu.dma_semaphore, #tpu.memory_space<semaphore_mem>> -> memref<1x!tpu.dma_semaphore, #tpu.memory_space<semaphore_mem>>
      %dma_start3A_662 = tpu.memref_squeeze %dma_start3A_661 : memref<1x!tpu.dma_semaphore, #tpu.memory_space<semaphore_mem>> -> memref<!tpu.dma_semaphore, #tpu.memory_space<semaphore_mem>>
      tpu.enqueue_indirect_dma source(%dma_start3A_660 : memref<20480x128xf32, #tpu.memory_space<hbm>>) target(%dma_start3A_654 : memref<128x128xf32, #tpu.memory_space<vmem>>) offsets(%dma_start3A_657 : memref<128xi32, #tpu.memory_space<vmem>>) semaphore(%dma_start3A_662 : memref<!tpu.dma_semaphore, #tpu.memory_space<semaphore_mem>>)
      %dma_wait3A_663 = arith.constant 9 : i32
      %dma_wait3A_664 = arith.constant 1 : i32
      %dma_wait3A_665 = arith.constant 1 : i32
      %dma_wait3A_666 = arith.constant 0 : i32
      %dma_wait3A_667 = arith.constant 0 : i32
      %dma_wait3A_668 = tpu.memref_slice %arg9[%dma_wait3A_664, %dma_wait3A_666, %dma_wait3A_667] : memref<2x128x128xf32, #tpu.memory_space<vmem>> -> memref<1x128x128xf32, #tpu.memory_space<vmem>>
      %dma_wait3A_669 = tpu.memref_squeeze %dma_wait3A_668 : memref<1x128x128xf32, #tpu.memory_space<vmem>> -> memref<128x128xf32, #tpu.memory_space<vmem>>
      %dma_wait3A_670 = arith.constant 0 : i32
      %dma_wait3A_671 = tpu.memref_slice %arg7[%rem3A_83, %dma_wait3A_663, %dma_wait3A_670] : memref<2x16x128xi32, #tpu.memory_space<vmem>> -> memref<1x1x128xi32, #tpu.memory_space<vmem>>
      %dma_wait3A_672 = tpu.memref_squeeze %dma_wait3A_671 : memref<1x1x128xi32, #tpu.memory_space<vmem>> -> memref<128xi32, #tpu.memory_space<vmem>>
      %dma_wait3A_673 = arith.constant 0 : i32
      %dma_wait3A_674 = arith.constant 0 : i32
      %dma_wait3A_675 = tpu.memref_slice %arg2[%dma_wait3A_673, %dma_wait3A_674] : memref<20480x128xf32, #tpu.memory_space<hbm>> -> memref<20480x128xf32, #tpu.memory_space<hbm>>
      %dma_wait3A_676 = tpu.memref_slice %arg12[%dma_wait3A_665] : memref<2x!tpu.dma_semaphore, #tpu.memory_space<semaphore_mem>> -> memref<1x!tpu.dma_semaphore, #tpu.memory_space<semaphore_mem>>
      %dma_wait3A_677 = tpu.memref_squeeze %dma_wait3A_676 : memref<1x!tpu.dma_semaphore, #tpu.memory_space<semaphore_mem>> -> memref<!tpu.dma_semaphore, #tpu.memory_space<semaphore_mem>>
      tpu.wait_indirect_dma semaphore(%dma_wait3A_677 : memref<!tpu.dma_semaphore, #tpu.memory_space<semaphore_mem>>) src(%dma_wait3A_675 : memref<20480x128xf32, #tpu.memory_space<hbm>>) dst(%dma_wait3A_669 : memref<128x128xf32, #tpu.memory_space<vmem>>)
      %dma_start3A_678 = arith.constant 1 : i32
      %dma_start3A_679 = arith.constant 9 : i32
      %dma_start3A_680 = arith.constant 1 : i32
      %dma_start3A_681 = arith.constant 0 : i32
      %dma_start3A_682 = arith.constant 0 : i32
      %dma_start3A_683 = tpu.memref_slice %arg9[%dma_start3A_678, %dma_start3A_681, %dma_start3A_682] : memref<2x128x128xf32, #tpu.memory_space<vmem>> -> memref<1x128x128xf32, #tpu.memory_space<vmem>>
      %dma_start3A_684 = tpu.memref_squeeze %dma_start3A_683 : memref<1x128x128xf32, #tpu.memory_space<vmem>> -> memref<128x128xf32, #tpu.memory_space<vmem>>
      %dma_start3A_685 = arith.constant 0 : i32
      %dma_start3A_686 = tpu.memref_slice %arg8[%rem3A_83, %dma_start3A_679, %dma_start3A_685] : memref<2x16x128xi32, #tpu.memory_space<vmem>> -> memref<1x1x128xi32, #tpu.memory_space<vmem>>
      %dma_start3A_687 = tpu.memref_squeeze %dma_start3A_686 : memref<1x1x128xi32, #tpu.memory_space<vmem>> -> memref<128xi32, #tpu.memory_space<vmem>>
      %dma_start3A_688 = arith.constant 0 : i32
      %dma_start3A_689 = arith.constant 0 : i32
      %dma_start3A_690 = tpu.memref_slice %arg10[%dma_start3A_688, %dma_start3A_689] : memref<10240x128xf32, #tpu.memory_space<vmem_shared>> -> memref<10240x128xf32, #tpu.memory_space<vmem_shared>>
      %dma_start3A_691 = tpu.memref_slice %arg13[%dma_start3A_680] : memref<2x!tpu.dma_semaphore, #tpu.memory_space<semaphore_mem>> -> memref<1x!tpu.dma_semaphore, #tpu.memory_space<semaphore_mem>>
      %dma_start3A_692 = tpu.memref_squeeze %dma_start3A_691 : memref<1x!tpu.dma_semaphore, #tpu.memory_space<semaphore_mem>> -> memref<!tpu.dma_semaphore, #tpu.memory_space<semaphore_mem>>
      tpu.enqueue_indirect_dma source(%dma_start3A_684 : memref<128x128xf32, #tpu.memory_space<vmem>>) target(%dma_start3A_690 : memref<10240x128xf32, #tpu.memory_space<vmem_shared>>) offsets(%dma_start3A_687 : memref<128xi32, #tpu.memory_space<vmem>>) semaphore(%dma_start3A_692 : memref<!tpu.dma_semaphore, #tpu.memory_space<semaphore_mem>>) {add = true}
      %dma_wait3A_693 = arith.constant 1 : i32
      %dma_wait3A_694 = arith.constant 9 : i32
      %dma_wait3A_695 = arith.constant 1 : i32
      %dma_wait3A_696 = arith.constant 0 : i32
      %dma_wait3A_697 = arith.constant 0 : i32
      %dma_wait3A_698 = tpu.memref_slice %arg9[%dma_wait3A_693, %dma_wait3A_696, %dma_wait3A_697] : memref<2x128x128xf32, #tpu.memory_space<vmem>> -> memref<1x128x128xf32, #tpu.memory_space<vmem>>
      %dma_wait3A_699 = tpu.memref_squeeze %dma_wait3A_698 : memref<1x128x128xf32, #tpu.memory_space<vmem>> -> memref<128x128xf32, #tpu.memory_space<vmem>>
      %dma_wait3A_700 = arith.constant 0 : i32
      %dma_wait3A_701 = tpu.memref_slice %arg8[%rem3A_83, %dma_wait3A_694, %dma_wait3A_700] : memref<2x16x128xi32, #tpu.memory_space<vmem>> -> memref<1x1x128xi32, #tpu.memory_space<vmem>>
      %dma_wait3A_702 = tpu.memref_squeeze %dma_wait3A_701 : memref<1x1x128xi32, #tpu.memory_space<vmem>> -> memref<128xi32, #tpu.memory_space<vmem>>
      %dma_wait3A_703 = arith.constant 0 : i32
      %dma_wait3A_704 = arith.constant 0 : i32
      %dma_wait3A_705 = tpu.memref_slice %arg10[%dma_wait3A_703, %dma_wait3A_704] : memref<10240x128xf32, #tpu.memory_space<vmem_shared>> -> memref<10240x128xf32, #tpu.memory_space<vmem_shared>>
      %dma_wait3A_706 = tpu.memref_slice %arg13[%dma_wait3A_695] : memref<2x!tpu.dma_semaphore, #tpu.memory_space<semaphore_mem>> -> memref<1x!tpu.dma_semaphore, #tpu.memory_space<semaphore_mem>>
      %dma_wait3A_707 = tpu.memref_squeeze %dma_wait3A_706 : memref<1x!tpu.dma_semaphore, #tpu.memory_space<semaphore_mem>> -> memref<!tpu.dma_semaphore, #tpu.memory_space<semaphore_mem>>
      tpu.wait_indirect_dma semaphore(%dma_wait3A_707 : memref<!tpu.dma_semaphore, #tpu.memory_space<semaphore_mem>>) src(%dma_wait3A_699 : memref<128x128xf32, #tpu.memory_space<vmem>>) dst(%dma_wait3A_705 : memref<10240x128xf32, #tpu.memory_space<vmem_shared>>)
      %dma_start3A_708 = arith.constant 11 : i32
      %dma_start3A_709 = arith.constant 1 : i32
      %dma_start3A_710 = arith.constant 1 : i32
      %dma_start3A_711 = arith.constant 0 : i32
      %dma_start3A_712 = arith.constant 0 : i32
      %dma_start3A_713 = tpu.memref_slice %arg9[%dma_start3A_709, %dma_start3A_711, %dma_start3A_712] : memref<2x128x128xf32, #tpu.memory_space<vmem>> -> memref<1x128x128xf32, #tpu.memory_space<vmem>>
      %dma_start3A_714 = tpu.memref_squeeze %dma_start3A_713 : memref<1x128x128xf32, #tpu.memory_space<vmem>> -> memref<128x128xf32, #tpu.memory_space<vmem>>
      %dma_start3A_715 = arith.constant 0 : i32
      %dma_start3A_716 = tpu.memref_slice %arg7[%rem3A_83, %dma_start3A_708, %dma_start3A_715] : memref<2x16x128xi32, #tpu.memory_space<vmem>> -> memref<1x1x128xi32, #tpu.memory_space<vmem>>
      %dma_start3A_717 = tpu.memref_squeeze %dma_start3A_716 : memref<1x1x128xi32, #tpu.memory_space<vmem>> -> memref<128xi32, #tpu.memory_space<vmem>>
      %dma_start3A_718 = arith.constant 0 : i32
      %dma_start3A_719 = arith.constant 0 : i32
      %dma_start3A_720 = tpu.memref_slice %arg2[%dma_start3A_718, %dma_start3A_719] : memref<20480x128xf32, #tpu.memory_space<hbm>> -> memref<20480x128xf32, #tpu.memory_space<hbm>>
      %dma_start3A_721 = tpu.memref_slice %arg12[%dma_start3A_710] : memref<2x!tpu.dma_semaphore, #tpu.memory_space<semaphore_mem>> -> memref<1x!tpu.dma_semaphore, #tpu.memory_space<semaphore_mem>>
      %dma_start3A_722 = tpu.memref_squeeze %dma_start3A_721 : memref<1x!tpu.dma_semaphore, #tpu.memory_space<semaphore_mem>> -> memref<!tpu.dma_semaphore, #tpu.memory_space<semaphore_mem>>
      tpu.enqueue_indirect_dma source(%dma_start3A_720 : memref<20480x128xf32, #tpu.memory_space<hbm>>) target(%dma_start3A_714 : memref<128x128xf32, #tpu.memory_space<vmem>>) offsets(%dma_start3A_717 : memref<128xi32, #tpu.memory_space<vmem>>) semaphore(%dma_start3A_722 : memref<!tpu.dma_semaphore, #tpu.memory_space<semaphore_mem>>)
      %dma_wait3A_723 = arith.constant 10 : i32
      %dma_wait3A_724 = arith.constant 0 : i32
      %dma_wait3A_725 = arith.constant 0 : i32
      %dma_wait3A_726 = arith.constant 0 : i32
      %dma_wait3A_727 = arith.constant 0 : i32
      %dma_wait3A_728 = tpu.memref_slice %arg9[%dma_wait3A_724, %dma_wait3A_726, %dma_wait3A_727] : memref<2x128x128xf32, #tpu.memory_space<vmem>> -> memref<1x128x128xf32, #tpu.memory_space<vmem>>
      %dma_wait3A_729 = tpu.memref_squeeze %dma_wait3A_728 : memref<1x128x128xf32, #tpu.memory_space<vmem>> -> memref<128x128xf32, #tpu.memory_space<vmem>>
      %dma_wait3A_730 = arith.constant 0 : i32
      %dma_wait3A_731 = tpu.memref_slice %arg7[%rem3A_83, %dma_wait3A_723, %dma_wait3A_730] : memref<2x16x128xi32, #tpu.memory_space<vmem>> -> memref<1x1x128xi32, #tpu.memory_space<vmem>>
      %dma_wait3A_732 = tpu.memref_squeeze %dma_wait3A_731 : memref<1x1x128xi32, #tpu.memory_space<vmem>> -> memref<128xi32, #tpu.memory_space<vmem>>
      %dma_wait3A_733 = arith.constant 0 : i32
      %dma_wait3A_734 = arith.constant 0 : i32
      %dma_wait3A_735 = tpu.memref_slice %arg2[%dma_wait3A_733, %dma_wait3A_734] : memref<20480x128xf32, #tpu.memory_space<hbm>> -> memref<20480x128xf32, #tpu.memory_space<hbm>>
      %dma_wait3A_736 = tpu.memref_slice %arg12[%dma_wait3A_725] : memref<2x!tpu.dma_semaphore, #tpu.memory_space<semaphore_mem>> -> memref<1x!tpu.dma_semaphore, #tpu.memory_space<semaphore_mem>>
      %dma_wait3A_737 = tpu.memref_squeeze %dma_wait3A_736 : memref<1x!tpu.dma_semaphore, #tpu.memory_space<semaphore_mem>> -> memref<!tpu.dma_semaphore, #tpu.memory_space<semaphore_mem>>
      tpu.wait_indirect_dma semaphore(%dma_wait3A_737 : memref<!tpu.dma_semaphore, #tpu.memory_space<semaphore_mem>>) src(%dma_wait3A_735 : memref<20480x128xf32, #tpu.memory_space<hbm>>) dst(%dma_wait3A_729 : memref<128x128xf32, #tpu.memory_space<vmem>>)
      %dma_start3A_738 = arith.constant 0 : i32
      %dma_start3A_739 = arith.constant 10 : i32
      %dma_start3A_740 = arith.constant 0 : i32
      %dma_start3A_741 = arith.constant 0 : i32
      %dma_start3A_742 = arith.constant 0 : i32
      %dma_start3A_743 = tpu.memref_slice %arg9[%dma_start3A_738, %dma_start3A_741, %dma_start3A_742] : memref<2x128x128xf32, #tpu.memory_space<vmem>> -> memref<1x128x128xf32, #tpu.memory_space<vmem>>
      %dma_start3A_744 = tpu.memref_squeeze %dma_start3A_743 : memref<1x128x128xf32, #tpu.memory_space<vmem>> -> memref<128x128xf32, #tpu.memory_space<vmem>>
      %dma_start3A_745 = arith.constant 0 : i32
      %dma_start3A_746 = tpu.memref_slice %arg8[%rem3A_83, %dma_start3A_739, %dma_start3A_745] : memref<2x16x128xi32, #tpu.memory_space<vmem>> -> memref<1x1x128xi32, #tpu.memory_space<vmem>>
      %dma_start3A_747 = tpu.memref_squeeze %dma_start3A_746 : memref<1x1x128xi32, #tpu.memory_space<vmem>> -> memref<128xi32, #tpu.memory_space<vmem>>
      %dma_start3A_748 = arith.constant 0 : i32
      %dma_start3A_749 = arith.constant 0 : i32
      %dma_start3A_750 = tpu.memref_slice %arg10[%dma_start3A_748, %dma_start3A_749] : memref<10240x128xf32, #tpu.memory_space<vmem_shared>> -> memref<10240x128xf32, #tpu.memory_space<vmem_shared>>
      %dma_start3A_751 = tpu.memref_slice %arg13[%dma_start3A_740] : memref<2x!tpu.dma_semaphore, #tpu.memory_space<semaphore_mem>> -> memref<1x!tpu.dma_semaphore, #tpu.memory_space<semaphore_mem>>
      %dma_start3A_752 = tpu.memref_squeeze %dma_start3A_751 : memref<1x!tpu.dma_semaphore, #tpu.memory_space<semaphore_mem>> -> memref<!tpu.dma_semaphore, #tpu.memory_space<semaphore_mem>>
      tpu.enqueue_indirect_dma source(%dma_start3A_744 : memref<128x128xf32, #tpu.memory_space<vmem>>) target(%dma_start3A_750 : memref<10240x128xf32, #tpu.memory_space<vmem_shared>>) offsets(%dma_start3A_747 : memref<128xi32, #tpu.memory_space<vmem>>) semaphore(%dma_start3A_752 : memref<!tpu.dma_semaphore, #tpu.memory_space<semaphore_mem>>) {add = true}
      %dma_wait3A_753 = arith.constant 0 : i32
      %dma_wait3A_754 = arith.constant 10 : i32
      %dma_wait3A_755 = arith.constant 0 : i32
      %dma_wait3A_756 = arith.constant 0 : i32
      %dma_wait3A_757 = arith.constant 0 : i32
      %dma_wait3A_758 = tpu.memref_slice %arg9[%dma_wait3A_753, %dma_wait3A_756, %dma_wait3A_757] : memref<2x128x128xf32, #tpu.memory_space<vmem>> -> memref<1x128x128xf32, #tpu.memory_space<vmem>>
      %dma_wait3A_759 = tpu.memref_squeeze %dma_wait3A_758 : memref<1x128x128xf32, #tpu.memory_space<vmem>> -> memref<128x128xf32, #tpu.memory_space<vmem>>
      %dma_wait3A_760 = arith.constant 0 : i32
      %dma_wait3A_761 = tpu.memref_slice %arg8[%rem3A_83, %dma_wait3A_754, %dma_wait3A_760] : memref<2x16x128xi32, #tpu.memory_space<vmem>> -> memref<1x1x128xi32, #tpu.memory_space<vmem>>
      %dma_wait3A_762 = tpu.memref_squeeze %dma_wait3A_761 : memref<1x1x128xi32, #tpu.memory_space<vmem>> -> memref<128xi32, #tpu.memory_space<vmem>>
      %dma_wait3A_763 = arith.constant 0 : i32
      %dma_wait3A_764 = arith.constant 0 : i32
      %dma_wait3A_765 = tpu.memref_slice %arg10[%dma_wait3A_763, %dma_wait3A_764] : memref<10240x128xf32, #tpu.memory_space<vmem_shared>> -> memref<10240x128xf32, #tpu.memory_space<vmem_shared>>
      %dma_wait3A_766 = tpu.memref_slice %arg13[%dma_wait3A_755] : memref<2x!tpu.dma_semaphore, #tpu.memory_space<semaphore_mem>> -> memref<1x!tpu.dma_semaphore, #tpu.memory_space<semaphore_mem>>
      %dma_wait3A_767 = tpu.memref_squeeze %dma_wait3A_766 : memref<1x!tpu.dma_semaphore, #tpu.memory_space<semaphore_mem>> -> memref<!tpu.dma_semaphore, #tpu.memory_space<semaphore_mem>>
      tpu.wait_indirect_dma semaphore(%dma_wait3A_767 : memref<!tpu.dma_semaphore, #tpu.memory_space<semaphore_mem>>) src(%dma_wait3A_759 : memref<128x128xf32, #tpu.memory_space<vmem>>) dst(%dma_wait3A_765 : memref<10240x128xf32, #tpu.memory_space<vmem_shared>>)
      %dma_start3A_768 = arith.constant 12 : i32
      %dma_start3A_769 = arith.constant 0 : i32
      %dma_start3A_770 = arith.constant 0 : i32
      %dma_start3A_771 = arith.constant 0 : i32
      %dma_start3A_772 = arith.constant 0 : i32
      %dma_start3A_773 = tpu.memref_slice %arg9[%dma_start3A_769, %dma_start3A_771, %dma_start3A_772] : memref<2x128x128xf32, #tpu.memory_space<vmem>> -> memref<1x128x128xf32, #tpu.memory_space<vmem>>
      %dma_start3A_774 = tpu.memref_squeeze %dma_start3A_773 : memref<1x128x128xf32, #tpu.memory_space<vmem>> -> memref<128x128xf32, #tpu.memory_space<vmem>>
      %dma_start3A_775 = arith.constant 0 : i32
      %dma_start3A_776 = tpu.memref_slice %arg7[%rem3A_83, %dma_start3A_768, %dma_start3A_775] : memref<2x16x128xi32, #tpu.memory_space<vmem>> -> memref<1x1x128xi32, #tpu.memory_space<vmem>>
      %dma_start3A_777 = tpu.memref_squeeze %dma_start3A_776 : memref<1x1x128xi32, #tpu.memory_space<vmem>> -> memref<128xi32, #tpu.memory_space<vmem>>
      %dma_start3A_778 = arith.constant 0 : i32
      %dma_start3A_779 = arith.constant 0 : i32
      %dma_start3A_780 = tpu.memref_slice %arg2[%dma_start3A_778, %dma_start3A_779] : memref<20480x128xf32, #tpu.memory_space<hbm>> -> memref<20480x128xf32, #tpu.memory_space<hbm>>
      %dma_start3A_781 = tpu.memref_slice %arg12[%dma_start3A_770] : memref<2x!tpu.dma_semaphore, #tpu.memory_space<semaphore_mem>> -> memref<1x!tpu.dma_semaphore, #tpu.memory_space<semaphore_mem>>
      %dma_start3A_782 = tpu.memref_squeeze %dma_start3A_781 : memref<1x!tpu.dma_semaphore, #tpu.memory_space<semaphore_mem>> -> memref<!tpu.dma_semaphore, #tpu.memory_space<semaphore_mem>>
      tpu.enqueue_indirect_dma source(%dma_start3A_780 : memref<20480x128xf32, #tpu.memory_space<hbm>>) target(%dma_start3A_774 : memref<128x128xf32, #tpu.memory_space<vmem>>) offsets(%dma_start3A_777 : memref<128xi32, #tpu.memory_space<vmem>>) semaphore(%dma_start3A_782 : memref<!tpu.dma_semaphore, #tpu.memory_space<semaphore_mem>>)
      %dma_wait3A_783 = arith.constant 11 : i32
      %dma_wait3A_784 = arith.constant 1 : i32
      %dma_wait3A_785 = arith.constant 1 : i32
      %dma_wait3A_786 = arith.constant 0 : i32
      %dma_wait3A_787 = arith.constant 0 : i32
      %dma_wait3A_788 = tpu.memref_slice %arg9[%dma_wait3A_784, %dma_wait3A_786, %dma_wait3A_787] : memref<2x128x128xf32, #tpu.memory_space<vmem>> -> memref<1x128x128xf32, #tpu.memory_space<vmem>>
      %dma_wait3A_789 = tpu.memref_squeeze %dma_wait3A_788 : memref<1x128x128xf32, #tpu.memory_space<vmem>> -> memref<128x128xf32, #tpu.memory_space<vmem>>
      %dma_wait3A_790 = arith.constant 0 : i32
      %dma_wait3A_791 = tpu.memref_slice %arg7[%rem3A_83, %dma_wait3A_783, %dma_wait3A_790] : memref<2x16x128xi32, #tpu.memory_space<vmem>> -> memref<1x1x128xi32, #tpu.memory_space<vmem>>
      %dma_wait3A_792 = tpu.memref_squeeze %dma_wait3A_791 : memref<1x1x128xi32, #tpu.memory_space<vmem>> -> memref<128xi32, #tpu.memory_space<vmem>>
      %dma_wait3A_793 = arith.constant 0 : i32
      %dma_wait3A_794 = arith.constant 0 : i32
      %dma_wait3A_795 = tpu.memref_slice %arg2[%dma_wait3A_793, %dma_wait3A_794] : memref<20480x128xf32, #tpu.memory_space<hbm>> -> memref<20480x128xf32, #tpu.memory_space<hbm>>
      %dma_wait3A_796 = tpu.memref_slice %arg12[%dma_wait3A_785] : memref<2x!tpu.dma_semaphore, #tpu.memory_space<semaphore_mem>> -> memref<1x!tpu.dma_semaphore, #tpu.memory_space<semaphore_mem>>
      %dma_wait3A_797 = tpu.memref_squeeze %dma_wait3A_796 : memref<1x!tpu.dma_semaphore, #tpu.memory_space<semaphore_mem>> -> memref<!tpu.dma_semaphore, #tpu.memory_space<semaphore_mem>>
      tpu.wait_indirect_dma semaphore(%dma_wait3A_797 : memref<!tpu.dma_semaphore, #tpu.memory_space<semaphore_mem>>) src(%dma_wait3A_795 : memref<20480x128xf32, #tpu.memory_space<hbm>>) dst(%dma_wait3A_789 : memref<128x128xf32, #tpu.memory_space<vmem>>)
      %dma_start3A_798 = arith.constant 1 : i32
      %dma_start3A_799 = arith.constant 11 : i32
      %dma_start3A_800 = arith.constant 1 : i32
      %dma_start3A_801 = arith.constant 0 : i32
      %dma_start3A_802 = arith.constant 0 : i32
      %dma_start3A_803 = tpu.memref_slice %arg9[%dma_start3A_798, %dma_start3A_801, %dma_start3A_802] : memref<2x128x128xf32, #tpu.memory_space<vmem>> -> memref<1x128x128xf32, #tpu.memory_space<vmem>>
      %dma_start3A_804 = tpu.memref_squeeze %dma_start3A_803 : memref<1x128x128xf32, #tpu.memory_space<vmem>> -> memref<128x128xf32, #tpu.memory_space<vmem>>
      %dma_start3A_805 = arith.constant 0 : i32
      %dma_start3A_806 = tpu.memref_slice %arg8[%rem3A_83, %dma_start3A_799, %dma_start3A_805] : memref<2x16x128xi32, #tpu.memory_space<vmem>> -> memref<1x1x128xi32, #tpu.memory_space<vmem>>
      %dma_start3A_807 = tpu.memref_squeeze %dma_start3A_806 : memref<1x1x128xi32, #tpu.memory_space<vmem>> -> memref<128xi32, #tpu.memory_space<vmem>>
      %dma_start3A_808 = arith.constant 0 : i32
      %dma_start3A_809 = arith.constant 0 : i32
      %dma_start3A_810 = tpu.memref_slice %arg10[%dma_start3A_808, %dma_start3A_809] : memref<10240x128xf32, #tpu.memory_space<vmem_shared>> -> memref<10240x128xf32, #tpu.memory_space<vmem_shared>>
      %dma_start3A_811 = tpu.memref_slice %arg13[%dma_start3A_800] : memref<2x!tpu.dma_semaphore, #tpu.memory_space<semaphore_mem>> -> memref<1x!tpu.dma_semaphore, #tpu.memory_space<semaphore_mem>>
      %dma_start3A_812 = tpu.memref_squeeze %dma_start3A_811 : memref<1x!tpu.dma_semaphore, #tpu.memory_space<semaphore_mem>> -> memref<!tpu.dma_semaphore, #tpu.memory_space<semaphore_mem>>
      tpu.enqueue_indirect_dma source(%dma_start3A_804 : memref<128x128xf32, #tpu.memory_space<vmem>>) target(%dma_start3A_810 : memref<10240x128xf32, #tpu.memory_space<vmem_shared>>) offsets(%dma_start3A_807 : memref<128xi32, #tpu.memory_space<vmem>>) semaphore(%dma_start3A_812 : memref<!tpu.dma_semaphore, #tpu.memory_space<semaphore_mem>>) {add = true}
      %dma_wait3A_813 = arith.constant 1 : i32
      %dma_wait3A_814 = arith.constant 11 : i32
      %dma_wait3A_815 = arith.constant 1 : i32
      %dma_wait3A_816 = arith.constant 0 : i32
      %dma_wait3A_817 = arith.constant 0 : i32
      %dma_wait3A_818 = tpu.memref_slice %arg9[%dma_wait3A_813, %dma_wait3A_816, %dma_wait3A_817] : memref<2x128x128xf32, #tpu.memory_space<vmem>> -> memref<1x128x128xf32, #tpu.memory_space<vmem>>
      %dma_wait3A_819 = tpu.memref_squeeze %dma_wait3A_818 : memref<1x128x128xf32, #tpu.memory_space<vmem>> -> memref<128x128xf32, #tpu.memory_space<vmem>>
      %dma_wait3A_820 = arith.constant 0 : i32
      %dma_wait3A_821 = tpu.memref_slice %arg8[%rem3A_83, %dma_wait3A_814, %dma_wait3A_820] : memref<2x16x128xi32, #tpu.memory_space<vmem>> -> memref<1x1x128xi32, #tpu.memory_space<vmem>>
      %dma_wait3A_822 = tpu.memref_squeeze %dma_wait3A_821 : memref<1x1x128xi32, #tpu.memory_space<vmem>> -> memref<128xi32, #tpu.memory_space<vmem>>
      %dma_wait3A_823 = arith.constant 0 : i32
      %dma_wait3A_824 = arith.constant 0 : i32
      %dma_wait3A_825 = tpu.memref_slice %arg10[%dma_wait3A_823, %dma_wait3A_824] : memref<10240x128xf32, #tpu.memory_space<vmem_shared>> -> memref<10240x128xf32, #tpu.memory_space<vmem_shared>>
      %dma_wait3A_826 = tpu.memref_slice %arg13[%dma_wait3A_815] : memref<2x!tpu.dma_semaphore, #tpu.memory_space<semaphore_mem>> -> memref<1x!tpu.dma_semaphore, #tpu.memory_space<semaphore_mem>>
      %dma_wait3A_827 = tpu.memref_squeeze %dma_wait3A_826 : memref<1x!tpu.dma_semaphore, #tpu.memory_space<semaphore_mem>> -> memref<!tpu.dma_semaphore, #tpu.memory_space<semaphore_mem>>
      tpu.wait_indirect_dma semaphore(%dma_wait3A_827 : memref<!tpu.dma_semaphore, #tpu.memory_space<semaphore_mem>>) src(%dma_wait3A_819 : memref<128x128xf32, #tpu.memory_space<vmem>>) dst(%dma_wait3A_825 : memref<10240x128xf32, #tpu.memory_space<vmem_shared>>)
      %dma_start3A_828 = arith.constant 13 : i32
      %dma_start3A_829 = arith.constant 1 : i32
      %dma_start3A_830 = arith.constant 1 : i32
      %dma_start3A_831 = arith.constant 0 : i32
      %dma_start3A_832 = arith.constant 0 : i32
      %dma_start3A_833 = tpu.memref_slice %arg9[%dma_start3A_829, %dma_start3A_831, %dma_start3A_832] : memref<2x128x128xf32, #tpu.memory_space<vmem>> -> memref<1x128x128xf32, #tpu.memory_space<vmem>>
      %dma_start3A_834 = tpu.memref_squeeze %dma_start3A_833 : memref<1x128x128xf32, #tpu.memory_space<vmem>> -> memref<128x128xf32, #tpu.memory_space<vmem>>
      %dma_start3A_835 = arith.constant 0 : i32
      %dma_start3A_836 = tpu.memref_slice %arg7[%rem3A_83, %dma_start3A_828, %dma_start3A_835] : memref<2x16x128xi32, #tpu.memory_space<vmem>> -> memref<1x1x128xi32, #tpu.memory_space<vmem>>
      %dma_start3A_837 = tpu.memref_squeeze %dma_start3A_836 : memref<1x1x128xi32, #tpu.memory_space<vmem>> -> memref<128xi32, #tpu.memory_space<vmem>>
      %dma_start3A_838 = arith.constant 0 : i32
      %dma_start3A_839 = arith.constant 0 : i32
      %dma_start3A_840 = tpu.memref_slice %arg2[%dma_start3A_838, %dma_start3A_839] : memref<20480x128xf32, #tpu.memory_space<hbm>> -> memref<20480x128xf32, #tpu.memory_space<hbm>>
      %dma_start3A_841 = tpu.memref_slice %arg12[%dma_start3A_830] : memref<2x!tpu.dma_semaphore, #tpu.memory_space<semaphore_mem>> -> memref<1x!tpu.dma_semaphore, #tpu.memory_space<semaphore_mem>>
      %dma_start3A_842 = tpu.memref_squeeze %dma_start3A_841 : memref<1x!tpu.dma_semaphore, #tpu.memory_space<semaphore_mem>> -> memref<!tpu.dma_semaphore, #tpu.memory_space<semaphore_mem>>
      tpu.enqueue_indirect_dma source(%dma_start3A_840 : memref<20480x128xf32, #tpu.memory_space<hbm>>) target(%dma_start3A_834 : memref<128x128xf32, #tpu.memory_space<vmem>>) offsets(%dma_start3A_837 : memref<128xi32, #tpu.memory_space<vmem>>) semaphore(%dma_start3A_842 : memref<!tpu.dma_semaphore, #tpu.memory_space<semaphore_mem>>)
      %dma_wait3A_843 = arith.constant 12 : i32
      %dma_wait3A_844 = arith.constant 0 : i32
      %dma_wait3A_845 = arith.constant 0 : i32
      %dma_wait3A_846 = arith.constant 0 : i32
      %dma_wait3A_847 = arith.constant 0 : i32
      %dma_wait3A_848 = tpu.memref_slice %arg9[%dma_wait3A_844, %dma_wait3A_846, %dma_wait3A_847] : memref<2x128x128xf32, #tpu.memory_space<vmem>> -> memref<1x128x128xf32, #tpu.memory_space<vmem>>
      %dma_wait3A_849 = tpu.memref_squeeze %dma_wait3A_848 : memref<1x128x128xf32, #tpu.memory_space<vmem>> -> memref<128x128xf32, #tpu.memory_space<vmem>>
      %dma_wait3A_850 = arith.constant 0 : i32
      %dma_wait3A_851 = tpu.memref_slice %arg7[%rem3A_83, %dma_wait3A_843, %dma_wait3A_850] : memref<2x16x128xi32, #tpu.memory_space<vmem>> -> memref<1x1x128xi32, #tpu.memory_space<vmem>>
      %dma_wait3A_852 = tpu.memref_squeeze %dma_wait3A_851 : memref<1x1x128xi32, #tpu.memory_space<vmem>> -> memref<128xi32, #tpu.memory_space<vmem>>
      %dma_wait3A_853 = arith.constant 0 : i32
      %dma_wait3A_854 = arith.constant 0 : i32
      %dma_wait3A_855 = tpu.memref_slice %arg2[%dma_wait3A_853, %dma_wait3A_854] : memref<20480x128xf32, #tpu.memory_space<hbm>> -> memref<20480x128xf32, #tpu.memory_space<hbm>>
      %dma_wait3A_856 = tpu.memref_slice %arg12[%dma_wait3A_845] : memref<2x!tpu.dma_semaphore, #tpu.memory_space<semaphore_mem>> -> memref<1x!tpu.dma_semaphore, #tpu.memory_space<semaphore_mem>>
      %dma_wait3A_857 = tpu.memref_squeeze %dma_wait3A_856 : memref<1x!tpu.dma_semaphore, #tpu.memory_space<semaphore_mem>> -> memref<!tpu.dma_semaphore, #tpu.memory_space<semaphore_mem>>
      tpu.wait_indirect_dma semaphore(%dma_wait3A_857 : memref<!tpu.dma_semaphore, #tpu.memory_space<semaphore_mem>>) src(%dma_wait3A_855 : memref<20480x128xf32, #tpu.memory_space<hbm>>) dst(%dma_wait3A_849 : memref<128x128xf32, #tpu.memory_space<vmem>>)
      %dma_start3A_858 = arith.constant 0 : i32
      %dma_start3A_859 = arith.constant 12 : i32
      %dma_start3A_860 = arith.constant 0 : i32
      %dma_start3A_861 = arith.constant 0 : i32
      %dma_start3A_862 = arith.constant 0 : i32
      %dma_start3A_863 = tpu.memref_slice %arg9[%dma_start3A_858, %dma_start3A_861, %dma_start3A_862] : memref<2x128x128xf32, #tpu.memory_space<vmem>> -> memref<1x128x128xf32, #tpu.memory_space<vmem>>
      %dma_start3A_864 = tpu.memref_squeeze %dma_start3A_863 : memref<1x128x128xf32, #tpu.memory_space<vmem>> -> memref<128x128xf32, #tpu.memory_space<vmem>>
      %dma_start3A_865 = arith.constant 0 : i32
      %dma_start3A_866 = tpu.memref_slice %arg8[%rem3A_83, %dma_start3A_859, %dma_start3A_865] : memref<2x16x128xi32, #tpu.memory_space<vmem>> -> memref<1x1x128xi32, #tpu.memory_space<vmem>>
      %dma_start3A_867 = tpu.memref_squeeze %dma_start3A_866 : memref<1x1x128xi32, #tpu.memory_space<vmem>> -> memref<128xi32, #tpu.memory_space<vmem>>
      %dma_start3A_868 = arith.constant 0 : i32
      %dma_start3A_869 = arith.constant 0 : i32
      %dma_start3A_870 = tpu.memref_slice %arg10[%dma_start3A_868, %dma_start3A_869] : memref<10240x128xf32, #tpu.memory_space<vmem_shared>> -> memref<10240x128xf32, #tpu.memory_space<vmem_shared>>
      %dma_start3A_871 = tpu.memref_slice %arg13[%dma_start3A_860] : memref<2x!tpu.dma_semaphore, #tpu.memory_space<semaphore_mem>> -> memref<1x!tpu.dma_semaphore, #tpu.memory_space<semaphore_mem>>
      %dma_start3A_872 = tpu.memref_squeeze %dma_start3A_871 : memref<1x!tpu.dma_semaphore, #tpu.memory_space<semaphore_mem>> -> memref<!tpu.dma_semaphore, #tpu.memory_space<semaphore_mem>>
      tpu.enqueue_indirect_dma source(%dma_start3A_864 : memref<128x128xf32, #tpu.memory_space<vmem>>) target(%dma_start3A_870 : memref<10240x128xf32, #tpu.memory_space<vmem_shared>>) offsets(%dma_start3A_867 : memref<128xi32, #tpu.memory_space<vmem>>) semaphore(%dma_start3A_872 : memref<!tpu.dma_semaphore, #tpu.memory_space<semaphore_mem>>) {add = true}
      %dma_wait3A_873 = arith.constant 0 : i32
      %dma_wait3A_874 = arith.constant 12 : i32
      %dma_wait3A_875 = arith.constant 0 : i32
      %dma_wait3A_876 = arith.constant 0 : i32
      %dma_wait3A_877 = arith.constant 0 : i32
      %dma_wait3A_878 = tpu.memref_slice %arg9[%dma_wait3A_873, %dma_wait3A_876, %dma_wait3A_877] : memref<2x128x128xf32, #tpu.memory_space<vmem>> -> memref<1x128x128xf32, #tpu.memory_space<vmem>>
      %dma_wait3A_879 = tpu.memref_squeeze %dma_wait3A_878 : memref<1x128x128xf32, #tpu.memory_space<vmem>> -> memref<128x128xf32, #tpu.memory_space<vmem>>
      %dma_wait3A_880 = arith.constant 0 : i32
      %dma_wait3A_881 = tpu.memref_slice %arg8[%rem3A_83, %dma_wait3A_874, %dma_wait3A_880] : memref<2x16x128xi32, #tpu.memory_space<vmem>> -> memref<1x1x128xi32, #tpu.memory_space<vmem>>
      %dma_wait3A_882 = tpu.memref_squeeze %dma_wait3A_881 : memref<1x1x128xi32, #tpu.memory_space<vmem>> -> memref<128xi32, #tpu.memory_space<vmem>>
      %dma_wait3A_883 = arith.constant 0 : i32
      %dma_wait3A_884 = arith.constant 0 : i32
      %dma_wait3A_885 = tpu.memref_slice %arg10[%dma_wait3A_883, %dma_wait3A_884] : memref<10240x128xf32, #tpu.memory_space<vmem_shared>> -> memref<10240x128xf32, #tpu.memory_space<vmem_shared>>
      %dma_wait3A_886 = tpu.memref_slice %arg13[%dma_wait3A_875] : memref<2x!tpu.dma_semaphore, #tpu.memory_space<semaphore_mem>> -> memref<1x!tpu.dma_semaphore, #tpu.memory_space<semaphore_mem>>
      %dma_wait3A_887 = tpu.memref_squeeze %dma_wait3A_886 : memref<1x!tpu.dma_semaphore, #tpu.memory_space<semaphore_mem>> -> memref<!tpu.dma_semaphore, #tpu.memory_space<semaphore_mem>>
      tpu.wait_indirect_dma semaphore(%dma_wait3A_887 : memref<!tpu.dma_semaphore, #tpu.memory_space<semaphore_mem>>) src(%dma_wait3A_879 : memref<128x128xf32, #tpu.memory_space<vmem>>) dst(%dma_wait3A_885 : memref<10240x128xf32, #tpu.memory_space<vmem_shared>>)
      %dma_start3A_888 = arith.constant 14 : i32
      %dma_start3A_889 = arith.constant 0 : i32
      %dma_start3A_890 = arith.constant 0 : i32
      %dma_start3A_891 = arith.constant 0 : i32
      %dma_start3A_892 = arith.constant 0 : i32
      %dma_start3A_893 = tpu.memref_slice %arg9[%dma_start3A_889, %dma_start3A_891, %dma_start3A_892] : memref<2x128x128xf32, #tpu.memory_space<vmem>> -> memref<1x128x128xf32, #tpu.memory_space<vmem>>
      %dma_start3A_894 = tpu.memref_squeeze %dma_start3A_893 : memref<1x128x128xf32, #tpu.memory_space<vmem>> -> memref<128x128xf32, #tpu.memory_space<vmem>>
      %dma_start3A_895 = arith.constant 0 : i32
      %dma_start3A_896 = tpu.memref_slice %arg7[%rem3A_83, %dma_start3A_888, %dma_start3A_895] : memref<2x16x128xi32, #tpu.memory_space<vmem>> -> memref<1x1x128xi32, #tpu.memory_space<vmem>>
      %dma_start3A_897 = tpu.memref_squeeze %dma_start3A_896 : memref<1x1x128xi32, #tpu.memory_space<vmem>> -> memref<128xi32, #tpu.memory_space<vmem>>
      %dma_start3A_898 = arith.constant 0 : i32
      %dma_start3A_899 = arith.constant 0 : i32
      %dma_start3A_900 = tpu.memref_slice %arg2[%dma_start3A_898, %dma_start3A_899] : memref<20480x128xf32, #tpu.memory_space<hbm>> -> memref<20480x128xf32, #tpu.memory_space<hbm>>
      %dma_start3A_901 = tpu.memref_slice %arg12[%dma_start3A_890] : memref<2x!tpu.dma_semaphore, #tpu.memory_space<semaphore_mem>> -> memref<1x!tpu.dma_semaphore, #tpu.memory_space<semaphore_mem>>
      %dma_start3A_902 = tpu.memref_squeeze %dma_start3A_901 : memref<1x!tpu.dma_semaphore, #tpu.memory_space<semaphore_mem>> -> memref<!tpu.dma_semaphore, #tpu.memory_space<semaphore_mem>>
      tpu.enqueue_indirect_dma source(%dma_start3A_900 : memref<20480x128xf32, #tpu.memory_space<hbm>>) target(%dma_start3A_894 : memref<128x128xf32, #tpu.memory_space<vmem>>) offsets(%dma_start3A_897 : memref<128xi32, #tpu.memory_space<vmem>>) semaphore(%dma_start3A_902 : memref<!tpu.dma_semaphore, #tpu.memory_space<semaphore_mem>>)
      %dma_wait3A_903 = arith.constant 13 : i32
      %dma_wait3A_904 = arith.constant 1 : i32
      %dma_wait3A_905 = arith.constant 1 : i32
      %dma_wait3A_906 = arith.constant 0 : i32
      %dma_wait3A_907 = arith.constant 0 : i32
      %dma_wait3A_908 = tpu.memref_slice %arg9[%dma_wait3A_904, %dma_wait3A_906, %dma_wait3A_907] : memref<2x128x128xf32, #tpu.memory_space<vmem>> -> memref<1x128x128xf32, #tpu.memory_space<vmem>>
      %dma_wait3A_909 = tpu.memref_squeeze %dma_wait3A_908 : memref<1x128x128xf32, #tpu.memory_space<vmem>> -> memref<128x128xf32, #tpu.memory_space<vmem>>
      %dma_wait3A_910 = arith.constant 0 : i32
      %dma_wait3A_911 = tpu.memref_slice %arg7[%rem3A_83, %dma_wait3A_903, %dma_wait3A_910] : memref<2x16x128xi32, #tpu.memory_space<vmem>> -> memref<1x1x128xi32, #tpu.memory_space<vmem>>
      %dma_wait3A_912 = tpu.memref_squeeze %dma_wait3A_911 : memref<1x1x128xi32, #tpu.memory_space<vmem>> -> memref<128xi32, #tpu.memory_space<vmem>>
      %dma_wait3A_913 = arith.constant 0 : i32
      %dma_wait3A_914 = arith.constant 0 : i32
      %dma_wait3A_915 = tpu.memref_slice %arg2[%dma_wait3A_913, %dma_wait3A_914] : memref<20480x128xf32, #tpu.memory_space<hbm>> -> memref<20480x128xf32, #tpu.memory_space<hbm>>
      %dma_wait3A_916 = tpu.memref_slice %arg12[%dma_wait3A_905] : memref<2x!tpu.dma_semaphore, #tpu.memory_space<semaphore_mem>> -> memref<1x!tpu.dma_semaphore, #tpu.memory_space<semaphore_mem>>
      %dma_wait3A_917 = tpu.memref_squeeze %dma_wait3A_916 : memref<1x!tpu.dma_semaphore, #tpu.memory_space<semaphore_mem>> -> memref<!tpu.dma_semaphore, #tpu.memory_space<semaphore_mem>>
      tpu.wait_indirect_dma semaphore(%dma_wait3A_917 : memref<!tpu.dma_semaphore, #tpu.memory_space<semaphore_mem>>) src(%dma_wait3A_915 : memref<20480x128xf32, #tpu.memory_space<hbm>>) dst(%dma_wait3A_909 : memref<128x128xf32, #tpu.memory_space<vmem>>)
      %dma_start3A_918 = arith.constant 1 : i32
      %dma_start3A_919 = arith.constant 13 : i32
      %dma_start3A_920 = arith.constant 1 : i32
      %dma_start3A_921 = arith.constant 0 : i32
      %dma_start3A_922 = arith.constant 0 : i32
      %dma_start3A_923 = tpu.memref_slice %arg9[%dma_start3A_918, %dma_start3A_921, %dma_start3A_922] : memref<2x128x128xf32, #tpu.memory_space<vmem>> -> memref<1x128x128xf32, #tpu.memory_space<vmem>>
      %dma_start3A_924 = tpu.memref_squeeze %dma_start3A_923 : memref<1x128x128xf32, #tpu.memory_space<vmem>> -> memref<128x128xf32, #tpu.memory_space<vmem>>
      %dma_start3A_925 = arith.constant 0 : i32
      %dma_start3A_926 = tpu.memref_slice %arg8[%rem3A_83, %dma_start3A_919, %dma_start3A_925] : memref<2x16x128xi32, #tpu.memory_space<vmem>> -> memref<1x1x128xi32, #tpu.memory_space<vmem>>
      %dma_start3A_927 = tpu.memref_squeeze %dma_start3A_926 : memref<1x1x128xi32, #tpu.memory_space<vmem>> -> memref<128xi32, #tpu.memory_space<vmem>>
      %dma_start3A_928 = arith.constant 0 : i32
      %dma_start3A_929 = arith.constant 0 : i32
      %dma_start3A_930 = tpu.memref_slice %arg10[%dma_start3A_928, %dma_start3A_929] : memref<10240x128xf32, #tpu.memory_space<vmem_shared>> -> memref<10240x128xf32, #tpu.memory_space<vmem_shared>>
      %dma_start3A_931 = tpu.memref_slice %arg13[%dma_start3A_920] : memref<2x!tpu.dma_semaphore, #tpu.memory_space<semaphore_mem>> -> memref<1x!tpu.dma_semaphore, #tpu.memory_space<semaphore_mem>>
      %dma_start3A_932 = tpu.memref_squeeze %dma_start3A_931 : memref<1x!tpu.dma_semaphore, #tpu.memory_space<semaphore_mem>> -> memref<!tpu.dma_semaphore, #tpu.memory_space<semaphore_mem>>
      tpu.enqueue_indirect_dma source(%dma_start3A_924 : memref<128x128xf32, #tpu.memory_space<vmem>>) target(%dma_start3A_930 : memref<10240x128xf32, #tpu.memory_space<vmem_shared>>) offsets(%dma_start3A_927 : memref<128xi32, #tpu.memory_space<vmem>>) semaphore(%dma_start3A_932 : memref<!tpu.dma_semaphore, #tpu.memory_space<semaphore_mem>>) {add = true}
      %dma_wait3A_933 = arith.constant 1 : i32
      %dma_wait3A_934 = arith.constant 13 : i32
      %dma_wait3A_935 = arith.constant 1 : i32
      %dma_wait3A_936 = arith.constant 0 : i32
      %dma_wait3A_937 = arith.constant 0 : i32
      %dma_wait3A_938 = tpu.memref_slice %arg9[%dma_wait3A_933, %dma_wait3A_936, %dma_wait3A_937] : memref<2x128x128xf32, #tpu.memory_space<vmem>> -> memref<1x128x128xf32, #tpu.memory_space<vmem>>
      %dma_wait3A_939 = tpu.memref_squeeze %dma_wait3A_938 : memref<1x128x128xf32, #tpu.memory_space<vmem>> -> memref<128x128xf32, #tpu.memory_space<vmem>>
      %dma_wait3A_940 = arith.constant 0 : i32
      %dma_wait3A_941 = tpu.memref_slice %arg8[%rem3A_83, %dma_wait3A_934, %dma_wait3A_940] : memref<2x16x128xi32, #tpu.memory_space<vmem>> -> memref<1x1x128xi32, #tpu.memory_space<vmem>>
      %dma_wait3A_942 = tpu.memref_squeeze %dma_wait3A_941 : memref<1x1x128xi32, #tpu.memory_space<vmem>> -> memref<128xi32, #tpu.memory_space<vmem>>
      %dma_wait3A_943 = arith.constant 0 : i32
      %dma_wait3A_944 = arith.constant 0 : i32
      %dma_wait3A_945 = tpu.memref_slice %arg10[%dma_wait3A_943, %dma_wait3A_944] : memref<10240x128xf32, #tpu.memory_space<vmem_shared>> -> memref<10240x128xf32, #tpu.memory_space<vmem_shared>>
      %dma_wait3A_946 = tpu.memref_slice %arg13[%dma_wait3A_935] : memref<2x!tpu.dma_semaphore, #tpu.memory_space<semaphore_mem>> -> memref<1x!tpu.dma_semaphore, #tpu.memory_space<semaphore_mem>>
      %dma_wait3A_947 = tpu.memref_squeeze %dma_wait3A_946 : memref<1x!tpu.dma_semaphore, #tpu.memory_space<semaphore_mem>> -> memref<!tpu.dma_semaphore, #tpu.memory_space<semaphore_mem>>
      tpu.wait_indirect_dma semaphore(%dma_wait3A_947 : memref<!tpu.dma_semaphore, #tpu.memory_space<semaphore_mem>>) src(%dma_wait3A_939 : memref<128x128xf32, #tpu.memory_space<vmem>>) dst(%dma_wait3A_945 : memref<10240x128xf32, #tpu.memory_space<vmem_shared>>)
      %dma_start3A_948 = arith.constant 15 : i32
      %dma_start3A_949 = arith.constant 1 : i32
      %dma_start3A_950 = arith.constant 1 : i32
      %dma_start3A_951 = arith.constant 0 : i32
      %dma_start3A_952 = arith.constant 0 : i32
      %dma_start3A_953 = tpu.memref_slice %arg9[%dma_start3A_949, %dma_start3A_951, %dma_start3A_952] : memref<2x128x128xf32, #tpu.memory_space<vmem>> -> memref<1x128x128xf32, #tpu.memory_space<vmem>>
      %dma_start3A_954 = tpu.memref_squeeze %dma_start3A_953 : memref<1x128x128xf32, #tpu.memory_space<vmem>> -> memref<128x128xf32, #tpu.memory_space<vmem>>
      %dma_start3A_955 = arith.constant 0 : i32
      %dma_start3A_956 = tpu.memref_slice %arg7[%rem3A_83, %dma_start3A_948, %dma_start3A_955] : memref<2x16x128xi32, #tpu.memory_space<vmem>> -> memref<1x1x128xi32, #tpu.memory_space<vmem>>
      %dma_start3A_957 = tpu.memref_squeeze %dma_start3A_956 : memref<1x1x128xi32, #tpu.memory_space<vmem>> -> memref<128xi32, #tpu.memory_space<vmem>>
      %dma_start3A_958 = arith.constant 0 : i32
      %dma_start3A_959 = arith.constant 0 : i32
      %dma_start3A_960 = tpu.memref_slice %arg2[%dma_start3A_958, %dma_start3A_959] : memref<20480x128xf32, #tpu.memory_space<hbm>> -> memref<20480x128xf32, #tpu.memory_space<hbm>>
      %dma_start3A_961 = tpu.memref_slice %arg12[%dma_start3A_950] : memref<2x!tpu.dma_semaphore, #tpu.memory_space<semaphore_mem>> -> memref<1x!tpu.dma_semaphore, #tpu.memory_space<semaphore_mem>>
      %dma_start3A_962 = tpu.memref_squeeze %dma_start3A_961 : memref<1x!tpu.dma_semaphore, #tpu.memory_space<semaphore_mem>> -> memref<!tpu.dma_semaphore, #tpu.memory_space<semaphore_mem>>
      tpu.enqueue_indirect_dma source(%dma_start3A_960 : memref<20480x128xf32, #tpu.memory_space<hbm>>) target(%dma_start3A_954 : memref<128x128xf32, #tpu.memory_space<vmem>>) offsets(%dma_start3A_957 : memref<128xi32, #tpu.memory_space<vmem>>) semaphore(%dma_start3A_962 : memref<!tpu.dma_semaphore, #tpu.memory_space<semaphore_mem>>)
      %dma_wait3A_963 = arith.constant 14 : i32
      %dma_wait3A_964 = arith.constant 0 : i32
      %dma_wait3A_965 = arith.constant 0 : i32
      %dma_wait3A_966 = arith.constant 0 : i32
      %dma_wait3A_967 = arith.constant 0 : i32
      %dma_wait3A_968 = tpu.memref_slice %arg9[%dma_wait3A_964, %dma_wait3A_966, %dma_wait3A_967] : memref<2x128x128xf32, #tpu.memory_space<vmem>> -> memref<1x128x128xf32, #tpu.memory_space<vmem>>
      %dma_wait3A_969 = tpu.memref_squeeze %dma_wait3A_968 : memref<1x128x128xf32, #tpu.memory_space<vmem>> -> memref<128x128xf32, #tpu.memory_space<vmem>>
      %dma_wait3A_970 = arith.constant 0 : i32
      %dma_wait3A_971 = tpu.memref_slice %arg7[%rem3A_83, %dma_wait3A_963, %dma_wait3A_970] : memref<2x16x128xi32, #tpu.memory_space<vmem>> -> memref<1x1x128xi32, #tpu.memory_space<vmem>>
      %dma_wait3A_972 = tpu.memref_squeeze %dma_wait3A_971 : memref<1x1x128xi32, #tpu.memory_space<vmem>> -> memref<128xi32, #tpu.memory_space<vmem>>
      %dma_wait3A_973 = arith.constant 0 : i32
      %dma_wait3A_974 = arith.constant 0 : i32
      %dma_wait3A_975 = tpu.memref_slice %arg2[%dma_wait3A_973, %dma_wait3A_974] : memref<20480x128xf32, #tpu.memory_space<hbm>> -> memref<20480x128xf32, #tpu.memory_space<hbm>>
      %dma_wait3A_976 = tpu.memref_slice %arg12[%dma_wait3A_965] : memref<2x!tpu.dma_semaphore, #tpu.memory_space<semaphore_mem>> -> memref<1x!tpu.dma_semaphore, #tpu.memory_space<semaphore_mem>>
      %dma_wait3A_977 = tpu.memref_squeeze %dma_wait3A_976 : memref<1x!tpu.dma_semaphore, #tpu.memory_space<semaphore_mem>> -> memref<!tpu.dma_semaphore, #tpu.memory_space<semaphore_mem>>
      tpu.wait_indirect_dma semaphore(%dma_wait3A_977 : memref<!tpu.dma_semaphore, #tpu.memory_space<semaphore_mem>>) src(%dma_wait3A_975 : memref<20480x128xf32, #tpu.memory_space<hbm>>) dst(%dma_wait3A_969 : memref<128x128xf32, #tpu.memory_space<vmem>>)
      %dma_start3A_978 = arith.constant 0 : i32
      %dma_start3A_979 = arith.constant 14 : i32
      %dma_start3A_980 = arith.constant 0 : i32
      %dma_start3A_981 = arith.constant 0 : i32
      %dma_start3A_982 = arith.constant 0 : i32
      %dma_start3A_983 = tpu.memref_slice %arg9[%dma_start3A_978, %dma_start3A_981, %dma_start3A_982] : memref<2x128x128xf32, #tpu.memory_space<vmem>> -> memref<1x128x128xf32, #tpu.memory_space<vmem>>
      %dma_start3A_984 = tpu.memref_squeeze %dma_start3A_983 : memref<1x128x128xf32, #tpu.memory_space<vmem>> -> memref<128x128xf32, #tpu.memory_space<vmem>>
      %dma_start3A_985 = arith.constant 0 : i32
      %dma_start3A_986 = tpu.memref_slice %arg8[%rem3A_83, %dma_start3A_979, %dma_start3A_985] : memref<2x16x128xi32, #tpu.memory_space<vmem>> -> memref<1x1x128xi32, #tpu.memory_space<vmem>>
      %dma_start3A_987 = tpu.memref_squeeze %dma_start3A_986 : memref<1x1x128xi32, #tpu.memory_space<vmem>> -> memref<128xi32, #tpu.memory_space<vmem>>
      %dma_start3A_988 = arith.constant 0 : i32
      %dma_start3A_989 = arith.constant 0 : i32
      %dma_start3A_990 = tpu.memref_slice %arg10[%dma_start3A_988, %dma_start3A_989] : memref<10240x128xf32, #tpu.memory_space<vmem_shared>> -> memref<10240x128xf32, #tpu.memory_space<vmem_shared>>
      %dma_start3A_991 = tpu.memref_slice %arg13[%dma_start3A_980] : memref<2x!tpu.dma_semaphore, #tpu.memory_space<semaphore_mem>> -> memref<1x!tpu.dma_semaphore, #tpu.memory_space<semaphore_mem>>
      %dma_start3A_992 = tpu.memref_squeeze %dma_start3A_991 : memref<1x!tpu.dma_semaphore, #tpu.memory_space<semaphore_mem>> -> memref<!tpu.dma_semaphore, #tpu.memory_space<semaphore_mem>>
      tpu.enqueue_indirect_dma source(%dma_start3A_984 : memref<128x128xf32, #tpu.memory_space<vmem>>) target(%dma_start3A_990 : memref<10240x128xf32, #tpu.memory_space<vmem_shared>>) offsets(%dma_start3A_987 : memref<128xi32, #tpu.memory_space<vmem>>) semaphore(%dma_start3A_992 : memref<!tpu.dma_semaphore, #tpu.memory_space<semaphore_mem>>) {add = true}
      %dma_wait3A_993 = arith.constant 15 : i32
      %dma_wait3A_994 = arith.constant 1 : i32
      %dma_wait3A_995 = arith.constant 1 : i32
      %dma_wait3A_996 = arith.constant 0 : i32
      %dma_wait3A_997 = arith.constant 0 : i32
      %dma_wait3A_998 = tpu.memref_slice %arg9[%dma_wait3A_994, %dma_wait3A_996, %dma_wait3A_997] : memref<2x128x128xf32, #tpu.memory_space<vmem>> -> memref<1x128x128xf32, #tpu.memory_space<vmem>>
      %dma_wait3A_999 = tpu.memref_squeeze %dma_wait3A_998 : memref<1x128x128xf32, #tpu.memory_space<vmem>> -> memref<128x128xf32, #tpu.memory_space<vmem>>
      %dma_wait3A_1000 = arith.constant 0 : i32
      %dma_wait3A_1001 = tpu.memref_slice %arg7[%rem3A_83, %dma_wait3A_993, %dma_wait3A_1000] : memref<2x16x128xi32, #tpu.memory_space<vmem>> -> memref<1x1x128xi32, #tpu.memory_space<vmem>>
      %dma_wait3A_1002 = tpu.memref_squeeze %dma_wait3A_1001 : memref<1x1x128xi32, #tpu.memory_space<vmem>> -> memref<128xi32, #tpu.memory_space<vmem>>
      %dma_wait3A_1003 = arith.constant 0 : i32
      %dma_wait3A_1004 = arith.constant 0 : i32
      %dma_wait3A_1005 = tpu.memref_slice %arg2[%dma_wait3A_1003, %dma_wait3A_1004] : memref<20480x128xf32, #tpu.memory_space<hbm>> -> memref<20480x128xf32, #tpu.memory_space<hbm>>
      %dma_wait3A_1006 = tpu.memref_slice %arg12[%dma_wait3A_995] : memref<2x!tpu.dma_semaphore, #tpu.memory_space<semaphore_mem>> -> memref<1x!tpu.dma_semaphore, #tpu.memory_space<semaphore_mem>>
      %dma_wait3A_1007 = tpu.memref_squeeze %dma_wait3A_1006 : memref<1x!tpu.dma_semaphore, #tpu.memory_space<semaphore_mem>> -> memref<!tpu.dma_semaphore, #tpu.memory_space<semaphore_mem>>
      tpu.wait_indirect_dma semaphore(%dma_wait3A_1007 : memref<!tpu.dma_semaphore, #tpu.memory_space<semaphore_mem>>) src(%dma_wait3A_1005 : memref<20480x128xf32, #tpu.memory_space<hbm>>) dst(%dma_wait3A_999 : memref<128x128xf32, #tpu.memory_space<vmem>>)
      %dma_start3A_1008 = arith.constant 1 : i32
      %dma_start3A_1009 = arith.constant 15 : i32
      %dma_start3A_1010 = arith.constant 1 : i32
      %dma_start3A_1011 = arith.constant 0 : i32
      %dma_start3A_1012 = arith.constant 0 : i32
      %dma_start3A_1013 = tpu.memref_slice %arg9[%dma_start3A_1008, %dma_start3A_1011, %dma_start3A_1012] : memref<2x128x128xf32, #tpu.memory_space<vmem>> -> memref<1x128x128xf32, #tpu.memory_space<vmem>>
      %dma_start3A_1014 = tpu.memref_squeeze %dma_start3A_1013 : memref<1x128x128xf32, #tpu.memory_space<vmem>> -> memref<128x128xf32, #tpu.memory_space<vmem>>
      %dma_start3A_1015 = arith.constant 0 : i32
      %dma_start3A_1016 = tpu.memref_slice %arg8[%rem3A_83, %dma_start3A_1009, %dma_start3A_1015] : memref<2x16x128xi32, #tpu.memory_space<vmem>> -> memref<1x1x128xi32, #tpu.memory_space<vmem>>
      %dma_start3A_1017 = tpu.memref_squeeze %dma_start3A_1016 : memref<1x1x128xi32, #tpu.memory_space<vmem>> -> memref<128xi32, #tpu.memory_space<vmem>>
      %dma_start3A_1018 = arith.constant 0 : i32
      %dma_start3A_1019 = arith.constant 0 : i32
      %dma_start3A_1020 = tpu.memref_slice %arg10[%dma_start3A_1018, %dma_start3A_1019] : memref<10240x128xf32, #tpu.memory_space<vmem_shared>> -> memref<10240x128xf32, #tpu.memory_space<vmem_shared>>
      %dma_start3A_1021 = tpu.memref_slice %arg13[%dma_start3A_1010] : memref<2x!tpu.dma_semaphore, #tpu.memory_space<semaphore_mem>> -> memref<1x!tpu.dma_semaphore, #tpu.memory_space<semaphore_mem>>
      %dma_start3A_1022 = tpu.memref_squeeze %dma_start3A_1021 : memref<1x!tpu.dma_semaphore, #tpu.memory_space<semaphore_mem>> -> memref<!tpu.dma_semaphore, #tpu.memory_space<semaphore_mem>>
      tpu.enqueue_indirect_dma source(%dma_start3A_1014 : memref<128x128xf32, #tpu.memory_space<vmem>>) target(%dma_start3A_1020 : memref<10240x128xf32, #tpu.memory_space<vmem_shared>>) offsets(%dma_start3A_1017 : memref<128xi32, #tpu.memory_space<vmem>>) semaphore(%dma_start3A_1022 : memref<!tpu.dma_semaphore, #tpu.memory_space<semaphore_mem>>) {add = true}
      %dma_wait3A_1023 = arith.constant 0 : i32
      %dma_wait3A_1024 = arith.constant 14 : i32
      %dma_wait3A_1025 = arith.constant 0 : i32
      %dma_wait3A_1026 = arith.constant 0 : i32
      %dma_wait3A_1027 = arith.constant 0 : i32
      %dma_wait3A_1028 = tpu.memref_slice %arg9[%dma_wait3A_1023, %dma_wait3A_1026, %dma_wait3A_1027] : memref<2x128x128xf32, #tpu.memory_space<vmem>> -> memref<1x128x128xf32, #tpu.memory_space<vmem>>
      %dma_wait3A_1029 = tpu.memref_squeeze %dma_wait3A_1028 : memref<1x128x128xf32, #tpu.memory_space<vmem>> -> memref<128x128xf32, #tpu.memory_space<vmem>>
      %dma_wait3A_1030 = arith.constant 0 : i32
      %dma_wait3A_1031 = tpu.memref_slice %arg8[%rem3A_83, %dma_wait3A_1024, %dma_wait3A_1030] : memref<2x16x128xi32, #tpu.memory_space<vmem>> -> memref<1x1x128xi32, #tpu.memory_space<vmem>>
      %dma_wait3A_1032 = tpu.memref_squeeze %dma_wait3A_1031 : memref<1x1x128xi32, #tpu.memory_space<vmem>> -> memref<128xi32, #tpu.memory_space<vmem>>
      %dma_wait3A_1033 = arith.constant 0 : i32
      %dma_wait3A_1034 = arith.constant 0 : i32
      %dma_wait3A_1035 = tpu.memref_slice %arg10[%dma_wait3A_1033, %dma_wait3A_1034] : memref<10240x128xf32, #tpu.memory_space<vmem_shared>> -> memref<10240x128xf32, #tpu.memory_space<vmem_shared>>
      %dma_wait3A_1036 = tpu.memref_slice %arg13[%dma_wait3A_1025] : memref<2x!tpu.dma_semaphore, #tpu.memory_space<semaphore_mem>> -> memref<1x!tpu.dma_semaphore, #tpu.memory_space<semaphore_mem>>
      %dma_wait3A_1037 = tpu.memref_squeeze %dma_wait3A_1036 : memref<1x!tpu.dma_semaphore, #tpu.memory_space<semaphore_mem>> -> memref<!tpu.dma_semaphore, #tpu.memory_space<semaphore_mem>>
      tpu.wait_indirect_dma semaphore(%dma_wait3A_1037 : memref<!tpu.dma_semaphore, #tpu.memory_space<semaphore_mem>>) src(%dma_wait3A_1029 : memref<128x128xf32, #tpu.memory_space<vmem>>) dst(%dma_wait3A_1035 : memref<10240x128xf32, #tpu.memory_space<vmem_shared>>)
      %dma_wait3A_1038 = arith.constant 1 : i32
      %dma_wait3A_1039 = arith.constant 15 : i32
      %dma_wait3A_1040 = arith.constant 1 : i32
      %dma_wait3A_1041 = arith.constant 0 : i32
      %dma_wait3A_1042 = arith.constant 0 : i32
      %dma_wait3A_1043 = tpu.memref_slice %arg9[%dma_wait3A_1038, %dma_wait3A_1041, %dma_wait3A_1042] : memref<2x128x128xf32, #tpu.memory_space<vmem>> -> memref<1x128x128xf32, #tpu.memory_space<vmem>>
      %dma_wait3A_1044 = tpu.memref_squeeze %dma_wait3A_1043 : memref<1x128x128xf32, #tpu.memory_space<vmem>> -> memref<128x128xf32, #tpu.memory_space<vmem>>
      %dma_wait3A_1045 = arith.constant 0 : i32
      %dma_wait3A_1046 = tpu.memref_slice %arg8[%rem3A_83, %dma_wait3A_1039, %dma_wait3A_1045] : memref<2x16x128xi32, #tpu.memory_space<vmem>> -> memref<1x1x128xi32, #tpu.memory_space<vmem>>
      %dma_wait3A_1047 = tpu.memref_squeeze %dma_wait3A_1046 : memref<1x1x128xi32, #tpu.memory_space<vmem>> -> memref<128xi32, #tpu.memory_space<vmem>>
      %dma_wait3A_1048 = arith.constant 0 : i32
      %dma_wait3A_1049 = arith.constant 0 : i32
      %dma_wait3A_1050 = tpu.memref_slice %arg10[%dma_wait3A_1048, %dma_wait3A_1049] : memref<10240x128xf32, #tpu.memory_space<vmem_shared>> -> memref<10240x128xf32, #tpu.memory_space<vmem_shared>>
      %dma_wait3A_1051 = tpu.memref_slice %arg13[%dma_wait3A_1040] : memref<2x!tpu.dma_semaphore, #tpu.memory_space<semaphore_mem>> -> memref<1x!tpu.dma_semaphore, #tpu.memory_space<semaphore_mem>>
      %dma_wait3A_1052 = tpu.memref_squeeze %dma_wait3A_1051 : memref<1x!tpu.dma_semaphore, #tpu.memory_space<semaphore_mem>> -> memref<!tpu.dma_semaphore, #tpu.memory_space<semaphore_mem>>
      tpu.wait_indirect_dma semaphore(%dma_wait3A_1052 : memref<!tpu.dma_semaphore, #tpu.memory_space<semaphore_mem>>) src(%dma_wait3A_1044 : memref<128x128xf32, #tpu.memory_space<vmem>>) dst(%dma_wait3A_1050 : memref<10240x128xf32, #tpu.memory_space<vmem_shared>>)
    }
    %scan3A_80 = arith.constant 20 : i32
    %barrier3A_81 = arith.constant 0 : index
    tpu.barrier barrier_id(%barrier3A_81)
    "tpu.region"() ({
      %run_scoped3A = tpu.sem_alloc : memref<!tpu.dma_semaphore, #tpu.memory_space<semaphore_mem>>
      %dma_start3A_82 = arith.constant 0 : i32
      %dma_start3A_83 = tpu.memref_slice %arg6[%arg0, %mul3A_0, %dma_start3A_82] : memref<2x10240x128xf32, #tpu.memory_space<hbm>> -> memref<1x640x128xf32, #tpu.memory_space<hbm>>
      %dma_start3A_84 = tpu.memref_squeeze %dma_start3A_83 : memref<1x640x128xf32, #tpu.memory_space<hbm>> -> memref<640x128xf32, #tpu.memory_space<hbm>>
      %dma_start3A_85 = arith.constant 0 : i32
      %dma_start3A_86 = tpu.memref_slice %arg10[%mul3A_0, %dma_start3A_85] : memref<10240x128xf32, #tpu.memory_space<vmem_shared>> -> memref<640x128xf32, #tpu.memory_space<vmem_shared>>
      tpu.enqueue_dma source(%dma_start3A_86 : memref<640x128xf32, #tpu.memory_space<vmem_shared>>) target(%dma_start3A_84 : memref<640x128xf32, #tpu.memory_space<hbm>>) target_semaphore(%run_scoped3A : memref<!tpu.dma_semaphore, #tpu.memory_space<semaphore_mem>>)
      %dma_wait3A_87 = arith.constant 0 : i32
      %dma_wait3A_88 = tpu.memref_slice %arg6[%arg0, %mul3A_0, %dma_wait3A_87] : memref<2x10240x128xf32, #tpu.memory_space<hbm>> -> memref<1x640x128xf32, #tpu.memory_space<hbm>>
      %dma_wait3A_89 = tpu.memref_squeeze %dma_wait3A_88 : memref<1x640x128xf32, #tpu.memory_space<hbm>> -> memref<640x128xf32, #tpu.memory_space<hbm>>
      %dma_wait3A_90 = arith.constant 0 : i32
      %dma_wait3A_91 = tpu.memref_slice %arg10[%mul3A_0, %dma_wait3A_90] : memref<10240x128xf32, #tpu.memory_space<vmem_shared>> -> memref<640x128xf32, #tpu.memory_space<vmem_shared>>
      tpu.wait_dma2 semaphore(%run_scoped3A : memref<!tpu.dma_semaphore, #tpu.memory_space<semaphore_mem>>) src(%dma_wait3A_91 : memref<640x128xf32, #tpu.memory_space<vmem_shared>>) dst(%dma_wait3A_89 : memref<640x128xf32, #tpu.memory_space<hbm>>)
      tpu.yield
    }) : () -> ()
    return
  }
}

#map = affine_map<(d0, d1) -> (0, 0)>
#map1 = affine_map<(d0, d1) -> (0, 0, 0)>
module attributes {stable_mosaic.version = 14 : i64} {
  func.func @sc_deg(%arg0: i32, %arg1: i32, %arg2: memref<5120x128xi32, #tpu.memory_space<hbm>>, %arg3: memref<128x16xf32, #tpu.memory_space<hbm>>, %arg4: memref<10240x16xf32, #tpu.memory_space<hbm>>, %arg5: memref<2x10240x16xf32, #tpu.memory_space<hbm>>, %arg6: memref<160x128xi32, #tpu.memory_space<vmem>>, %arg7: memref<128x16xf32, #tpu.memory_space<vmem>>, %arg8: memref<10240x16xf32, #tpu.memory_space<vmem_shared>>, %arg9: memref<!tpu.dma_semaphore, #tpu.memory_space<semaphore_mem>>) attributes {dimension_semantics = [#tpu.dimension_semantics<core_parallel>, #tpu.dimension_semantics<subcore_parallel>], iteration_bounds = array<i64: 2, 16>, scalar_prefetch = 0 : i64, scratch_operands = 4 : i64, tpu.core_type = #tpu.core_type<sc_vector_subcore>, window_params = [{transform_indices = #map}, {transform_indices = #map}, {transform_indices = #map}, {transform_indices = #map1}]} {
    %mul3A = arith.constant 640 : i32
    %mul3A_0 = arith.muli %arg1, %mul3A : i32
    "tpu.region"() ({
      %run_scoped3A = tpu.sem_alloc : memref<!tpu.dma_semaphore, #tpu.memory_space<semaphore_mem>>
      %dma_start3A = arith.constant 0 : i32
      %dma_start3A_11 = tpu.memref_slice %arg8[%mul3A_0, %dma_start3A] : memref<10240x16xf32, #tpu.memory_space<vmem_shared>> -> memref<640x16xf32, #tpu.memory_space<vmem_shared>>
      %dma_start3A_12 = arith.constant 0 : i32
      %dma_start3A_13 = tpu.memref_slice %arg4[%mul3A_0, %dma_start3A_12] : memref<10240x16xf32, #tpu.memory_space<hbm>> -> memref<640x16xf32, #tpu.memory_space<hbm>>
      tpu.enqueue_dma source(%dma_start3A_13 : memref<640x16xf32, #tpu.memory_space<hbm>>) target(%dma_start3A_11 : memref<640x16xf32, #tpu.memory_space<vmem_shared>>) target_semaphore(%run_scoped3A : memref<!tpu.dma_semaphore, #tpu.memory_space<semaphore_mem>>)
      %dma_wait3A = arith.constant 0 : i32
      %dma_wait3A_14 = tpu.memref_slice %arg8[%mul3A_0, %dma_wait3A] : memref<10240x16xf32, #tpu.memory_space<vmem_shared>> -> memref<640x16xf32, #tpu.memory_space<vmem_shared>>
      %dma_wait3A_15 = arith.constant 0 : i32
      %dma_wait3A_16 = tpu.memref_slice %arg4[%mul3A_0, %dma_wait3A_15] : memref<10240x16xf32, #tpu.memory_space<hbm>> -> memref<640x16xf32, #tpu.memory_space<hbm>>
      tpu.wait_dma2 semaphore(%run_scoped3A : memref<!tpu.dma_semaphore, #tpu.memory_space<semaphore_mem>>) src(%dma_wait3A_16 : memref<640x16xf32, #tpu.memory_space<hbm>>) dst(%dma_wait3A_14 : memref<640x16xf32, #tpu.memory_space<vmem_shared>>)
      tpu.yield
    }) : () -> ()
    "tpu.region"() ({
      %run_scoped3A = tpu.sem_alloc : memref<!tpu.dma_semaphore, #tpu.memory_space<semaphore_mem>>
      tpu.enqueue_dma source(%arg3 : memref<128x16xf32, #tpu.memory_space<hbm>>) target(%arg7 : memref<128x16xf32, #tpu.memory_space<vmem>>) target_semaphore(%run_scoped3A : memref<!tpu.dma_semaphore, #tpu.memory_space<semaphore_mem>>)
      tpu.wait_dma2 semaphore(%run_scoped3A : memref<!tpu.dma_semaphore, #tpu.memory_space<semaphore_mem>>) src(%arg3 : memref<128x16xf32, #tpu.memory_space<hbm>>) dst(%arg7 : memref<128x16xf32, #tpu.memory_space<vmem>>)
      tpu.yield
    }) : () -> ()
    %mul3A_1 = arith.constant 16 : i32
    %mul3A_2 = arith.muli %arg0, %mul3A_1 : i32
    %add3A = arith.addi %mul3A_2, %arg1 : i32
    %mul3A_3 = arith.constant 160 : i32
    %mul3A_4 = arith.muli %add3A, %mul3A_3 : i32
    "tpu.region"() ({
      %run_scoped3A = tpu.sem_alloc : memref<!tpu.dma_semaphore, #tpu.memory_space<semaphore_mem>>
      %dma_start3A = arith.constant 0 : i32
      %dma_start3A_11 = tpu.memref_slice %arg2[%mul3A_4, %dma_start3A] : memref<5120x128xi32, #tpu.memory_space<hbm>> -> memref<160x128xi32, #tpu.memory_space<hbm>>
      %dma_start3A_12 = arith.constant 0 : i32
      %dma_start3A_13 = tpu.memref_slice %arg2[%mul3A_4, %dma_start3A_12] : memref<5120x128xi32, #tpu.memory_space<hbm>> -> memref<160x128xi32, #tpu.memory_space<hbm>>
      tpu.enqueue_dma source(%dma_start3A_13 : memref<160x128xi32, #tpu.memory_space<hbm>>) target(%arg6 : memref<160x128xi32, #tpu.memory_space<vmem>>) target_semaphore(%run_scoped3A : memref<!tpu.dma_semaphore, #tpu.memory_space<semaphore_mem>>)
      %dma_wait3A = arith.constant 0 : i32
      %dma_wait3A_14 = tpu.memref_slice %arg2[%mul3A_4, %dma_wait3A] : memref<5120x128xi32, #tpu.memory_space<hbm>> -> memref<160x128xi32, #tpu.memory_space<hbm>>
      %dma_wait3A_15 = arith.constant 0 : i32
      %dma_wait3A_16 = tpu.memref_slice %arg2[%mul3A_4, %dma_wait3A_15] : memref<5120x128xi32, #tpu.memory_space<hbm>> -> memref<160x128xi32, #tpu.memory_space<hbm>>
      tpu.wait_dma2 semaphore(%run_scoped3A : memref<!tpu.dma_semaphore, #tpu.memory_space<semaphore_mem>>) src(%dma_wait3A_16 : memref<160x128xi32, #tpu.memory_space<hbm>>) dst(%arg6 : memref<160x128xi32, #tpu.memory_space<vmem>>)
      tpu.yield
    }) : () -> ()
    %barrier3A = arith.constant 0 : index
    tpu.barrier barrier_id(%barrier3A)
    %scan3A = arith.constant 0 : i32
    %scan3A_5 = arith.constant 0 : i32
    %scan3A_6 = arith.constant 10 : i32
    %scan3A_7 = arith.addi %scan3A_5, %scan3A_6 : i32
    %scan3A_8 = arith.constant 1 : i32
    scf.for %scan3A_11 = %scan3A_5 to %scan3A_7 step %scan3A_8  : i32 {
      %mul3A_12 = arith.constant 16 : i32
      %mul3A_13 = arith.muli %scan3A_11, %mul3A_12 : i32
      %add3A_14 = arith.constant 0 : i32
      %add3A_15 = arith.addi %mul3A_13, %add3A_14 : i32
      %dma_start3A = arith.constant 0 : i32
      %dma_start3A_16 = tpu.memref_slice %arg6[%add3A_15, %dma_start3A] : memref<160x128xi32, #tpu.memory_space<vmem>> -> memref<1x128xi32, #tpu.memory_space<vmem>>
      %dma_start3A_17 = tpu.memref_squeeze %dma_start3A_16 : memref<1x128xi32, #tpu.memory_space<vmem>> -> memref<128xi32, #tpu.memory_space<vmem>>
      %dma_start3A_18 = arith.constant 0 : i32
      %dma_start3A_19 = arith.constant 0 : i32
      %dma_start3A_20 = tpu.memref_slice %arg8[%dma_start3A_18, %dma_start3A_19] : memref<10240x16xf32, #tpu.memory_space<vmem_shared>> -> memref<10240x16xf32, #tpu.memory_space<vmem_shared>>
      tpu.enqueue_indirect_dma source(%arg7 : memref<128x16xf32, #tpu.memory_space<vmem>>) target(%dma_start3A_20 : memref<10240x16xf32, #tpu.memory_space<vmem_shared>>) offsets(%dma_start3A_17 : memref<128xi32, #tpu.memory_space<vmem>>) semaphore(%arg9 : memref<!tpu.dma_semaphore, #tpu.memory_space<semaphore_mem>>) {add = true}
      %mul3A_21 = arith.constant 16 : i32
      %mul3A_22 = arith.muli %scan3A_11, %mul3A_21 : i32
      %add3A_23 = arith.constant 1 : i32
      %add3A_24 = arith.addi %mul3A_22, %add3A_23 : i32
      %dma_start3A_25 = arith.constant 0 : i32
      %dma_start3A_26 = tpu.memref_slice %arg6[%add3A_24, %dma_start3A_25] : memref<160x128xi32, #tpu.memory_space<vmem>> -> memref<1x128xi32, #tpu.memory_space<vmem>>
      %dma_start3A_27 = tpu.memref_squeeze %dma_start3A_26 : memref<1x128xi32, #tpu.memory_space<vmem>> -> memref<128xi32, #tpu.memory_space<vmem>>
      %dma_start3A_28 = arith.constant 0 : i32
      %dma_start3A_29 = arith.constant 0 : i32
      %dma_start3A_30 = tpu.memref_slice %arg8[%dma_start3A_28, %dma_start3A_29] : memref<10240x16xf32, #tpu.memory_space<vmem_shared>> -> memref<10240x16xf32, #tpu.memory_space<vmem_shared>>
      tpu.enqueue_indirect_dma source(%arg7 : memref<128x16xf32, #tpu.memory_space<vmem>>) target(%dma_start3A_30 : memref<10240x16xf32, #tpu.memory_space<vmem_shared>>) offsets(%dma_start3A_27 : memref<128xi32, #tpu.memory_space<vmem>>) semaphore(%arg9 : memref<!tpu.dma_semaphore, #tpu.memory_space<semaphore_mem>>) {add = true}
      %mul3A_31 = arith.constant 16 : i32
      %mul3A_32 = arith.muli %scan3A_11, %mul3A_31 : i32
      %add3A_33 = arith.constant 2 : i32
      %add3A_34 = arith.addi %mul3A_32, %add3A_33 : i32
      %dma_start3A_35 = arith.constant 0 : i32
      %dma_start3A_36 = tpu.memref_slice %arg6[%add3A_34, %dma_start3A_35] : memref<160x128xi32, #tpu.memory_space<vmem>> -> memref<1x128xi32, #tpu.memory_space<vmem>>
      %dma_start3A_37 = tpu.memref_squeeze %dma_start3A_36 : memref<1x128xi32, #tpu.memory_space<vmem>> -> memref<128xi32, #tpu.memory_space<vmem>>
      %dma_start3A_38 = arith.constant 0 : i32
      %dma_start3A_39 = arith.constant 0 : i32
      %dma_start3A_40 = tpu.memref_slice %arg8[%dma_start3A_38, %dma_start3A_39] : memref<10240x16xf32, #tpu.memory_space<vmem_shared>> -> memref<10240x16xf32, #tpu.memory_space<vmem_shared>>
      tpu.enqueue_indirect_dma source(%arg7 : memref<128x16xf32, #tpu.memory_space<vmem>>) target(%dma_start3A_40 : memref<10240x16xf32, #tpu.memory_space<vmem_shared>>) offsets(%dma_start3A_37 : memref<128xi32, #tpu.memory_space<vmem>>) semaphore(%arg9 : memref<!tpu.dma_semaphore, #tpu.memory_space<semaphore_mem>>) {add = true}
      %mul3A_41 = arith.constant 16 : i32
      %mul3A_42 = arith.muli %scan3A_11, %mul3A_41 : i32
      %add3A_43 = arith.constant 3 : i32
      %add3A_44 = arith.addi %mul3A_42, %add3A_43 : i32
      %dma_start3A_45 = arith.constant 0 : i32
      %dma_start3A_46 = tpu.memref_slice %arg6[%add3A_44, %dma_start3A_45] : memref<160x128xi32, #tpu.memory_space<vmem>> -> memref<1x128xi32, #tpu.memory_space<vmem>>
      %dma_start3A_47 = tpu.memref_squeeze %dma_start3A_46 : memref<1x128xi32, #tpu.memory_space<vmem>> -> memref<128xi32, #tpu.memory_space<vmem>>
      %dma_start3A_48 = arith.constant 0 : i32
      %dma_start3A_49 = arith.constant 0 : i32
      %dma_start3A_50 = tpu.memref_slice %arg8[%dma_start3A_48, %dma_start3A_49] : memref<10240x16xf32, #tpu.memory_space<vmem_shared>> -> memref<10240x16xf32, #tpu.memory_space<vmem_shared>>
      tpu.enqueue_indirect_dma source(%arg7 : memref<128x16xf32, #tpu.memory_space<vmem>>) target(%dma_start3A_50 : memref<10240x16xf32, #tpu.memory_space<vmem_shared>>) offsets(%dma_start3A_47 : memref<128xi32, #tpu.memory_space<vmem>>) semaphore(%arg9 : memref<!tpu.dma_semaphore, #tpu.memory_space<semaphore_mem>>) {add = true}
      %mul3A_51 = arith.constant 16 : i32
      %mul3A_52 = arith.muli %scan3A_11, %mul3A_51 : i32
      %add3A_53 = arith.constant 4 : i32
      %add3A_54 = arith.addi %mul3A_52, %add3A_53 : i32
      %dma_start3A_55 = arith.constant 0 : i32
      %dma_start3A_56 = tpu.memref_slice %arg6[%add3A_54, %dma_start3A_55] : memref<160x128xi32, #tpu.memory_space<vmem>> -> memref<1x128xi32, #tpu.memory_space<vmem>>
      %dma_start3A_57 = tpu.memref_squeeze %dma_start3A_56 : memref<1x128xi32, #tpu.memory_space<vmem>> -> memref<128xi32, #tpu.memory_space<vmem>>
      %dma_start3A_58 = arith.constant 0 : i32
      %dma_start3A_59 = arith.constant 0 : i32
      %dma_start3A_60 = tpu.memref_slice %arg8[%dma_start3A_58, %dma_start3A_59] : memref<10240x16xf32, #tpu.memory_space<vmem_shared>> -> memref<10240x16xf32, #tpu.memory_space<vmem_shared>>
      tpu.enqueue_indirect_dma source(%arg7 : memref<128x16xf32, #tpu.memory_space<vmem>>) target(%dma_start3A_60 : memref<10240x16xf32, #tpu.memory_space<vmem_shared>>) offsets(%dma_start3A_57 : memref<128xi32, #tpu.memory_space<vmem>>) semaphore(%arg9 : memref<!tpu.dma_semaphore, #tpu.memory_space<semaphore_mem>>) {add = true}
      %mul3A_61 = arith.constant 16 : i32
      %mul3A_62 = arith.muli %scan3A_11, %mul3A_61 : i32
      %add3A_63 = arith.constant 5 : i32
      %add3A_64 = arith.addi %mul3A_62, %add3A_63 : i32
      %dma_start3A_65 = arith.constant 0 : i32
      %dma_start3A_66 = tpu.memref_slice %arg6[%add3A_64, %dma_start3A_65] : memref<160x128xi32, #tpu.memory_space<vmem>> -> memref<1x128xi32, #tpu.memory_space<vmem>>
      %dma_start3A_67 = tpu.memref_squeeze %dma_start3A_66 : memref<1x128xi32, #tpu.memory_space<vmem>> -> memref<128xi32, #tpu.memory_space<vmem>>
      %dma_start3A_68 = arith.constant 0 : i32
      %dma_start3A_69 = arith.constant 0 : i32
      %dma_start3A_70 = tpu.memref_slice %arg8[%dma_start3A_68, %dma_start3A_69] : memref<10240x16xf32, #tpu.memory_space<vmem_shared>> -> memref<10240x16xf32, #tpu.memory_space<vmem_shared>>
      tpu.enqueue_indirect_dma source(%arg7 : memref<128x16xf32, #tpu.memory_space<vmem>>) target(%dma_start3A_70 : memref<10240x16xf32, #tpu.memory_space<vmem_shared>>) offsets(%dma_start3A_67 : memref<128xi32, #tpu.memory_space<vmem>>) semaphore(%arg9 : memref<!tpu.dma_semaphore, #tpu.memory_space<semaphore_mem>>) {add = true}
      %mul3A_71 = arith.constant 16 : i32
      %mul3A_72 = arith.muli %scan3A_11, %mul3A_71 : i32
      %add3A_73 = arith.constant 6 : i32
      %add3A_74 = arith.addi %mul3A_72, %add3A_73 : i32
      %dma_start3A_75 = arith.constant 0 : i32
      %dma_start3A_76 = tpu.memref_slice %arg6[%add3A_74, %dma_start3A_75] : memref<160x128xi32, #tpu.memory_space<vmem>> -> memref<1x128xi32, #tpu.memory_space<vmem>>
      %dma_start3A_77 = tpu.memref_squeeze %dma_start3A_76 : memref<1x128xi32, #tpu.memory_space<vmem>> -> memref<128xi32, #tpu.memory_space<vmem>>
      %dma_start3A_78 = arith.constant 0 : i32
      %dma_start3A_79 = arith.constant 0 : i32
      %dma_start3A_80 = tpu.memref_slice %arg8[%dma_start3A_78, %dma_start3A_79] : memref<10240x16xf32, #tpu.memory_space<vmem_shared>> -> memref<10240x16xf32, #tpu.memory_space<vmem_shared>>
      tpu.enqueue_indirect_dma source(%arg7 : memref<128x16xf32, #tpu.memory_space<vmem>>) target(%dma_start3A_80 : memref<10240x16xf32, #tpu.memory_space<vmem_shared>>) offsets(%dma_start3A_77 : memref<128xi32, #tpu.memory_space<vmem>>) semaphore(%arg9 : memref<!tpu.dma_semaphore, #tpu.memory_space<semaphore_mem>>) {add = true}
      %mul3A_81 = arith.constant 16 : i32
      %mul3A_82 = arith.muli %scan3A_11, %mul3A_81 : i32
      %add3A_83 = arith.constant 7 : i32
      %add3A_84 = arith.addi %mul3A_82, %add3A_83 : i32
      %dma_start3A_85 = arith.constant 0 : i32
      %dma_start3A_86 = tpu.memref_slice %arg6[%add3A_84, %dma_start3A_85] : memref<160x128xi32, #tpu.memory_space<vmem>> -> memref<1x128xi32, #tpu.memory_space<vmem>>
      %dma_start3A_87 = tpu.memref_squeeze %dma_start3A_86 : memref<1x128xi32, #tpu.memory_space<vmem>> -> memref<128xi32, #tpu.memory_space<vmem>>
      %dma_start3A_88 = arith.constant 0 : i32
      %dma_start3A_89 = arith.constant 0 : i32
      %dma_start3A_90 = tpu.memref_slice %arg8[%dma_start3A_88, %dma_start3A_89] : memref<10240x16xf32, #tpu.memory_space<vmem_shared>> -> memref<10240x16xf32, #tpu.memory_space<vmem_shared>>
      tpu.enqueue_indirect_dma source(%arg7 : memref<128x16xf32, #tpu.memory_space<vmem>>) target(%dma_start3A_90 : memref<10240x16xf32, #tpu.memory_space<vmem_shared>>) offsets(%dma_start3A_87 : memref<128xi32, #tpu.memory_space<vmem>>) semaphore(%arg9 : memref<!tpu.dma_semaphore, #tpu.memory_space<semaphore_mem>>) {add = true}
      %mul3A_91 = arith.constant 16 : i32
      %mul3A_92 = arith.muli %scan3A_11, %mul3A_91 : i32
      %add3A_93 = arith.constant 8 : i32
      %add3A_94 = arith.addi %mul3A_92, %add3A_93 : i32
      %dma_start3A_95 = arith.constant 0 : i32
      %dma_start3A_96 = tpu.memref_slice %arg6[%add3A_94, %dma_start3A_95] : memref<160x128xi32, #tpu.memory_space<vmem>> -> memref<1x128xi32, #tpu.memory_space<vmem>>
      %dma_start3A_97 = tpu.memref_squeeze %dma_start3A_96 : memref<1x128xi32, #tpu.memory_space<vmem>> -> memref<128xi32, #tpu.memory_space<vmem>>
      %dma_start3A_98 = arith.constant 0 : i32
      %dma_start3A_99 = arith.constant 0 : i32
      %dma_start3A_100 = tpu.memref_slice %arg8[%dma_start3A_98, %dma_start3A_99] : memref<10240x16xf32, #tpu.memory_space<vmem_shared>> -> memref<10240x16xf32, #tpu.memory_space<vmem_shared>>
      tpu.enqueue_indirect_dma source(%arg7 : memref<128x16xf32, #tpu.memory_space<vmem>>) target(%dma_start3A_100 : memref<10240x16xf32, #tpu.memory_space<vmem_shared>>) offsets(%dma_start3A_97 : memref<128xi32, #tpu.memory_space<vmem>>) semaphore(%arg9 : memref<!tpu.dma_semaphore, #tpu.memory_space<semaphore_mem>>) {add = true}
      %mul3A_101 = arith.constant 16 : i32
      %mul3A_102 = arith.muli %scan3A_11, %mul3A_101 : i32
      %add3A_103 = arith.constant 9 : i32
      %add3A_104 = arith.addi %mul3A_102, %add3A_103 : i32
      %dma_start3A_105 = arith.constant 0 : i32
      %dma_start3A_106 = tpu.memref_slice %arg6[%add3A_104, %dma_start3A_105] : memref<160x128xi32, #tpu.memory_space<vmem>> -> memref<1x128xi32, #tpu.memory_space<vmem>>
      %dma_start3A_107 = tpu.memref_squeeze %dma_start3A_106 : memref<1x128xi32, #tpu.memory_space<vmem>> -> memref<128xi32, #tpu.memory_space<vmem>>
      %dma_start3A_108 = arith.constant 0 : i32
      %dma_start3A_109 = arith.constant 0 : i32
      %dma_start3A_110 = tpu.memref_slice %arg8[%dma_start3A_108, %dma_start3A_109] : memref<10240x16xf32, #tpu.memory_space<vmem_shared>> -> memref<10240x16xf32, #tpu.memory_space<vmem_shared>>
      tpu.enqueue_indirect_dma source(%arg7 : memref<128x16xf32, #tpu.memory_space<vmem>>) target(%dma_start3A_110 : memref<10240x16xf32, #tpu.memory_space<vmem_shared>>) offsets(%dma_start3A_107 : memref<128xi32, #tpu.memory_space<vmem>>) semaphore(%arg9 : memref<!tpu.dma_semaphore, #tpu.memory_space<semaphore_mem>>) {add = true}
      %mul3A_111 = arith.constant 16 : i32
      %mul3A_112 = arith.muli %scan3A_11, %mul3A_111 : i32
      %add3A_113 = arith.constant 10 : i32
      %add3A_114 = arith.addi %mul3A_112, %add3A_113 : i32
      %dma_start3A_115 = arith.constant 0 : i32
      %dma_start3A_116 = tpu.memref_slice %arg6[%add3A_114, %dma_start3A_115] : memref<160x128xi32, #tpu.memory_space<vmem>> -> memref<1x128xi32, #tpu.memory_space<vmem>>
      %dma_start3A_117 = tpu.memref_squeeze %dma_start3A_116 : memref<1x128xi32, #tpu.memory_space<vmem>> -> memref<128xi32, #tpu.memory_space<vmem>>
      %dma_start3A_118 = arith.constant 0 : i32
      %dma_start3A_119 = arith.constant 0 : i32
      %dma_start3A_120 = tpu.memref_slice %arg8[%dma_start3A_118, %dma_start3A_119] : memref<10240x16xf32, #tpu.memory_space<vmem_shared>> -> memref<10240x16xf32, #tpu.memory_space<vmem_shared>>
      tpu.enqueue_indirect_dma source(%arg7 : memref<128x16xf32, #tpu.memory_space<vmem>>) target(%dma_start3A_120 : memref<10240x16xf32, #tpu.memory_space<vmem_shared>>) offsets(%dma_start3A_117 : memref<128xi32, #tpu.memory_space<vmem>>) semaphore(%arg9 : memref<!tpu.dma_semaphore, #tpu.memory_space<semaphore_mem>>) {add = true}
      %mul3A_121 = arith.constant 16 : i32
      %mul3A_122 = arith.muli %scan3A_11, %mul3A_121 : i32
      %add3A_123 = arith.constant 11 : i32
      %add3A_124 = arith.addi %mul3A_122, %add3A_123 : i32
      %dma_start3A_125 = arith.constant 0 : i32
      %dma_start3A_126 = tpu.memref_slice %arg6[%add3A_124, %dma_start3A_125] : memref<160x128xi32, #tpu.memory_space<vmem>> -> memref<1x128xi32, #tpu.memory_space<vmem>>
      %dma_start3A_127 = tpu.memref_squeeze %dma_start3A_126 : memref<1x128xi32, #tpu.memory_space<vmem>> -> memref<128xi32, #tpu.memory_space<vmem>>
      %dma_start3A_128 = arith.constant 0 : i32
      %dma_start3A_129 = arith.constant 0 : i32
      %dma_start3A_130 = tpu.memref_slice %arg8[%dma_start3A_128, %dma_start3A_129] : memref<10240x16xf32, #tpu.memory_space<vmem_shared>> -> memref<10240x16xf32, #tpu.memory_space<vmem_shared>>
      tpu.enqueue_indirect_dma source(%arg7 : memref<128x16xf32, #tpu.memory_space<vmem>>) target(%dma_start3A_130 : memref<10240x16xf32, #tpu.memory_space<vmem_shared>>) offsets(%dma_start3A_127 : memref<128xi32, #tpu.memory_space<vmem>>) semaphore(%arg9 : memref<!tpu.dma_semaphore, #tpu.memory_space<semaphore_mem>>) {add = true}
      %mul3A_131 = arith.constant 16 : i32
      %mul3A_132 = arith.muli %scan3A_11, %mul3A_131 : i32
      %add3A_133 = arith.constant 12 : i32
      %add3A_134 = arith.addi %mul3A_132, %add3A_133 : i32
      %dma_start3A_135 = arith.constant 0 : i32
      %dma_start3A_136 = tpu.memref_slice %arg6[%add3A_134, %dma_start3A_135] : memref<160x128xi32, #tpu.memory_space<vmem>> -> memref<1x128xi32, #tpu.memory_space<vmem>>
      %dma_start3A_137 = tpu.memref_squeeze %dma_start3A_136 : memref<1x128xi32, #tpu.memory_space<vmem>> -> memref<128xi32, #tpu.memory_space<vmem>>
      %dma_start3A_138 = arith.constant 0 : i32
      %dma_start3A_139 = arith.constant 0 : i32
      %dma_start3A_140 = tpu.memref_slice %arg8[%dma_start3A_138, %dma_start3A_139] : memref<10240x16xf32, #tpu.memory_space<vmem_shared>> -> memref<10240x16xf32, #tpu.memory_space<vmem_shared>>
      tpu.enqueue_indirect_dma source(%arg7 : memref<128x16xf32, #tpu.memory_space<vmem>>) target(%dma_start3A_140 : memref<10240x16xf32, #tpu.memory_space<vmem_shared>>) offsets(%dma_start3A_137 : memref<128xi32, #tpu.memory_space<vmem>>) semaphore(%arg9 : memref<!tpu.dma_semaphore, #tpu.memory_space<semaphore_mem>>) {add = true}
      %mul3A_141 = arith.constant 16 : i32
      %mul3A_142 = arith.muli %scan3A_11, %mul3A_141 : i32
      %add3A_143 = arith.constant 13 : i32
      %add3A_144 = arith.addi %mul3A_142, %add3A_143 : i32
      %dma_start3A_145 = arith.constant 0 : i32
      %dma_start3A_146 = tpu.memref_slice %arg6[%add3A_144, %dma_start3A_145] : memref<160x128xi32, #tpu.memory_space<vmem>> -> memref<1x128xi32, #tpu.memory_space<vmem>>
      %dma_start3A_147 = tpu.memref_squeeze %dma_start3A_146 : memref<1x128xi32, #tpu.memory_space<vmem>> -> memref<128xi32, #tpu.memory_space<vmem>>
      %dma_start3A_148 = arith.constant 0 : i32
      %dma_start3A_149 = arith.constant 0 : i32
      %dma_start3A_150 = tpu.memref_slice %arg8[%dma_start3A_148, %dma_start3A_149] : memref<10240x16xf32, #tpu.memory_space<vmem_shared>> -> memref<10240x16xf32, #tpu.memory_space<vmem_shared>>
      tpu.enqueue_indirect_dma source(%arg7 : memref<128x16xf32, #tpu.memory_space<vmem>>) target(%dma_start3A_150 : memref<10240x16xf32, #tpu.memory_space<vmem_shared>>) offsets(%dma_start3A_147 : memref<128xi32, #tpu.memory_space<vmem>>) semaphore(%arg9 : memref<!tpu.dma_semaphore, #tpu.memory_space<semaphore_mem>>) {add = true}
      %mul3A_151 = arith.constant 16 : i32
      %mul3A_152 = arith.muli %scan3A_11, %mul3A_151 : i32
      %add3A_153 = arith.constant 14 : i32
      %add3A_154 = arith.addi %mul3A_152, %add3A_153 : i32
      %dma_start3A_155 = arith.constant 0 : i32
      %dma_start3A_156 = tpu.memref_slice %arg6[%add3A_154, %dma_start3A_155] : memref<160x128xi32, #tpu.memory_space<vmem>> -> memref<1x128xi32, #tpu.memory_space<vmem>>
      %dma_start3A_157 = tpu.memref_squeeze %dma_start3A_156 : memref<1x128xi32, #tpu.memory_space<vmem>> -> memref<128xi32, #tpu.memory_space<vmem>>
      %dma_start3A_158 = arith.constant 0 : i32
      %dma_start3A_159 = arith.constant 0 : i32
      %dma_start3A_160 = tpu.memref_slice %arg8[%dma_start3A_158, %dma_start3A_159] : memref<10240x16xf32, #tpu.memory_space<vmem_shared>> -> memref<10240x16xf32, #tpu.memory_space<vmem_shared>>
      tpu.enqueue_indirect_dma source(%arg7 : memref<128x16xf32, #tpu.memory_space<vmem>>) target(%dma_start3A_160 : memref<10240x16xf32, #tpu.memory_space<vmem_shared>>) offsets(%dma_start3A_157 : memref<128xi32, #tpu.memory_space<vmem>>) semaphore(%arg9 : memref<!tpu.dma_semaphore, #tpu.memory_space<semaphore_mem>>) {add = true}
      %mul3A_161 = arith.constant 16 : i32
      %mul3A_162 = arith.muli %scan3A_11, %mul3A_161 : i32
      %add3A_163 = arith.constant 15 : i32
      %add3A_164 = arith.addi %mul3A_162, %add3A_163 : i32
      %dma_start3A_165 = arith.constant 0 : i32
      %dma_start3A_166 = tpu.memref_slice %arg6[%add3A_164, %dma_start3A_165] : memref<160x128xi32, #tpu.memory_space<vmem>> -> memref<1x128xi32, #tpu.memory_space<vmem>>
      %dma_start3A_167 = tpu.memref_squeeze %dma_start3A_166 : memref<1x128xi32, #tpu.memory_space<vmem>> -> memref<128xi32, #tpu.memory_space<vmem>>
      %dma_start3A_168 = arith.constant 0 : i32
      %dma_start3A_169 = arith.constant 0 : i32
      %dma_start3A_170 = tpu.memref_slice %arg8[%dma_start3A_168, %dma_start3A_169] : memref<10240x16xf32, #tpu.memory_space<vmem_shared>> -> memref<10240x16xf32, #tpu.memory_space<vmem_shared>>
      tpu.enqueue_indirect_dma source(%arg7 : memref<128x16xf32, #tpu.memory_space<vmem>>) target(%dma_start3A_170 : memref<10240x16xf32, #tpu.memory_space<vmem_shared>>) offsets(%dma_start3A_167 : memref<128xi32, #tpu.memory_space<vmem>>) semaphore(%arg9 : memref<!tpu.dma_semaphore, #tpu.memory_space<semaphore_mem>>) {add = true}
      %mul3A_171 = arith.constant 16 : i32
      %mul3A_172 = arith.muli %scan3A_11, %mul3A_171 : i32
      %add3A_173 = arith.constant 0 : i32
      %add3A_174 = arith.addi %mul3A_172, %add3A_173 : i32
      %dma_wait3A = arith.constant 0 : i32
      %dma_wait3A_175 = tpu.memref_slice %arg6[%add3A_174, %dma_wait3A] : memref<160x128xi32, #tpu.memory_space<vmem>> -> memref<1x128xi32, #tpu.memory_space<vmem>>
      %dma_wait3A_176 = tpu.memref_squeeze %dma_wait3A_175 : memref<1x128xi32, #tpu.memory_space<vmem>> -> memref<128xi32, #tpu.memory_space<vmem>>
      %dma_wait3A_177 = arith.constant 0 : i32
      %dma_wait3A_178 = arith.constant 0 : i32
      %dma_wait3A_179 = tpu.memref_slice %arg8[%dma_wait3A_177, %dma_wait3A_178] : memref<10240x16xf32, #tpu.memory_space<vmem_shared>> -> memref<10240x16xf32, #tpu.memory_space<vmem_shared>>
      tpu.wait_indirect_dma semaphore(%arg9 : memref<!tpu.dma_semaphore, #tpu.memory_space<semaphore_mem>>) src(%arg7 : memref<128x16xf32, #tpu.memory_space<vmem>>) dst(%dma_wait3A_179 : memref<10240x16xf32, #tpu.memory_space<vmem_shared>>)
      %mul3A_180 = arith.constant 16 : i32
      %mul3A_181 = arith.muli %scan3A_11, %mul3A_180 : i32
      %add3A_182 = arith.constant 1 : i32
      %add3A_183 = arith.addi %mul3A_181, %add3A_182 : i32
      %dma_wait3A_184 = arith.constant 0 : i32
      %dma_wait3A_185 = tpu.memref_slice %arg6[%add3A_183, %dma_wait3A_184] : memref<160x128xi32, #tpu.memory_space<vmem>> -> memref<1x128xi32, #tpu.memory_space<vmem>>
      %dma_wait3A_186 = tpu.memref_squeeze %dma_wait3A_185 : memref<1x128xi32, #tpu.memory_space<vmem>> -> memref<128xi32, #tpu.memory_space<vmem>>
      %dma_wait3A_187 = arith.constant 0 : i32
      %dma_wait3A_188 = arith.constant 0 : i32
      %dma_wait3A_189 = tpu.memref_slice %arg8[%dma_wait3A_187, %dma_wait3A_188] : memref<10240x16xf32, #tpu.memory_space<vmem_shared>> -> memref<10240x16xf32, #tpu.memory_space<vmem_shared>>
      tpu.wait_indirect_dma semaphore(%arg9 : memref<!tpu.dma_semaphore, #tpu.memory_space<semaphore_mem>>) src(%arg7 : memref<128x16xf32, #tpu.memory_space<vmem>>) dst(%dma_wait3A_189 : memref<10240x16xf32, #tpu.memory_space<vmem_shared>>)
      %mul3A_190 = arith.constant 16 : i32
      %mul3A_191 = arith.muli %scan3A_11, %mul3A_190 : i32
      %add3A_192 = arith.constant 2 : i32
      %add3A_193 = arith.addi %mul3A_191, %add3A_192 : i32
      %dma_wait3A_194 = arith.constant 0 : i32
      %dma_wait3A_195 = tpu.memref_slice %arg6[%add3A_193, %dma_wait3A_194] : memref<160x128xi32, #tpu.memory_space<vmem>> -> memref<1x128xi32, #tpu.memory_space<vmem>>
      %dma_wait3A_196 = tpu.memref_squeeze %dma_wait3A_195 : memref<1x128xi32, #tpu.memory_space<vmem>> -> memref<128xi32, #tpu.memory_space<vmem>>
      %dma_wait3A_197 = arith.constant 0 : i32
      %dma_wait3A_198 = arith.constant 0 : i32
      %dma_wait3A_199 = tpu.memref_slice %arg8[%dma_wait3A_197, %dma_wait3A_198] : memref<10240x16xf32, #tpu.memory_space<vmem_shared>> -> memref<10240x16xf32, #tpu.memory_space<vmem_shared>>
      tpu.wait_indirect_dma semaphore(%arg9 : memref<!tpu.dma_semaphore, #tpu.memory_space<semaphore_mem>>) src(%arg7 : memref<128x16xf32, #tpu.memory_space<vmem>>) dst(%dma_wait3A_199 : memref<10240x16xf32, #tpu.memory_space<vmem_shared>>)
      %mul3A_200 = arith.constant 16 : i32
      %mul3A_201 = arith.muli %scan3A_11, %mul3A_200 : i32
      %add3A_202 = arith.constant 3 : i32
      %add3A_203 = arith.addi %mul3A_201, %add3A_202 : i32
      %dma_wait3A_204 = arith.constant 0 : i32
      %dma_wait3A_205 = tpu.memref_slice %arg6[%add3A_203, %dma_wait3A_204] : memref<160x128xi32, #tpu.memory_space<vmem>> -> memref<1x128xi32, #tpu.memory_space<vmem>>
      %dma_wait3A_206 = tpu.memref_squeeze %dma_wait3A_205 : memref<1x128xi32, #tpu.memory_space<vmem>> -> memref<128xi32, #tpu.memory_space<vmem>>
      %dma_wait3A_207 = arith.constant 0 : i32
      %dma_wait3A_208 = arith.constant 0 : i32
      %dma_wait3A_209 = tpu.memref_slice %arg8[%dma_wait3A_207, %dma_wait3A_208] : memref<10240x16xf32, #tpu.memory_space<vmem_shared>> -> memref<10240x16xf32, #tpu.memory_space<vmem_shared>>
      tpu.wait_indirect_dma semaphore(%arg9 : memref<!tpu.dma_semaphore, #tpu.memory_space<semaphore_mem>>) src(%arg7 : memref<128x16xf32, #tpu.memory_space<vmem>>) dst(%dma_wait3A_209 : memref<10240x16xf32, #tpu.memory_space<vmem_shared>>)
      %mul3A_210 = arith.constant 16 : i32
      %mul3A_211 = arith.muli %scan3A_11, %mul3A_210 : i32
      %add3A_212 = arith.constant 4 : i32
      %add3A_213 = arith.addi %mul3A_211, %add3A_212 : i32
      %dma_wait3A_214 = arith.constant 0 : i32
      %dma_wait3A_215 = tpu.memref_slice %arg6[%add3A_213, %dma_wait3A_214] : memref<160x128xi32, #tpu.memory_space<vmem>> -> memref<1x128xi32, #tpu.memory_space<vmem>>
      %dma_wait3A_216 = tpu.memref_squeeze %dma_wait3A_215 : memref<1x128xi32, #tpu.memory_space<vmem>> -> memref<128xi32, #tpu.memory_space<vmem>>
      %dma_wait3A_217 = arith.constant 0 : i32
      %dma_wait3A_218 = arith.constant 0 : i32
      %dma_wait3A_219 = tpu.memref_slice %arg8[%dma_wait3A_217, %dma_wait3A_218] : memref<10240x16xf32, #tpu.memory_space<vmem_shared>> -> memref<10240x16xf32, #tpu.memory_space<vmem_shared>>
      tpu.wait_indirect_dma semaphore(%arg9 : memref<!tpu.dma_semaphore, #tpu.memory_space<semaphore_mem>>) src(%arg7 : memref<128x16xf32, #tpu.memory_space<vmem>>) dst(%dma_wait3A_219 : memref<10240x16xf32, #tpu.memory_space<vmem_shared>>)
      %mul3A_220 = arith.constant 16 : i32
      %mul3A_221 = arith.muli %scan3A_11, %mul3A_220 : i32
      %add3A_222 = arith.constant 5 : i32
      %add3A_223 = arith.addi %mul3A_221, %add3A_222 : i32
      %dma_wait3A_224 = arith.constant 0 : i32
      %dma_wait3A_225 = tpu.memref_slice %arg6[%add3A_223, %dma_wait3A_224] : memref<160x128xi32, #tpu.memory_space<vmem>> -> memref<1x128xi32, #tpu.memory_space<vmem>>
      %dma_wait3A_226 = tpu.memref_squeeze %dma_wait3A_225 : memref<1x128xi32, #tpu.memory_space<vmem>> -> memref<128xi32, #tpu.memory_space<vmem>>
      %dma_wait3A_227 = arith.constant 0 : i32
      %dma_wait3A_228 = arith.constant 0 : i32
      %dma_wait3A_229 = tpu.memref_slice %arg8[%dma_wait3A_227, %dma_wait3A_228] : memref<10240x16xf32, #tpu.memory_space<vmem_shared>> -> memref<10240x16xf32, #tpu.memory_space<vmem_shared>>
      tpu.wait_indirect_dma semaphore(%arg9 : memref<!tpu.dma_semaphore, #tpu.memory_space<semaphore_mem>>) src(%arg7 : memref<128x16xf32, #tpu.memory_space<vmem>>) dst(%dma_wait3A_229 : memref<10240x16xf32, #tpu.memory_space<vmem_shared>>)
      %mul3A_230 = arith.constant 16 : i32
      %mul3A_231 = arith.muli %scan3A_11, %mul3A_230 : i32
      %add3A_232 = arith.constant 6 : i32
      %add3A_233 = arith.addi %mul3A_231, %add3A_232 : i32
      %dma_wait3A_234 = arith.constant 0 : i32
      %dma_wait3A_235 = tpu.memref_slice %arg6[%add3A_233, %dma_wait3A_234] : memref<160x128xi32, #tpu.memory_space<vmem>> -> memref<1x128xi32, #tpu.memory_space<vmem>>
      %dma_wait3A_236 = tpu.memref_squeeze %dma_wait3A_235 : memref<1x128xi32, #tpu.memory_space<vmem>> -> memref<128xi32, #tpu.memory_space<vmem>>
      %dma_wait3A_237 = arith.constant 0 : i32
      %dma_wait3A_238 = arith.constant 0 : i32
      %dma_wait3A_239 = tpu.memref_slice %arg8[%dma_wait3A_237, %dma_wait3A_238] : memref<10240x16xf32, #tpu.memory_space<vmem_shared>> -> memref<10240x16xf32, #tpu.memory_space<vmem_shared>>
      tpu.wait_indirect_dma semaphore(%arg9 : memref<!tpu.dma_semaphore, #tpu.memory_space<semaphore_mem>>) src(%arg7 : memref<128x16xf32, #tpu.memory_space<vmem>>) dst(%dma_wait3A_239 : memref<10240x16xf32, #tpu.memory_space<vmem_shared>>)
      %mul3A_240 = arith.constant 16 : i32
      %mul3A_241 = arith.muli %scan3A_11, %mul3A_240 : i32
      %add3A_242 = arith.constant 7 : i32
      %add3A_243 = arith.addi %mul3A_241, %add3A_242 : i32
      %dma_wait3A_244 = arith.constant 0 : i32
      %dma_wait3A_245 = tpu.memref_slice %arg6[%add3A_243, %dma_wait3A_244] : memref<160x128xi32, #tpu.memory_space<vmem>> -> memref<1x128xi32, #tpu.memory_space<vmem>>
      %dma_wait3A_246 = tpu.memref_squeeze %dma_wait3A_245 : memref<1x128xi32, #tpu.memory_space<vmem>> -> memref<128xi32, #tpu.memory_space<vmem>>
      %dma_wait3A_247 = arith.constant 0 : i32
      %dma_wait3A_248 = arith.constant 0 : i32
      %dma_wait3A_249 = tpu.memref_slice %arg8[%dma_wait3A_247, %dma_wait3A_248] : memref<10240x16xf32, #tpu.memory_space<vmem_shared>> -> memref<10240x16xf32, #tpu.memory_space<vmem_shared>>
      tpu.wait_indirect_dma semaphore(%arg9 : memref<!tpu.dma_semaphore, #tpu.memory_space<semaphore_mem>>) src(%arg7 : memref<128x16xf32, #tpu.memory_space<vmem>>) dst(%dma_wait3A_249 : memref<10240x16xf32, #tpu.memory_space<vmem_shared>>)
      %mul3A_250 = arith.constant 16 : i32
      %mul3A_251 = arith.muli %scan3A_11, %mul3A_250 : i32
      %add3A_252 = arith.constant 8 : i32
      %add3A_253 = arith.addi %mul3A_251, %add3A_252 : i32
      %dma_wait3A_254 = arith.constant 0 : i32
      %dma_wait3A_255 = tpu.memref_slice %arg6[%add3A_253, %dma_wait3A_254] : memref<160x128xi32, #tpu.memory_space<vmem>> -> memref<1x128xi32, #tpu.memory_space<vmem>>
      %dma_wait3A_256 = tpu.memref_squeeze %dma_wait3A_255 : memref<1x128xi32, #tpu.memory_space<vmem>> -> memref<128xi32, #tpu.memory_space<vmem>>
      %dma_wait3A_257 = arith.constant 0 : i32
      %dma_wait3A_258 = arith.constant 0 : i32
      %dma_wait3A_259 = tpu.memref_slice %arg8[%dma_wait3A_257, %dma_wait3A_258] : memref<10240x16xf32, #tpu.memory_space<vmem_shared>> -> memref<10240x16xf32, #tpu.memory_space<vmem_shared>>
      tpu.wait_indirect_dma semaphore(%arg9 : memref<!tpu.dma_semaphore, #tpu.memory_space<semaphore_mem>>) src(%arg7 : memref<128x16xf32, #tpu.memory_space<vmem>>) dst(%dma_wait3A_259 : memref<10240x16xf32, #tpu.memory_space<vmem_shared>>)
      %mul3A_260 = arith.constant 16 : i32
      %mul3A_261 = arith.muli %scan3A_11, %mul3A_260 : i32
      %add3A_262 = arith.constant 9 : i32
      %add3A_263 = arith.addi %mul3A_261, %add3A_262 : i32
      %dma_wait3A_264 = arith.constant 0 : i32
      %dma_wait3A_265 = tpu.memref_slice %arg6[%add3A_263, %dma_wait3A_264] : memref<160x128xi32, #tpu.memory_space<vmem>> -> memref<1x128xi32, #tpu.memory_space<vmem>>
      %dma_wait3A_266 = tpu.memref_squeeze %dma_wait3A_265 : memref<1x128xi32, #tpu.memory_space<vmem>> -> memref<128xi32, #tpu.memory_space<vmem>>
      %dma_wait3A_267 = arith.constant 0 : i32
      %dma_wait3A_268 = arith.constant 0 : i32
      %dma_wait3A_269 = tpu.memref_slice %arg8[%dma_wait3A_267, %dma_wait3A_268] : memref<10240x16xf32, #tpu.memory_space<vmem_shared>> -> memref<10240x16xf32, #tpu.memory_space<vmem_shared>>
      tpu.wait_indirect_dma semaphore(%arg9 : memref<!tpu.dma_semaphore, #tpu.memory_space<semaphore_mem>>) src(%arg7 : memref<128x16xf32, #tpu.memory_space<vmem>>) dst(%dma_wait3A_269 : memref<10240x16xf32, #tpu.memory_space<vmem_shared>>)
      %mul3A_270 = arith.constant 16 : i32
      %mul3A_271 = arith.muli %scan3A_11, %mul3A_270 : i32
      %add3A_272 = arith.constant 10 : i32
      %add3A_273 = arith.addi %mul3A_271, %add3A_272 : i32
      %dma_wait3A_274 = arith.constant 0 : i32
      %dma_wait3A_275 = tpu.memref_slice %arg6[%add3A_273, %dma_wait3A_274] : memref<160x128xi32, #tpu.memory_space<vmem>> -> memref<1x128xi32, #tpu.memory_space<vmem>>
      %dma_wait3A_276 = tpu.memref_squeeze %dma_wait3A_275 : memref<1x128xi32, #tpu.memory_space<vmem>> -> memref<128xi32, #tpu.memory_space<vmem>>
      %dma_wait3A_277 = arith.constant 0 : i32
      %dma_wait3A_278 = arith.constant 0 : i32
      %dma_wait3A_279 = tpu.memref_slice %arg8[%dma_wait3A_277, %dma_wait3A_278] : memref<10240x16xf32, #tpu.memory_space<vmem_shared>> -> memref<10240x16xf32, #tpu.memory_space<vmem_shared>>
      tpu.wait_indirect_dma semaphore(%arg9 : memref<!tpu.dma_semaphore, #tpu.memory_space<semaphore_mem>>) src(%arg7 : memref<128x16xf32, #tpu.memory_space<vmem>>) dst(%dma_wait3A_279 : memref<10240x16xf32, #tpu.memory_space<vmem_shared>>)
      %mul3A_280 = arith.constant 16 : i32
      %mul3A_281 = arith.muli %scan3A_11, %mul3A_280 : i32
      %add3A_282 = arith.constant 11 : i32
      %add3A_283 = arith.addi %mul3A_281, %add3A_282 : i32
      %dma_wait3A_284 = arith.constant 0 : i32
      %dma_wait3A_285 = tpu.memref_slice %arg6[%add3A_283, %dma_wait3A_284] : memref<160x128xi32, #tpu.memory_space<vmem>> -> memref<1x128xi32, #tpu.memory_space<vmem>>
      %dma_wait3A_286 = tpu.memref_squeeze %dma_wait3A_285 : memref<1x128xi32, #tpu.memory_space<vmem>> -> memref<128xi32, #tpu.memory_space<vmem>>
      %dma_wait3A_287 = arith.constant 0 : i32
      %dma_wait3A_288 = arith.constant 0 : i32
      %dma_wait3A_289 = tpu.memref_slice %arg8[%dma_wait3A_287, %dma_wait3A_288] : memref<10240x16xf32, #tpu.memory_space<vmem_shared>> -> memref<10240x16xf32, #tpu.memory_space<vmem_shared>>
      tpu.wait_indirect_dma semaphore(%arg9 : memref<!tpu.dma_semaphore, #tpu.memory_space<semaphore_mem>>) src(%arg7 : memref<128x16xf32, #tpu.memory_space<vmem>>) dst(%dma_wait3A_289 : memref<10240x16xf32, #tpu.memory_space<vmem_shared>>)
      %mul3A_290 = arith.constant 16 : i32
      %mul3A_291 = arith.muli %scan3A_11, %mul3A_290 : i32
      %add3A_292 = arith.constant 12 : i32
      %add3A_293 = arith.addi %mul3A_291, %add3A_292 : i32
      %dma_wait3A_294 = arith.constant 0 : i32
      %dma_wait3A_295 = tpu.memref_slice %arg6[%add3A_293, %dma_wait3A_294] : memref<160x128xi32, #tpu.memory_space<vmem>> -> memref<1x128xi32, #tpu.memory_space<vmem>>
      %dma_wait3A_296 = tpu.memref_squeeze %dma_wait3A_295 : memref<1x128xi32, #tpu.memory_space<vmem>> -> memref<128xi32, #tpu.memory_space<vmem>>
      %dma_wait3A_297 = arith.constant 0 : i32
      %dma_wait3A_298 = arith.constant 0 : i32
      %dma_wait3A_299 = tpu.memref_slice %arg8[%dma_wait3A_297, %dma_wait3A_298] : memref<10240x16xf32, #tpu.memory_space<vmem_shared>> -> memref<10240x16xf32, #tpu.memory_space<vmem_shared>>
      tpu.wait_indirect_dma semaphore(%arg9 : memref<!tpu.dma_semaphore, #tpu.memory_space<semaphore_mem>>) src(%arg7 : memref<128x16xf32, #tpu.memory_space<vmem>>) dst(%dma_wait3A_299 : memref<10240x16xf32, #tpu.memory_space<vmem_shared>>)
      %mul3A_300 = arith.constant 16 : i32
      %mul3A_301 = arith.muli %scan3A_11, %mul3A_300 : i32
      %add3A_302 = arith.constant 13 : i32
      %add3A_303 = arith.addi %mul3A_301, %add3A_302 : i32
      %dma_wait3A_304 = arith.constant 0 : i32
      %dma_wait3A_305 = tpu.memref_slice %arg6[%add3A_303, %dma_wait3A_304] : memref<160x128xi32, #tpu.memory_space<vmem>> -> memref<1x128xi32, #tpu.memory_space<vmem>>
      %dma_wait3A_306 = tpu.memref_squeeze %dma_wait3A_305 : memref<1x128xi32, #tpu.memory_space<vmem>> -> memref<128xi32, #tpu.memory_space<vmem>>
      %dma_wait3A_307 = arith.constant 0 : i32
      %dma_wait3A_308 = arith.constant 0 : i32
      %dma_wait3A_309 = tpu.memref_slice %arg8[%dma_wait3A_307, %dma_wait3A_308] : memref<10240x16xf32, #tpu.memory_space<vmem_shared>> -> memref<10240x16xf32, #tpu.memory_space<vmem_shared>>
      tpu.wait_indirect_dma semaphore(%arg9 : memref<!tpu.dma_semaphore, #tpu.memory_space<semaphore_mem>>) src(%arg7 : memref<128x16xf32, #tpu.memory_space<vmem>>) dst(%dma_wait3A_309 : memref<10240x16xf32, #tpu.memory_space<vmem_shared>>)
      %mul3A_310 = arith.constant 16 : i32
      %mul3A_311 = arith.muli %scan3A_11, %mul3A_310 : i32
      %add3A_312 = arith.constant 14 : i32
      %add3A_313 = arith.addi %mul3A_311, %add3A_312 : i32
      %dma_wait3A_314 = arith.constant 0 : i32
      %dma_wait3A_315 = tpu.memref_slice %arg6[%add3A_313, %dma_wait3A_314] : memref<160x128xi32, #tpu.memory_space<vmem>> -> memref<1x128xi32, #tpu.memory_space<vmem>>
      %dma_wait3A_316 = tpu.memref_squeeze %dma_wait3A_315 : memref<1x128xi32, #tpu.memory_space<vmem>> -> memref<128xi32, #tpu.memory_space<vmem>>
      %dma_wait3A_317 = arith.constant 0 : i32
      %dma_wait3A_318 = arith.constant 0 : i32
      %dma_wait3A_319 = tpu.memref_slice %arg8[%dma_wait3A_317, %dma_wait3A_318] : memref<10240x16xf32, #tpu.memory_space<vmem_shared>> -> memref<10240x16xf32, #tpu.memory_space<vmem_shared>>
      tpu.wait_indirect_dma semaphore(%arg9 : memref<!tpu.dma_semaphore, #tpu.memory_space<semaphore_mem>>) src(%arg7 : memref<128x16xf32, #tpu.memory_space<vmem>>) dst(%dma_wait3A_319 : memref<10240x16xf32, #tpu.memory_space<vmem_shared>>)
      %mul3A_320 = arith.constant 16 : i32
      %mul3A_321 = arith.muli %scan3A_11, %mul3A_320 : i32
      %add3A_322 = arith.constant 15 : i32
      %add3A_323 = arith.addi %mul3A_321, %add3A_322 : i32
      %dma_wait3A_324 = arith.constant 0 : i32
      %dma_wait3A_325 = tpu.memref_slice %arg6[%add3A_323, %dma_wait3A_324] : memref<160x128xi32, #tpu.memory_space<vmem>> -> memref<1x128xi32, #tpu.memory_space<vmem>>
      %dma_wait3A_326 = tpu.memref_squeeze %dma_wait3A_325 : memref<1x128xi32, #tpu.memory_space<vmem>> -> memref<128xi32, #tpu.memory_space<vmem>>
      %dma_wait3A_327 = arith.constant 0 : i32
      %dma_wait3A_328 = arith.constant 0 : i32
      %dma_wait3A_329 = tpu.memref_slice %arg8[%dma_wait3A_327, %dma_wait3A_328] : memref<10240x16xf32, #tpu.memory_space<vmem_shared>> -> memref<10240x16xf32, #tpu.memory_space<vmem_shared>>
      tpu.wait_indirect_dma semaphore(%arg9 : memref<!tpu.dma_semaphore, #tpu.memory_space<semaphore_mem>>) src(%arg7 : memref<128x16xf32, #tpu.memory_space<vmem>>) dst(%dma_wait3A_329 : memref<10240x16xf32, #tpu.memory_space<vmem_shared>>)
    }
    %scan3A_9 = arith.constant 10 : i32
    %barrier3A_10 = arith.constant 0 : index
    tpu.barrier barrier_id(%barrier3A_10)
    "tpu.region"() ({
      %run_scoped3A = tpu.sem_alloc : memref<!tpu.dma_semaphore, #tpu.memory_space<semaphore_mem>>
      %dma_start3A = arith.constant 0 : i32
      %dma_start3A_11 = tpu.memref_slice %arg5[%arg0, %mul3A_0, %dma_start3A] : memref<2x10240x16xf32, #tpu.memory_space<hbm>> -> memref<1x640x16xf32, #tpu.memory_space<hbm>>
      %dma_start3A_12 = tpu.memref_squeeze %dma_start3A_11 : memref<1x640x16xf32, #tpu.memory_space<hbm>> -> memref<640x16xf32, #tpu.memory_space<hbm>>
      %dma_start3A_13 = arith.constant 0 : i32
      %dma_start3A_14 = tpu.memref_slice %arg8[%mul3A_0, %dma_start3A_13] : memref<10240x16xf32, #tpu.memory_space<vmem_shared>> -> memref<640x16xf32, #tpu.memory_space<vmem_shared>>
      tpu.enqueue_dma source(%dma_start3A_14 : memref<640x16xf32, #tpu.memory_space<vmem_shared>>) target(%dma_start3A_12 : memref<640x16xf32, #tpu.memory_space<hbm>>) target_semaphore(%run_scoped3A : memref<!tpu.dma_semaphore, #tpu.memory_space<semaphore_mem>>)
      %dma_wait3A = arith.constant 0 : i32
      %dma_wait3A_15 = tpu.memref_slice %arg5[%arg0, %mul3A_0, %dma_wait3A] : memref<2x10240x16xf32, #tpu.memory_space<hbm>> -> memref<1x640x16xf32, #tpu.memory_space<hbm>>
      %dma_wait3A_16 = tpu.memref_squeeze %dma_wait3A_15 : memref<1x640x16xf32, #tpu.memory_space<hbm>> -> memref<640x16xf32, #tpu.memory_space<hbm>>
      %dma_wait3A_17 = arith.constant 0 : i32
      %dma_wait3A_18 = tpu.memref_slice %arg8[%mul3A_0, %dma_wait3A_17] : memref<10240x16xf32, #tpu.memory_space<vmem_shared>> -> memref<640x16xf32, #tpu.memory_space<vmem_shared>>
      tpu.wait_dma2 semaphore(%run_scoped3A : memref<!tpu.dma_semaphore, #tpu.memory_space<semaphore_mem>>) src(%dma_wait3A_18 : memref<640x16xf32, #tpu.memory_space<vmem_shared>>) dst(%dma_wait3A_16 : memref<640x16xf32, #tpu.memory_space<hbm>>)
      tpu.yield
    }) : () -> ()
    return
  }
}

#map = affine_map<(d0, d1) -> (0, 0)>
#map1 = affine_map<(d0, d1) -> (0, 0, 0)>
module attributes {stable_mosaic.version = 14 : i64} {
  func.func @agg(%arg0: i32, %arg1: i32, %arg2: memref<10240x128xf32, #tpu.memory_space<hbm>>, %arg3: memref<5120x128xi32, #tpu.memory_space<hbm>>, %arg4: memref<5120x128xi32, #tpu.memory_space<hbm>>, %arg5: memref<10240x128xf32, #tpu.memory_space<hbm>>, %arg6: memref<2x10240x128xf32, #tpu.memory_space<hbm>>, %arg7: memref<2x16x128xi32, #tpu.memory_space<vmem>>, %arg8: memref<2x16x128xi32, #tpu.memory_space<vmem>>, %arg9: memref<2x128x128xf32, #tpu.memory_space<vmem>>, %arg10: memref<10240x128xf32, #tpu.memory_space<vmem_shared>>, %arg11: memref<2x!tpu.dma_semaphore, #tpu.memory_space<semaphore_mem>>, %arg12: memref<2x!tpu.dma_semaphore, #tpu.memory_space<semaphore_mem>>, %arg13: memref<2x!tpu.dma_semaphore, #tpu.memory_space<semaphore_mem>>) attributes {dimension_semantics = [#tpu.dimension_semantics<core_parallel>, #tpu.dimension_semantics<subcore_parallel>], iteration_bounds = array<i64: 2, 16>, scalar_prefetch = 0 : i64, scratch_operands = 7 : i64, tpu.core_type = #tpu.core_type<sc_vector_subcore>, window_params = [{transform_indices = #map}, {transform_indices = #map}, {transform_indices = #map}, {transform_indices = #map}, {transform_indices = #map1}]} {
    %mul3A = arith.constant 640 : i32
    %mul3A_0 = arith.muli %arg1, %mul3A : i32
    %mul3A_1 = arith.constant 16 : i32
    %mul3A_2 = arith.muli %arg0, %mul3A_1 : i32
    %add3A = arith.addi %mul3A_2, %arg1 : i32
    %mul3A_3 = arith.constant 160 : i32
    %mul3A_4 = arith.muli %add3A, %mul3A_3 : i32
    %add3A_5 = arith.constant 0 : i32
    %add3A_6 = arith.addi %mul3A_4, %add3A_5 : i32
    %dma_start3A = arith.constant 0 : i32
    %dma_start3A_7 = arith.constant 0 : i32
    %dma_start3A_8 = arith.constant 0 : i32
    %dma_start3A_9 = arith.constant 0 : i32
    %dma_start3A_10 = tpu.memref_slice %arg7[%dma_start3A, %dma_start3A_8, %dma_start3A_9] : memref<2x16x128xi32, #tpu.memory_space<vmem>> -> memref<1x16x128xi32, #tpu.memory_space<vmem>>
    %dma_start3A_11 = tpu.memref_squeeze %dma_start3A_10 : memref<1x16x128xi32, #tpu.memory_space<vmem>> -> memref<16x128xi32, #tpu.memory_space<vmem>>
    %dma_start3A_12 = arith.constant 0 : i32
    %dma_start3A_13 = tpu.memref_slice %arg3[%add3A_6, %dma_start3A_12] : memref<5120x128xi32, #tpu.memory_space<hbm>> -> memref<16x128xi32, #tpu.memory_space<hbm>>
    %dma_start3A_14 = tpu.memref_slice %arg11[%dma_start3A_7] : memref<2x!tpu.dma_semaphore, #tpu.memory_space<semaphore_mem>> -> memref<1x!tpu.dma_semaphore, #tpu.memory_space<semaphore_mem>>
    %dma_start3A_15 = tpu.memref_squeeze %dma_start3A_14 : memref<1x!tpu.dma_semaphore, #tpu.memory_space<semaphore_mem>> -> memref<!tpu.dma_semaphore, #tpu.memory_space<semaphore_mem>>
    %dma_start3A_16 = arith.constant 0 : i32
    %dma_start3A_17 = arith.constant 0 : i32
    %dma_start3A_18 = tpu.memref_slice %arg7[%dma_start3A, %dma_start3A_16, %dma_start3A_17] : memref<2x16x128xi32, #tpu.memory_space<vmem>> -> memref<1x16x128xi32, #tpu.memory_space<vmem>>
    %dma_start3A_19 = tpu.memref_squeeze %dma_start3A_18 : memref<1x16x128xi32, #tpu.memory_space<vmem>> -> memref<16x128xi32, #tpu.memory_space<vmem>>
    %dma_start3A_20 = arith.constant 0 : i32
    %dma_start3A_21 = tpu.memref_slice %arg3[%add3A_6, %dma_start3A_20] : memref<5120x128xi32, #tpu.memory_space<hbm>> -> memref<16x128xi32, #tpu.memory_space<hbm>>
    tpu.enqueue_dma source(%dma_start3A_21 : memref<16x128xi32, #tpu.memory_space<hbm>>) target(%dma_start3A_19 : memref<16x128xi32, #tpu.memory_space<vmem>>) target_semaphore(%dma_start3A_15 : memref<!tpu.dma_semaphore, #tpu.memory_space<semaphore_mem>>)
    %add3A_22 = arith.constant 0 : i32
    %add3A_23 = arith.addi %mul3A_4, %add3A_22 : i32
    %dma_start3A_24 = arith.constant 0 : i32
    %dma_start3A_25 = arith.constant 0 : i32
    %dma_start3A_26 = arith.constant 0 : i32
    %dma_start3A_27 = arith.constant 0 : i32
    %dma_start3A_28 = tpu.memref_slice %arg8[%dma_start3A_24, %dma_start3A_26, %dma_start3A_27] : memref<2x16x128xi32, #tpu.memory_space<vmem>> -> memref<1x16x128xi32, #tpu.memory_space<vmem>>
    %dma_start3A_29 = tpu.memref_squeeze %dma_start3A_28 : memref<1x16x128xi32, #tpu.memory_space<vmem>> -> memref<16x128xi32, #tpu.memory_space<vmem>>
    %dma_start3A_30 = arith.constant 0 : i32
    %dma_start3A_31 = tpu.memref_slice %arg4[%add3A_23, %dma_start3A_30] : memref<5120x128xi32, #tpu.memory_space<hbm>> -> memref<16x128xi32, #tpu.memory_space<hbm>>
    %dma_start3A_32 = tpu.memref_slice %arg11[%dma_start3A_25] : memref<2x!tpu.dma_semaphore, #tpu.memory_space<semaphore_mem>> -> memref<1x!tpu.dma_semaphore, #tpu.memory_space<semaphore_mem>>
    %dma_start3A_33 = tpu.memref_squeeze %dma_start3A_32 : memref<1x!tpu.dma_semaphore, #tpu.memory_space<semaphore_mem>> -> memref<!tpu.dma_semaphore, #tpu.memory_space<semaphore_mem>>
    %dma_start3A_34 = arith.constant 0 : i32
    %dma_start3A_35 = arith.constant 0 : i32
    %dma_start3A_36 = tpu.memref_slice %arg8[%dma_start3A_24, %dma_start3A_34, %dma_start3A_35] : memref<2x16x128xi32, #tpu.memory_space<vmem>> -> memref<1x16x128xi32, #tpu.memory_space<vmem>>
    %dma_start3A_37 = tpu.memref_squeeze %dma_start3A_36 : memref<1x16x128xi32, #tpu.memory_space<vmem>> -> memref<16x128xi32, #tpu.memory_space<vmem>>
    %dma_start3A_38 = arith.constant 0 : i32
    %dma_start3A_39 = tpu.memref_slice %arg4[%add3A_23, %dma_start3A_38] : memref<5120x128xi32, #tpu.memory_space<hbm>> -> memref<16x128xi32, #tpu.memory_space<hbm>>
    tpu.enqueue_dma source(%dma_start3A_39 : memref<16x128xi32, #tpu.memory_space<hbm>>) target(%dma_start3A_37 : memref<16x128xi32, #tpu.memory_space<vmem>>) target_semaphore(%dma_start3A_33 : memref<!tpu.dma_semaphore, #tpu.memory_space<semaphore_mem>>)
    "tpu.region"() ({
      %run_scoped3A = tpu.sem_alloc : memref<!tpu.dma_semaphore, #tpu.memory_space<semaphore_mem>>
      %dma_start3A_81 = arith.constant 0 : i32
      %dma_start3A_82 = tpu.memref_slice %arg10[%mul3A_0, %dma_start3A_81] : memref<10240x128xf32, #tpu.memory_space<vmem_shared>> -> memref<640x128xf32, #tpu.memory_space<vmem_shared>>
      %dma_start3A_83 = arith.constant 0 : i32
      %dma_start3A_84 = tpu.memref_slice %arg5[%mul3A_0, %dma_start3A_83] : memref<10240x128xf32, #tpu.memory_space<hbm>> -> memref<640x128xf32, #tpu.memory_space<hbm>>
      tpu.enqueue_dma source(%dma_start3A_84 : memref<640x128xf32, #tpu.memory_space<hbm>>) target(%dma_start3A_82 : memref<640x128xf32, #tpu.memory_space<vmem_shared>>) target_semaphore(%run_scoped3A : memref<!tpu.dma_semaphore, #tpu.memory_space<semaphore_mem>>)
      %dma_wait3A_85 = arith.constant 0 : i32
      %dma_wait3A_86 = tpu.memref_slice %arg10[%mul3A_0, %dma_wait3A_85] : memref<10240x128xf32, #tpu.memory_space<vmem_shared>> -> memref<640x128xf32, #tpu.memory_space<vmem_shared>>
      %dma_wait3A_87 = arith.constant 0 : i32
      %dma_wait3A_88 = tpu.memref_slice %arg5[%mul3A_0, %dma_wait3A_87] : memref<10240x128xf32, #tpu.memory_space<hbm>> -> memref<640x128xf32, #tpu.memory_space<hbm>>
      tpu.wait_dma2 semaphore(%run_scoped3A : memref<!tpu.dma_semaphore, #tpu.memory_space<semaphore_mem>>) src(%dma_wait3A_88 : memref<640x128xf32, #tpu.memory_space<hbm>>) dst(%dma_wait3A_86 : memref<640x128xf32, #tpu.memory_space<vmem_shared>>)
      tpu.yield
    }) : () -> ()
    %add3A_40 = arith.constant 0 : i32
    %add3A_41 = arith.addi %mul3A_4, %add3A_40 : i32
    %dma_wait3A = arith.constant 0 : i32
    %dma_wait3A_42 = arith.constant 0 : i32
    %dma_wait3A_43 = arith.constant 0 : i32
    %dma_wait3A_44 = arith.constant 0 : i32
    %dma_wait3A_45 = tpu.memref_slice %arg7[%dma_wait3A, %dma_wait3A_43, %dma_wait3A_44] : memref<2x16x128xi32, #tpu.memory_space<vmem>> -> memref<1x16x128xi32, #tpu.memory_space<vmem>>
    %dma_wait3A_46 = tpu.memref_squeeze %dma_wait3A_45 : memref<1x16x128xi32, #tpu.memory_space<vmem>> -> memref<16x128xi32, #tpu.memory_space<vmem>>
    %dma_wait3A_47 = arith.constant 0 : i32
    %dma_wait3A_48 = tpu.memref_slice %arg3[%add3A_41, %dma_wait3A_47] : memref<5120x128xi32, #tpu.memory_space<hbm>> -> memref<16x128xi32, #tpu.memory_space<hbm>>
    %dma_wait3A_49 = tpu.memref_slice %arg11[%dma_wait3A_42] : memref<2x!tpu.dma_semaphore, #tpu.memory_space<semaphore_mem>> -> memref<1x!tpu.dma_semaphore, #tpu.memory_space<semaphore_mem>>
    %dma_wait3A_50 = tpu.memref_squeeze %dma_wait3A_49 : memref<1x!tpu.dma_semaphore, #tpu.memory_space<semaphore_mem>> -> memref<!tpu.dma_semaphore, #tpu.memory_space<semaphore_mem>>
    %dma_wait3A_51 = arith.constant 0 : i32
    %dma_wait3A_52 = arith.constant 0 : i32
    %dma_wait3A_53 = tpu.memref_slice %arg7[%dma_wait3A, %dma_wait3A_51, %dma_wait3A_52] : memref<2x16x128xi32, #tpu.memory_space<vmem>> -> memref<1x16x128xi32, #tpu.memory_space<vmem>>
    %dma_wait3A_54 = tpu.memref_squeeze %dma_wait3A_53 : memref<1x16x128xi32, #tpu.memory_space<vmem>> -> memref<16x128xi32, #tpu.memory_space<vmem>>
    %dma_wait3A_55 = arith.constant 0 : i32
    %dma_wait3A_56 = tpu.memref_slice %arg3[%add3A_41, %dma_wait3A_55] : memref<5120x128xi32, #tpu.memory_space<hbm>> -> memref<16x128xi32, #tpu.memory_space<hbm>>
    tpu.wait_dma2 semaphore(%dma_wait3A_50 : memref<!tpu.dma_semaphore, #tpu.memory_space<semaphore_mem>>) src(%dma_wait3A_56 : memref<16x128xi32, #tpu.memory_space<hbm>>) dst(%dma_wait3A_54 : memref<16x128xi32, #tpu.memory_space<vmem>>)
    %add3A_57 = arith.constant 0 : i32
    %add3A_58 = arith.addi %mul3A_4, %add3A_57 : i32
    %dma_wait3A_59 = arith.constant 0 : i32
    %dma_wait3A_60 = arith.constant 0 : i32
    %dma_wait3A_61 = arith.constant 0 : i32
    %dma_wait3A_62 = arith.constant 0 : i32
    %dma_wait3A_63 = tpu.memref_slice %arg8[%dma_wait3A_59, %dma_wait3A_61, %dma_wait3A_62] : memref<2x16x128xi32, #tpu.memory_space<vmem>> -> memref<1x16x128xi32, #tpu.memory_space<vmem>>
    %dma_wait3A_64 = tpu.memref_squeeze %dma_wait3A_63 : memref<1x16x128xi32, #tpu.memory_space<vmem>> -> memref<16x128xi32, #tpu.memory_space<vmem>>
    %dma_wait3A_65 = arith.constant 0 : i32
    %dma_wait3A_66 = tpu.memref_slice %arg4[%add3A_58, %dma_wait3A_65] : memref<5120x128xi32, #tpu.memory_space<hbm>> -> memref<16x128xi32, #tpu.memory_space<hbm>>
    %dma_wait3A_67 = tpu.memref_slice %arg11[%dma_wait3A_60] : memref<2x!tpu.dma_semaphore, #tpu.memory_space<semaphore_mem>> -> memref<1x!tpu.dma_semaphore, #tpu.memory_space<semaphore_mem>>
    %dma_wait3A_68 = tpu.memref_squeeze %dma_wait3A_67 : memref<1x!tpu.dma_semaphore, #tpu.memory_space<semaphore_mem>> -> memref<!tpu.dma_semaphore, #tpu.memory_space<semaphore_mem>>
    %dma_wait3A_69 = arith.constant 0 : i32
    %dma_wait3A_70 = arith.constant 0 : i32
    %dma_wait3A_71 = tpu.memref_slice %arg8[%dma_wait3A_59, %dma_wait3A_69, %dma_wait3A_70] : memref<2x16x128xi32, #tpu.memory_space<vmem>> -> memref<1x16x128xi32, #tpu.memory_space<vmem>>
    %dma_wait3A_72 = tpu.memref_squeeze %dma_wait3A_71 : memref<1x16x128xi32, #tpu.memory_space<vmem>> -> memref<16x128xi32, #tpu.memory_space<vmem>>
    %dma_wait3A_73 = arith.constant 0 : i32
    %dma_wait3A_74 = tpu.memref_slice %arg4[%add3A_58, %dma_wait3A_73] : memref<5120x128xi32, #tpu.memory_space<hbm>> -> memref<16x128xi32, #tpu.memory_space<hbm>>
    tpu.wait_dma2 semaphore(%dma_wait3A_68 : memref<!tpu.dma_semaphore, #tpu.memory_space<semaphore_mem>>) src(%dma_wait3A_74 : memref<16x128xi32, #tpu.memory_space<hbm>>) dst(%dma_wait3A_72 : memref<16x128xi32, #tpu.memory_space<vmem>>)
    %barrier3A = arith.constant 0 : index
    tpu.barrier barrier_id(%barrier3A)
    %scan3A = arith.constant 0 : i32
    %scan3A_75 = arith.constant 0 : i32
    %scan3A_76 = arith.constant 10 : i32
    %scan3A_77 = arith.addi %scan3A_75, %scan3A_76 : i32
    %scan3A_78 = arith.constant 1 : i32
    scf.for %scan3A_81 = %scan3A_75 to %scan3A_77 step %scan3A_78  : i32 {
      %rem3A = arith.constant 2 : i32
      %rem3A_82 = arith.remsi %scan3A_81, %rem3A : i32
      %sub3A = arith.constant 1 : i32
      %sub3A_83 = arith.subi %sub3A, %rem3A_82 : i32
      %gt3A = arith.constant 0 : i32
      %gt3A_84 = arith.cmpi sgt, %scan3A_81, %gt3A : i32
      %convert_element_type3A = arith.extui %gt3A_84 : i1 to i32
      %cond3A = arith.constant 0 : i32
      %cond3A_85 = arith.cmpi ne, %convert_element_type3A, %cond3A : i32
      scf.if %cond3A_85 {
        %mul3A_1052 = arith.constant 16 : i32
        %mul3A_1053 = arith.muli %scan3A_81, %mul3A_1052 : i32
        %add3A_1054 = arith.addi %mul3A_4, %mul3A_1053 : i32
        %dma_wait3A_1055 = arith.constant 0 : i32
        %dma_wait3A_1056 = arith.constant 0 : i32
        %dma_wait3A_1057 = tpu.memref_slice %arg7[%rem3A_82, %dma_wait3A_1055, %dma_wait3A_1056] : memref<2x16x128xi32, #tpu.memory_space<vmem>> -> memref<1x16x128xi32, #tpu.memory_space<vmem>>
        %dma_wait3A_1058 = tpu.memref_squeeze %dma_wait3A_1057 : memref<1x16x128xi32, #tpu.memory_space<vmem>> -> memref<16x128xi32, #tpu.memory_space<vmem>>
        %dma_wait3A_1059 = arith.constant 0 : i32
        %dma_wait3A_1060 = tpu.memref_slice %arg3[%add3A_1054, %dma_wait3A_1059] : memref<5120x128xi32, #tpu.memory_space<hbm>> -> memref<16x128xi32, #tpu.memory_space<hbm>>
        %dma_wait3A_1061 = tpu.memref_slice %arg11[%rem3A_82] : memref<2x!tpu.dma_semaphore, #tpu.memory_space<semaphore_mem>> -> memref<1x!tpu.dma_semaphore, #tpu.memory_space<semaphore_mem>>
        %dma_wait3A_1062 = tpu.memref_squeeze %dma_wait3A_1061 : memref<1x!tpu.dma_semaphore, #tpu.memory_space<semaphore_mem>> -> memref<!tpu.dma_semaphore, #tpu.memory_space<semaphore_mem>>
        %dma_wait3A_1063 = arith.constant 0 : i32
        %dma_wait3A_1064 = arith.constant 0 : i32
        %dma_wait3A_1065 = tpu.memref_slice %arg7[%rem3A_82, %dma_wait3A_1063, %dma_wait3A_1064] : memref<2x16x128xi32, #tpu.memory_space<vmem>> -> memref<1x16x128xi32, #tpu.memory_space<vmem>>
        %dma_wait3A_1066 = tpu.memref_squeeze %dma_wait3A_1065 : memref<1x16x128xi32, #tpu.memory_space<vmem>> -> memref<16x128xi32, #tpu.memory_space<vmem>>
        %dma_wait3A_1067 = arith.constant 0 : i32
        %dma_wait3A_1068 = tpu.memref_slice %arg3[%add3A_1054, %dma_wait3A_1067] : memref<5120x128xi32, #tpu.memory_space<hbm>> -> memref<16x128xi32, #tpu.memory_space<hbm>>
        tpu.wait_dma2 semaphore(%dma_wait3A_1062 : memref<!tpu.dma_semaphore, #tpu.memory_space<semaphore_mem>>) src(%dma_wait3A_1068 : memref<16x128xi32, #tpu.memory_space<hbm>>) dst(%dma_wait3A_1066 : memref<16x128xi32, #tpu.memory_space<vmem>>)
        %mul3A_1069 = arith.constant 16 : i32
        %mul3A_1070 = arith.muli %scan3A_81, %mul3A_1069 : i32
        %add3A_1071 = arith.addi %mul3A_4, %mul3A_1070 : i32
        %dma_wait3A_1072 = arith.constant 0 : i32
        %dma_wait3A_1073 = arith.constant 0 : i32
        %dma_wait3A_1074 = tpu.memref_slice %arg8[%rem3A_82, %dma_wait3A_1072, %dma_wait3A_1073] : memref<2x16x128xi32, #tpu.memory_space<vmem>> -> memref<1x16x128xi32, #tpu.memory_space<vmem>>
        %dma_wait3A_1075 = tpu.memref_squeeze %dma_wait3A_1074 : memref<1x16x128xi32, #tpu.memory_space<vmem>> -> memref<16x128xi32, #tpu.memory_space<vmem>>
        %dma_wait3A_1076 = arith.constant 0 : i32
        %dma_wait3A_1077 = tpu.memref_slice %arg4[%add3A_1071, %dma_wait3A_1076] : memref<5120x128xi32, #tpu.memory_space<hbm>> -> memref<16x128xi32, #tpu.memory_space<hbm>>
        %dma_wait3A_1078 = tpu.memref_slice %arg11[%rem3A_82] : memref<2x!tpu.dma_semaphore, #tpu.memory_space<semaphore_mem>> -> memref<1x!tpu.dma_semaphore, #tpu.memory_space<semaphore_mem>>
        %dma_wait3A_1079 = tpu.memref_squeeze %dma_wait3A_1078 : memref<1x!tpu.dma_semaphore, #tpu.memory_space<semaphore_mem>> -> memref<!tpu.dma_semaphore, #tpu.memory_space<semaphore_mem>>
        %dma_wait3A_1080 = arith.constant 0 : i32
        %dma_wait3A_1081 = arith.constant 0 : i32
        %dma_wait3A_1082 = tpu.memref_slice %arg8[%rem3A_82, %dma_wait3A_1080, %dma_wait3A_1081] : memref<2x16x128xi32, #tpu.memory_space<vmem>> -> memref<1x16x128xi32, #tpu.memory_space<vmem>>
        %dma_wait3A_1083 = tpu.memref_squeeze %dma_wait3A_1082 : memref<1x16x128xi32, #tpu.memory_space<vmem>> -> memref<16x128xi32, #tpu.memory_space<vmem>>
        %dma_wait3A_1084 = arith.constant 0 : i32
        %dma_wait3A_1085 = tpu.memref_slice %arg4[%add3A_1071, %dma_wait3A_1084] : memref<5120x128xi32, #tpu.memory_space<hbm>> -> memref<16x128xi32, #tpu.memory_space<hbm>>
        tpu.wait_dma2 semaphore(%dma_wait3A_1079 : memref<!tpu.dma_semaphore, #tpu.memory_space<semaphore_mem>>) src(%dma_wait3A_1085 : memref<16x128xi32, #tpu.memory_space<hbm>>) dst(%dma_wait3A_1083 : memref<16x128xi32, #tpu.memory_space<vmem>>)
      } else {
      }
      %add3A_86 = arith.constant 1 : i32
      %add3A_87 = arith.addi %scan3A_81, %add3A_86 : i32
      %lt3A = arith.constant 10 : i32
      %lt3A_88 = arith.cmpi slt, %add3A_87, %lt3A : i32
      %convert_element_type3A_89 = arith.extui %lt3A_88 : i1 to i32
      %cond3A_90 = arith.constant 0 : i32
      %cond3A_91 = arith.cmpi ne, %convert_element_type3A_89, %cond3A_90 : i32
      scf.if %cond3A_91 {
        %add3A_1052 = arith.constant 1 : i32
        %add3A_1053 = arith.addi %scan3A_81, %add3A_1052 : i32
        %mul3A_1054 = arith.constant 16 : i32
        %mul3A_1055 = arith.muli %add3A_1053, %mul3A_1054 : i32
        %add3A_1056 = arith.addi %mul3A_4, %mul3A_1055 : i32
        %dma_start3A_1057 = arith.constant 0 : i32
        %dma_start3A_1058 = arith.constant 0 : i32
        %dma_start3A_1059 = tpu.memref_slice %arg7[%sub3A_83, %dma_start3A_1057, %dma_start3A_1058] : memref<2x16x128xi32, #tpu.memory_space<vmem>> -> memref<1x16x128xi32, #tpu.memory_space<vmem>>
        %dma_start3A_1060 = tpu.memref_squeeze %dma_start3A_1059 : memref<1x16x128xi32, #tpu.memory_space<vmem>> -> memref<16x128xi32, #tpu.memory_space<vmem>>
        %dma_start3A_1061 = arith.constant 0 : i32
        %dma_start3A_1062 = tpu.memref_slice %arg3[%add3A_1056, %dma_start3A_1061] : memref<5120x128xi32, #tpu.memory_space<hbm>> -> memref<16x128xi32, #tpu.memory_space<hbm>>
        %dma_start3A_1063 = tpu.memref_slice %arg11[%sub3A_83] : memref<2x!tpu.dma_semaphore, #tpu.memory_space<semaphore_mem>> -> memref<1x!tpu.dma_semaphore, #tpu.memory_space<semaphore_mem>>
        %dma_start3A_1064 = tpu.memref_squeeze %dma_start3A_1063 : memref<1x!tpu.dma_semaphore, #tpu.memory_space<semaphore_mem>> -> memref<!tpu.dma_semaphore, #tpu.memory_space<semaphore_mem>>
        %dma_start3A_1065 = arith.constant 0 : i32
        %dma_start3A_1066 = arith.constant 0 : i32
        %dma_start3A_1067 = tpu.memref_slice %arg7[%sub3A_83, %dma_start3A_1065, %dma_start3A_1066] : memref<2x16x128xi32, #tpu.memory_space<vmem>> -> memref<1x16x128xi32, #tpu.memory_space<vmem>>
        %dma_start3A_1068 = tpu.memref_squeeze %dma_start3A_1067 : memref<1x16x128xi32, #tpu.memory_space<vmem>> -> memref<16x128xi32, #tpu.memory_space<vmem>>
        %dma_start3A_1069 = arith.constant 0 : i32
        %dma_start3A_1070 = tpu.memref_slice %arg3[%add3A_1056, %dma_start3A_1069] : memref<5120x128xi32, #tpu.memory_space<hbm>> -> memref<16x128xi32, #tpu.memory_space<hbm>>
        tpu.enqueue_dma source(%dma_start3A_1070 : memref<16x128xi32, #tpu.memory_space<hbm>>) target(%dma_start3A_1068 : memref<16x128xi32, #tpu.memory_space<vmem>>) target_semaphore(%dma_start3A_1064 : memref<!tpu.dma_semaphore, #tpu.memory_space<semaphore_mem>>)
        %add3A_1071 = arith.constant 1 : i32
        %add3A_1072 = arith.addi %scan3A_81, %add3A_1071 : i32
        %mul3A_1073 = arith.constant 16 : i32
        %mul3A_1074 = arith.muli %add3A_1072, %mul3A_1073 : i32
        %add3A_1075 = arith.addi %mul3A_4, %mul3A_1074 : i32
        %dma_start3A_1076 = arith.constant 0 : i32
        %dma_start3A_1077 = arith.constant 0 : i32
        %dma_start3A_1078 = tpu.memref_slice %arg8[%sub3A_83, %dma_start3A_1076, %dma_start3A_1077] : memref<2x16x128xi32, #tpu.memory_space<vmem>> -> memref<1x16x128xi32, #tpu.memory_space<vmem>>
        %dma_start3A_1079 = tpu.memref_squeeze %dma_start3A_1078 : memref<1x16x128xi32, #tpu.memory_space<vmem>> -> memref<16x128xi32, #tpu.memory_space<vmem>>
        %dma_start3A_1080 = arith.constant 0 : i32
        %dma_start3A_1081 = tpu.memref_slice %arg4[%add3A_1075, %dma_start3A_1080] : memref<5120x128xi32, #tpu.memory_space<hbm>> -> memref<16x128xi32, #tpu.memory_space<hbm>>
        %dma_start3A_1082 = tpu.memref_slice %arg11[%sub3A_83] : memref<2x!tpu.dma_semaphore, #tpu.memory_space<semaphore_mem>> -> memref<1x!tpu.dma_semaphore, #tpu.memory_space<semaphore_mem>>
        %dma_start3A_1083 = tpu.memref_squeeze %dma_start3A_1082 : memref<1x!tpu.dma_semaphore, #tpu.memory_space<semaphore_mem>> -> memref<!tpu.dma_semaphore, #tpu.memory_space<semaphore_mem>>
        %dma_start3A_1084 = arith.constant 0 : i32
        %dma_start3A_1085 = arith.constant 0 : i32
        %dma_start3A_1086 = tpu.memref_slice %arg8[%sub3A_83, %dma_start3A_1084, %dma_start3A_1085] : memref<2x16x128xi32, #tpu.memory_space<vmem>> -> memref<1x16x128xi32, #tpu.memory_space<vmem>>
        %dma_start3A_1087 = tpu.memref_squeeze %dma_start3A_1086 : memref<1x16x128xi32, #tpu.memory_space<vmem>> -> memref<16x128xi32, #tpu.memory_space<vmem>>
        %dma_start3A_1088 = arith.constant 0 : i32
        %dma_start3A_1089 = tpu.memref_slice %arg4[%add3A_1075, %dma_start3A_1088] : memref<5120x128xi32, #tpu.memory_space<hbm>> -> memref<16x128xi32, #tpu.memory_space<hbm>>
        tpu.enqueue_dma source(%dma_start3A_1089 : memref<16x128xi32, #tpu.memory_space<hbm>>) target(%dma_start3A_1087 : memref<16x128xi32, #tpu.memory_space<vmem>>) target_semaphore(%dma_start3A_1083 : memref<!tpu.dma_semaphore, #tpu.memory_space<semaphore_mem>>)
      } else {
      }
      %dma_start3A_92 = arith.constant 0 : i32
      %dma_start3A_93 = arith.constant 0 : i32
      %dma_start3A_94 = arith.constant 0 : i32
      %dma_start3A_95 = arith.constant 0 : i32
      %dma_start3A_96 = arith.constant 0 : i32
      %dma_start3A_97 = tpu.memref_slice %arg9[%dma_start3A_93, %dma_start3A_95, %dma_start3A_96] : memref<2x128x128xf32, #tpu.memory_space<vmem>> -> memref<1x128x128xf32, #tpu.memory_space<vmem>>
      %dma_start3A_98 = tpu.memref_squeeze %dma_start3A_97 : memref<1x128x128xf32, #tpu.memory_space<vmem>> -> memref<128x128xf32, #tpu.memory_space<vmem>>
      %dma_start3A_99 = arith.constant 0 : i32
      %dma_start3A_100 = tpu.memref_slice %arg7[%rem3A_82, %dma_start3A_92, %dma_start3A_99] : memref<2x16x128xi32, #tpu.memory_space<vmem>> -> memref<1x1x128xi32, #tpu.memory_space<vmem>>
      %dma_start3A_101 = tpu.memref_squeeze %dma_start3A_100 : memref<1x1x128xi32, #tpu.memory_space<vmem>> -> memref<128xi32, #tpu.memory_space<vmem>>
      %dma_start3A_102 = arith.constant 0 : i32
      %dma_start3A_103 = arith.constant 0 : i32
      %dma_start3A_104 = tpu.memref_slice %arg2[%dma_start3A_102, %dma_start3A_103] : memref<10240x128xf32, #tpu.memory_space<hbm>> -> memref<10240x128xf32, #tpu.memory_space<hbm>>
      %dma_start3A_105 = tpu.memref_slice %arg12[%dma_start3A_94] : memref<2x!tpu.dma_semaphore, #tpu.memory_space<semaphore_mem>> -> memref<1x!tpu.dma_semaphore, #tpu.memory_space<semaphore_mem>>
      %dma_start3A_106 = tpu.memref_squeeze %dma_start3A_105 : memref<1x!tpu.dma_semaphore, #tpu.memory_space<semaphore_mem>> -> memref<!tpu.dma_semaphore, #tpu.memory_space<semaphore_mem>>
      tpu.enqueue_indirect_dma source(%dma_start3A_104 : memref<10240x128xf32, #tpu.memory_space<hbm>>) target(%dma_start3A_98 : memref<128x128xf32, #tpu.memory_space<vmem>>) offsets(%dma_start3A_101 : memref<128xi32, #tpu.memory_space<vmem>>) semaphore(%dma_start3A_106 : memref<!tpu.dma_semaphore, #tpu.memory_space<semaphore_mem>>)
      %dma_start3A_107 = arith.constant 1 : i32
      %dma_start3A_108 = arith.constant 1 : i32
      %dma_start3A_109 = arith.constant 1 : i32
      %dma_start3A_110 = arith.constant 0 : i32
      %dma_start3A_111 = arith.constant 0 : i32
      %dma_start3A_112 = tpu.memref_slice %arg9[%dma_start3A_108, %dma_start3A_110, %dma_start3A_111] : memref<2x128x128xf32, #tpu.memory_space<vmem>> -> memref<1x128x128xf32, #tpu.memory_space<vmem>>
      %dma_start3A_113 = tpu.memref_squeeze %dma_start3A_112 : memref<1x128x128xf32, #tpu.memory_space<vmem>> -> memref<128x128xf32, #tpu.memory_space<vmem>>
      %dma_start3A_114 = arith.constant 0 : i32
      %dma_start3A_115 = tpu.memref_slice %arg7[%rem3A_82, %dma_start3A_107, %dma_start3A_114] : memref<2x16x128xi32, #tpu.memory_space<vmem>> -> memref<1x1x128xi32, #tpu.memory_space<vmem>>
      %dma_start3A_116 = tpu.memref_squeeze %dma_start3A_115 : memref<1x1x128xi32, #tpu.memory_space<vmem>> -> memref<128xi32, #tpu.memory_space<vmem>>
      %dma_start3A_117 = arith.constant 0 : i32
      %dma_start3A_118 = arith.constant 0 : i32
      %dma_start3A_119 = tpu.memref_slice %arg2[%dma_start3A_117, %dma_start3A_118] : memref<10240x128xf32, #tpu.memory_space<hbm>> -> memref<10240x128xf32, #tpu.memory_space<hbm>>
      %dma_start3A_120 = tpu.memref_slice %arg12[%dma_start3A_109] : memref<2x!tpu.dma_semaphore, #tpu.memory_space<semaphore_mem>> -> memref<1x!tpu.dma_semaphore, #tpu.memory_space<semaphore_mem>>
      %dma_start3A_121 = tpu.memref_squeeze %dma_start3A_120 : memref<1x!tpu.dma_semaphore, #tpu.memory_space<semaphore_mem>> -> memref<!tpu.dma_semaphore, #tpu.memory_space<semaphore_mem>>
      tpu.enqueue_indirect_dma source(%dma_start3A_119 : memref<10240x128xf32, #tpu.memory_space<hbm>>) target(%dma_start3A_113 : memref<128x128xf32, #tpu.memory_space<vmem>>) offsets(%dma_start3A_116 : memref<128xi32, #tpu.memory_space<vmem>>) semaphore(%dma_start3A_121 : memref<!tpu.dma_semaphore, #tpu.memory_space<semaphore_mem>>)
      %dma_wait3A_122 = arith.constant 0 : i32
      %dma_wait3A_123 = arith.constant 0 : i32
      %dma_wait3A_124 = arith.constant 0 : i32
      %dma_wait3A_125 = arith.constant 0 : i32
      %dma_wait3A_126 = arith.constant 0 : i32
      %dma_wait3A_127 = tpu.memref_slice %arg9[%dma_wait3A_123, %dma_wait3A_125, %dma_wait3A_126] : memref<2x128x128xf32, #tpu.memory_space<vmem>> -> memref<1x128x128xf32, #tpu.memory_space<vmem>>
      %dma_wait3A_128 = tpu.memref_squeeze %dma_wait3A_127 : memref<1x128x128xf32, #tpu.memory_space<vmem>> -> memref<128x128xf32, #tpu.memory_space<vmem>>
      %dma_wait3A_129 = arith.constant 0 : i32
      %dma_wait3A_130 = tpu.memref_slice %arg7[%rem3A_82, %dma_wait3A_122, %dma_wait3A_129] : memref<2x16x128xi32, #tpu.memory_space<vmem>> -> memref<1x1x128xi32, #tpu.memory_space<vmem>>
      %dma_wait3A_131 = tpu.memref_squeeze %dma_wait3A_130 : memref<1x1x128xi32, #tpu.memory_space<vmem>> -> memref<128xi32, #tpu.memory_space<vmem>>
      %dma_wait3A_132 = arith.constant 0 : i32
      %dma_wait3A_133 = arith.constant 0 : i32
      %dma_wait3A_134 = tpu.memref_slice %arg2[%dma_wait3A_132, %dma_wait3A_133] : memref<10240x128xf32, #tpu.memory_space<hbm>> -> memref<10240x128xf32, #tpu.memory_space<hbm>>
      %dma_wait3A_135 = tpu.memref_slice %arg12[%dma_wait3A_124] : memref<2x!tpu.dma_semaphore, #tpu.memory_space<semaphore_mem>> -> memref<1x!tpu.dma_semaphore, #tpu.memory_space<semaphore_mem>>
      %dma_wait3A_136 = tpu.memref_squeeze %dma_wait3A_135 : memref<1x!tpu.dma_semaphore, #tpu.memory_space<semaphore_mem>> -> memref<!tpu.dma_semaphore, #tpu.memory_space<semaphore_mem>>
      tpu.wait_indirect_dma semaphore(%dma_wait3A_136 : memref<!tpu.dma_semaphore, #tpu.memory_space<semaphore_mem>>) src(%dma_wait3A_134 : memref<10240x128xf32, #tpu.memory_space<hbm>>) dst(%dma_wait3A_128 : memref<128x128xf32, #tpu.memory_space<vmem>>)
      %dma_start3A_137 = arith.constant 0 : i32
      %dma_start3A_138 = arith.constant 0 : i32
      %dma_start3A_139 = arith.constant 0 : i32
      %dma_start3A_140 = arith.constant 0 : i32
      %dma_start3A_141 = arith.constant 0 : i32
      %dma_start3A_142 = tpu.memref_slice %arg9[%dma_start3A_137, %dma_start3A_140, %dma_start3A_141] : memref<2x128x128xf32, #tpu.memory_space<vmem>> -> memref<1x128x128xf32, #tpu.memory_space<vmem>>
      %dma_start3A_143 = tpu.memref_squeeze %dma_start3A_142 : memref<1x128x128xf32, #tpu.memory_space<vmem>> -> memref<128x128xf32, #tpu.memory_space<vmem>>
      %dma_start3A_144 = arith.constant 0 : i32
      %dma_start3A_145 = tpu.memref_slice %arg8[%rem3A_82, %dma_start3A_138, %dma_start3A_144] : memref<2x16x128xi32, #tpu.memory_space<vmem>> -> memref<1x1x128xi32, #tpu.memory_space<vmem>>
      %dma_start3A_146 = tpu.memref_squeeze %dma_start3A_145 : memref<1x1x128xi32, #tpu.memory_space<vmem>> -> memref<128xi32, #tpu.memory_space<vmem>>
      %dma_start3A_147 = arith.constant 0 : i32
      %dma_start3A_148 = arith.constant 0 : i32
      %dma_start3A_149 = tpu.memref_slice %arg10[%dma_start3A_147, %dma_start3A_148] : memref<10240x128xf32, #tpu.memory_space<vmem_shared>> -> memref<10240x128xf32, #tpu.memory_space<vmem_shared>>
      %dma_start3A_150 = tpu.memref_slice %arg13[%dma_start3A_139] : memref<2x!tpu.dma_semaphore, #tpu.memory_space<semaphore_mem>> -> memref<1x!tpu.dma_semaphore, #tpu.memory_space<semaphore_mem>>
      %dma_start3A_151 = tpu.memref_squeeze %dma_start3A_150 : memref<1x!tpu.dma_semaphore, #tpu.memory_space<semaphore_mem>> -> memref<!tpu.dma_semaphore, #tpu.memory_space<semaphore_mem>>
      tpu.enqueue_indirect_dma source(%dma_start3A_143 : memref<128x128xf32, #tpu.memory_space<vmem>>) target(%dma_start3A_149 : memref<10240x128xf32, #tpu.memory_space<vmem_shared>>) offsets(%dma_start3A_146 : memref<128xi32, #tpu.memory_space<vmem>>) semaphore(%dma_start3A_151 : memref<!tpu.dma_semaphore, #tpu.memory_space<semaphore_mem>>) {add = true}
      %dma_wait3A_152 = arith.constant 0 : i32
      %dma_wait3A_153 = arith.constant 0 : i32
      %dma_wait3A_154 = arith.constant 0 : i32
      %dma_wait3A_155 = arith.constant 0 : i32
      %dma_wait3A_156 = arith.constant 0 : i32
      %dma_wait3A_157 = tpu.memref_slice %arg9[%dma_wait3A_152, %dma_wait3A_155, %dma_wait3A_156] : memref<2x128x128xf32, #tpu.memory_space<vmem>> -> memref<1x128x128xf32, #tpu.memory_space<vmem>>
      %dma_wait3A_158 = tpu.memref_squeeze %dma_wait3A_157 : memref<1x128x128xf32, #tpu.memory_space<vmem>> -> memref<128x128xf32, #tpu.memory_space<vmem>>
      %dma_wait3A_159 = arith.constant 0 : i32
      %dma_wait3A_160 = tpu.memref_slice %arg8[%rem3A_82, %dma_wait3A_153, %dma_wait3A_159] : memref<2x16x128xi32, #tpu.memory_space<vmem>> -> memref<1x1x128xi32, #tpu.memory_space<vmem>>
      %dma_wait3A_161 = tpu.memref_squeeze %dma_wait3A_160 : memref<1x1x128xi32, #tpu.memory_space<vmem>> -> memref<128xi32, #tpu.memory_space<vmem>>
      %dma_wait3A_162 = arith.constant 0 : i32
      %dma_wait3A_163 = arith.constant 0 : i32
      %dma_wait3A_164 = tpu.memref_slice %arg10[%dma_wait3A_162, %dma_wait3A_163] : memref<10240x128xf32, #tpu.memory_space<vmem_shared>> -> memref<10240x128xf32, #tpu.memory_space<vmem_shared>>
      %dma_wait3A_165 = tpu.memref_slice %arg13[%dma_wait3A_154] : memref<2x!tpu.dma_semaphore, #tpu.memory_space<semaphore_mem>> -> memref<1x!tpu.dma_semaphore, #tpu.memory_space<semaphore_mem>>
      %dma_wait3A_166 = tpu.memref_squeeze %dma_wait3A_165 : memref<1x!tpu.dma_semaphore, #tpu.memory_space<semaphore_mem>> -> memref<!tpu.dma_semaphore, #tpu.memory_space<semaphore_mem>>
      tpu.wait_indirect_dma semaphore(%dma_wait3A_166 : memref<!tpu.dma_semaphore, #tpu.memory_space<semaphore_mem>>) src(%dma_wait3A_158 : memref<128x128xf32, #tpu.memory_space<vmem>>) dst(%dma_wait3A_164 : memref<10240x128xf32, #tpu.memory_space<vmem_shared>>)
      %dma_start3A_167 = arith.constant 2 : i32
      %dma_start3A_168 = arith.constant 0 : i32
      %dma_start3A_169 = arith.constant 0 : i32
      %dma_start3A_170 = arith.constant 0 : i32
      %dma_start3A_171 = arith.constant 0 : i32
      %dma_start3A_172 = tpu.memref_slice %arg9[%dma_start3A_168, %dma_start3A_170, %dma_start3A_171] : memref<2x128x128xf32, #tpu.memory_space<vmem>> -> memref<1x128x128xf32, #tpu.memory_space<vmem>>
      %dma_start3A_173 = tpu.memref_squeeze %dma_start3A_172 : memref<1x128x128xf32, #tpu.memory_space<vmem>> -> memref<128x128xf32, #tpu.memory_space<vmem>>
      %dma_start3A_174 = arith.constant 0 : i32
      %dma_start3A_175 = tpu.memref_slice %arg7[%rem3A_82, %dma_start3A_167, %dma_start3A_174] : memref<2x16x128xi32, #tpu.memory_space<vmem>> -> memref<1x1x128xi32, #tpu.memory_space<vmem>>
      %dma_start3A_176 = tpu.memref_squeeze %dma_start3A_175 : memref<1x1x128xi32, #tpu.memory_space<vmem>> -> memref<128xi32, #tpu.memory_space<vmem>>
      %dma_start3A_177 = arith.constant 0 : i32
      %dma_start3A_178 = arith.constant 0 : i32
      %dma_start3A_179 = tpu.memref_slice %arg2[%dma_start3A_177, %dma_start3A_178] : memref<10240x128xf32, #tpu.memory_space<hbm>> -> memref<10240x128xf32, #tpu.memory_space<hbm>>
      %dma_start3A_180 = tpu.memref_slice %arg12[%dma_start3A_169] : memref<2x!tpu.dma_semaphore, #tpu.memory_space<semaphore_mem>> -> memref<1x!tpu.dma_semaphore, #tpu.memory_space<semaphore_mem>>
      %dma_start3A_181 = tpu.memref_squeeze %dma_start3A_180 : memref<1x!tpu.dma_semaphore, #tpu.memory_space<semaphore_mem>> -> memref<!tpu.dma_semaphore, #tpu.memory_space<semaphore_mem>>
      tpu.enqueue_indirect_dma source(%dma_start3A_179 : memref<10240x128xf32, #tpu.memory_space<hbm>>) target(%dma_start3A_173 : memref<128x128xf32, #tpu.memory_space<vmem>>) offsets(%dma_start3A_176 : memref<128xi32, #tpu.memory_space<vmem>>) semaphore(%dma_start3A_181 : memref<!tpu.dma_semaphore, #tpu.memory_space<semaphore_mem>>)
      %dma_wait3A_182 = arith.constant 1 : i32
      %dma_wait3A_183 = arith.constant 1 : i32
      %dma_wait3A_184 = arith.constant 1 : i32
      %dma_wait3A_185 = arith.constant 0 : i32
      %dma_wait3A_186 = arith.constant 0 : i32
      %dma_wait3A_187 = tpu.memref_slice %arg9[%dma_wait3A_183, %dma_wait3A_185, %dma_wait3A_186] : memref<2x128x128xf32, #tpu.memory_space<vmem>> -> memref<1x128x128xf32, #tpu.memory_space<vmem>>
      %dma_wait3A_188 = tpu.memref_squeeze %dma_wait3A_187 : memref<1x128x128xf32, #tpu.memory_space<vmem>> -> memref<128x128xf32, #tpu.memory_space<vmem>>
      %dma_wait3A_189 = arith.constant 0 : i32
      %dma_wait3A_190 = tpu.memref_slice %arg7[%rem3A_82, %dma_wait3A_182, %dma_wait3A_189] : memref<2x16x128xi32, #tpu.memory_space<vmem>> -> memref<1x1x128xi32, #tpu.memory_space<vmem>>
      %dma_wait3A_191 = tpu.memref_squeeze %dma_wait3A_190 : memref<1x1x128xi32, #tpu.memory_space<vmem>> -> memref<128xi32, #tpu.memory_space<vmem>>
      %dma_wait3A_192 = arith.constant 0 : i32
      %dma_wait3A_193 = arith.constant 0 : i32
      %dma_wait3A_194 = tpu.memref_slice %arg2[%dma_wait3A_192, %dma_wait3A_193] : memref<10240x128xf32, #tpu.memory_space<hbm>> -> memref<10240x128xf32, #tpu.memory_space<hbm>>
      %dma_wait3A_195 = tpu.memref_slice %arg12[%dma_wait3A_184] : memref<2x!tpu.dma_semaphore, #tpu.memory_space<semaphore_mem>> -> memref<1x!tpu.dma_semaphore, #tpu.memory_space<semaphore_mem>>
      %dma_wait3A_196 = tpu.memref_squeeze %dma_wait3A_195 : memref<1x!tpu.dma_semaphore, #tpu.memory_space<semaphore_mem>> -> memref<!tpu.dma_semaphore, #tpu.memory_space<semaphore_mem>>
      tpu.wait_indirect_dma semaphore(%dma_wait3A_196 : memref<!tpu.dma_semaphore, #tpu.memory_space<semaphore_mem>>) src(%dma_wait3A_194 : memref<10240x128xf32, #tpu.memory_space<hbm>>) dst(%dma_wait3A_188 : memref<128x128xf32, #tpu.memory_space<vmem>>)
      %dma_start3A_197 = arith.constant 1 : i32
      %dma_start3A_198 = arith.constant 1 : i32
      %dma_start3A_199 = arith.constant 1 : i32
      %dma_start3A_200 = arith.constant 0 : i32
      %dma_start3A_201 = arith.constant 0 : i32
      %dma_start3A_202 = tpu.memref_slice %arg9[%dma_start3A_197, %dma_start3A_200, %dma_start3A_201] : memref<2x128x128xf32, #tpu.memory_space<vmem>> -> memref<1x128x128xf32, #tpu.memory_space<vmem>>
      %dma_start3A_203 = tpu.memref_squeeze %dma_start3A_202 : memref<1x128x128xf32, #tpu.memory_space<vmem>> -> memref<128x128xf32, #tpu.memory_space<vmem>>
      %dma_start3A_204 = arith.constant 0 : i32
      %dma_start3A_205 = tpu.memref_slice %arg8[%rem3A_82, %dma_start3A_198, %dma_start3A_204] : memref<2x16x128xi32, #tpu.memory_space<vmem>> -> memref<1x1x128xi32, #tpu.memory_space<vmem>>
      %dma_start3A_206 = tpu.memref_squeeze %dma_start3A_205 : memref<1x1x128xi32, #tpu.memory_space<vmem>> -> memref<128xi32, #tpu.memory_space<vmem>>
      %dma_start3A_207 = arith.constant 0 : i32
      %dma_start3A_208 = arith.constant 0 : i32
      %dma_start3A_209 = tpu.memref_slice %arg10[%dma_start3A_207, %dma_start3A_208] : memref<10240x128xf32, #tpu.memory_space<vmem_shared>> -> memref<10240x128xf32, #tpu.memory_space<vmem_shared>>
      %dma_start3A_210 = tpu.memref_slice %arg13[%dma_start3A_199] : memref<2x!tpu.dma_semaphore, #tpu.memory_space<semaphore_mem>> -> memref<1x!tpu.dma_semaphore, #tpu.memory_space<semaphore_mem>>
      %dma_start3A_211 = tpu.memref_squeeze %dma_start3A_210 : memref<1x!tpu.dma_semaphore, #tpu.memory_space<semaphore_mem>> -> memref<!tpu.dma_semaphore, #tpu.memory_space<semaphore_mem>>
      tpu.enqueue_indirect_dma source(%dma_start3A_203 : memref<128x128xf32, #tpu.memory_space<vmem>>) target(%dma_start3A_209 : memref<10240x128xf32, #tpu.memory_space<vmem_shared>>) offsets(%dma_start3A_206 : memref<128xi32, #tpu.memory_space<vmem>>) semaphore(%dma_start3A_211 : memref<!tpu.dma_semaphore, #tpu.memory_space<semaphore_mem>>) {add = true}
      %dma_wait3A_212 = arith.constant 1 : i32
      %dma_wait3A_213 = arith.constant 1 : i32
      %dma_wait3A_214 = arith.constant 1 : i32
      %dma_wait3A_215 = arith.constant 0 : i32
      %dma_wait3A_216 = arith.constant 0 : i32
      %dma_wait3A_217 = tpu.memref_slice %arg9[%dma_wait3A_212, %dma_wait3A_215, %dma_wait3A_216] : memref<2x128x128xf32, #tpu.memory_space<vmem>> -> memref<1x128x128xf32, #tpu.memory_space<vmem>>
      %dma_wait3A_218 = tpu.memref_squeeze %dma_wait3A_217 : memref<1x128x128xf32, #tpu.memory_space<vmem>> -> memref<128x128xf32, #tpu.memory_space<vmem>>
      %dma_wait3A_219 = arith.constant 0 : i32
      %dma_wait3A_220 = tpu.memref_slice %arg8[%rem3A_82, %dma_wait3A_213, %dma_wait3A_219] : memref<2x16x128xi32, #tpu.memory_space<vmem>> -> memref<1x1x128xi32, #tpu.memory_space<vmem>>
      %dma_wait3A_221 = tpu.memref_squeeze %dma_wait3A_220 : memref<1x1x128xi32, #tpu.memory_space<vmem>> -> memref<128xi32, #tpu.memory_space<vmem>>
      %dma_wait3A_222 = arith.constant 0 : i32
      %dma_wait3A_223 = arith.constant 0 : i32
      %dma_wait3A_224 = tpu.memref_slice %arg10[%dma_wait3A_222, %dma_wait3A_223] : memref<10240x128xf32, #tpu.memory_space<vmem_shared>> -> memref<10240x128xf32, #tpu.memory_space<vmem_shared>>
      %dma_wait3A_225 = tpu.memref_slice %arg13[%dma_wait3A_214] : memref<2x!tpu.dma_semaphore, #tpu.memory_space<semaphore_mem>> -> memref<1x!tpu.dma_semaphore, #tpu.memory_space<semaphore_mem>>
      %dma_wait3A_226 = tpu.memref_squeeze %dma_wait3A_225 : memref<1x!tpu.dma_semaphore, #tpu.memory_space<semaphore_mem>> -> memref<!tpu.dma_semaphore, #tpu.memory_space<semaphore_mem>>
      tpu.wait_indirect_dma semaphore(%dma_wait3A_226 : memref<!tpu.dma_semaphore, #tpu.memory_space<semaphore_mem>>) src(%dma_wait3A_218 : memref<128x128xf32, #tpu.memory_space<vmem>>) dst(%dma_wait3A_224 : memref<10240x128xf32, #tpu.memory_space<vmem_shared>>)
      %dma_start3A_227 = arith.constant 3 : i32
      %dma_start3A_228 = arith.constant 1 : i32
      %dma_start3A_229 = arith.constant 1 : i32
      %dma_start3A_230 = arith.constant 0 : i32
      %dma_start3A_231 = arith.constant 0 : i32
      %dma_start3A_232 = tpu.memref_slice %arg9[%dma_start3A_228, %dma_start3A_230, %dma_start3A_231] : memref<2x128x128xf32, #tpu.memory_space<vmem>> -> memref<1x128x128xf32, #tpu.memory_space<vmem>>
      %dma_start3A_233 = tpu.memref_squeeze %dma_start3A_232 : memref<1x128x128xf32, #tpu.memory_space<vmem>> -> memref<128x128xf32, #tpu.memory_space<vmem>>
      %dma_start3A_234 = arith.constant 0 : i32
      %dma_start3A_235 = tpu.memref_slice %arg7[%rem3A_82, %dma_start3A_227, %dma_start3A_234] : memref<2x16x128xi32, #tpu.memory_space<vmem>> -> memref<1x1x128xi32, #tpu.memory_space<vmem>>
      %dma_start3A_236 = tpu.memref_squeeze %dma_start3A_235 : memref<1x1x128xi32, #tpu.memory_space<vmem>> -> memref<128xi32, #tpu.memory_space<vmem>>
      %dma_start3A_237 = arith.constant 0 : i32
      %dma_start3A_238 = arith.constant 0 : i32
      %dma_start3A_239 = tpu.memref_slice %arg2[%dma_start3A_237, %dma_start3A_238] : memref<10240x128xf32, #tpu.memory_space<hbm>> -> memref<10240x128xf32, #tpu.memory_space<hbm>>
      %dma_start3A_240 = tpu.memref_slice %arg12[%dma_start3A_229] : memref<2x!tpu.dma_semaphore, #tpu.memory_space<semaphore_mem>> -> memref<1x!tpu.dma_semaphore, #tpu.memory_space<semaphore_mem>>
      %dma_start3A_241 = tpu.memref_squeeze %dma_start3A_240 : memref<1x!tpu.dma_semaphore, #tpu.memory_space<semaphore_mem>> -> memref<!tpu.dma_semaphore, #tpu.memory_space<semaphore_mem>>
      tpu.enqueue_indirect_dma source(%dma_start3A_239 : memref<10240x128xf32, #tpu.memory_space<hbm>>) target(%dma_start3A_233 : memref<128x128xf32, #tpu.memory_space<vmem>>) offsets(%dma_start3A_236 : memref<128xi32, #tpu.memory_space<vmem>>) semaphore(%dma_start3A_241 : memref<!tpu.dma_semaphore, #tpu.memory_space<semaphore_mem>>)
      %dma_wait3A_242 = arith.constant 2 : i32
      %dma_wait3A_243 = arith.constant 0 : i32
      %dma_wait3A_244 = arith.constant 0 : i32
      %dma_wait3A_245 = arith.constant 0 : i32
      %dma_wait3A_246 = arith.constant 0 : i32
      %dma_wait3A_247 = tpu.memref_slice %arg9[%dma_wait3A_243, %dma_wait3A_245, %dma_wait3A_246] : memref<2x128x128xf32, #tpu.memory_space<vmem>> -> memref<1x128x128xf32, #tpu.memory_space<vmem>>
      %dma_wait3A_248 = tpu.memref_squeeze %dma_wait3A_247 : memref<1x128x128xf32, #tpu.memory_space<vmem>> -> memref<128x128xf32, #tpu.memory_space<vmem>>
      %dma_wait3A_249 = arith.constant 0 : i32
      %dma_wait3A_250 = tpu.memref_slice %arg7[%rem3A_82, %dma_wait3A_242, %dma_wait3A_249] : memref<2x16x128xi32, #tpu.memory_space<vmem>> -> memref<1x1x128xi32, #tpu.memory_space<vmem>>
      %dma_wait3A_251 = tpu.memref_squeeze %dma_wait3A_250 : memref<1x1x128xi32, #tpu.memory_space<vmem>> -> memref<128xi32, #tpu.memory_space<vmem>>
      %dma_wait3A_252 = arith.constant 0 : i32
      %dma_wait3A_253 = arith.constant 0 : i32
      %dma_wait3A_254 = tpu.memref_slice %arg2[%dma_wait3A_252, %dma_wait3A_253] : memref<10240x128xf32, #tpu.memory_space<hbm>> -> memref<10240x128xf32, #tpu.memory_space<hbm>>
      %dma_wait3A_255 = tpu.memref_slice %arg12[%dma_wait3A_244] : memref<2x!tpu.dma_semaphore, #tpu.memory_space<semaphore_mem>> -> memref<1x!tpu.dma_semaphore, #tpu.memory_space<semaphore_mem>>
      %dma_wait3A_256 = tpu.memref_squeeze %dma_wait3A_255 : memref<1x!tpu.dma_semaphore, #tpu.memory_space<semaphore_mem>> -> memref<!tpu.dma_semaphore, #tpu.memory_space<semaphore_mem>>
      tpu.wait_indirect_dma semaphore(%dma_wait3A_256 : memref<!tpu.dma_semaphore, #tpu.memory_space<semaphore_mem>>) src(%dma_wait3A_254 : memref<10240x128xf32, #tpu.memory_space<hbm>>) dst(%dma_wait3A_248 : memref<128x128xf32, #tpu.memory_space<vmem>>)
      %dma_start3A_257 = arith.constant 0 : i32
      %dma_start3A_258 = arith.constant 2 : i32
      %dma_start3A_259 = arith.constant 0 : i32
      %dma_start3A_260 = arith.constant 0 : i32
      %dma_start3A_261 = arith.constant 0 : i32
      %dma_start3A_262 = tpu.memref_slice %arg9[%dma_start3A_257, %dma_start3A_260, %dma_start3A_261] : memref<2x128x128xf32, #tpu.memory_space<vmem>> -> memref<1x128x128xf32, #tpu.memory_space<vmem>>
      %dma_start3A_263 = tpu.memref_squeeze %dma_start3A_262 : memref<1x128x128xf32, #tpu.memory_space<vmem>> -> memref<128x128xf32, #tpu.memory_space<vmem>>
      %dma_start3A_264 = arith.constant 0 : i32
      %dma_start3A_265 = tpu.memref_slice %arg8[%rem3A_82, %dma_start3A_258, %dma_start3A_264] : memref<2x16x128xi32, #tpu.memory_space<vmem>> -> memref<1x1x128xi32, #tpu.memory_space<vmem>>
      %dma_start3A_266 = tpu.memref_squeeze %dma_start3A_265 : memref<1x1x128xi32, #tpu.memory_space<vmem>> -> memref<128xi32, #tpu.memory_space<vmem>>
      %dma_start3A_267 = arith.constant 0 : i32
      %dma_start3A_268 = arith.constant 0 : i32
      %dma_start3A_269 = tpu.memref_slice %arg10[%dma_start3A_267, %dma_start3A_268] : memref<10240x128xf32, #tpu.memory_space<vmem_shared>> -> memref<10240x128xf32, #tpu.memory_space<vmem_shared>>
      %dma_start3A_270 = tpu.memref_slice %arg13[%dma_start3A_259] : memref<2x!tpu.dma_semaphore, #tpu.memory_space<semaphore_mem>> -> memref<1x!tpu.dma_semaphore, #tpu.memory_space<semaphore_mem>>
      %dma_start3A_271 = tpu.memref_squeeze %dma_start3A_270 : memref<1x!tpu.dma_semaphore, #tpu.memory_space<semaphore_mem>> -> memref<!tpu.dma_semaphore, #tpu.memory_space<semaphore_mem>>
      tpu.enqueue_indirect_dma source(%dma_start3A_263 : memref<128x128xf32, #tpu.memory_space<vmem>>) target(%dma_start3A_269 : memref<10240x128xf32, #tpu.memory_space<vmem_shared>>) offsets(%dma_start3A_266 : memref<128xi32, #tpu.memory_space<vmem>>) semaphore(%dma_start3A_271 : memref<!tpu.dma_semaphore, #tpu.memory_space<semaphore_mem>>) {add = true}
      %dma_wait3A_272 = arith.constant 0 : i32
      %dma_wait3A_273 = arith.constant 2 : i32
      %dma_wait3A_274 = arith.constant 0 : i32
      %dma_wait3A_275 = arith.constant 0 : i32
      %dma_wait3A_276 = arith.constant 0 : i32
      %dma_wait3A_277 = tpu.memref_slice %arg9[%dma_wait3A_272, %dma_wait3A_275, %dma_wait3A_276] : memref<2x128x128xf32, #tpu.memory_space<vmem>> -> memref<1x128x128xf32, #tpu.memory_space<vmem>>
      %dma_wait3A_278 = tpu.memref_squeeze %dma_wait3A_277 : memref<1x128x128xf32, #tpu.memory_space<vmem>> -> memref<128x128xf32, #tpu.memory_space<vmem>>
      %dma_wait3A_279 = arith.constant 0 : i32
      %dma_wait3A_280 = tpu.memref_slice %arg8[%rem3A_82, %dma_wait3A_273, %dma_wait3A_279] : memref<2x16x128xi32, #tpu.memory_space<vmem>> -> memref<1x1x128xi32, #tpu.memory_space<vmem>>
      %dma_wait3A_281 = tpu.memref_squeeze %dma_wait3A_280 : memref<1x1x128xi32, #tpu.memory_space<vmem>> -> memref<128xi32, #tpu.memory_space<vmem>>
      %dma_wait3A_282 = arith.constant 0 : i32
      %dma_wait3A_283 = arith.constant 0 : i32
      %dma_wait3A_284 = tpu.memref_slice %arg10[%dma_wait3A_282, %dma_wait3A_283] : memref<10240x128xf32, #tpu.memory_space<vmem_shared>> -> memref<10240x128xf32, #tpu.memory_space<vmem_shared>>
      %dma_wait3A_285 = tpu.memref_slice %arg13[%dma_wait3A_274] : memref<2x!tpu.dma_semaphore, #tpu.memory_space<semaphore_mem>> -> memref<1x!tpu.dma_semaphore, #tpu.memory_space<semaphore_mem>>
      %dma_wait3A_286 = tpu.memref_squeeze %dma_wait3A_285 : memref<1x!tpu.dma_semaphore, #tpu.memory_space<semaphore_mem>> -> memref<!tpu.dma_semaphore, #tpu.memory_space<semaphore_mem>>
      tpu.wait_indirect_dma semaphore(%dma_wait3A_286 : memref<!tpu.dma_semaphore, #tpu.memory_space<semaphore_mem>>) src(%dma_wait3A_278 : memref<128x128xf32, #tpu.memory_space<vmem>>) dst(%dma_wait3A_284 : memref<10240x128xf32, #tpu.memory_space<vmem_shared>>)
      %dma_start3A_287 = arith.constant 4 : i32
      %dma_start3A_288 = arith.constant 0 : i32
      %dma_start3A_289 = arith.constant 0 : i32
      %dma_start3A_290 = arith.constant 0 : i32
      %dma_start3A_291 = arith.constant 0 : i32
      %dma_start3A_292 = tpu.memref_slice %arg9[%dma_start3A_288, %dma_start3A_290, %dma_start3A_291] : memref<2x128x128xf32, #tpu.memory_space<vmem>> -> memref<1x128x128xf32, #tpu.memory_space<vmem>>
      %dma_start3A_293 = tpu.memref_squeeze %dma_start3A_292 : memref<1x128x128xf32, #tpu.memory_space<vmem>> -> memref<128x128xf32, #tpu.memory_space<vmem>>
      %dma_start3A_294 = arith.constant 0 : i32
      %dma_start3A_295 = tpu.memref_slice %arg7[%rem3A_82, %dma_start3A_287, %dma_start3A_294] : memref<2x16x128xi32, #tpu.memory_space<vmem>> -> memref<1x1x128xi32, #tpu.memory_space<vmem>>
      %dma_start3A_296 = tpu.memref_squeeze %dma_start3A_295 : memref<1x1x128xi32, #tpu.memory_space<vmem>> -> memref<128xi32, #tpu.memory_space<vmem>>
      %dma_start3A_297 = arith.constant 0 : i32
      %dma_start3A_298 = arith.constant 0 : i32
      %dma_start3A_299 = tpu.memref_slice %arg2[%dma_start3A_297, %dma_start3A_298] : memref<10240x128xf32, #tpu.memory_space<hbm>> -> memref<10240x128xf32, #tpu.memory_space<hbm>>
      %dma_start3A_300 = tpu.memref_slice %arg12[%dma_start3A_289] : memref<2x!tpu.dma_semaphore, #tpu.memory_space<semaphore_mem>> -> memref<1x!tpu.dma_semaphore, #tpu.memory_space<semaphore_mem>>
      %dma_start3A_301 = tpu.memref_squeeze %dma_start3A_300 : memref<1x!tpu.dma_semaphore, #tpu.memory_space<semaphore_mem>> -> memref<!tpu.dma_semaphore, #tpu.memory_space<semaphore_mem>>
      tpu.enqueue_indirect_dma source(%dma_start3A_299 : memref<10240x128xf32, #tpu.memory_space<hbm>>) target(%dma_start3A_293 : memref<128x128xf32, #tpu.memory_space<vmem>>) offsets(%dma_start3A_296 : memref<128xi32, #tpu.memory_space<vmem>>) semaphore(%dma_start3A_301 : memref<!tpu.dma_semaphore, #tpu.memory_space<semaphore_mem>>)
      %dma_wait3A_302 = arith.constant 3 : i32
      %dma_wait3A_303 = arith.constant 1 : i32
      %dma_wait3A_304 = arith.constant 1 : i32
      %dma_wait3A_305 = arith.constant 0 : i32
      %dma_wait3A_306 = arith.constant 0 : i32
      %dma_wait3A_307 = tpu.memref_slice %arg9[%dma_wait3A_303, %dma_wait3A_305, %dma_wait3A_306] : memref<2x128x128xf32, #tpu.memory_space<vmem>> -> memref<1x128x128xf32, #tpu.memory_space<vmem>>
      %dma_wait3A_308 = tpu.memref_squeeze %dma_wait3A_307 : memref<1x128x128xf32, #tpu.memory_space<vmem>> -> memref<128x128xf32, #tpu.memory_space<vmem>>
      %dma_wait3A_309 = arith.constant 0 : i32
      %dma_wait3A_310 = tpu.memref_slice %arg7[%rem3A_82, %dma_wait3A_302, %dma_wait3A_309] : memref<2x16x128xi32, #tpu.memory_space<vmem>> -> memref<1x1x128xi32, #tpu.memory_space<vmem>>
      %dma_wait3A_311 = tpu.memref_squeeze %dma_wait3A_310 : memref<1x1x128xi32, #tpu.memory_space<vmem>> -> memref<128xi32, #tpu.memory_space<vmem>>
      %dma_wait3A_312 = arith.constant 0 : i32
      %dma_wait3A_313 = arith.constant 0 : i32
      %dma_wait3A_314 = tpu.memref_slice %arg2[%dma_wait3A_312, %dma_wait3A_313] : memref<10240x128xf32, #tpu.memory_space<hbm>> -> memref<10240x128xf32, #tpu.memory_space<hbm>>
      %dma_wait3A_315 = tpu.memref_slice %arg12[%dma_wait3A_304] : memref<2x!tpu.dma_semaphore, #tpu.memory_space<semaphore_mem>> -> memref<1x!tpu.dma_semaphore, #tpu.memory_space<semaphore_mem>>
      %dma_wait3A_316 = tpu.memref_squeeze %dma_wait3A_315 : memref<1x!tpu.dma_semaphore, #tpu.memory_space<semaphore_mem>> -> memref<!tpu.dma_semaphore, #tpu.memory_space<semaphore_mem>>
      tpu.wait_indirect_dma semaphore(%dma_wait3A_316 : memref<!tpu.dma_semaphore, #tpu.memory_space<semaphore_mem>>) src(%dma_wait3A_314 : memref<10240x128xf32, #tpu.memory_space<hbm>>) dst(%dma_wait3A_308 : memref<128x128xf32, #tpu.memory_space<vmem>>)
      %dma_start3A_317 = arith.constant 1 : i32
      %dma_start3A_318 = arith.constant 3 : i32
      %dma_start3A_319 = arith.constant 1 : i32
      %dma_start3A_320 = arith.constant 0 : i32
      %dma_start3A_321 = arith.constant 0 : i32
      %dma_start3A_322 = tpu.memref_slice %arg9[%dma_start3A_317, %dma_start3A_320, %dma_start3A_321] : memref<2x128x128xf32, #tpu.memory_space<vmem>> -> memref<1x128x128xf32, #tpu.memory_space<vmem>>
      %dma_start3A_323 = tpu.memref_squeeze %dma_start3A_322 : memref<1x128x128xf32, #tpu.memory_space<vmem>> -> memref<128x128xf32, #tpu.memory_space<vmem>>
      %dma_start3A_324 = arith.constant 0 : i32
      %dma_start3A_325 = tpu.memref_slice %arg8[%rem3A_82, %dma_start3A_318, %dma_start3A_324] : memref<2x16x128xi32, #tpu.memory_space<vmem>> -> memref<1x1x128xi32, #tpu.memory_space<vmem>>
      %dma_start3A_326 = tpu.memref_squeeze %dma_start3A_325 : memref<1x1x128xi32, #tpu.memory_space<vmem>> -> memref<128xi32, #tpu.memory_space<vmem>>
      %dma_start3A_327 = arith.constant 0 : i32
      %dma_start3A_328 = arith.constant 0 : i32
      %dma_start3A_329 = tpu.memref_slice %arg10[%dma_start3A_327, %dma_start3A_328] : memref<10240x128xf32, #tpu.memory_space<vmem_shared>> -> memref<10240x128xf32, #tpu.memory_space<vmem_shared>>
      %dma_start3A_330 = tpu.memref_slice %arg13[%dma_start3A_319] : memref<2x!tpu.dma_semaphore, #tpu.memory_space<semaphore_mem>> -> memref<1x!tpu.dma_semaphore, #tpu.memory_space<semaphore_mem>>
      %dma_start3A_331 = tpu.memref_squeeze %dma_start3A_330 : memref<1x!tpu.dma_semaphore, #tpu.memory_space<semaphore_mem>> -> memref<!tpu.dma_semaphore, #tpu.memory_space<semaphore_mem>>
      tpu.enqueue_indirect_dma source(%dma_start3A_323 : memref<128x128xf32, #tpu.memory_space<vmem>>) target(%dma_start3A_329 : memref<10240x128xf32, #tpu.memory_space<vmem_shared>>) offsets(%dma_start3A_326 : memref<128xi32, #tpu.memory_space<vmem>>) semaphore(%dma_start3A_331 : memref<!tpu.dma_semaphore, #tpu.memory_space<semaphore_mem>>) {add = true}
      %dma_wait3A_332 = arith.constant 1 : i32
      %dma_wait3A_333 = arith.constant 3 : i32
      %dma_wait3A_334 = arith.constant 1 : i32
      %dma_wait3A_335 = arith.constant 0 : i32
      %dma_wait3A_336 = arith.constant 0 : i32
      %dma_wait3A_337 = tpu.memref_slice %arg9[%dma_wait3A_332, %dma_wait3A_335, %dma_wait3A_336] : memref<2x128x128xf32, #tpu.memory_space<vmem>> -> memref<1x128x128xf32, #tpu.memory_space<vmem>>
      %dma_wait3A_338 = tpu.memref_squeeze %dma_wait3A_337 : memref<1x128x128xf32, #tpu.memory_space<vmem>> -> memref<128x128xf32, #tpu.memory_space<vmem>>
      %dma_wait3A_339 = arith.constant 0 : i32
      %dma_wait3A_340 = tpu.memref_slice %arg8[%rem3A_82, %dma_wait3A_333, %dma_wait3A_339] : memref<2x16x128xi32, #tpu.memory_space<vmem>> -> memref<1x1x128xi32, #tpu.memory_space<vmem>>
      %dma_wait3A_341 = tpu.memref_squeeze %dma_wait3A_340 : memref<1x1x128xi32, #tpu.memory_space<vmem>> -> memref<128xi32, #tpu.memory_space<vmem>>
      %dma_wait3A_342 = arith.constant 0 : i32
      %dma_wait3A_343 = arith.constant 0 : i32
      %dma_wait3A_344 = tpu.memref_slice %arg10[%dma_wait3A_342, %dma_wait3A_343] : memref<10240x128xf32, #tpu.memory_space<vmem_shared>> -> memref<10240x128xf32, #tpu.memory_space<vmem_shared>>
      %dma_wait3A_345 = tpu.memref_slice %arg13[%dma_wait3A_334] : memref<2x!tpu.dma_semaphore, #tpu.memory_space<semaphore_mem>> -> memref<1x!tpu.dma_semaphore, #tpu.memory_space<semaphore_mem>>
      %dma_wait3A_346 = tpu.memref_squeeze %dma_wait3A_345 : memref<1x!tpu.dma_semaphore, #tpu.memory_space<semaphore_mem>> -> memref<!tpu.dma_semaphore, #tpu.memory_space<semaphore_mem>>
      tpu.wait_indirect_dma semaphore(%dma_wait3A_346 : memref<!tpu.dma_semaphore, #tpu.memory_space<semaphore_mem>>) src(%dma_wait3A_338 : memref<128x128xf32, #tpu.memory_space<vmem>>) dst(%dma_wait3A_344 : memref<10240x128xf32, #tpu.memory_space<vmem_shared>>)
      %dma_start3A_347 = arith.constant 5 : i32
      %dma_start3A_348 = arith.constant 1 : i32
      %dma_start3A_349 = arith.constant 1 : i32
      %dma_start3A_350 = arith.constant 0 : i32
      %dma_start3A_351 = arith.constant 0 : i32
      %dma_start3A_352 = tpu.memref_slice %arg9[%dma_start3A_348, %dma_start3A_350, %dma_start3A_351] : memref<2x128x128xf32, #tpu.memory_space<vmem>> -> memref<1x128x128xf32, #tpu.memory_space<vmem>>
      %dma_start3A_353 = tpu.memref_squeeze %dma_start3A_352 : memref<1x128x128xf32, #tpu.memory_space<vmem>> -> memref<128x128xf32, #tpu.memory_space<vmem>>
      %dma_start3A_354 = arith.constant 0 : i32
      %dma_start3A_355 = tpu.memref_slice %arg7[%rem3A_82, %dma_start3A_347, %dma_start3A_354] : memref<2x16x128xi32, #tpu.memory_space<vmem>> -> memref<1x1x128xi32, #tpu.memory_space<vmem>>
      %dma_start3A_356 = tpu.memref_squeeze %dma_start3A_355 : memref<1x1x128xi32, #tpu.memory_space<vmem>> -> memref<128xi32, #tpu.memory_space<vmem>>
      %dma_start3A_357 = arith.constant 0 : i32
      %dma_start3A_358 = arith.constant 0 : i32
      %dma_start3A_359 = tpu.memref_slice %arg2[%dma_start3A_357, %dma_start3A_358] : memref<10240x128xf32, #tpu.memory_space<hbm>> -> memref<10240x128xf32, #tpu.memory_space<hbm>>
      %dma_start3A_360 = tpu.memref_slice %arg12[%dma_start3A_349] : memref<2x!tpu.dma_semaphore, #tpu.memory_space<semaphore_mem>> -> memref<1x!tpu.dma_semaphore, #tpu.memory_space<semaphore_mem>>
      %dma_start3A_361 = tpu.memref_squeeze %dma_start3A_360 : memref<1x!tpu.dma_semaphore, #tpu.memory_space<semaphore_mem>> -> memref<!tpu.dma_semaphore, #tpu.memory_space<semaphore_mem>>
      tpu.enqueue_indirect_dma source(%dma_start3A_359 : memref<10240x128xf32, #tpu.memory_space<hbm>>) target(%dma_start3A_353 : memref<128x128xf32, #tpu.memory_space<vmem>>) offsets(%dma_start3A_356 : memref<128xi32, #tpu.memory_space<vmem>>) semaphore(%dma_start3A_361 : memref<!tpu.dma_semaphore, #tpu.memory_space<semaphore_mem>>)
      %dma_wait3A_362 = arith.constant 4 : i32
      %dma_wait3A_363 = arith.constant 0 : i32
      %dma_wait3A_364 = arith.constant 0 : i32
      %dma_wait3A_365 = arith.constant 0 : i32
      %dma_wait3A_366 = arith.constant 0 : i32
      %dma_wait3A_367 = tpu.memref_slice %arg9[%dma_wait3A_363, %dma_wait3A_365, %dma_wait3A_366] : memref<2x128x128xf32, #tpu.memory_space<vmem>> -> memref<1x128x128xf32, #tpu.memory_space<vmem>>
      %dma_wait3A_368 = tpu.memref_squeeze %dma_wait3A_367 : memref<1x128x128xf32, #tpu.memory_space<vmem>> -> memref<128x128xf32, #tpu.memory_space<vmem>>
      %dma_wait3A_369 = arith.constant 0 : i32
      %dma_wait3A_370 = tpu.memref_slice %arg7[%rem3A_82, %dma_wait3A_362, %dma_wait3A_369] : memref<2x16x128xi32, #tpu.memory_space<vmem>> -> memref<1x1x128xi32, #tpu.memory_space<vmem>>
      %dma_wait3A_371 = tpu.memref_squeeze %dma_wait3A_370 : memref<1x1x128xi32, #tpu.memory_space<vmem>> -> memref<128xi32, #tpu.memory_space<vmem>>
      %dma_wait3A_372 = arith.constant 0 : i32
      %dma_wait3A_373 = arith.constant 0 : i32
      %dma_wait3A_374 = tpu.memref_slice %arg2[%dma_wait3A_372, %dma_wait3A_373] : memref<10240x128xf32, #tpu.memory_space<hbm>> -> memref<10240x128xf32, #tpu.memory_space<hbm>>
      %dma_wait3A_375 = tpu.memref_slice %arg12[%dma_wait3A_364] : memref<2x!tpu.dma_semaphore, #tpu.memory_space<semaphore_mem>> -> memref<1x!tpu.dma_semaphore, #tpu.memory_space<semaphore_mem>>
      %dma_wait3A_376 = tpu.memref_squeeze %dma_wait3A_375 : memref<1x!tpu.dma_semaphore, #tpu.memory_space<semaphore_mem>> -> memref<!tpu.dma_semaphore, #tpu.memory_space<semaphore_mem>>
      tpu.wait_indirect_dma semaphore(%dma_wait3A_376 : memref<!tpu.dma_semaphore, #tpu.memory_space<semaphore_mem>>) src(%dma_wait3A_374 : memref<10240x128xf32, #tpu.memory_space<hbm>>) dst(%dma_wait3A_368 : memref<128x128xf32, #tpu.memory_space<vmem>>)
      %dma_start3A_377 = arith.constant 0 : i32
      %dma_start3A_378 = arith.constant 4 : i32
      %dma_start3A_379 = arith.constant 0 : i32
      %dma_start3A_380 = arith.constant 0 : i32
      %dma_start3A_381 = arith.constant 0 : i32
      %dma_start3A_382 = tpu.memref_slice %arg9[%dma_start3A_377, %dma_start3A_380, %dma_start3A_381] : memref<2x128x128xf32, #tpu.memory_space<vmem>> -> memref<1x128x128xf32, #tpu.memory_space<vmem>>
      %dma_start3A_383 = tpu.memref_squeeze %dma_start3A_382 : memref<1x128x128xf32, #tpu.memory_space<vmem>> -> memref<128x128xf32, #tpu.memory_space<vmem>>
      %dma_start3A_384 = arith.constant 0 : i32
      %dma_start3A_385 = tpu.memref_slice %arg8[%rem3A_82, %dma_start3A_378, %dma_start3A_384] : memref<2x16x128xi32, #tpu.memory_space<vmem>> -> memref<1x1x128xi32, #tpu.memory_space<vmem>>
      %dma_start3A_386 = tpu.memref_squeeze %dma_start3A_385 : memref<1x1x128xi32, #tpu.memory_space<vmem>> -> memref<128xi32, #tpu.memory_space<vmem>>
      %dma_start3A_387 = arith.constant 0 : i32
      %dma_start3A_388 = arith.constant 0 : i32
      %dma_start3A_389 = tpu.memref_slice %arg10[%dma_start3A_387, %dma_start3A_388] : memref<10240x128xf32, #tpu.memory_space<vmem_shared>> -> memref<10240x128xf32, #tpu.memory_space<vmem_shared>>
      %dma_start3A_390 = tpu.memref_slice %arg13[%dma_start3A_379] : memref<2x!tpu.dma_semaphore, #tpu.memory_space<semaphore_mem>> -> memref<1x!tpu.dma_semaphore, #tpu.memory_space<semaphore_mem>>
      %dma_start3A_391 = tpu.memref_squeeze %dma_start3A_390 : memref<1x!tpu.dma_semaphore, #tpu.memory_space<semaphore_mem>> -> memref<!tpu.dma_semaphore, #tpu.memory_space<semaphore_mem>>
      tpu.enqueue_indirect_dma source(%dma_start3A_383 : memref<128x128xf32, #tpu.memory_space<vmem>>) target(%dma_start3A_389 : memref<10240x128xf32, #tpu.memory_space<vmem_shared>>) offsets(%dma_start3A_386 : memref<128xi32, #tpu.memory_space<vmem>>) semaphore(%dma_start3A_391 : memref<!tpu.dma_semaphore, #tpu.memory_space<semaphore_mem>>) {add = true}
      %dma_wait3A_392 = arith.constant 0 : i32
      %dma_wait3A_393 = arith.constant 4 : i32
      %dma_wait3A_394 = arith.constant 0 : i32
      %dma_wait3A_395 = arith.constant 0 : i32
      %dma_wait3A_396 = arith.constant 0 : i32
      %dma_wait3A_397 = tpu.memref_slice %arg9[%dma_wait3A_392, %dma_wait3A_395, %dma_wait3A_396] : memref<2x128x128xf32, #tpu.memory_space<vmem>> -> memref<1x128x128xf32, #tpu.memory_space<vmem>>
      %dma_wait3A_398 = tpu.memref_squeeze %dma_wait3A_397 : memref<1x128x128xf32, #tpu.memory_space<vmem>> -> memref<128x128xf32, #tpu.memory_space<vmem>>
      %dma_wait3A_399 = arith.constant 0 : i32
      %dma_wait3A_400 = tpu.memref_slice %arg8[%rem3A_82, %dma_wait3A_393, %dma_wait3A_399] : memref<2x16x128xi32, #tpu.memory_space<vmem>> -> memref<1x1x128xi32, #tpu.memory_space<vmem>>
      %dma_wait3A_401 = tpu.memref_squeeze %dma_wait3A_400 : memref<1x1x128xi32, #tpu.memory_space<vmem>> -> memref<128xi32, #tpu.memory_space<vmem>>
      %dma_wait3A_402 = arith.constant 0 : i32
      %dma_wait3A_403 = arith.constant 0 : i32
      %dma_wait3A_404 = tpu.memref_slice %arg10[%dma_wait3A_402, %dma_wait3A_403] : memref<10240x128xf32, #tpu.memory_space<vmem_shared>> -> memref<10240x128xf32, #tpu.memory_space<vmem_shared>>
      %dma_wait3A_405 = tpu.memref_slice %arg13[%dma_wait3A_394] : memref<2x!tpu.dma_semaphore, #tpu.memory_space<semaphore_mem>> -> memref<1x!tpu.dma_semaphore, #tpu.memory_space<semaphore_mem>>
      %dma_wait3A_406 = tpu.memref_squeeze %dma_wait3A_405 : memref<1x!tpu.dma_semaphore, #tpu.memory_space<semaphore_mem>> -> memref<!tpu.dma_semaphore, #tpu.memory_space<semaphore_mem>>
      tpu.wait_indirect_dma semaphore(%dma_wait3A_406 : memref<!tpu.dma_semaphore, #tpu.memory_space<semaphore_mem>>) src(%dma_wait3A_398 : memref<128x128xf32, #tpu.memory_space<vmem>>) dst(%dma_wait3A_404 : memref<10240x128xf32, #tpu.memory_space<vmem_shared>>)
      %dma_start3A_407 = arith.constant 6 : i32
      %dma_start3A_408 = arith.constant 0 : i32
      %dma_start3A_409 = arith.constant 0 : i32
      %dma_start3A_410 = arith.constant 0 : i32
      %dma_start3A_411 = arith.constant 0 : i32
      %dma_start3A_412 = tpu.memref_slice %arg9[%dma_start3A_408, %dma_start3A_410, %dma_start3A_411] : memref<2x128x128xf32, #tpu.memory_space<vmem>> -> memref<1x128x128xf32, #tpu.memory_space<vmem>>
      %dma_start3A_413 = tpu.memref_squeeze %dma_start3A_412 : memref<1x128x128xf32, #tpu.memory_space<vmem>> -> memref<128x128xf32, #tpu.memory_space<vmem>>
      %dma_start3A_414 = arith.constant 0 : i32
      %dma_start3A_415 = tpu.memref_slice %arg7[%rem3A_82, %dma_start3A_407, %dma_start3A_414] : memref<2x16x128xi32, #tpu.memory_space<vmem>> -> memref<1x1x128xi32, #tpu.memory_space<vmem>>
      %dma_start3A_416 = tpu.memref_squeeze %dma_start3A_415 : memref<1x1x128xi32, #tpu.memory_space<vmem>> -> memref<128xi32, #tpu.memory_space<vmem>>
      %dma_start3A_417 = arith.constant 0 : i32
      %dma_start3A_418 = arith.constant 0 : i32
      %dma_start3A_419 = tpu.memref_slice %arg2[%dma_start3A_417, %dma_start3A_418] : memref<10240x128xf32, #tpu.memory_space<hbm>> -> memref<10240x128xf32, #tpu.memory_space<hbm>>
      %dma_start3A_420 = tpu.memref_slice %arg12[%dma_start3A_409] : memref<2x!tpu.dma_semaphore, #tpu.memory_space<semaphore_mem>> -> memref<1x!tpu.dma_semaphore, #tpu.memory_space<semaphore_mem>>
      %dma_start3A_421 = tpu.memref_squeeze %dma_start3A_420 : memref<1x!tpu.dma_semaphore, #tpu.memory_space<semaphore_mem>> -> memref<!tpu.dma_semaphore, #tpu.memory_space<semaphore_mem>>
      tpu.enqueue_indirect_dma source(%dma_start3A_419 : memref<10240x128xf32, #tpu.memory_space<hbm>>) target(%dma_start3A_413 : memref<128x128xf32, #tpu.memory_space<vmem>>) offsets(%dma_start3A_416 : memref<128xi32, #tpu.memory_space<vmem>>) semaphore(%dma_start3A_421 : memref<!tpu.dma_semaphore, #tpu.memory_space<semaphore_mem>>)
      %dma_wait3A_422 = arith.constant 5 : i32
      %dma_wait3A_423 = arith.constant 1 : i32
      %dma_wait3A_424 = arith.constant 1 : i32
      %dma_wait3A_425 = arith.constant 0 : i32
      %dma_wait3A_426 = arith.constant 0 : i32
      %dma_wait3A_427 = tpu.memref_slice %arg9[%dma_wait3A_423, %dma_wait3A_425, %dma_wait3A_426] : memref<2x128x128xf32, #tpu.memory_space<vmem>> -> memref<1x128x128xf32, #tpu.memory_space<vmem>>
      %dma_wait3A_428 = tpu.memref_squeeze %dma_wait3A_427 : memref<1x128x128xf32, #tpu.memory_space<vmem>> -> memref<128x128xf32, #tpu.memory_space<vmem>>
      %dma_wait3A_429 = arith.constant 0 : i32
      %dma_wait3A_430 = tpu.memref_slice %arg7[%rem3A_82, %dma_wait3A_422, %dma_wait3A_429] : memref<2x16x128xi32, #tpu.memory_space<vmem>> -> memref<1x1x128xi32, #tpu.memory_space<vmem>>
      %dma_wait3A_431 = tpu.memref_squeeze %dma_wait3A_430 : memref<1x1x128xi32, #tpu.memory_space<vmem>> -> memref<128xi32, #tpu.memory_space<vmem>>
      %dma_wait3A_432 = arith.constant 0 : i32
      %dma_wait3A_433 = arith.constant 0 : i32
      %dma_wait3A_434 = tpu.memref_slice %arg2[%dma_wait3A_432, %dma_wait3A_433] : memref<10240x128xf32, #tpu.memory_space<hbm>> -> memref<10240x128xf32, #tpu.memory_space<hbm>>
      %dma_wait3A_435 = tpu.memref_slice %arg12[%dma_wait3A_424] : memref<2x!tpu.dma_semaphore, #tpu.memory_space<semaphore_mem>> -> memref<1x!tpu.dma_semaphore, #tpu.memory_space<semaphore_mem>>
      %dma_wait3A_436 = tpu.memref_squeeze %dma_wait3A_435 : memref<1x!tpu.dma_semaphore, #tpu.memory_space<semaphore_mem>> -> memref<!tpu.dma_semaphore, #tpu.memory_space<semaphore_mem>>
      tpu.wait_indirect_dma semaphore(%dma_wait3A_436 : memref<!tpu.dma_semaphore, #tpu.memory_space<semaphore_mem>>) src(%dma_wait3A_434 : memref<10240x128xf32, #tpu.memory_space<hbm>>) dst(%dma_wait3A_428 : memref<128x128xf32, #tpu.memory_space<vmem>>)
      %dma_start3A_437 = arith.constant 1 : i32
      %dma_start3A_438 = arith.constant 5 : i32
      %dma_start3A_439 = arith.constant 1 : i32
      %dma_start3A_440 = arith.constant 0 : i32
      %dma_start3A_441 = arith.constant 0 : i32
      %dma_start3A_442 = tpu.memref_slice %arg9[%dma_start3A_437, %dma_start3A_440, %dma_start3A_441] : memref<2x128x128xf32, #tpu.memory_space<vmem>> -> memref<1x128x128xf32, #tpu.memory_space<vmem>>
      %dma_start3A_443 = tpu.memref_squeeze %dma_start3A_442 : memref<1x128x128xf32, #tpu.memory_space<vmem>> -> memref<128x128xf32, #tpu.memory_space<vmem>>
      %dma_start3A_444 = arith.constant 0 : i32
      %dma_start3A_445 = tpu.memref_slice %arg8[%rem3A_82, %dma_start3A_438, %dma_start3A_444] : memref<2x16x128xi32, #tpu.memory_space<vmem>> -> memref<1x1x128xi32, #tpu.memory_space<vmem>>
      %dma_start3A_446 = tpu.memref_squeeze %dma_start3A_445 : memref<1x1x128xi32, #tpu.memory_space<vmem>> -> memref<128xi32, #tpu.memory_space<vmem>>
      %dma_start3A_447 = arith.constant 0 : i32
      %dma_start3A_448 = arith.constant 0 : i32
      %dma_start3A_449 = tpu.memref_slice %arg10[%dma_start3A_447, %dma_start3A_448] : memref<10240x128xf32, #tpu.memory_space<vmem_shared>> -> memref<10240x128xf32, #tpu.memory_space<vmem_shared>>
      %dma_start3A_450 = tpu.memref_slice %arg13[%dma_start3A_439] : memref<2x!tpu.dma_semaphore, #tpu.memory_space<semaphore_mem>> -> memref<1x!tpu.dma_semaphore, #tpu.memory_space<semaphore_mem>>
      %dma_start3A_451 = tpu.memref_squeeze %dma_start3A_450 : memref<1x!tpu.dma_semaphore, #tpu.memory_space<semaphore_mem>> -> memref<!tpu.dma_semaphore, #tpu.memory_space<semaphore_mem>>
      tpu.enqueue_indirect_dma source(%dma_start3A_443 : memref<128x128xf32, #tpu.memory_space<vmem>>) target(%dma_start3A_449 : memref<10240x128xf32, #tpu.memory_space<vmem_shared>>) offsets(%dma_start3A_446 : memref<128xi32, #tpu.memory_space<vmem>>) semaphore(%dma_start3A_451 : memref<!tpu.dma_semaphore, #tpu.memory_space<semaphore_mem>>) {add = true}
      %dma_wait3A_452 = arith.constant 1 : i32
      %dma_wait3A_453 = arith.constant 5 : i32
      %dma_wait3A_454 = arith.constant 1 : i32
      %dma_wait3A_455 = arith.constant 0 : i32
      %dma_wait3A_456 = arith.constant 0 : i32
      %dma_wait3A_457 = tpu.memref_slice %arg9[%dma_wait3A_452, %dma_wait3A_455, %dma_wait3A_456] : memref<2x128x128xf32, #tpu.memory_space<vmem>> -> memref<1x128x128xf32, #tpu.memory_space<vmem>>
      %dma_wait3A_458 = tpu.memref_squeeze %dma_wait3A_457 : memref<1x128x128xf32, #tpu.memory_space<vmem>> -> memref<128x128xf32, #tpu.memory_space<vmem>>
      %dma_wait3A_459 = arith.constant 0 : i32
      %dma_wait3A_460 = tpu.memref_slice %arg8[%rem3A_82, %dma_wait3A_453, %dma_wait3A_459] : memref<2x16x128xi32, #tpu.memory_space<vmem>> -> memref<1x1x128xi32, #tpu.memory_space<vmem>>
      %dma_wait3A_461 = tpu.memref_squeeze %dma_wait3A_460 : memref<1x1x128xi32, #tpu.memory_space<vmem>> -> memref<128xi32, #tpu.memory_space<vmem>>
      %dma_wait3A_462 = arith.constant 0 : i32
      %dma_wait3A_463 = arith.constant 0 : i32
      %dma_wait3A_464 = tpu.memref_slice %arg10[%dma_wait3A_462, %dma_wait3A_463] : memref<10240x128xf32, #tpu.memory_space<vmem_shared>> -> memref<10240x128xf32, #tpu.memory_space<vmem_shared>>
      %dma_wait3A_465 = tpu.memref_slice %arg13[%dma_wait3A_454] : memref<2x!tpu.dma_semaphore, #tpu.memory_space<semaphore_mem>> -> memref<1x!tpu.dma_semaphore, #tpu.memory_space<semaphore_mem>>
      %dma_wait3A_466 = tpu.memref_squeeze %dma_wait3A_465 : memref<1x!tpu.dma_semaphore, #tpu.memory_space<semaphore_mem>> -> memref<!tpu.dma_semaphore, #tpu.memory_space<semaphore_mem>>
      tpu.wait_indirect_dma semaphore(%dma_wait3A_466 : memref<!tpu.dma_semaphore, #tpu.memory_space<semaphore_mem>>) src(%dma_wait3A_458 : memref<128x128xf32, #tpu.memory_space<vmem>>) dst(%dma_wait3A_464 : memref<10240x128xf32, #tpu.memory_space<vmem_shared>>)
      %dma_start3A_467 = arith.constant 7 : i32
      %dma_start3A_468 = arith.constant 1 : i32
      %dma_start3A_469 = arith.constant 1 : i32
      %dma_start3A_470 = arith.constant 0 : i32
      %dma_start3A_471 = arith.constant 0 : i32
      %dma_start3A_472 = tpu.memref_slice %arg9[%dma_start3A_468, %dma_start3A_470, %dma_start3A_471] : memref<2x128x128xf32, #tpu.memory_space<vmem>> -> memref<1x128x128xf32, #tpu.memory_space<vmem>>
      %dma_start3A_473 = tpu.memref_squeeze %dma_start3A_472 : memref<1x128x128xf32, #tpu.memory_space<vmem>> -> memref<128x128xf32, #tpu.memory_space<vmem>>
      %dma_start3A_474 = arith.constant 0 : i32
      %dma_start3A_475 = tpu.memref_slice %arg7[%rem3A_82, %dma_start3A_467, %dma_start3A_474] : memref<2x16x128xi32, #tpu.memory_space<vmem>> -> memref<1x1x128xi32, #tpu.memory_space<vmem>>
      %dma_start3A_476 = tpu.memref_squeeze %dma_start3A_475 : memref<1x1x128xi32, #tpu.memory_space<vmem>> -> memref<128xi32, #tpu.memory_space<vmem>>
      %dma_start3A_477 = arith.constant 0 : i32
      %dma_start3A_478 = arith.constant 0 : i32
      %dma_start3A_479 = tpu.memref_slice %arg2[%dma_start3A_477, %dma_start3A_478] : memref<10240x128xf32, #tpu.memory_space<hbm>> -> memref<10240x128xf32, #tpu.memory_space<hbm>>
      %dma_start3A_480 = tpu.memref_slice %arg12[%dma_start3A_469] : memref<2x!tpu.dma_semaphore, #tpu.memory_space<semaphore_mem>> -> memref<1x!tpu.dma_semaphore, #tpu.memory_space<semaphore_mem>>
      %dma_start3A_481 = tpu.memref_squeeze %dma_start3A_480 : memref<1x!tpu.dma_semaphore, #tpu.memory_space<semaphore_mem>> -> memref<!tpu.dma_semaphore, #tpu.memory_space<semaphore_mem>>
      tpu.enqueue_indirect_dma source(%dma_start3A_479 : memref<10240x128xf32, #tpu.memory_space<hbm>>) target(%dma_start3A_473 : memref<128x128xf32, #tpu.memory_space<vmem>>) offsets(%dma_start3A_476 : memref<128xi32, #tpu.memory_space<vmem>>) semaphore(%dma_start3A_481 : memref<!tpu.dma_semaphore, #tpu.memory_space<semaphore_mem>>)
      %dma_wait3A_482 = arith.constant 6 : i32
      %dma_wait3A_483 = arith.constant 0 : i32
      %dma_wait3A_484 = arith.constant 0 : i32
      %dma_wait3A_485 = arith.constant 0 : i32
      %dma_wait3A_486 = arith.constant 0 : i32
      %dma_wait3A_487 = tpu.memref_slice %arg9[%dma_wait3A_483, %dma_wait3A_485, %dma_wait3A_486] : memref<2x128x128xf32, #tpu.memory_space<vmem>> -> memref<1x128x128xf32, #tpu.memory_space<vmem>>
      %dma_wait3A_488 = tpu.memref_squeeze %dma_wait3A_487 : memref<1x128x128xf32, #tpu.memory_space<vmem>> -> memref<128x128xf32, #tpu.memory_space<vmem>>
      %dma_wait3A_489 = arith.constant 0 : i32
      %dma_wait3A_490 = tpu.memref_slice %arg7[%rem3A_82, %dma_wait3A_482, %dma_wait3A_489] : memref<2x16x128xi32, #tpu.memory_space<vmem>> -> memref<1x1x128xi32, #tpu.memory_space<vmem>>
      %dma_wait3A_491 = tpu.memref_squeeze %dma_wait3A_490 : memref<1x1x128xi32, #tpu.memory_space<vmem>> -> memref<128xi32, #tpu.memory_space<vmem>>
      %dma_wait3A_492 = arith.constant 0 : i32
      %dma_wait3A_493 = arith.constant 0 : i32
      %dma_wait3A_494 = tpu.memref_slice %arg2[%dma_wait3A_492, %dma_wait3A_493] : memref<10240x128xf32, #tpu.memory_space<hbm>> -> memref<10240x128xf32, #tpu.memory_space<hbm>>
      %dma_wait3A_495 = tpu.memref_slice %arg12[%dma_wait3A_484] : memref<2x!tpu.dma_semaphore, #tpu.memory_space<semaphore_mem>> -> memref<1x!tpu.dma_semaphore, #tpu.memory_space<semaphore_mem>>
      %dma_wait3A_496 = tpu.memref_squeeze %dma_wait3A_495 : memref<1x!tpu.dma_semaphore, #tpu.memory_space<semaphore_mem>> -> memref<!tpu.dma_semaphore, #tpu.memory_space<semaphore_mem>>
      tpu.wait_indirect_dma semaphore(%dma_wait3A_496 : memref<!tpu.dma_semaphore, #tpu.memory_space<semaphore_mem>>) src(%dma_wait3A_494 : memref<10240x128xf32, #tpu.memory_space<hbm>>) dst(%dma_wait3A_488 : memref<128x128xf32, #tpu.memory_space<vmem>>)
      %dma_start3A_497 = arith.constant 0 : i32
      %dma_start3A_498 = arith.constant 6 : i32
      %dma_start3A_499 = arith.constant 0 : i32
      %dma_start3A_500 = arith.constant 0 : i32
      %dma_start3A_501 = arith.constant 0 : i32
      %dma_start3A_502 = tpu.memref_slice %arg9[%dma_start3A_497, %dma_start3A_500, %dma_start3A_501] : memref<2x128x128xf32, #tpu.memory_space<vmem>> -> memref<1x128x128xf32, #tpu.memory_space<vmem>>
      %dma_start3A_503 = tpu.memref_squeeze %dma_start3A_502 : memref<1x128x128xf32, #tpu.memory_space<vmem>> -> memref<128x128xf32, #tpu.memory_space<vmem>>
      %dma_start3A_504 = arith.constant 0 : i32
      %dma_start3A_505 = tpu.memref_slice %arg8[%rem3A_82, %dma_start3A_498, %dma_start3A_504] : memref<2x16x128xi32, #tpu.memory_space<vmem>> -> memref<1x1x128xi32, #tpu.memory_space<vmem>>
      %dma_start3A_506 = tpu.memref_squeeze %dma_start3A_505 : memref<1x1x128xi32, #tpu.memory_space<vmem>> -> memref<128xi32, #tpu.memory_space<vmem>>
      %dma_start3A_507 = arith.constant 0 : i32
      %dma_start3A_508 = arith.constant 0 : i32
      %dma_start3A_509 = tpu.memref_slice %arg10[%dma_start3A_507, %dma_start3A_508] : memref<10240x128xf32, #tpu.memory_space<vmem_shared>> -> memref<10240x128xf32, #tpu.memory_space<vmem_shared>>
      %dma_start3A_510 = tpu.memref_slice %arg13[%dma_start3A_499] : memref<2x!tpu.dma_semaphore, #tpu.memory_space<semaphore_mem>> -> memref<1x!tpu.dma_semaphore, #tpu.memory_space<semaphore_mem>>
      %dma_start3A_511 = tpu.memref_squeeze %dma_start3A_510 : memref<1x!tpu.dma_semaphore, #tpu.memory_space<semaphore_mem>> -> memref<!tpu.dma_semaphore, #tpu.memory_space<semaphore_mem>>
      tpu.enqueue_indirect_dma source(%dma_start3A_503 : memref<128x128xf32, #tpu.memory_space<vmem>>) target(%dma_start3A_509 : memref<10240x128xf32, #tpu.memory_space<vmem_shared>>) offsets(%dma_start3A_506 : memref<128xi32, #tpu.memory_space<vmem>>) semaphore(%dma_start3A_511 : memref<!tpu.dma_semaphore, #tpu.memory_space<semaphore_mem>>) {add = true}
      %dma_wait3A_512 = arith.constant 0 : i32
      %dma_wait3A_513 = arith.constant 6 : i32
      %dma_wait3A_514 = arith.constant 0 : i32
      %dma_wait3A_515 = arith.constant 0 : i32
      %dma_wait3A_516 = arith.constant 0 : i32
      %dma_wait3A_517 = tpu.memref_slice %arg9[%dma_wait3A_512, %dma_wait3A_515, %dma_wait3A_516] : memref<2x128x128xf32, #tpu.memory_space<vmem>> -> memref<1x128x128xf32, #tpu.memory_space<vmem>>
      %dma_wait3A_518 = tpu.memref_squeeze %dma_wait3A_517 : memref<1x128x128xf32, #tpu.memory_space<vmem>> -> memref<128x128xf32, #tpu.memory_space<vmem>>
      %dma_wait3A_519 = arith.constant 0 : i32
      %dma_wait3A_520 = tpu.memref_slice %arg8[%rem3A_82, %dma_wait3A_513, %dma_wait3A_519] : memref<2x16x128xi32, #tpu.memory_space<vmem>> -> memref<1x1x128xi32, #tpu.memory_space<vmem>>
      %dma_wait3A_521 = tpu.memref_squeeze %dma_wait3A_520 : memref<1x1x128xi32, #tpu.memory_space<vmem>> -> memref<128xi32, #tpu.memory_space<vmem>>
      %dma_wait3A_522 = arith.constant 0 : i32
      %dma_wait3A_523 = arith.constant 0 : i32
      %dma_wait3A_524 = tpu.memref_slice %arg10[%dma_wait3A_522, %dma_wait3A_523] : memref<10240x128xf32, #tpu.memory_space<vmem_shared>> -> memref<10240x128xf32, #tpu.memory_space<vmem_shared>>
      %dma_wait3A_525 = tpu.memref_slice %arg13[%dma_wait3A_514] : memref<2x!tpu.dma_semaphore, #tpu.memory_space<semaphore_mem>> -> memref<1x!tpu.dma_semaphore, #tpu.memory_space<semaphore_mem>>
      %dma_wait3A_526 = tpu.memref_squeeze %dma_wait3A_525 : memref<1x!tpu.dma_semaphore, #tpu.memory_space<semaphore_mem>> -> memref<!tpu.dma_semaphore, #tpu.memory_space<semaphore_mem>>
      tpu.wait_indirect_dma semaphore(%dma_wait3A_526 : memref<!tpu.dma_semaphore, #tpu.memory_space<semaphore_mem>>) src(%dma_wait3A_518 : memref<128x128xf32, #tpu.memory_space<vmem>>) dst(%dma_wait3A_524 : memref<10240x128xf32, #tpu.memory_space<vmem_shared>>)
      %dma_start3A_527 = arith.constant 8 : i32
      %dma_start3A_528 = arith.constant 0 : i32
      %dma_start3A_529 = arith.constant 0 : i32
      %dma_start3A_530 = arith.constant 0 : i32
      %dma_start3A_531 = arith.constant 0 : i32
      %dma_start3A_532 = tpu.memref_slice %arg9[%dma_start3A_528, %dma_start3A_530, %dma_start3A_531] : memref<2x128x128xf32, #tpu.memory_space<vmem>> -> memref<1x128x128xf32, #tpu.memory_space<vmem>>
      %dma_start3A_533 = tpu.memref_squeeze %dma_start3A_532 : memref<1x128x128xf32, #tpu.memory_space<vmem>> -> memref<128x128xf32, #tpu.memory_space<vmem>>
      %dma_start3A_534 = arith.constant 0 : i32
      %dma_start3A_535 = tpu.memref_slice %arg7[%rem3A_82, %dma_start3A_527, %dma_start3A_534] : memref<2x16x128xi32, #tpu.memory_space<vmem>> -> memref<1x1x128xi32, #tpu.memory_space<vmem>>
      %dma_start3A_536 = tpu.memref_squeeze %dma_start3A_535 : memref<1x1x128xi32, #tpu.memory_space<vmem>> -> memref<128xi32, #tpu.memory_space<vmem>>
      %dma_start3A_537 = arith.constant 0 : i32
      %dma_start3A_538 = arith.constant 0 : i32
      %dma_start3A_539 = tpu.memref_slice %arg2[%dma_start3A_537, %dma_start3A_538] : memref<10240x128xf32, #tpu.memory_space<hbm>> -> memref<10240x128xf32, #tpu.memory_space<hbm>>
      %dma_start3A_540 = tpu.memref_slice %arg12[%dma_start3A_529] : memref<2x!tpu.dma_semaphore, #tpu.memory_space<semaphore_mem>> -> memref<1x!tpu.dma_semaphore, #tpu.memory_space<semaphore_mem>>
      %dma_start3A_541 = tpu.memref_squeeze %dma_start3A_540 : memref<1x!tpu.dma_semaphore, #tpu.memory_space<semaphore_mem>> -> memref<!tpu.dma_semaphore, #tpu.memory_space<semaphore_mem>>
      tpu.enqueue_indirect_dma source(%dma_start3A_539 : memref<10240x128xf32, #tpu.memory_space<hbm>>) target(%dma_start3A_533 : memref<128x128xf32, #tpu.memory_space<vmem>>) offsets(%dma_start3A_536 : memref<128xi32, #tpu.memory_space<vmem>>) semaphore(%dma_start3A_541 : memref<!tpu.dma_semaphore, #tpu.memory_space<semaphore_mem>>)
      %dma_wait3A_542 = arith.constant 7 : i32
      %dma_wait3A_543 = arith.constant 1 : i32
      %dma_wait3A_544 = arith.constant 1 : i32
      %dma_wait3A_545 = arith.constant 0 : i32
      %dma_wait3A_546 = arith.constant 0 : i32
      %dma_wait3A_547 = tpu.memref_slice %arg9[%dma_wait3A_543, %dma_wait3A_545, %dma_wait3A_546] : memref<2x128x128xf32, #tpu.memory_space<vmem>> -> memref<1x128x128xf32, #tpu.memory_space<vmem>>
      %dma_wait3A_548 = tpu.memref_squeeze %dma_wait3A_547 : memref<1x128x128xf32, #tpu.memory_space<vmem>> -> memref<128x128xf32, #tpu.memory_space<vmem>>
      %dma_wait3A_549 = arith.constant 0 : i32
      %dma_wait3A_550 = tpu.memref_slice %arg7[%rem3A_82, %dma_wait3A_542, %dma_wait3A_549] : memref<2x16x128xi32, #tpu.memory_space<vmem>> -> memref<1x1x128xi32, #tpu.memory_space<vmem>>
      %dma_wait3A_551 = tpu.memref_squeeze %dma_wait3A_550 : memref<1x1x128xi32, #tpu.memory_space<vmem>> -> memref<128xi32, #tpu.memory_space<vmem>>
      %dma_wait3A_552 = arith.constant 0 : i32
      %dma_wait3A_553 = arith.constant 0 : i32
      %dma_wait3A_554 = tpu.memref_slice %arg2[%dma_wait3A_552, %dma_wait3A_553] : memref<10240x128xf32, #tpu.memory_space<hbm>> -> memref<10240x128xf32, #tpu.memory_space<hbm>>
      %dma_wait3A_555 = tpu.memref_slice %arg12[%dma_wait3A_544] : memref<2x!tpu.dma_semaphore, #tpu.memory_space<semaphore_mem>> -> memref<1x!tpu.dma_semaphore, #tpu.memory_space<semaphore_mem>>
      %dma_wait3A_556 = tpu.memref_squeeze %dma_wait3A_555 : memref<1x!tpu.dma_semaphore, #tpu.memory_space<semaphore_mem>> -> memref<!tpu.dma_semaphore, #tpu.memory_space<semaphore_mem>>
      tpu.wait_indirect_dma semaphore(%dma_wait3A_556 : memref<!tpu.dma_semaphore, #tpu.memory_space<semaphore_mem>>) src(%dma_wait3A_554 : memref<10240x128xf32, #tpu.memory_space<hbm>>) dst(%dma_wait3A_548 : memref<128x128xf32, #tpu.memory_space<vmem>>)
      %dma_start3A_557 = arith.constant 1 : i32
      %dma_start3A_558 = arith.constant 7 : i32
      %dma_start3A_559 = arith.constant 1 : i32
      %dma_start3A_560 = arith.constant 0 : i32
      %dma_start3A_561 = arith.constant 0 : i32
      %dma_start3A_562 = tpu.memref_slice %arg9[%dma_start3A_557, %dma_start3A_560, %dma_start3A_561] : memref<2x128x128xf32, #tpu.memory_space<vmem>> -> memref<1x128x128xf32, #tpu.memory_space<vmem>>
      %dma_start3A_563 = tpu.memref_squeeze %dma_start3A_562 : memref<1x128x128xf32, #tpu.memory_space<vmem>> -> memref<128x128xf32, #tpu.memory_space<vmem>>
      %dma_start3A_564 = arith.constant 0 : i32
      %dma_start3A_565 = tpu.memref_slice %arg8[%rem3A_82, %dma_start3A_558, %dma_start3A_564] : memref<2x16x128xi32, #tpu.memory_space<vmem>> -> memref<1x1x128xi32, #tpu.memory_space<vmem>>
      %dma_start3A_566 = tpu.memref_squeeze %dma_start3A_565 : memref<1x1x128xi32, #tpu.memory_space<vmem>> -> memref<128xi32, #tpu.memory_space<vmem>>
      %dma_start3A_567 = arith.constant 0 : i32
      %dma_start3A_568 = arith.constant 0 : i32
      %dma_start3A_569 = tpu.memref_slice %arg10[%dma_start3A_567, %dma_start3A_568] : memref<10240x128xf32, #tpu.memory_space<vmem_shared>> -> memref<10240x128xf32, #tpu.memory_space<vmem_shared>>
      %dma_start3A_570 = tpu.memref_slice %arg13[%dma_start3A_559] : memref<2x!tpu.dma_semaphore, #tpu.memory_space<semaphore_mem>> -> memref<1x!tpu.dma_semaphore, #tpu.memory_space<semaphore_mem>>
      %dma_start3A_571 = tpu.memref_squeeze %dma_start3A_570 : memref<1x!tpu.dma_semaphore, #tpu.memory_space<semaphore_mem>> -> memref<!tpu.dma_semaphore, #tpu.memory_space<semaphore_mem>>
      tpu.enqueue_indirect_dma source(%dma_start3A_563 : memref<128x128xf32, #tpu.memory_space<vmem>>) target(%dma_start3A_569 : memref<10240x128xf32, #tpu.memory_space<vmem_shared>>) offsets(%dma_start3A_566 : memref<128xi32, #tpu.memory_space<vmem>>) semaphore(%dma_start3A_571 : memref<!tpu.dma_semaphore, #tpu.memory_space<semaphore_mem>>) {add = true}
      %dma_wait3A_572 = arith.constant 1 : i32
      %dma_wait3A_573 = arith.constant 7 : i32
      %dma_wait3A_574 = arith.constant 1 : i32
      %dma_wait3A_575 = arith.constant 0 : i32
      %dma_wait3A_576 = arith.constant 0 : i32
      %dma_wait3A_577 = tpu.memref_slice %arg9[%dma_wait3A_572, %dma_wait3A_575, %dma_wait3A_576] : memref<2x128x128xf32, #tpu.memory_space<vmem>> -> memref<1x128x128xf32, #tpu.memory_space<vmem>>
      %dma_wait3A_578 = tpu.memref_squeeze %dma_wait3A_577 : memref<1x128x128xf32, #tpu.memory_space<vmem>> -> memref<128x128xf32, #tpu.memory_space<vmem>>
      %dma_wait3A_579 = arith.constant 0 : i32
      %dma_wait3A_580 = tpu.memref_slice %arg8[%rem3A_82, %dma_wait3A_573, %dma_wait3A_579] : memref<2x16x128xi32, #tpu.memory_space<vmem>> -> memref<1x1x128xi32, #tpu.memory_space<vmem>>
      %dma_wait3A_581 = tpu.memref_squeeze %dma_wait3A_580 : memref<1x1x128xi32, #tpu.memory_space<vmem>> -> memref<128xi32, #tpu.memory_space<vmem>>
      %dma_wait3A_582 = arith.constant 0 : i32
      %dma_wait3A_583 = arith.constant 0 : i32
      %dma_wait3A_584 = tpu.memref_slice %arg10[%dma_wait3A_582, %dma_wait3A_583] : memref<10240x128xf32, #tpu.memory_space<vmem_shared>> -> memref<10240x128xf32, #tpu.memory_space<vmem_shared>>
      %dma_wait3A_585 = tpu.memref_slice %arg13[%dma_wait3A_574] : memref<2x!tpu.dma_semaphore, #tpu.memory_space<semaphore_mem>> -> memref<1x!tpu.dma_semaphore, #tpu.memory_space<semaphore_mem>>
      %dma_wait3A_586 = tpu.memref_squeeze %dma_wait3A_585 : memref<1x!tpu.dma_semaphore, #tpu.memory_space<semaphore_mem>> -> memref<!tpu.dma_semaphore, #tpu.memory_space<semaphore_mem>>
      tpu.wait_indirect_dma semaphore(%dma_wait3A_586 : memref<!tpu.dma_semaphore, #tpu.memory_space<semaphore_mem>>) src(%dma_wait3A_578 : memref<128x128xf32, #tpu.memory_space<vmem>>) dst(%dma_wait3A_584 : memref<10240x128xf32, #tpu.memory_space<vmem_shared>>)
      %dma_start3A_587 = arith.constant 9 : i32
      %dma_start3A_588 = arith.constant 1 : i32
      %dma_start3A_589 = arith.constant 1 : i32
      %dma_start3A_590 = arith.constant 0 : i32
      %dma_start3A_591 = arith.constant 0 : i32
      %dma_start3A_592 = tpu.memref_slice %arg9[%dma_start3A_588, %dma_start3A_590, %dma_start3A_591] : memref<2x128x128xf32, #tpu.memory_space<vmem>> -> memref<1x128x128xf32, #tpu.memory_space<vmem>>
      %dma_start3A_593 = tpu.memref_squeeze %dma_start3A_592 : memref<1x128x128xf32, #tpu.memory_space<vmem>> -> memref<128x128xf32, #tpu.memory_space<vmem>>
      %dma_start3A_594 = arith.constant 0 : i32
      %dma_start3A_595 = tpu.memref_slice %arg7[%rem3A_82, %dma_start3A_587, %dma_start3A_594] : memref<2x16x128xi32, #tpu.memory_space<vmem>> -> memref<1x1x128xi32, #tpu.memory_space<vmem>>
      %dma_start3A_596 = tpu.memref_squeeze %dma_start3A_595 : memref<1x1x128xi32, #tpu.memory_space<vmem>> -> memref<128xi32, #tpu.memory_space<vmem>>
      %dma_start3A_597 = arith.constant 0 : i32
      %dma_start3A_598 = arith.constant 0 : i32
      %dma_start3A_599 = tpu.memref_slice %arg2[%dma_start3A_597, %dma_start3A_598] : memref<10240x128xf32, #tpu.memory_space<hbm>> -> memref<10240x128xf32, #tpu.memory_space<hbm>>
      %dma_start3A_600 = tpu.memref_slice %arg12[%dma_start3A_589] : memref<2x!tpu.dma_semaphore, #tpu.memory_space<semaphore_mem>> -> memref<1x!tpu.dma_semaphore, #tpu.memory_space<semaphore_mem>>
      %dma_start3A_601 = tpu.memref_squeeze %dma_start3A_600 : memref<1x!tpu.dma_semaphore, #tpu.memory_space<semaphore_mem>> -> memref<!tpu.dma_semaphore, #tpu.memory_space<semaphore_mem>>
      tpu.enqueue_indirect_dma source(%dma_start3A_599 : memref<10240x128xf32, #tpu.memory_space<hbm>>) target(%dma_start3A_593 : memref<128x128xf32, #tpu.memory_space<vmem>>) offsets(%dma_start3A_596 : memref<128xi32, #tpu.memory_space<vmem>>) semaphore(%dma_start3A_601 : memref<!tpu.dma_semaphore, #tpu.memory_space<semaphore_mem>>)
      %dma_wait3A_602 = arith.constant 8 : i32
      %dma_wait3A_603 = arith.constant 0 : i32
      %dma_wait3A_604 = arith.constant 0 : i32
      %dma_wait3A_605 = arith.constant 0 : i32
      %dma_wait3A_606 = arith.constant 0 : i32
      %dma_wait3A_607 = tpu.memref_slice %arg9[%dma_wait3A_603, %dma_wait3A_605, %dma_wait3A_606] : memref<2x128x128xf32, #tpu.memory_space<vmem>> -> memref<1x128x128xf32, #tpu.memory_space<vmem>>
      %dma_wait3A_608 = tpu.memref_squeeze %dma_wait3A_607 : memref<1x128x128xf32, #tpu.memory_space<vmem>> -> memref<128x128xf32, #tpu.memory_space<vmem>>
      %dma_wait3A_609 = arith.constant 0 : i32
      %dma_wait3A_610 = tpu.memref_slice %arg7[%rem3A_82, %dma_wait3A_602, %dma_wait3A_609] : memref<2x16x128xi32, #tpu.memory_space<vmem>> -> memref<1x1x128xi32, #tpu.memory_space<vmem>>
      %dma_wait3A_611 = tpu.memref_squeeze %dma_wait3A_610 : memref<1x1x128xi32, #tpu.memory_space<vmem>> -> memref<128xi32, #tpu.memory_space<vmem>>
      %dma_wait3A_612 = arith.constant 0 : i32
      %dma_wait3A_613 = arith.constant 0 : i32
      %dma_wait3A_614 = tpu.memref_slice %arg2[%dma_wait3A_612, %dma_wait3A_613] : memref<10240x128xf32, #tpu.memory_space<hbm>> -> memref<10240x128xf32, #tpu.memory_space<hbm>>
      %dma_wait3A_615 = tpu.memref_slice %arg12[%dma_wait3A_604] : memref<2x!tpu.dma_semaphore, #tpu.memory_space<semaphore_mem>> -> memref<1x!tpu.dma_semaphore, #tpu.memory_space<semaphore_mem>>
      %dma_wait3A_616 = tpu.memref_squeeze %dma_wait3A_615 : memref<1x!tpu.dma_semaphore, #tpu.memory_space<semaphore_mem>> -> memref<!tpu.dma_semaphore, #tpu.memory_space<semaphore_mem>>
      tpu.wait_indirect_dma semaphore(%dma_wait3A_616 : memref<!tpu.dma_semaphore, #tpu.memory_space<semaphore_mem>>) src(%dma_wait3A_614 : memref<10240x128xf32, #tpu.memory_space<hbm>>) dst(%dma_wait3A_608 : memref<128x128xf32, #tpu.memory_space<vmem>>)
      %dma_start3A_617 = arith.constant 0 : i32
      %dma_start3A_618 = arith.constant 8 : i32
      %dma_start3A_619 = arith.constant 0 : i32
      %dma_start3A_620 = arith.constant 0 : i32
      %dma_start3A_621 = arith.constant 0 : i32
      %dma_start3A_622 = tpu.memref_slice %arg9[%dma_start3A_617, %dma_start3A_620, %dma_start3A_621] : memref<2x128x128xf32, #tpu.memory_space<vmem>> -> memref<1x128x128xf32, #tpu.memory_space<vmem>>
      %dma_start3A_623 = tpu.memref_squeeze %dma_start3A_622 : memref<1x128x128xf32, #tpu.memory_space<vmem>> -> memref<128x128xf32, #tpu.memory_space<vmem>>
      %dma_start3A_624 = arith.constant 0 : i32
      %dma_start3A_625 = tpu.memref_slice %arg8[%rem3A_82, %dma_start3A_618, %dma_start3A_624] : memref<2x16x128xi32, #tpu.memory_space<vmem>> -> memref<1x1x128xi32, #tpu.memory_space<vmem>>
      %dma_start3A_626 = tpu.memref_squeeze %dma_start3A_625 : memref<1x1x128xi32, #tpu.memory_space<vmem>> -> memref<128xi32, #tpu.memory_space<vmem>>
      %dma_start3A_627 = arith.constant 0 : i32
      %dma_start3A_628 = arith.constant 0 : i32
      %dma_start3A_629 = tpu.memref_slice %arg10[%dma_start3A_627, %dma_start3A_628] : memref<10240x128xf32, #tpu.memory_space<vmem_shared>> -> memref<10240x128xf32, #tpu.memory_space<vmem_shared>>
      %dma_start3A_630 = tpu.memref_slice %arg13[%dma_start3A_619] : memref<2x!tpu.dma_semaphore, #tpu.memory_space<semaphore_mem>> -> memref<1x!tpu.dma_semaphore, #tpu.memory_space<semaphore_mem>>
      %dma_start3A_631 = tpu.memref_squeeze %dma_start3A_630 : memref<1x!tpu.dma_semaphore, #tpu.memory_space<semaphore_mem>> -> memref<!tpu.dma_semaphore, #tpu.memory_space<semaphore_mem>>
      tpu.enqueue_indirect_dma source(%dma_start3A_623 : memref<128x128xf32, #tpu.memory_space<vmem>>) target(%dma_start3A_629 : memref<10240x128xf32, #tpu.memory_space<vmem_shared>>) offsets(%dma_start3A_626 : memref<128xi32, #tpu.memory_space<vmem>>) semaphore(%dma_start3A_631 : memref<!tpu.dma_semaphore, #tpu.memory_space<semaphore_mem>>) {add = true}
      %dma_wait3A_632 = arith.constant 0 : i32
      %dma_wait3A_633 = arith.constant 8 : i32
      %dma_wait3A_634 = arith.constant 0 : i32
      %dma_wait3A_635 = arith.constant 0 : i32
      %dma_wait3A_636 = arith.constant 0 : i32
      %dma_wait3A_637 = tpu.memref_slice %arg9[%dma_wait3A_632, %dma_wait3A_635, %dma_wait3A_636] : memref<2x128x128xf32, #tpu.memory_space<vmem>> -> memref<1x128x128xf32, #tpu.memory_space<vmem>>
      %dma_wait3A_638 = tpu.memref_squeeze %dma_wait3A_637 : memref<1x128x128xf32, #tpu.memory_space<vmem>> -> memref<128x128xf32, #tpu.memory_space<vmem>>
      %dma_wait3A_639 = arith.constant 0 : i32
      %dma_wait3A_640 = tpu.memref_slice %arg8[%rem3A_82, %dma_wait3A_633, %dma_wait3A_639] : memref<2x16x128xi32, #tpu.memory_space<vmem>> -> memref<1x1x128xi32, #tpu.memory_space<vmem>>
      %dma_wait3A_641 = tpu.memref_squeeze %dma_wait3A_640 : memref<1x1x128xi32, #tpu.memory_space<vmem>> -> memref<128xi32, #tpu.memory_space<vmem>>
      %dma_wait3A_642 = arith.constant 0 : i32
      %dma_wait3A_643 = arith.constant 0 : i32
      %dma_wait3A_644 = tpu.memref_slice %arg10[%dma_wait3A_642, %dma_wait3A_643] : memref<10240x128xf32, #tpu.memory_space<vmem_shared>> -> memref<10240x128xf32, #tpu.memory_space<vmem_shared>>
      %dma_wait3A_645 = tpu.memref_slice %arg13[%dma_wait3A_634] : memref<2x!tpu.dma_semaphore, #tpu.memory_space<semaphore_mem>> -> memref<1x!tpu.dma_semaphore, #tpu.memory_space<semaphore_mem>>
      %dma_wait3A_646 = tpu.memref_squeeze %dma_wait3A_645 : memref<1x!tpu.dma_semaphore, #tpu.memory_space<semaphore_mem>> -> memref<!tpu.dma_semaphore, #tpu.memory_space<semaphore_mem>>
      tpu.wait_indirect_dma semaphore(%dma_wait3A_646 : memref<!tpu.dma_semaphore, #tpu.memory_space<semaphore_mem>>) src(%dma_wait3A_638 : memref<128x128xf32, #tpu.memory_space<vmem>>) dst(%dma_wait3A_644 : memref<10240x128xf32, #tpu.memory_space<vmem_shared>>)
      %dma_start3A_647 = arith.constant 10 : i32
      %dma_start3A_648 = arith.constant 0 : i32
      %dma_start3A_649 = arith.constant 0 : i32
      %dma_start3A_650 = arith.constant 0 : i32
      %dma_start3A_651 = arith.constant 0 : i32
      %dma_start3A_652 = tpu.memref_slice %arg9[%dma_start3A_648, %dma_start3A_650, %dma_start3A_651] : memref<2x128x128xf32, #tpu.memory_space<vmem>> -> memref<1x128x128xf32, #tpu.memory_space<vmem>>
      %dma_start3A_653 = tpu.memref_squeeze %dma_start3A_652 : memref<1x128x128xf32, #tpu.memory_space<vmem>> -> memref<128x128xf32, #tpu.memory_space<vmem>>
      %dma_start3A_654 = arith.constant 0 : i32
      %dma_start3A_655 = tpu.memref_slice %arg7[%rem3A_82, %dma_start3A_647, %dma_start3A_654] : memref<2x16x128xi32, #tpu.memory_space<vmem>> -> memref<1x1x128xi32, #tpu.memory_space<vmem>>
      %dma_start3A_656 = tpu.memref_squeeze %dma_start3A_655 : memref<1x1x128xi32, #tpu.memory_space<vmem>> -> memref<128xi32, #tpu.memory_space<vmem>>
      %dma_start3A_657 = arith.constant 0 : i32
      %dma_start3A_658 = arith.constant 0 : i32
      %dma_start3A_659 = tpu.memref_slice %arg2[%dma_start3A_657, %dma_start3A_658] : memref<10240x128xf32, #tpu.memory_space<hbm>> -> memref<10240x128xf32, #tpu.memory_space<hbm>>
      %dma_start3A_660 = tpu.memref_slice %arg12[%dma_start3A_649] : memref<2x!tpu.dma_semaphore, #tpu.memory_space<semaphore_mem>> -> memref<1x!tpu.dma_semaphore, #tpu.memory_space<semaphore_mem>>
      %dma_start3A_661 = tpu.memref_squeeze %dma_start3A_660 : memref<1x!tpu.dma_semaphore, #tpu.memory_space<semaphore_mem>> -> memref<!tpu.dma_semaphore, #tpu.memory_space<semaphore_mem>>
      tpu.enqueue_indirect_dma source(%dma_start3A_659 : memref<10240x128xf32, #tpu.memory_space<hbm>>) target(%dma_start3A_653 : memref<128x128xf32, #tpu.memory_space<vmem>>) offsets(%dma_start3A_656 : memref<128xi32, #tpu.memory_space<vmem>>) semaphore(%dma_start3A_661 : memref<!tpu.dma_semaphore, #tpu.memory_space<semaphore_mem>>)
      %dma_wait3A_662 = arith.constant 9 : i32
      %dma_wait3A_663 = arith.constant 1 : i32
      %dma_wait3A_664 = arith.constant 1 : i32
      %dma_wait3A_665 = arith.constant 0 : i32
      %dma_wait3A_666 = arith.constant 0 : i32
      %dma_wait3A_667 = tpu.memref_slice %arg9[%dma_wait3A_663, %dma_wait3A_665, %dma_wait3A_666] : memref<2x128x128xf32, #tpu.memory_space<vmem>> -> memref<1x128x128xf32, #tpu.memory_space<vmem>>
      %dma_wait3A_668 = tpu.memref_squeeze %dma_wait3A_667 : memref<1x128x128xf32, #tpu.memory_space<vmem>> -> memref<128x128xf32, #tpu.memory_space<vmem>>
      %dma_wait3A_669 = arith.constant 0 : i32
      %dma_wait3A_670 = tpu.memref_slice %arg7[%rem3A_82, %dma_wait3A_662, %dma_wait3A_669] : memref<2x16x128xi32, #tpu.memory_space<vmem>> -> memref<1x1x128xi32, #tpu.memory_space<vmem>>
      %dma_wait3A_671 = tpu.memref_squeeze %dma_wait3A_670 : memref<1x1x128xi32, #tpu.memory_space<vmem>> -> memref<128xi32, #tpu.memory_space<vmem>>
      %dma_wait3A_672 = arith.constant 0 : i32
      %dma_wait3A_673 = arith.constant 0 : i32
      %dma_wait3A_674 = tpu.memref_slice %arg2[%dma_wait3A_672, %dma_wait3A_673] : memref<10240x128xf32, #tpu.memory_space<hbm>> -> memref<10240x128xf32, #tpu.memory_space<hbm>>
      %dma_wait3A_675 = tpu.memref_slice %arg12[%dma_wait3A_664] : memref<2x!tpu.dma_semaphore, #tpu.memory_space<semaphore_mem>> -> memref<1x!tpu.dma_semaphore, #tpu.memory_space<semaphore_mem>>
      %dma_wait3A_676 = tpu.memref_squeeze %dma_wait3A_675 : memref<1x!tpu.dma_semaphore, #tpu.memory_space<semaphore_mem>> -> memref<!tpu.dma_semaphore, #tpu.memory_space<semaphore_mem>>
      tpu.wait_indirect_dma semaphore(%dma_wait3A_676 : memref<!tpu.dma_semaphore, #tpu.memory_space<semaphore_mem>>) src(%dma_wait3A_674 : memref<10240x128xf32, #tpu.memory_space<hbm>>) dst(%dma_wait3A_668 : memref<128x128xf32, #tpu.memory_space<vmem>>)
      %dma_start3A_677 = arith.constant 1 : i32
      %dma_start3A_678 = arith.constant 9 : i32
      %dma_start3A_679 = arith.constant 1 : i32
      %dma_start3A_680 = arith.constant 0 : i32
      %dma_start3A_681 = arith.constant 0 : i32
      %dma_start3A_682 = tpu.memref_slice %arg9[%dma_start3A_677, %dma_start3A_680, %dma_start3A_681] : memref<2x128x128xf32, #tpu.memory_space<vmem>> -> memref<1x128x128xf32, #tpu.memory_space<vmem>>
      %dma_start3A_683 = tpu.memref_squeeze %dma_start3A_682 : memref<1x128x128xf32, #tpu.memory_space<vmem>> -> memref<128x128xf32, #tpu.memory_space<vmem>>
      %dma_start3A_684 = arith.constant 0 : i32
      %dma_start3A_685 = tpu.memref_slice %arg8[%rem3A_82, %dma_start3A_678, %dma_start3A_684] : memref<2x16x128xi32, #tpu.memory_space<vmem>> -> memref<1x1x128xi32, #tpu.memory_space<vmem>>
      %dma_start3A_686 = tpu.memref_squeeze %dma_start3A_685 : memref<1x1x128xi32, #tpu.memory_space<vmem>> -> memref<128xi32, #tpu.memory_space<vmem>>
      %dma_start3A_687 = arith.constant 0 : i32
      %dma_start3A_688 = arith.constant 0 : i32
      %dma_start3A_689 = tpu.memref_slice %arg10[%dma_start3A_687, %dma_start3A_688] : memref<10240x128xf32, #tpu.memory_space<vmem_shared>> -> memref<10240x128xf32, #tpu.memory_space<vmem_shared>>
      %dma_start3A_690 = tpu.memref_slice %arg13[%dma_start3A_679] : memref<2x!tpu.dma_semaphore, #tpu.memory_space<semaphore_mem>> -> memref<1x!tpu.dma_semaphore, #tpu.memory_space<semaphore_mem>>
      %dma_start3A_691 = tpu.memref_squeeze %dma_start3A_690 : memref<1x!tpu.dma_semaphore, #tpu.memory_space<semaphore_mem>> -> memref<!tpu.dma_semaphore, #tpu.memory_space<semaphore_mem>>
      tpu.enqueue_indirect_dma source(%dma_start3A_683 : memref<128x128xf32, #tpu.memory_space<vmem>>) target(%dma_start3A_689 : memref<10240x128xf32, #tpu.memory_space<vmem_shared>>) offsets(%dma_start3A_686 : memref<128xi32, #tpu.memory_space<vmem>>) semaphore(%dma_start3A_691 : memref<!tpu.dma_semaphore, #tpu.memory_space<semaphore_mem>>) {add = true}
      %dma_wait3A_692 = arith.constant 1 : i32
      %dma_wait3A_693 = arith.constant 9 : i32
      %dma_wait3A_694 = arith.constant 1 : i32
      %dma_wait3A_695 = arith.constant 0 : i32
      %dma_wait3A_696 = arith.constant 0 : i32
      %dma_wait3A_697 = tpu.memref_slice %arg9[%dma_wait3A_692, %dma_wait3A_695, %dma_wait3A_696] : memref<2x128x128xf32, #tpu.memory_space<vmem>> -> memref<1x128x128xf32, #tpu.memory_space<vmem>>
      %dma_wait3A_698 = tpu.memref_squeeze %dma_wait3A_697 : memref<1x128x128xf32, #tpu.memory_space<vmem>> -> memref<128x128xf32, #tpu.memory_space<vmem>>
      %dma_wait3A_699 = arith.constant 0 : i32
      %dma_wait3A_700 = tpu.memref_slice %arg8[%rem3A_82, %dma_wait3A_693, %dma_wait3A_699] : memref<2x16x128xi32, #tpu.memory_space<vmem>> -> memref<1x1x128xi32, #tpu.memory_space<vmem>>
      %dma_wait3A_701 = tpu.memref_squeeze %dma_wait3A_700 : memref<1x1x128xi32, #tpu.memory_space<vmem>> -> memref<128xi32, #tpu.memory_space<vmem>>
      %dma_wait3A_702 = arith.constant 0 : i32
      %dma_wait3A_703 = arith.constant 0 : i32
      %dma_wait3A_704 = tpu.memref_slice %arg10[%dma_wait3A_702, %dma_wait3A_703] : memref<10240x128xf32, #tpu.memory_space<vmem_shared>> -> memref<10240x128xf32, #tpu.memory_space<vmem_shared>>
      %dma_wait3A_705 = tpu.memref_slice %arg13[%dma_wait3A_694] : memref<2x!tpu.dma_semaphore, #tpu.memory_space<semaphore_mem>> -> memref<1x!tpu.dma_semaphore, #tpu.memory_space<semaphore_mem>>
      %dma_wait3A_706 = tpu.memref_squeeze %dma_wait3A_705 : memref<1x!tpu.dma_semaphore, #tpu.memory_space<semaphore_mem>> -> memref<!tpu.dma_semaphore, #tpu.memory_space<semaphore_mem>>
      tpu.wait_indirect_dma semaphore(%dma_wait3A_706 : memref<!tpu.dma_semaphore, #tpu.memory_space<semaphore_mem>>) src(%dma_wait3A_698 : memref<128x128xf32, #tpu.memory_space<vmem>>) dst(%dma_wait3A_704 : memref<10240x128xf32, #tpu.memory_space<vmem_shared>>)
      %dma_start3A_707 = arith.constant 11 : i32
      %dma_start3A_708 = arith.constant 1 : i32
      %dma_start3A_709 = arith.constant 1 : i32
      %dma_start3A_710 = arith.constant 0 : i32
      %dma_start3A_711 = arith.constant 0 : i32
      %dma_start3A_712 = tpu.memref_slice %arg9[%dma_start3A_708, %dma_start3A_710, %dma_start3A_711] : memref<2x128x128xf32, #tpu.memory_space<vmem>> -> memref<1x128x128xf32, #tpu.memory_space<vmem>>
      %dma_start3A_713 = tpu.memref_squeeze %dma_start3A_712 : memref<1x128x128xf32, #tpu.memory_space<vmem>> -> memref<128x128xf32, #tpu.memory_space<vmem>>
      %dma_start3A_714 = arith.constant 0 : i32
      %dma_start3A_715 = tpu.memref_slice %arg7[%rem3A_82, %dma_start3A_707, %dma_start3A_714] : memref<2x16x128xi32, #tpu.memory_space<vmem>> -> memref<1x1x128xi32, #tpu.memory_space<vmem>>
      %dma_start3A_716 = tpu.memref_squeeze %dma_start3A_715 : memref<1x1x128xi32, #tpu.memory_space<vmem>> -> memref<128xi32, #tpu.memory_space<vmem>>
      %dma_start3A_717 = arith.constant 0 : i32
      %dma_start3A_718 = arith.constant 0 : i32
      %dma_start3A_719 = tpu.memref_slice %arg2[%dma_start3A_717, %dma_start3A_718] : memref<10240x128xf32, #tpu.memory_space<hbm>> -> memref<10240x128xf32, #tpu.memory_space<hbm>>
      %dma_start3A_720 = tpu.memref_slice %arg12[%dma_start3A_709] : memref<2x!tpu.dma_semaphore, #tpu.memory_space<semaphore_mem>> -> memref<1x!tpu.dma_semaphore, #tpu.memory_space<semaphore_mem>>
      %dma_start3A_721 = tpu.memref_squeeze %dma_start3A_720 : memref<1x!tpu.dma_semaphore, #tpu.memory_space<semaphore_mem>> -> memref<!tpu.dma_semaphore, #tpu.memory_space<semaphore_mem>>
      tpu.enqueue_indirect_dma source(%dma_start3A_719 : memref<10240x128xf32, #tpu.memory_space<hbm>>) target(%dma_start3A_713 : memref<128x128xf32, #tpu.memory_space<vmem>>) offsets(%dma_start3A_716 : memref<128xi32, #tpu.memory_space<vmem>>) semaphore(%dma_start3A_721 : memref<!tpu.dma_semaphore, #tpu.memory_space<semaphore_mem>>)
      %dma_wait3A_722 = arith.constant 10 : i32
      %dma_wait3A_723 = arith.constant 0 : i32
      %dma_wait3A_724 = arith.constant 0 : i32
      %dma_wait3A_725 = arith.constant 0 : i32
      %dma_wait3A_726 = arith.constant 0 : i32
      %dma_wait3A_727 = tpu.memref_slice %arg9[%dma_wait3A_723, %dma_wait3A_725, %dma_wait3A_726] : memref<2x128x128xf32, #tpu.memory_space<vmem>> -> memref<1x128x128xf32, #tpu.memory_space<vmem>>
      %dma_wait3A_728 = tpu.memref_squeeze %dma_wait3A_727 : memref<1x128x128xf32, #tpu.memory_space<vmem>> -> memref<128x128xf32, #tpu.memory_space<vmem>>
      %dma_wait3A_729 = arith.constant 0 : i32
      %dma_wait3A_730 = tpu.memref_slice %arg7[%rem3A_82, %dma_wait3A_722, %dma_wait3A_729] : memref<2x16x128xi32, #tpu.memory_space<vmem>> -> memref<1x1x128xi32, #tpu.memory_space<vmem>>
      %dma_wait3A_731 = tpu.memref_squeeze %dma_wait3A_730 : memref<1x1x128xi32, #tpu.memory_space<vmem>> -> memref<128xi32, #tpu.memory_space<vmem>>
      %dma_wait3A_732 = arith.constant 0 : i32
      %dma_wait3A_733 = arith.constant 0 : i32
      %dma_wait3A_734 = tpu.memref_slice %arg2[%dma_wait3A_732, %dma_wait3A_733] : memref<10240x128xf32, #tpu.memory_space<hbm>> -> memref<10240x128xf32, #tpu.memory_space<hbm>>
      %dma_wait3A_735 = tpu.memref_slice %arg12[%dma_wait3A_724] : memref<2x!tpu.dma_semaphore, #tpu.memory_space<semaphore_mem>> -> memref<1x!tpu.dma_semaphore, #tpu.memory_space<semaphore_mem>>
      %dma_wait3A_736 = tpu.memref_squeeze %dma_wait3A_735 : memref<1x!tpu.dma_semaphore, #tpu.memory_space<semaphore_mem>> -> memref<!tpu.dma_semaphore, #tpu.memory_space<semaphore_mem>>
      tpu.wait_indirect_dma semaphore(%dma_wait3A_736 : memref<!tpu.dma_semaphore, #tpu.memory_space<semaphore_mem>>) src(%dma_wait3A_734 : memref<10240x128xf32, #tpu.memory_space<hbm>>) dst(%dma_wait3A_728 : memref<128x128xf32, #tpu.memory_space<vmem>>)
      %dma_start3A_737 = arith.constant 0 : i32
      %dma_start3A_738 = arith.constant 10 : i32
      %dma_start3A_739 = arith.constant 0 : i32
      %dma_start3A_740 = arith.constant 0 : i32
      %dma_start3A_741 = arith.constant 0 : i32
      %dma_start3A_742 = tpu.memref_slice %arg9[%dma_start3A_737, %dma_start3A_740, %dma_start3A_741] : memref<2x128x128xf32, #tpu.memory_space<vmem>> -> memref<1x128x128xf32, #tpu.memory_space<vmem>>
      %dma_start3A_743 = tpu.memref_squeeze %dma_start3A_742 : memref<1x128x128xf32, #tpu.memory_space<vmem>> -> memref<128x128xf32, #tpu.memory_space<vmem>>
      %dma_start3A_744 = arith.constant 0 : i32
      %dma_start3A_745 = tpu.memref_slice %arg8[%rem3A_82, %dma_start3A_738, %dma_start3A_744] : memref<2x16x128xi32, #tpu.memory_space<vmem>> -> memref<1x1x128xi32, #tpu.memory_space<vmem>>
      %dma_start3A_746 = tpu.memref_squeeze %dma_start3A_745 : memref<1x1x128xi32, #tpu.memory_space<vmem>> -> memref<128xi32, #tpu.memory_space<vmem>>
      %dma_start3A_747 = arith.constant 0 : i32
      %dma_start3A_748 = arith.constant 0 : i32
      %dma_start3A_749 = tpu.memref_slice %arg10[%dma_start3A_747, %dma_start3A_748] : memref<10240x128xf32, #tpu.memory_space<vmem_shared>> -> memref<10240x128xf32, #tpu.memory_space<vmem_shared>>
      %dma_start3A_750 = tpu.memref_slice %arg13[%dma_start3A_739] : memref<2x!tpu.dma_semaphore, #tpu.memory_space<semaphore_mem>> -> memref<1x!tpu.dma_semaphore, #tpu.memory_space<semaphore_mem>>
      %dma_start3A_751 = tpu.memref_squeeze %dma_start3A_750 : memref<1x!tpu.dma_semaphore, #tpu.memory_space<semaphore_mem>> -> memref<!tpu.dma_semaphore, #tpu.memory_space<semaphore_mem>>
      tpu.enqueue_indirect_dma source(%dma_start3A_743 : memref<128x128xf32, #tpu.memory_space<vmem>>) target(%dma_start3A_749 : memref<10240x128xf32, #tpu.memory_space<vmem_shared>>) offsets(%dma_start3A_746 : memref<128xi32, #tpu.memory_space<vmem>>) semaphore(%dma_start3A_751 : memref<!tpu.dma_semaphore, #tpu.memory_space<semaphore_mem>>) {add = true}
      %dma_wait3A_752 = arith.constant 0 : i32
      %dma_wait3A_753 = arith.constant 10 : i32
      %dma_wait3A_754 = arith.constant 0 : i32
      %dma_wait3A_755 = arith.constant 0 : i32
      %dma_wait3A_756 = arith.constant 0 : i32
      %dma_wait3A_757 = tpu.memref_slice %arg9[%dma_wait3A_752, %dma_wait3A_755, %dma_wait3A_756] : memref<2x128x128xf32, #tpu.memory_space<vmem>> -> memref<1x128x128xf32, #tpu.memory_space<vmem>>
      %dma_wait3A_758 = tpu.memref_squeeze %dma_wait3A_757 : memref<1x128x128xf32, #tpu.memory_space<vmem>> -> memref<128x128xf32, #tpu.memory_space<vmem>>
      %dma_wait3A_759 = arith.constant 0 : i32
      %dma_wait3A_760 = tpu.memref_slice %arg8[%rem3A_82, %dma_wait3A_753, %dma_wait3A_759] : memref<2x16x128xi32, #tpu.memory_space<vmem>> -> memref<1x1x128xi32, #tpu.memory_space<vmem>>
      %dma_wait3A_761 = tpu.memref_squeeze %dma_wait3A_760 : memref<1x1x128xi32, #tpu.memory_space<vmem>> -> memref<128xi32, #tpu.memory_space<vmem>>
      %dma_wait3A_762 = arith.constant 0 : i32
      %dma_wait3A_763 = arith.constant 0 : i32
      %dma_wait3A_764 = tpu.memref_slice %arg10[%dma_wait3A_762, %dma_wait3A_763] : memref<10240x128xf32, #tpu.memory_space<vmem_shared>> -> memref<10240x128xf32, #tpu.memory_space<vmem_shared>>
      %dma_wait3A_765 = tpu.memref_slice %arg13[%dma_wait3A_754] : memref<2x!tpu.dma_semaphore, #tpu.memory_space<semaphore_mem>> -> memref<1x!tpu.dma_semaphore, #tpu.memory_space<semaphore_mem>>
      %dma_wait3A_766 = tpu.memref_squeeze %dma_wait3A_765 : memref<1x!tpu.dma_semaphore, #tpu.memory_space<semaphore_mem>> -> memref<!tpu.dma_semaphore, #tpu.memory_space<semaphore_mem>>
      tpu.wait_indirect_dma semaphore(%dma_wait3A_766 : memref<!tpu.dma_semaphore, #tpu.memory_space<semaphore_mem>>) src(%dma_wait3A_758 : memref<128x128xf32, #tpu.memory_space<vmem>>) dst(%dma_wait3A_764 : memref<10240x128xf32, #tpu.memory_space<vmem_shared>>)
      %dma_start3A_767 = arith.constant 12 : i32
      %dma_start3A_768 = arith.constant 0 : i32
      %dma_start3A_769 = arith.constant 0 : i32
      %dma_start3A_770 = arith.constant 0 : i32
      %dma_start3A_771 = arith.constant 0 : i32
      %dma_start3A_772 = tpu.memref_slice %arg9[%dma_start3A_768, %dma_start3A_770, %dma_start3A_771] : memref<2x128x128xf32, #tpu.memory_space<vmem>> -> memref<1x128x128xf32, #tpu.memory_space<vmem>>
      %dma_start3A_773 = tpu.memref_squeeze %dma_start3A_772 : memref<1x128x128xf32, #tpu.memory_space<vmem>> -> memref<128x128xf32, #tpu.memory_space<vmem>>
      %dma_start3A_774 = arith.constant 0 : i32
      %dma_start3A_775 = tpu.memref_slice %arg7[%rem3A_82, %dma_start3A_767, %dma_start3A_774] : memref<2x16x128xi32, #tpu.memory_space<vmem>> -> memref<1x1x128xi32, #tpu.memory_space<vmem>>
      %dma_start3A_776 = tpu.memref_squeeze %dma_start3A_775 : memref<1x1x128xi32, #tpu.memory_space<vmem>> -> memref<128xi32, #tpu.memory_space<vmem>>
      %dma_start3A_777 = arith.constant 0 : i32
      %dma_start3A_778 = arith.constant 0 : i32
      %dma_start3A_779 = tpu.memref_slice %arg2[%dma_start3A_777, %dma_start3A_778] : memref<10240x128xf32, #tpu.memory_space<hbm>> -> memref<10240x128xf32, #tpu.memory_space<hbm>>
      %dma_start3A_780 = tpu.memref_slice %arg12[%dma_start3A_769] : memref<2x!tpu.dma_semaphore, #tpu.memory_space<semaphore_mem>> -> memref<1x!tpu.dma_semaphore, #tpu.memory_space<semaphore_mem>>
      %dma_start3A_781 = tpu.memref_squeeze %dma_start3A_780 : memref<1x!tpu.dma_semaphore, #tpu.memory_space<semaphore_mem>> -> memref<!tpu.dma_semaphore, #tpu.memory_space<semaphore_mem>>
      tpu.enqueue_indirect_dma source(%dma_start3A_779 : memref<10240x128xf32, #tpu.memory_space<hbm>>) target(%dma_start3A_773 : memref<128x128xf32, #tpu.memory_space<vmem>>) offsets(%dma_start3A_776 : memref<128xi32, #tpu.memory_space<vmem>>) semaphore(%dma_start3A_781 : memref<!tpu.dma_semaphore, #tpu.memory_space<semaphore_mem>>)
      %dma_wait3A_782 = arith.constant 11 : i32
      %dma_wait3A_783 = arith.constant 1 : i32
      %dma_wait3A_784 = arith.constant 1 : i32
      %dma_wait3A_785 = arith.constant 0 : i32
      %dma_wait3A_786 = arith.constant 0 : i32
      %dma_wait3A_787 = tpu.memref_slice %arg9[%dma_wait3A_783, %dma_wait3A_785, %dma_wait3A_786] : memref<2x128x128xf32, #tpu.memory_space<vmem>> -> memref<1x128x128xf32, #tpu.memory_space<vmem>>
      %dma_wait3A_788 = tpu.memref_squeeze %dma_wait3A_787 : memref<1x128x128xf32, #tpu.memory_space<vmem>> -> memref<128x128xf32, #tpu.memory_space<vmem>>
      %dma_wait3A_789 = arith.constant 0 : i32
      %dma_wait3A_790 = tpu.memref_slice %arg7[%rem3A_82, %dma_wait3A_782, %dma_wait3A_789] : memref<2x16x128xi32, #tpu.memory_space<vmem>> -> memref<1x1x128xi32, #tpu.memory_space<vmem>>
      %dma_wait3A_791 = tpu.memref_squeeze %dma_wait3A_790 : memref<1x1x128xi32, #tpu.memory_space<vmem>> -> memref<128xi32, #tpu.memory_space<vmem>>
      %dma_wait3A_792 = arith.constant 0 : i32
      %dma_wait3A_793 = arith.constant 0 : i32
      %dma_wait3A_794 = tpu.memref_slice %arg2[%dma_wait3A_792, %dma_wait3A_793] : memref<10240x128xf32, #tpu.memory_space<hbm>> -> memref<10240x128xf32, #tpu.memory_space<hbm>>
      %dma_wait3A_795 = tpu.memref_slice %arg12[%dma_wait3A_784] : memref<2x!tpu.dma_semaphore, #tpu.memory_space<semaphore_mem>> -> memref<1x!tpu.dma_semaphore, #tpu.memory_space<semaphore_mem>>
      %dma_wait3A_796 = tpu.memref_squeeze %dma_wait3A_795 : memref<1x!tpu.dma_semaphore, #tpu.memory_space<semaphore_mem>> -> memref<!tpu.dma_semaphore, #tpu.memory_space<semaphore_mem>>
      tpu.wait_indirect_dma semaphore(%dma_wait3A_796 : memref<!tpu.dma_semaphore, #tpu.memory_space<semaphore_mem>>) src(%dma_wait3A_794 : memref<10240x128xf32, #tpu.memory_space<hbm>>) dst(%dma_wait3A_788 : memref<128x128xf32, #tpu.memory_space<vmem>>)
      %dma_start3A_797 = arith.constant 1 : i32
      %dma_start3A_798 = arith.constant 11 : i32
      %dma_start3A_799 = arith.constant 1 : i32
      %dma_start3A_800 = arith.constant 0 : i32
      %dma_start3A_801 = arith.constant 0 : i32
      %dma_start3A_802 = tpu.memref_slice %arg9[%dma_start3A_797, %dma_start3A_800, %dma_start3A_801] : memref<2x128x128xf32, #tpu.memory_space<vmem>> -> memref<1x128x128xf32, #tpu.memory_space<vmem>>
      %dma_start3A_803 = tpu.memref_squeeze %dma_start3A_802 : memref<1x128x128xf32, #tpu.memory_space<vmem>> -> memref<128x128xf32, #tpu.memory_space<vmem>>
      %dma_start3A_804 = arith.constant 0 : i32
      %dma_start3A_805 = tpu.memref_slice %arg8[%rem3A_82, %dma_start3A_798, %dma_start3A_804] : memref<2x16x128xi32, #tpu.memory_space<vmem>> -> memref<1x1x128xi32, #tpu.memory_space<vmem>>
      %dma_start3A_806 = tpu.memref_squeeze %dma_start3A_805 : memref<1x1x128xi32, #tpu.memory_space<vmem>> -> memref<128xi32, #tpu.memory_space<vmem>>
      %dma_start3A_807 = arith.constant 0 : i32
      %dma_start3A_808 = arith.constant 0 : i32
      %dma_start3A_809 = tpu.memref_slice %arg10[%dma_start3A_807, %dma_start3A_808] : memref<10240x128xf32, #tpu.memory_space<vmem_shared>> -> memref<10240x128xf32, #tpu.memory_space<vmem_shared>>
      %dma_start3A_810 = tpu.memref_slice %arg13[%dma_start3A_799] : memref<2x!tpu.dma_semaphore, #tpu.memory_space<semaphore_mem>> -> memref<1x!tpu.dma_semaphore, #tpu.memory_space<semaphore_mem>>
      %dma_start3A_811 = tpu.memref_squeeze %dma_start3A_810 : memref<1x!tpu.dma_semaphore, #tpu.memory_space<semaphore_mem>> -> memref<!tpu.dma_semaphore, #tpu.memory_space<semaphore_mem>>
      tpu.enqueue_indirect_dma source(%dma_start3A_803 : memref<128x128xf32, #tpu.memory_space<vmem>>) target(%dma_start3A_809 : memref<10240x128xf32, #tpu.memory_space<vmem_shared>>) offsets(%dma_start3A_806 : memref<128xi32, #tpu.memory_space<vmem>>) semaphore(%dma_start3A_811 : memref<!tpu.dma_semaphore, #tpu.memory_space<semaphore_mem>>) {add = true}
      %dma_wait3A_812 = arith.constant 1 : i32
      %dma_wait3A_813 = arith.constant 11 : i32
      %dma_wait3A_814 = arith.constant 1 : i32
      %dma_wait3A_815 = arith.constant 0 : i32
      %dma_wait3A_816 = arith.constant 0 : i32
      %dma_wait3A_817 = tpu.memref_slice %arg9[%dma_wait3A_812, %dma_wait3A_815, %dma_wait3A_816] : memref<2x128x128xf32, #tpu.memory_space<vmem>> -> memref<1x128x128xf32, #tpu.memory_space<vmem>>
      %dma_wait3A_818 = tpu.memref_squeeze %dma_wait3A_817 : memref<1x128x128xf32, #tpu.memory_space<vmem>> -> memref<128x128xf32, #tpu.memory_space<vmem>>
      %dma_wait3A_819 = arith.constant 0 : i32
      %dma_wait3A_820 = tpu.memref_slice %arg8[%rem3A_82, %dma_wait3A_813, %dma_wait3A_819] : memref<2x16x128xi32, #tpu.memory_space<vmem>> -> memref<1x1x128xi32, #tpu.memory_space<vmem>>
      %dma_wait3A_821 = tpu.memref_squeeze %dma_wait3A_820 : memref<1x1x128xi32, #tpu.memory_space<vmem>> -> memref<128xi32, #tpu.memory_space<vmem>>
      %dma_wait3A_822 = arith.constant 0 : i32
      %dma_wait3A_823 = arith.constant 0 : i32
      %dma_wait3A_824 = tpu.memref_slice %arg10[%dma_wait3A_822, %dma_wait3A_823] : memref<10240x128xf32, #tpu.memory_space<vmem_shared>> -> memref<10240x128xf32, #tpu.memory_space<vmem_shared>>
      %dma_wait3A_825 = tpu.memref_slice %arg13[%dma_wait3A_814] : memref<2x!tpu.dma_semaphore, #tpu.memory_space<semaphore_mem>> -> memref<1x!tpu.dma_semaphore, #tpu.memory_space<semaphore_mem>>
      %dma_wait3A_826 = tpu.memref_squeeze %dma_wait3A_825 : memref<1x!tpu.dma_semaphore, #tpu.memory_space<semaphore_mem>> -> memref<!tpu.dma_semaphore, #tpu.memory_space<semaphore_mem>>
      tpu.wait_indirect_dma semaphore(%dma_wait3A_826 : memref<!tpu.dma_semaphore, #tpu.memory_space<semaphore_mem>>) src(%dma_wait3A_818 : memref<128x128xf32, #tpu.memory_space<vmem>>) dst(%dma_wait3A_824 : memref<10240x128xf32, #tpu.memory_space<vmem_shared>>)
      %dma_start3A_827 = arith.constant 13 : i32
      %dma_start3A_828 = arith.constant 1 : i32
      %dma_start3A_829 = arith.constant 1 : i32
      %dma_start3A_830 = arith.constant 0 : i32
      %dma_start3A_831 = arith.constant 0 : i32
      %dma_start3A_832 = tpu.memref_slice %arg9[%dma_start3A_828, %dma_start3A_830, %dma_start3A_831] : memref<2x128x128xf32, #tpu.memory_space<vmem>> -> memref<1x128x128xf32, #tpu.memory_space<vmem>>
      %dma_start3A_833 = tpu.memref_squeeze %dma_start3A_832 : memref<1x128x128xf32, #tpu.memory_space<vmem>> -> memref<128x128xf32, #tpu.memory_space<vmem>>
      %dma_start3A_834 = arith.constant 0 : i32
      %dma_start3A_835 = tpu.memref_slice %arg7[%rem3A_82, %dma_start3A_827, %dma_start3A_834] : memref<2x16x128xi32, #tpu.memory_space<vmem>> -> memref<1x1x128xi32, #tpu.memory_space<vmem>>
      %dma_start3A_836 = tpu.memref_squeeze %dma_start3A_835 : memref<1x1x128xi32, #tpu.memory_space<vmem>> -> memref<128xi32, #tpu.memory_space<vmem>>
      %dma_start3A_837 = arith.constant 0 : i32
      %dma_start3A_838 = arith.constant 0 : i32
      %dma_start3A_839 = tpu.memref_slice %arg2[%dma_start3A_837, %dma_start3A_838] : memref<10240x128xf32, #tpu.memory_space<hbm>> -> memref<10240x128xf32, #tpu.memory_space<hbm>>
      %dma_start3A_840 = tpu.memref_slice %arg12[%dma_start3A_829] : memref<2x!tpu.dma_semaphore, #tpu.memory_space<semaphore_mem>> -> memref<1x!tpu.dma_semaphore, #tpu.memory_space<semaphore_mem>>
      %dma_start3A_841 = tpu.memref_squeeze %dma_start3A_840 : memref<1x!tpu.dma_semaphore, #tpu.memory_space<semaphore_mem>> -> memref<!tpu.dma_semaphore, #tpu.memory_space<semaphore_mem>>
      tpu.enqueue_indirect_dma source(%dma_start3A_839 : memref<10240x128xf32, #tpu.memory_space<hbm>>) target(%dma_start3A_833 : memref<128x128xf32, #tpu.memory_space<vmem>>) offsets(%dma_start3A_836 : memref<128xi32, #tpu.memory_space<vmem>>) semaphore(%dma_start3A_841 : memref<!tpu.dma_semaphore, #tpu.memory_space<semaphore_mem>>)
      %dma_wait3A_842 = arith.constant 12 : i32
      %dma_wait3A_843 = arith.constant 0 : i32
      %dma_wait3A_844 = arith.constant 0 : i32
      %dma_wait3A_845 = arith.constant 0 : i32
      %dma_wait3A_846 = arith.constant 0 : i32
      %dma_wait3A_847 = tpu.memref_slice %arg9[%dma_wait3A_843, %dma_wait3A_845, %dma_wait3A_846] : memref<2x128x128xf32, #tpu.memory_space<vmem>> -> memref<1x128x128xf32, #tpu.memory_space<vmem>>
      %dma_wait3A_848 = tpu.memref_squeeze %dma_wait3A_847 : memref<1x128x128xf32, #tpu.memory_space<vmem>> -> memref<128x128xf32, #tpu.memory_space<vmem>>
      %dma_wait3A_849 = arith.constant 0 : i32
      %dma_wait3A_850 = tpu.memref_slice %arg7[%rem3A_82, %dma_wait3A_842, %dma_wait3A_849] : memref<2x16x128xi32, #tpu.memory_space<vmem>> -> memref<1x1x128xi32, #tpu.memory_space<vmem>>
      %dma_wait3A_851 = tpu.memref_squeeze %dma_wait3A_850 : memref<1x1x128xi32, #tpu.memory_space<vmem>> -> memref<128xi32, #tpu.memory_space<vmem>>
      %dma_wait3A_852 = arith.constant 0 : i32
      %dma_wait3A_853 = arith.constant 0 : i32
      %dma_wait3A_854 = tpu.memref_slice %arg2[%dma_wait3A_852, %dma_wait3A_853] : memref<10240x128xf32, #tpu.memory_space<hbm>> -> memref<10240x128xf32, #tpu.memory_space<hbm>>
      %dma_wait3A_855 = tpu.memref_slice %arg12[%dma_wait3A_844] : memref<2x!tpu.dma_semaphore, #tpu.memory_space<semaphore_mem>> -> memref<1x!tpu.dma_semaphore, #tpu.memory_space<semaphore_mem>>
      %dma_wait3A_856 = tpu.memref_squeeze %dma_wait3A_855 : memref<1x!tpu.dma_semaphore, #tpu.memory_space<semaphore_mem>> -> memref<!tpu.dma_semaphore, #tpu.memory_space<semaphore_mem>>
      tpu.wait_indirect_dma semaphore(%dma_wait3A_856 : memref<!tpu.dma_semaphore, #tpu.memory_space<semaphore_mem>>) src(%dma_wait3A_854 : memref<10240x128xf32, #tpu.memory_space<hbm>>) dst(%dma_wait3A_848 : memref<128x128xf32, #tpu.memory_space<vmem>>)
      %dma_start3A_857 = arith.constant 0 : i32
      %dma_start3A_858 = arith.constant 12 : i32
      %dma_start3A_859 = arith.constant 0 : i32
      %dma_start3A_860 = arith.constant 0 : i32
      %dma_start3A_861 = arith.constant 0 : i32
      %dma_start3A_862 = tpu.memref_slice %arg9[%dma_start3A_857, %dma_start3A_860, %dma_start3A_861] : memref<2x128x128xf32, #tpu.memory_space<vmem>> -> memref<1x128x128xf32, #tpu.memory_space<vmem>>
      %dma_start3A_863 = tpu.memref_squeeze %dma_start3A_862 : memref<1x128x128xf32, #tpu.memory_space<vmem>> -> memref<128x128xf32, #tpu.memory_space<vmem>>
      %dma_start3A_864 = arith.constant 0 : i32
      %dma_start3A_865 = tpu.memref_slice %arg8[%rem3A_82, %dma_start3A_858, %dma_start3A_864] : memref<2x16x128xi32, #tpu.memory_space<vmem>> -> memref<1x1x128xi32, #tpu.memory_space<vmem>>
      %dma_start3A_866 = tpu.memref_squeeze %dma_start3A_865 : memref<1x1x128xi32, #tpu.memory_space<vmem>> -> memref<128xi32, #tpu.memory_space<vmem>>
      %dma_start3A_867 = arith.constant 0 : i32
      %dma_start3A_868 = arith.constant 0 : i32
      %dma_start3A_869 = tpu.memref_slice %arg10[%dma_start3A_867, %dma_start3A_868] : memref<10240x128xf32, #tpu.memory_space<vmem_shared>> -> memref<10240x128xf32, #tpu.memory_space<vmem_shared>>
      %dma_start3A_870 = tpu.memref_slice %arg13[%dma_start3A_859] : memref<2x!tpu.dma_semaphore, #tpu.memory_space<semaphore_mem>> -> memref<1x!tpu.dma_semaphore, #tpu.memory_space<semaphore_mem>>
      %dma_start3A_871 = tpu.memref_squeeze %dma_start3A_870 : memref<1x!tpu.dma_semaphore, #tpu.memory_space<semaphore_mem>> -> memref<!tpu.dma_semaphore, #tpu.memory_space<semaphore_mem>>
      tpu.enqueue_indirect_dma source(%dma_start3A_863 : memref<128x128xf32, #tpu.memory_space<vmem>>) target(%dma_start3A_869 : memref<10240x128xf32, #tpu.memory_space<vmem_shared>>) offsets(%dma_start3A_866 : memref<128xi32, #tpu.memory_space<vmem>>) semaphore(%dma_start3A_871 : memref<!tpu.dma_semaphore, #tpu.memory_space<semaphore_mem>>) {add = true}
      %dma_wait3A_872 = arith.constant 0 : i32
      %dma_wait3A_873 = arith.constant 12 : i32
      %dma_wait3A_874 = arith.constant 0 : i32
      %dma_wait3A_875 = arith.constant 0 : i32
      %dma_wait3A_876 = arith.constant 0 : i32
      %dma_wait3A_877 = tpu.memref_slice %arg9[%dma_wait3A_872, %dma_wait3A_875, %dma_wait3A_876] : memref<2x128x128xf32, #tpu.memory_space<vmem>> -> memref<1x128x128xf32, #tpu.memory_space<vmem>>
      %dma_wait3A_878 = tpu.memref_squeeze %dma_wait3A_877 : memref<1x128x128xf32, #tpu.memory_space<vmem>> -> memref<128x128xf32, #tpu.memory_space<vmem>>
      %dma_wait3A_879 = arith.constant 0 : i32
      %dma_wait3A_880 = tpu.memref_slice %arg8[%rem3A_82, %dma_wait3A_873, %dma_wait3A_879] : memref<2x16x128xi32, #tpu.memory_space<vmem>> -> memref<1x1x128xi32, #tpu.memory_space<vmem>>
      %dma_wait3A_881 = tpu.memref_squeeze %dma_wait3A_880 : memref<1x1x128xi32, #tpu.memory_space<vmem>> -> memref<128xi32, #tpu.memory_space<vmem>>
      %dma_wait3A_882 = arith.constant 0 : i32
      %dma_wait3A_883 = arith.constant 0 : i32
      %dma_wait3A_884 = tpu.memref_slice %arg10[%dma_wait3A_882, %dma_wait3A_883] : memref<10240x128xf32, #tpu.memory_space<vmem_shared>> -> memref<10240x128xf32, #tpu.memory_space<vmem_shared>>
      %dma_wait3A_885 = tpu.memref_slice %arg13[%dma_wait3A_874] : memref<2x!tpu.dma_semaphore, #tpu.memory_space<semaphore_mem>> -> memref<1x!tpu.dma_semaphore, #tpu.memory_space<semaphore_mem>>
      %dma_wait3A_886 = tpu.memref_squeeze %dma_wait3A_885 : memref<1x!tpu.dma_semaphore, #tpu.memory_space<semaphore_mem>> -> memref<!tpu.dma_semaphore, #tpu.memory_space<semaphore_mem>>
      tpu.wait_indirect_dma semaphore(%dma_wait3A_886 : memref<!tpu.dma_semaphore, #tpu.memory_space<semaphore_mem>>) src(%dma_wait3A_878 : memref<128x128xf32, #tpu.memory_space<vmem>>) dst(%dma_wait3A_884 : memref<10240x128xf32, #tpu.memory_space<vmem_shared>>)
      %dma_start3A_887 = arith.constant 14 : i32
      %dma_start3A_888 = arith.constant 0 : i32
      %dma_start3A_889 = arith.constant 0 : i32
      %dma_start3A_890 = arith.constant 0 : i32
      %dma_start3A_891 = arith.constant 0 : i32
      %dma_start3A_892 = tpu.memref_slice %arg9[%dma_start3A_888, %dma_start3A_890, %dma_start3A_891] : memref<2x128x128xf32, #tpu.memory_space<vmem>> -> memref<1x128x128xf32, #tpu.memory_space<vmem>>
      %dma_start3A_893 = tpu.memref_squeeze %dma_start3A_892 : memref<1x128x128xf32, #tpu.memory_space<vmem>> -> memref<128x128xf32, #tpu.memory_space<vmem>>
      %dma_start3A_894 = arith.constant 0 : i32
      %dma_start3A_895 = tpu.memref_slice %arg7[%rem3A_82, %dma_start3A_887, %dma_start3A_894] : memref<2x16x128xi32, #tpu.memory_space<vmem>> -> memref<1x1x128xi32, #tpu.memory_space<vmem>>
      %dma_start3A_896 = tpu.memref_squeeze %dma_start3A_895 : memref<1x1x128xi32, #tpu.memory_space<vmem>> -> memref<128xi32, #tpu.memory_space<vmem>>
      %dma_start3A_897 = arith.constant 0 : i32
      %dma_start3A_898 = arith.constant 0 : i32
      %dma_start3A_899 = tpu.memref_slice %arg2[%dma_start3A_897, %dma_start3A_898] : memref<10240x128xf32, #tpu.memory_space<hbm>> -> memref<10240x128xf32, #tpu.memory_space<hbm>>
      %dma_start3A_900 = tpu.memref_slice %arg12[%dma_start3A_889] : memref<2x!tpu.dma_semaphore, #tpu.memory_space<semaphore_mem>> -> memref<1x!tpu.dma_semaphore, #tpu.memory_space<semaphore_mem>>
      %dma_start3A_901 = tpu.memref_squeeze %dma_start3A_900 : memref<1x!tpu.dma_semaphore, #tpu.memory_space<semaphore_mem>> -> memref<!tpu.dma_semaphore, #tpu.memory_space<semaphore_mem>>
      tpu.enqueue_indirect_dma source(%dma_start3A_899 : memref<10240x128xf32, #tpu.memory_space<hbm>>) target(%dma_start3A_893 : memref<128x128xf32, #tpu.memory_space<vmem>>) offsets(%dma_start3A_896 : memref<128xi32, #tpu.memory_space<vmem>>) semaphore(%dma_start3A_901 : memref<!tpu.dma_semaphore, #tpu.memory_space<semaphore_mem>>)
      %dma_wait3A_902 = arith.constant 13 : i32
      %dma_wait3A_903 = arith.constant 1 : i32
      %dma_wait3A_904 = arith.constant 1 : i32
      %dma_wait3A_905 = arith.constant 0 : i32
      %dma_wait3A_906 = arith.constant 0 : i32
      %dma_wait3A_907 = tpu.memref_slice %arg9[%dma_wait3A_903, %dma_wait3A_905, %dma_wait3A_906] : memref<2x128x128xf32, #tpu.memory_space<vmem>> -> memref<1x128x128xf32, #tpu.memory_space<vmem>>
      %dma_wait3A_908 = tpu.memref_squeeze %dma_wait3A_907 : memref<1x128x128xf32, #tpu.memory_space<vmem>> -> memref<128x128xf32, #tpu.memory_space<vmem>>
      %dma_wait3A_909 = arith.constant 0 : i32
      %dma_wait3A_910 = tpu.memref_slice %arg7[%rem3A_82, %dma_wait3A_902, %dma_wait3A_909] : memref<2x16x128xi32, #tpu.memory_space<vmem>> -> memref<1x1x128xi32, #tpu.memory_space<vmem>>
      %dma_wait3A_911 = tpu.memref_squeeze %dma_wait3A_910 : memref<1x1x128xi32, #tpu.memory_space<vmem>> -> memref<128xi32, #tpu.memory_space<vmem>>
      %dma_wait3A_912 = arith.constant 0 : i32
      %dma_wait3A_913 = arith.constant 0 : i32
      %dma_wait3A_914 = tpu.memref_slice %arg2[%dma_wait3A_912, %dma_wait3A_913] : memref<10240x128xf32, #tpu.memory_space<hbm>> -> memref<10240x128xf32, #tpu.memory_space<hbm>>
      %dma_wait3A_915 = tpu.memref_slice %arg12[%dma_wait3A_904] : memref<2x!tpu.dma_semaphore, #tpu.memory_space<semaphore_mem>> -> memref<1x!tpu.dma_semaphore, #tpu.memory_space<semaphore_mem>>
      %dma_wait3A_916 = tpu.memref_squeeze %dma_wait3A_915 : memref<1x!tpu.dma_semaphore, #tpu.memory_space<semaphore_mem>> -> memref<!tpu.dma_semaphore, #tpu.memory_space<semaphore_mem>>
      tpu.wait_indirect_dma semaphore(%dma_wait3A_916 : memref<!tpu.dma_semaphore, #tpu.memory_space<semaphore_mem>>) src(%dma_wait3A_914 : memref<10240x128xf32, #tpu.memory_space<hbm>>) dst(%dma_wait3A_908 : memref<128x128xf32, #tpu.memory_space<vmem>>)
      %dma_start3A_917 = arith.constant 1 : i32
      %dma_start3A_918 = arith.constant 13 : i32
      %dma_start3A_919 = arith.constant 1 : i32
      %dma_start3A_920 = arith.constant 0 : i32
      %dma_start3A_921 = arith.constant 0 : i32
      %dma_start3A_922 = tpu.memref_slice %arg9[%dma_start3A_917, %dma_start3A_920, %dma_start3A_921] : memref<2x128x128xf32, #tpu.memory_space<vmem>> -> memref<1x128x128xf32, #tpu.memory_space<vmem>>
      %dma_start3A_923 = tpu.memref_squeeze %dma_start3A_922 : memref<1x128x128xf32, #tpu.memory_space<vmem>> -> memref<128x128xf32, #tpu.memory_space<vmem>>
      %dma_start3A_924 = arith.constant 0 : i32
      %dma_start3A_925 = tpu.memref_slice %arg8[%rem3A_82, %dma_start3A_918, %dma_start3A_924] : memref<2x16x128xi32, #tpu.memory_space<vmem>> -> memref<1x1x128xi32, #tpu.memory_space<vmem>>
      %dma_start3A_926 = tpu.memref_squeeze %dma_start3A_925 : memref<1x1x128xi32, #tpu.memory_space<vmem>> -> memref<128xi32, #tpu.memory_space<vmem>>
      %dma_start3A_927 = arith.constant 0 : i32
      %dma_start3A_928 = arith.constant 0 : i32
      %dma_start3A_929 = tpu.memref_slice %arg10[%dma_start3A_927, %dma_start3A_928] : memref<10240x128xf32, #tpu.memory_space<vmem_shared>> -> memref<10240x128xf32, #tpu.memory_space<vmem_shared>>
      %dma_start3A_930 = tpu.memref_slice %arg13[%dma_start3A_919] : memref<2x!tpu.dma_semaphore, #tpu.memory_space<semaphore_mem>> -> memref<1x!tpu.dma_semaphore, #tpu.memory_space<semaphore_mem>>
      %dma_start3A_931 = tpu.memref_squeeze %dma_start3A_930 : memref<1x!tpu.dma_semaphore, #tpu.memory_space<semaphore_mem>> -> memref<!tpu.dma_semaphore, #tpu.memory_space<semaphore_mem>>
      tpu.enqueue_indirect_dma source(%dma_start3A_923 : memref<128x128xf32, #tpu.memory_space<vmem>>) target(%dma_start3A_929 : memref<10240x128xf32, #tpu.memory_space<vmem_shared>>) offsets(%dma_start3A_926 : memref<128xi32, #tpu.memory_space<vmem>>) semaphore(%dma_start3A_931 : memref<!tpu.dma_semaphore, #tpu.memory_space<semaphore_mem>>) {add = true}
      %dma_wait3A_932 = arith.constant 1 : i32
      %dma_wait3A_933 = arith.constant 13 : i32
      %dma_wait3A_934 = arith.constant 1 : i32
      %dma_wait3A_935 = arith.constant 0 : i32
      %dma_wait3A_936 = arith.constant 0 : i32
      %dma_wait3A_937 = tpu.memref_slice %arg9[%dma_wait3A_932, %dma_wait3A_935, %dma_wait3A_936] : memref<2x128x128xf32, #tpu.memory_space<vmem>> -> memref<1x128x128xf32, #tpu.memory_space<vmem>>
      %dma_wait3A_938 = tpu.memref_squeeze %dma_wait3A_937 : memref<1x128x128xf32, #tpu.memory_space<vmem>> -> memref<128x128xf32, #tpu.memory_space<vmem>>
      %dma_wait3A_939 = arith.constant 0 : i32
      %dma_wait3A_940 = tpu.memref_slice %arg8[%rem3A_82, %dma_wait3A_933, %dma_wait3A_939] : memref<2x16x128xi32, #tpu.memory_space<vmem>> -> memref<1x1x128xi32, #tpu.memory_space<vmem>>
      %dma_wait3A_941 = tpu.memref_squeeze %dma_wait3A_940 : memref<1x1x128xi32, #tpu.memory_space<vmem>> -> memref<128xi32, #tpu.memory_space<vmem>>
      %dma_wait3A_942 = arith.constant 0 : i32
      %dma_wait3A_943 = arith.constant 0 : i32
      %dma_wait3A_944 = tpu.memref_slice %arg10[%dma_wait3A_942, %dma_wait3A_943] : memref<10240x128xf32, #tpu.memory_space<vmem_shared>> -> memref<10240x128xf32, #tpu.memory_space<vmem_shared>>
      %dma_wait3A_945 = tpu.memref_slice %arg13[%dma_wait3A_934] : memref<2x!tpu.dma_semaphore, #tpu.memory_space<semaphore_mem>> -> memref<1x!tpu.dma_semaphore, #tpu.memory_space<semaphore_mem>>
      %dma_wait3A_946 = tpu.memref_squeeze %dma_wait3A_945 : memref<1x!tpu.dma_semaphore, #tpu.memory_space<semaphore_mem>> -> memref<!tpu.dma_semaphore, #tpu.memory_space<semaphore_mem>>
      tpu.wait_indirect_dma semaphore(%dma_wait3A_946 : memref<!tpu.dma_semaphore, #tpu.memory_space<semaphore_mem>>) src(%dma_wait3A_938 : memref<128x128xf32, #tpu.memory_space<vmem>>) dst(%dma_wait3A_944 : memref<10240x128xf32, #tpu.memory_space<vmem_shared>>)
      %dma_start3A_947 = arith.constant 15 : i32
      %dma_start3A_948 = arith.constant 1 : i32
      %dma_start3A_949 = arith.constant 1 : i32
      %dma_start3A_950 = arith.constant 0 : i32
      %dma_start3A_951 = arith.constant 0 : i32
      %dma_start3A_952 = tpu.memref_slice %arg9[%dma_start3A_948, %dma_start3A_950, %dma_start3A_951] : memref<2x128x128xf32, #tpu.memory_space<vmem>> -> memref<1x128x128xf32, #tpu.memory_space<vmem>>
      %dma_start3A_953 = tpu.memref_squeeze %dma_start3A_952 : memref<1x128x128xf32, #tpu.memory_space<vmem>> -> memref<128x128xf32, #tpu.memory_space<vmem>>
      %dma_start3A_954 = arith.constant 0 : i32
      %dma_start3A_955 = tpu.memref_slice %arg7[%rem3A_82, %dma_start3A_947, %dma_start3A_954] : memref<2x16x128xi32, #tpu.memory_space<vmem>> -> memref<1x1x128xi32, #tpu.memory_space<vmem>>
      %dma_start3A_956 = tpu.memref_squeeze %dma_start3A_955 : memref<1x1x128xi32, #tpu.memory_space<vmem>> -> memref<128xi32, #tpu.memory_space<vmem>>
      %dma_start3A_957 = arith.constant 0 : i32
      %dma_start3A_958 = arith.constant 0 : i32
      %dma_start3A_959 = tpu.memref_slice %arg2[%dma_start3A_957, %dma_start3A_958] : memref<10240x128xf32, #tpu.memory_space<hbm>> -> memref<10240x128xf32, #tpu.memory_space<hbm>>
      %dma_start3A_960 = tpu.memref_slice %arg12[%dma_start3A_949] : memref<2x!tpu.dma_semaphore, #tpu.memory_space<semaphore_mem>> -> memref<1x!tpu.dma_semaphore, #tpu.memory_space<semaphore_mem>>
      %dma_start3A_961 = tpu.memref_squeeze %dma_start3A_960 : memref<1x!tpu.dma_semaphore, #tpu.memory_space<semaphore_mem>> -> memref<!tpu.dma_semaphore, #tpu.memory_space<semaphore_mem>>
      tpu.enqueue_indirect_dma source(%dma_start3A_959 : memref<10240x128xf32, #tpu.memory_space<hbm>>) target(%dma_start3A_953 : memref<128x128xf32, #tpu.memory_space<vmem>>) offsets(%dma_start3A_956 : memref<128xi32, #tpu.memory_space<vmem>>) semaphore(%dma_start3A_961 : memref<!tpu.dma_semaphore, #tpu.memory_space<semaphore_mem>>)
      %dma_wait3A_962 = arith.constant 14 : i32
      %dma_wait3A_963 = arith.constant 0 : i32
      %dma_wait3A_964 = arith.constant 0 : i32
      %dma_wait3A_965 = arith.constant 0 : i32
      %dma_wait3A_966 = arith.constant 0 : i32
      %dma_wait3A_967 = tpu.memref_slice %arg9[%dma_wait3A_963, %dma_wait3A_965, %dma_wait3A_966] : memref<2x128x128xf32, #tpu.memory_space<vmem>> -> memref<1x128x128xf32, #tpu.memory_space<vmem>>
      %dma_wait3A_968 = tpu.memref_squeeze %dma_wait3A_967 : memref<1x128x128xf32, #tpu.memory_space<vmem>> -> memref<128x128xf32, #tpu.memory_space<vmem>>
      %dma_wait3A_969 = arith.constant 0 : i32
      %dma_wait3A_970 = tpu.memref_slice %arg7[%rem3A_82, %dma_wait3A_962, %dma_wait3A_969] : memref<2x16x128xi32, #tpu.memory_space<vmem>> -> memref<1x1x128xi32, #tpu.memory_space<vmem>>
      %dma_wait3A_971 = tpu.memref_squeeze %dma_wait3A_970 : memref<1x1x128xi32, #tpu.memory_space<vmem>> -> memref<128xi32, #tpu.memory_space<vmem>>
      %dma_wait3A_972 = arith.constant 0 : i32
      %dma_wait3A_973 = arith.constant 0 : i32
      %dma_wait3A_974 = tpu.memref_slice %arg2[%dma_wait3A_972, %dma_wait3A_973] : memref<10240x128xf32, #tpu.memory_space<hbm>> -> memref<10240x128xf32, #tpu.memory_space<hbm>>
      %dma_wait3A_975 = tpu.memref_slice %arg12[%dma_wait3A_964] : memref<2x!tpu.dma_semaphore, #tpu.memory_space<semaphore_mem>> -> memref<1x!tpu.dma_semaphore, #tpu.memory_space<semaphore_mem>>
      %dma_wait3A_976 = tpu.memref_squeeze %dma_wait3A_975 : memref<1x!tpu.dma_semaphore, #tpu.memory_space<semaphore_mem>> -> memref<!tpu.dma_semaphore, #tpu.memory_space<semaphore_mem>>
      tpu.wait_indirect_dma semaphore(%dma_wait3A_976 : memref<!tpu.dma_semaphore, #tpu.memory_space<semaphore_mem>>) src(%dma_wait3A_974 : memref<10240x128xf32, #tpu.memory_space<hbm>>) dst(%dma_wait3A_968 : memref<128x128xf32, #tpu.memory_space<vmem>>)
      %dma_start3A_977 = arith.constant 0 : i32
      %dma_start3A_978 = arith.constant 14 : i32
      %dma_start3A_979 = arith.constant 0 : i32
      %dma_start3A_980 = arith.constant 0 : i32
      %dma_start3A_981 = arith.constant 0 : i32
      %dma_start3A_982 = tpu.memref_slice %arg9[%dma_start3A_977, %dma_start3A_980, %dma_start3A_981] : memref<2x128x128xf32, #tpu.memory_space<vmem>> -> memref<1x128x128xf32, #tpu.memory_space<vmem>>
      %dma_start3A_983 = tpu.memref_squeeze %dma_start3A_982 : memref<1x128x128xf32, #tpu.memory_space<vmem>> -> memref<128x128xf32, #tpu.memory_space<vmem>>
      %dma_start3A_984 = arith.constant 0 : i32
      %dma_start3A_985 = tpu.memref_slice %arg8[%rem3A_82, %dma_start3A_978, %dma_start3A_984] : memref<2x16x128xi32, #tpu.memory_space<vmem>> -> memref<1x1x128xi32, #tpu.memory_space<vmem>>
      %dma_start3A_986 = tpu.memref_squeeze %dma_start3A_985 : memref<1x1x128xi32, #tpu.memory_space<vmem>> -> memref<128xi32, #tpu.memory_space<vmem>>
      %dma_start3A_987 = arith.constant 0 : i32
      %dma_start3A_988 = arith.constant 0 : i32
      %dma_start3A_989 = tpu.memref_slice %arg10[%dma_start3A_987, %dma_start3A_988] : memref<10240x128xf32, #tpu.memory_space<vmem_shared>> -> memref<10240x128xf32, #tpu.memory_space<vmem_shared>>
      %dma_start3A_990 = tpu.memref_slice %arg13[%dma_start3A_979] : memref<2x!tpu.dma_semaphore, #tpu.memory_space<semaphore_mem>> -> memref<1x!tpu.dma_semaphore, #tpu.memory_space<semaphore_mem>>
      %dma_start3A_991 = tpu.memref_squeeze %dma_start3A_990 : memref<1x!tpu.dma_semaphore, #tpu.memory_space<semaphore_mem>> -> memref<!tpu.dma_semaphore, #tpu.memory_space<semaphore_mem>>
      tpu.enqueue_indirect_dma source(%dma_start3A_983 : memref<128x128xf32, #tpu.memory_space<vmem>>) target(%dma_start3A_989 : memref<10240x128xf32, #tpu.memory_space<vmem_shared>>) offsets(%dma_start3A_986 : memref<128xi32, #tpu.memory_space<vmem>>) semaphore(%dma_start3A_991 : memref<!tpu.dma_semaphore, #tpu.memory_space<semaphore_mem>>) {add = true}
      %dma_wait3A_992 = arith.constant 15 : i32
      %dma_wait3A_993 = arith.constant 1 : i32
      %dma_wait3A_994 = arith.constant 1 : i32
      %dma_wait3A_995 = arith.constant 0 : i32
      %dma_wait3A_996 = arith.constant 0 : i32
      %dma_wait3A_997 = tpu.memref_slice %arg9[%dma_wait3A_993, %dma_wait3A_995, %dma_wait3A_996] : memref<2x128x128xf32, #tpu.memory_space<vmem>> -> memref<1x128x128xf32, #tpu.memory_space<vmem>>
      %dma_wait3A_998 = tpu.memref_squeeze %dma_wait3A_997 : memref<1x128x128xf32, #tpu.memory_space<vmem>> -> memref<128x128xf32, #tpu.memory_space<vmem>>
      %dma_wait3A_999 = arith.constant 0 : i32
      %dma_wait3A_1000 = tpu.memref_slice %arg7[%rem3A_82, %dma_wait3A_992, %dma_wait3A_999] : memref<2x16x128xi32, #tpu.memory_space<vmem>> -> memref<1x1x128xi32, #tpu.memory_space<vmem>>
      %dma_wait3A_1001 = tpu.memref_squeeze %dma_wait3A_1000 : memref<1x1x128xi32, #tpu.memory_space<vmem>> -> memref<128xi32, #tpu.memory_space<vmem>>
      %dma_wait3A_1002 = arith.constant 0 : i32
      %dma_wait3A_1003 = arith.constant 0 : i32
      %dma_wait3A_1004 = tpu.memref_slice %arg2[%dma_wait3A_1002, %dma_wait3A_1003] : memref<10240x128xf32, #tpu.memory_space<hbm>> -> memref<10240x128xf32, #tpu.memory_space<hbm>>
      %dma_wait3A_1005 = tpu.memref_slice %arg12[%dma_wait3A_994] : memref<2x!tpu.dma_semaphore, #tpu.memory_space<semaphore_mem>> -> memref<1x!tpu.dma_semaphore, #tpu.memory_space<semaphore_mem>>
      %dma_wait3A_1006 = tpu.memref_squeeze %dma_wait3A_1005 : memref<1x!tpu.dma_semaphore, #tpu.memory_space<semaphore_mem>> -> memref<!tpu.dma_semaphore, #tpu.memory_space<semaphore_mem>>
      tpu.wait_indirect_dma semaphore(%dma_wait3A_1006 : memref<!tpu.dma_semaphore, #tpu.memory_space<semaphore_mem>>) src(%dma_wait3A_1004 : memref<10240x128xf32, #tpu.memory_space<hbm>>) dst(%dma_wait3A_998 : memref<128x128xf32, #tpu.memory_space<vmem>>)
      %dma_start3A_1007 = arith.constant 1 : i32
      %dma_start3A_1008 = arith.constant 15 : i32
      %dma_start3A_1009 = arith.constant 1 : i32
      %dma_start3A_1010 = arith.constant 0 : i32
      %dma_start3A_1011 = arith.constant 0 : i32
      %dma_start3A_1012 = tpu.memref_slice %arg9[%dma_start3A_1007, %dma_start3A_1010, %dma_start3A_1011] : memref<2x128x128xf32, #tpu.memory_space<vmem>> -> memref<1x128x128xf32, #tpu.memory_space<vmem>>
      %dma_start3A_1013 = tpu.memref_squeeze %dma_start3A_1012 : memref<1x128x128xf32, #tpu.memory_space<vmem>> -> memref<128x128xf32, #tpu.memory_space<vmem>>
      %dma_start3A_1014 = arith.constant 0 : i32
      %dma_start3A_1015 = tpu.memref_slice %arg8[%rem3A_82, %dma_start3A_1008, %dma_start3A_1014] : memref<2x16x128xi32, #tpu.memory_space<vmem>> -> memref<1x1x128xi32, #tpu.memory_space<vmem>>
      %dma_start3A_1016 = tpu.memref_squeeze %dma_start3A_1015 : memref<1x1x128xi32, #tpu.memory_space<vmem>> -> memref<128xi32, #tpu.memory_space<vmem>>
      %dma_start3A_1017 = arith.constant 0 : i32
      %dma_start3A_1018 = arith.constant 0 : i32
      %dma_start3A_1019 = tpu.memref_slice %arg10[%dma_start3A_1017, %dma_start3A_1018] : memref<10240x128xf32, #tpu.memory_space<vmem_shared>> -> memref<10240x128xf32, #tpu.memory_space<vmem_shared>>
      %dma_start3A_1020 = tpu.memref_slice %arg13[%dma_start3A_1009] : memref<2x!tpu.dma_semaphore, #tpu.memory_space<semaphore_mem>> -> memref<1x!tpu.dma_semaphore, #tpu.memory_space<semaphore_mem>>
      %dma_start3A_1021 = tpu.memref_squeeze %dma_start3A_1020 : memref<1x!tpu.dma_semaphore, #tpu.memory_space<semaphore_mem>> -> memref<!tpu.dma_semaphore, #tpu.memory_space<semaphore_mem>>
      tpu.enqueue_indirect_dma source(%dma_start3A_1013 : memref<128x128xf32, #tpu.memory_space<vmem>>) target(%dma_start3A_1019 : memref<10240x128xf32, #tpu.memory_space<vmem_shared>>) offsets(%dma_start3A_1016 : memref<128xi32, #tpu.memory_space<vmem>>) semaphore(%dma_start3A_1021 : memref<!tpu.dma_semaphore, #tpu.memory_space<semaphore_mem>>) {add = true}
      %dma_wait3A_1022 = arith.constant 0 : i32
      %dma_wait3A_1023 = arith.constant 14 : i32
      %dma_wait3A_1024 = arith.constant 0 : i32
      %dma_wait3A_1025 = arith.constant 0 : i32
      %dma_wait3A_1026 = arith.constant 0 : i32
      %dma_wait3A_1027 = tpu.memref_slice %arg9[%dma_wait3A_1022, %dma_wait3A_1025, %dma_wait3A_1026] : memref<2x128x128xf32, #tpu.memory_space<vmem>> -> memref<1x128x128xf32, #tpu.memory_space<vmem>>
      %dma_wait3A_1028 = tpu.memref_squeeze %dma_wait3A_1027 : memref<1x128x128xf32, #tpu.memory_space<vmem>> -> memref<128x128xf32, #tpu.memory_space<vmem>>
      %dma_wait3A_1029 = arith.constant 0 : i32
      %dma_wait3A_1030 = tpu.memref_slice %arg8[%rem3A_82, %dma_wait3A_1023, %dma_wait3A_1029] : memref<2x16x128xi32, #tpu.memory_space<vmem>> -> memref<1x1x128xi32, #tpu.memory_space<vmem>>
      %dma_wait3A_1031 = tpu.memref_squeeze %dma_wait3A_1030 : memref<1x1x128xi32, #tpu.memory_space<vmem>> -> memref<128xi32, #tpu.memory_space<vmem>>
      %dma_wait3A_1032 = arith.constant 0 : i32
      %dma_wait3A_1033 = arith.constant 0 : i32
      %dma_wait3A_1034 = tpu.memref_slice %arg10[%dma_wait3A_1032, %dma_wait3A_1033] : memref<10240x128xf32, #tpu.memory_space<vmem_shared>> -> memref<10240x128xf32, #tpu.memory_space<vmem_shared>>
      %dma_wait3A_1035 = tpu.memref_slice %arg13[%dma_wait3A_1024] : memref<2x!tpu.dma_semaphore, #tpu.memory_space<semaphore_mem>> -> memref<1x!tpu.dma_semaphore, #tpu.memory_space<semaphore_mem>>
      %dma_wait3A_1036 = tpu.memref_squeeze %dma_wait3A_1035 : memref<1x!tpu.dma_semaphore, #tpu.memory_space<semaphore_mem>> -> memref<!tpu.dma_semaphore, #tpu.memory_space<semaphore_mem>>
      tpu.wait_indirect_dma semaphore(%dma_wait3A_1036 : memref<!tpu.dma_semaphore, #tpu.memory_space<semaphore_mem>>) src(%dma_wait3A_1028 : memref<128x128xf32, #tpu.memory_space<vmem>>) dst(%dma_wait3A_1034 : memref<10240x128xf32, #tpu.memory_space<vmem_shared>>)
      %dma_wait3A_1037 = arith.constant 1 : i32
      %dma_wait3A_1038 = arith.constant 15 : i32
      %dma_wait3A_1039 = arith.constant 1 : i32
      %dma_wait3A_1040 = arith.constant 0 : i32
      %dma_wait3A_1041 = arith.constant 0 : i32
      %dma_wait3A_1042 = tpu.memref_slice %arg9[%dma_wait3A_1037, %dma_wait3A_1040, %dma_wait3A_1041] : memref<2x128x128xf32, #tpu.memory_space<vmem>> -> memref<1x128x128xf32, #tpu.memory_space<vmem>>
      %dma_wait3A_1043 = tpu.memref_squeeze %dma_wait3A_1042 : memref<1x128x128xf32, #tpu.memory_space<vmem>> -> memref<128x128xf32, #tpu.memory_space<vmem>>
      %dma_wait3A_1044 = arith.constant 0 : i32
      %dma_wait3A_1045 = tpu.memref_slice %arg8[%rem3A_82, %dma_wait3A_1038, %dma_wait3A_1044] : memref<2x16x128xi32, #tpu.memory_space<vmem>> -> memref<1x1x128xi32, #tpu.memory_space<vmem>>
      %dma_wait3A_1046 = tpu.memref_squeeze %dma_wait3A_1045 : memref<1x1x128xi32, #tpu.memory_space<vmem>> -> memref<128xi32, #tpu.memory_space<vmem>>
      %dma_wait3A_1047 = arith.constant 0 : i32
      %dma_wait3A_1048 = arith.constant 0 : i32
      %dma_wait3A_1049 = tpu.memref_slice %arg10[%dma_wait3A_1047, %dma_wait3A_1048] : memref<10240x128xf32, #tpu.memory_space<vmem_shared>> -> memref<10240x128xf32, #tpu.memory_space<vmem_shared>>
      %dma_wait3A_1050 = tpu.memref_slice %arg13[%dma_wait3A_1039] : memref<2x!tpu.dma_semaphore, #tpu.memory_space<semaphore_mem>> -> memref<1x!tpu.dma_semaphore, #tpu.memory_space<semaphore_mem>>
      %dma_wait3A_1051 = tpu.memref_squeeze %dma_wait3A_1050 : memref<1x!tpu.dma_semaphore, #tpu.memory_space<semaphore_mem>> -> memref<!tpu.dma_semaphore, #tpu.memory_space<semaphore_mem>>
      tpu.wait_indirect_dma semaphore(%dma_wait3A_1051 : memref<!tpu.dma_semaphore, #tpu.memory_space<semaphore_mem>>) src(%dma_wait3A_1043 : memref<128x128xf32, #tpu.memory_space<vmem>>) dst(%dma_wait3A_1049 : memref<10240x128xf32, #tpu.memory_space<vmem_shared>>)
    }
    %scan3A_79 = arith.constant 10 : i32
    %barrier3A_80 = arith.constant 0 : index
    tpu.barrier barrier_id(%barrier3A_80)
    "tpu.region"() ({
      %run_scoped3A = tpu.sem_alloc : memref<!tpu.dma_semaphore, #tpu.memory_space<semaphore_mem>>
      %dma_start3A_81 = arith.constant 0 : i32
      %dma_start3A_82 = tpu.memref_slice %arg6[%arg0, %mul3A_0, %dma_start3A_81] : memref<2x10240x128xf32, #tpu.memory_space<hbm>> -> memref<1x640x128xf32, #tpu.memory_space<hbm>>
      %dma_start3A_83 = tpu.memref_squeeze %dma_start3A_82 : memref<1x640x128xf32, #tpu.memory_space<hbm>> -> memref<640x128xf32, #tpu.memory_space<hbm>>
      %dma_start3A_84 = arith.constant 0 : i32
      %dma_start3A_85 = tpu.memref_slice %arg10[%mul3A_0, %dma_start3A_84] : memref<10240x128xf32, #tpu.memory_space<vmem_shared>> -> memref<640x128xf32, #tpu.memory_space<vmem_shared>>
      tpu.enqueue_dma source(%dma_start3A_85 : memref<640x128xf32, #tpu.memory_space<vmem_shared>>) target(%dma_start3A_83 : memref<640x128xf32, #tpu.memory_space<hbm>>) target_semaphore(%run_scoped3A : memref<!tpu.dma_semaphore, #tpu.memory_space<semaphore_mem>>)
      %dma_wait3A_86 = arith.constant 0 : i32
      %dma_wait3A_87 = tpu.memref_slice %arg6[%arg0, %mul3A_0, %dma_wait3A_86] : memref<2x10240x128xf32, #tpu.memory_space<hbm>> -> memref<1x640x128xf32, #tpu.memory_space<hbm>>
      %dma_wait3A_88 = tpu.memref_squeeze %dma_wait3A_87 : memref<1x640x128xf32, #tpu.memory_space<hbm>> -> memref<640x128xf32, #tpu.memory_space<hbm>>
      %dma_wait3A_89 = arith.constant 0 : i32
      %dma_wait3A_90 = tpu.memref_slice %arg10[%mul3A_0, %dma_wait3A_89] : memref<10240x128xf32, #tpu.memory_space<vmem_shared>> -> memref<640x128xf32, #tpu.memory_space<vmem_shared>>
      tpu.wait_dma2 semaphore(%run_scoped3A : memref<!tpu.dma_semaphore, #tpu.memory_space<semaphore_mem>>) src(%dma_wait3A_90 : memref<640x128xf32, #tpu.memory_space<vmem_shared>>) dst(%dma_wait3A_88 : memref<640x128xf32, #tpu.memory_space<hbm>>)
      tpu.yield
    }) : () -> ()
    return
  }
}

module attributes {stable_mosaic.version = 14 : i64} {
  func.func @_y1_body(%arg0: i32, %arg1: memref<2048x128xf32, #tpu.memory_space<vmem>>, %arg2: memref<2x2048x16xf32, #tpu.memory_space<vmem>>, %arg3: memref<2048x128xf32, #tpu.memory_space<vmem>>) attributes {dimension_semantics = [#tpu.dimension_semantics<arbitrary>], iteration_bounds = array<i64: 5>, scalar_prefetch = 0 : i64, scratch_operands = 0 : i64, tpu.core_type = #tpu.core_type<tc>, window_params = [{transform_indices = @transform_0, window_bounds = array<i64: 2048, 128>}, {transform_indices = @transform_1, window_bounds = array<i64: 2, 2048, 16>}, {transform_indices = @transform_2, window_bounds = array<i64: 2048, 128>}]} {
    %get3A = arith.constant 0 : index
    %get3A_0 = arith.constant 0 : index
    %get3A_1 = vector.load %arg1[%get3A, %get3A_0] : memref<2048x128xf32, #tpu.memory_space<vmem>>, vector<2048x128xf32>
    %get3A_2 = arith.constant 0 : index
    %get3A_3 = arith.constant 0 : index
    %get3A_4 = arith.constant 0 : index
    %get3A_5 = vector.load %arg2[%get3A_2, %get3A_3, %get3A_4] : memref<2x2048x16xf32, #tpu.memory_space<vmem>>, vector<1x2048x16xf32>
    %get3A_6 = vector.shape_cast %get3A_5 : vector<1x2048x16xf32> to vector<2048x16xf32>
    %slice3A = vector.extract_strided_slice %get3A_6 {offsets = [0, 0], sizes = [2048, 1], strides = [1, 1]} : vector<2048x16xf32> to vector<2048x1xf32>
    %add3A = arith.constant 1.000000e+00 : f32
    %add3A_7 = vector.broadcast %add3A : f32 to vector<2048x1xf32>
    %add3A_8 = arith.addf %add3A_7, %slice3A : vector<2048x1xf32>
    %get3A_9 = arith.constant 1 : index
    %get3A_10 = arith.constant 0 : index
    %get3A_11 = arith.constant 0 : index
    %get3A_12 = vector.load %arg2[%get3A_9, %get3A_10, %get3A_11] : memref<2x2048x16xf32, #tpu.memory_space<vmem>>, vector<1x2048x16xf32>
    %get3A_13 = vector.shape_cast %get3A_12 : vector<1x2048x16xf32> to vector<2048x16xf32>
    %slice3A_14 = vector.extract_strided_slice %get3A_13 {offsets = [0, 0], sizes = [2048, 1], strides = [1, 1]} : vector<2048x16xf32> to vector<2048x1xf32>
    %add3A_15 = arith.addf %add3A_8, %slice3A_14 : vector<2048x1xf32>
    %rsqrt3A = math.rsqrt %add3A_15 : vector<2048x1xf32>
    %mul3A = vector.broadcast %rsqrt3A : vector<2048x1xf32> to vector<2048x128xf32>
    %mul3A_16 = arith.mulf %get3A_1, %mul3A : vector<2048x128xf32>
    %swap3A = arith.constant 0 : index
    %swap3A_17 = arith.constant 0 : index
    %swap3A_18 = vector.load %arg3[%swap3A, %swap3A_17] : memref<2048x128xf32, #tpu.memory_space<vmem>>, vector<2048x128xf32>
    tpu.vector_store %arg3[%swap3A, %swap3A_17], %mul3A_16 {strides = array<i32>} : memref<2048x128xf32, #tpu.memory_space<vmem>>, vector<2048x128xf32>,
    return
  }
  func.func @transform_0(%arg0: i32) -> (i32, i32) {
    %c0_i32 = arith.constant 0 : i32
    %c0_i32_0 = arith.constant 0 : i32
    return %arg0, %c0_i32 : i32, i32
  }
  func.func @transform_1(%arg0: i32) -> (i32, i32, i32) {
    %c0_i32 = arith.constant 0 : i32
    %c0_i32_0 = arith.constant 0 : i32
    %c0_i32_1 = arith.constant 0 : i32
    return %c0_i32, %arg0, %c0_i32_0 : i32, i32, i32
  }
  func.func @transform_2(%arg0: i32) -> (i32, i32) {
    %c0_i32 = arith.constant 0 : i32
    %c0_i32_0 = arith.constant 0 : i32
    return %arg0, %c0_i32 : i32, i32
  }
}

module attributes {stable_mosaic.version = 14 : i64} {
  func.func @_l1_body(%arg0: i32, %arg1: memref<2x2048x128xf32, #tpu.memory_space<vmem>>, %arg2: memref<2048x128xf32, #tpu.memory_space<vmem>>, %arg3: memref<2x2048x16xf32, #tpu.memory_space<vmem>>, %arg4: memref<128x256xf32, #tpu.memory_space<vmem>>, %arg5: memref<1x256xf32, #tpu.memory_space<vmem>>, %arg6: memref<2x2048x128xf32, #tpu.memory_space<vmem>>) attributes {dimension_semantics = [#tpu.dimension_semantics<arbitrary>], iteration_bounds = array<i64: 5>, scalar_prefetch = 0 : i64, scratch_operands = 0 : i64, tpu.core_type = #tpu.core_type<tc>, window_params = [{transform_indices = @transform_0, window_bounds = array<i64: 2, 2048, 128>}, {transform_indices = @transform_1, window_bounds = array<i64: 2048, 128>}, {transform_indices = @transform_2, window_bounds = array<i64: 2, 2048, 16>}, {pipeline_mode = #tpu.pipeline_mode<synchronous>, transform_indices = @transform_3, window_bounds = array<i64: 128, 256>}, {pipeline_mode = #tpu.pipeline_mode<synchronous>, transform_indices = @transform_4, window_bounds = array<i64: 1, 256>}, {transform_indices = @transform_5, window_bounds = array<i64: 2, 2048, 128>}]} {
    %get3A = arith.constant 0 : index
    %get3A_0 = arith.constant 0 : index
    %get3A_1 = arith.constant 0 : index
    %get3A_2 = vector.load %arg3[%get3A, %get3A_0, %get3A_1] : memref<2x2048x16xf32, #tpu.memory_space<vmem>>, vector<1x2048x16xf32>
    %get3A_3 = vector.shape_cast %get3A_2 : vector<1x2048x16xf32> to vector<2048x16xf32>
    %slice3A = vector.extract_strided_slice %get3A_3 {offsets = [0, 0], sizes = [2048, 1], strides = [1, 1]} : vector<2048x16xf32> to vector<2048x1xf32>
    %add3A = arith.constant 1.000000e+00 : f32
    %add3A_4 = vector.broadcast %add3A : f32 to vector<2048x1xf32>
    %add3A_5 = arith.addf %add3A_4, %slice3A : vector<2048x1xf32>
    %get3A_6 = arith.constant 1 : index
    %get3A_7 = arith.constant 0 : index
    %get3A_8 = arith.constant 0 : index
    %get3A_9 = vector.load %arg3[%get3A_6, %get3A_7, %get3A_8] : memref<2x2048x16xf32, #tpu.memory_space<vmem>>, vector<1x2048x16xf32>
    %get3A_10 = vector.shape_cast %get3A_9 : vector<1x2048x16xf32> to vector<2048x16xf32>
    %slice3A_11 = vector.extract_strided_slice %get3A_10 {offsets = [0, 0], sizes = [2048, 1], strides = [1, 1]} : vector<2048x16xf32> to vector<2048x1xf32>
    %add3A_12 = arith.addf %add3A_5, %slice3A_11 : vector<2048x1xf32>
    %rsqrt3A = math.rsqrt %add3A_12 : vector<2048x1xf32>
    %get3A_13 = arith.constant 0 : index
    %get3A_14 = arith.constant 0 : index
    %get3A_15 = arith.constant 0 : index
    %get3A_16 = vector.load %arg1[%get3A_13, %get3A_14, %get3A_15] : memref<2x2048x128xf32, #tpu.memory_space<vmem>>, vector<1x2048x128xf32>
    %get3A_17 = vector.shape_cast %get3A_16 : vector<1x2048x128xf32> to vector<2048x128xf32>
    %get3A_18 = arith.constant 1 : index
    %get3A_19 = arith.constant 0 : index
    %get3A_20 = arith.constant 0 : index
    %get3A_21 = vector.load %arg1[%get3A_18, %get3A_19, %get3A_20] : memref<2x2048x128xf32, #tpu.memory_space<vmem>>, vector<1x2048x128xf32>
    %get3A_22 = vector.shape_cast %get3A_21 : vector<1x2048x128xf32> to vector<2048x128xf32>
    %add3A_23 = arith.addf %get3A_17, %get3A_22 : vector<2048x128xf32>
    %get3A_24 = arith.constant 0 : index
    %get3A_25 = arith.constant 0 : index
    %get3A_26 = vector.load %arg2[%get3A_24, %get3A_25] : memref<2048x128xf32, #tpu.memory_space<vmem>>, vector<2048x128xf32>
    %add3A_27 = arith.addf %add3A_23, %get3A_26 : vector<2048x128xf32>
    %mul3A = vector.broadcast %rsqrt3A : vector<2048x1xf32> to vector<2048x128xf32>
    %mul3A_28 = arith.mulf %add3A_27, %mul3A : vector<2048x128xf32>
    %get3A_29 = arith.constant 0 : index
    %get3A_30 = arith.constant 0 : index
    %get3A_31 = vector.load %arg4[%get3A_29, %get3A_30] : memref<128x256xf32, #tpu.memory_space<vmem>>, vector<128x256xf32>
    %dot_general3A = arith.constant dense<0.000000e+00> : vector<2048x256xf32>
    %dot_general3A_32 = tpu.matmul %mul3A_28, %get3A_31, %dot_general3A {dimension_numbers = #tpu.dot_dimension_numbers<[1], [0], [0], [1], [0, 0, 1, 1], [], []>, transpose_lhs_hint = false} : vector<2048x128xf32>, vector<128x256xf32>, vector<2048x256xf32> -> vector<2048x256xf32>
    %get3A_33 = arith.constant 0 : index
    %get3A_34 = arith.constant 0 : index
    %get3A_35 = vector.load %arg5[%get3A_33, %get3A_34] : memref<1x256xf32, #tpu.memory_space<vmem>>, vector<1x256xf32>
    %add3A_36 = vector.broadcast %get3A_35 : vector<1x256xf32> to vector<2048x256xf32>
    %add3A_37 = arith.addf %dot_general3A_32, %add3A_36 : vector<2048x256xf32>
    %max3A = arith.constant 0.000000e+00 : f32
    %max3A_38 = vector.broadcast %max3A : f32 to vector<2048x256xf32>
    %max3A_39 = arith.maximumf %add3A_37, %max3A_38 : vector<2048x256xf32>
    %mul3A_40 = vector.broadcast %rsqrt3A : vector<2048x1xf32> to vector<2048x256xf32>
    %mul3A_41 = arith.mulf %max3A_39, %mul3A_40 : vector<2048x256xf32>
    %slice3A_42 = vector.extract_strided_slice %mul3A_41 {offsets = [0, 0], sizes = [2048, 128], strides = [1, 1]} : vector<2048x256xf32> to vector<2048x128xf32>
    %swap3A = arith.constant 0 : index
    %swap3A_43 = arith.constant 0 : index
    %swap3A_44 = arith.constant 0 : index
    %swap3A_45 = vector.load %arg6[%swap3A, %swap3A_43, %swap3A_44] : memref<2x2048x128xf32, #tpu.memory_space<vmem>>, vector<1x2048x128xf32>
    %swap3A_46 = vector.shape_cast %swap3A_45 : vector<1x2048x128xf32> to vector<2048x128xf32>
    %swap3A_47 = vector.shape_cast %slice3A_42 : vector<2048x128xf32> to vector<1x2048x128xf32>
    tpu.vector_store %arg6[%swap3A, %swap3A_43, %swap3A_44], %swap3A_47 {strides = array<i32>} : memref<2x2048x128xf32, #tpu.memory_space<vmem>>, vector<1x2048x128xf32>,
    %slice3A_48 = vector.extract_strided_slice %mul3A_41 {offsets = [0, 128], sizes = [2048, 128], strides = [1, 1]} : vector<2048x256xf32> to vector<2048x128xf32>
    %swap3A_49 = arith.constant 1 : index
    %swap3A_50 = arith.constant 0 : index
    %swap3A_51 = arith.constant 0 : index
    %swap3A_52 = vector.load %arg6[%swap3A_49, %swap3A_50, %swap3A_51] : memref<2x2048x128xf32, #tpu.memory_space<vmem>>, vector<1x2048x128xf32>
    %swap3A_53 = vector.shape_cast %swap3A_52 : vector<1x2048x128xf32> to vector<2048x128xf32>
    %swap3A_54 = vector.shape_cast %slice3A_48 : vector<2048x128xf32> to vector<1x2048x128xf32>
    tpu.vector_store %arg6[%swap3A_49, %swap3A_50, %swap3A_51], %swap3A_54 {strides = array<i32>} : memref<2x2048x128xf32, #tpu.memory_space<vmem>>, vector<1x2048x128xf32>,
    return
  }
  func.func @transform_0(%arg0: i32) -> (i32, i32, i32) {
    %c0_i32 = arith.constant 0 : i32
    %c0_i32_0 = arith.constant 0 : i32
    %c0_i32_1 = arith.constant 0 : i32
    return %c0_i32, %arg0, %c0_i32_0 : i32, i32, i32
  }
  func.func @transform_1(%arg0: i32) -> (i32, i32) {
    %c0_i32 = arith.constant 0 : i32
    %c0_i32_0 = arith.constant 0 : i32
    return %arg0, %c0_i32 : i32, i32
  }
  func.func @transform_2(%arg0: i32) -> (i32, i32, i32) {
    %c0_i32 = arith.constant 0 : i32
    %c0_i32_0 = arith.constant 0 : i32
    %c0_i32_1 = arith.constant 0 : i32
    return %c0_i32, %arg0, %c0_i32_0 : i32, i32, i32
  }
  func.func @transform_3(%arg0: i32) -> (i32, i32) {
    %c0_i32 = arith.constant 0 : i32
    %c0_i32_0 = arith.constant 0 : i32
    %c0_i32_1 = arith.constant 0 : i32
    return %c0_i32, %c0_i32_0 : i32, i32
  }
  func.func @transform_4(%arg0: i32) -> (i32, i32) {
    %c0_i32 = arith.constant 0 : i32
    %c0_i32_0 = arith.constant 0 : i32
    %c0_i32_1 = arith.constant 0 : i32
    return %c0_i32, %c0_i32_0 : i32, i32
  }
  func.func @transform_5(%arg0: i32) -> (i32, i32, i32) {
    %c0_i32 = arith.constant 0 : i32
    %c0_i32_0 = arith.constant 0 : i32
    %c0_i32_1 = arith.constant 0 : i32
    return %c0_i32, %arg0, %c0_i32_0 : i32, i32, i32
  }
}

module attributes {stable_mosaic.version = 14 : i64} {
  func.func @_l2_body(%arg0: i32, %arg1: memref<2x2048x128xf32, #tpu.memory_space<vmem>>, %arg2: memref<2x2048x128xf32, #tpu.memory_space<vmem>>, %arg3: memref<2x2048x16xf32, #tpu.memory_space<vmem>>, %arg4: memref<256x256xf32, #tpu.memory_space<vmem>>, %arg5: memref<1x256xf32, #tpu.memory_space<vmem>>, %arg6: memref<2048x1xi32, #tpu.memory_space<vmem>>, %arg7: memref<256x12xf32, #tpu.memory_space<vmem>>, %arg8: memref<1x12xf32, #tpu.memory_space<vmem>>, %arg9: memref<64x12xf32, #tpu.memory_space<vmem>>, %arg10: memref<64x256xf32, #tpu.memory_space<vmem>>) attributes {dimension_semantics = [#tpu.dimension_semantics<arbitrary>], iteration_bounds = array<i64: 5>, scalar_prefetch = 0 : i64, scratch_operands = 1 : i64, tpu.core_type = #tpu.core_type<tc>, window_params = [{transform_indices = @transform_0, window_bounds = array<i64: 2, 2048, 128>}, {transform_indices = @transform_1, window_bounds = array<i64: 2, 2048, 128>}, {transform_indices = @transform_2, window_bounds = array<i64: 2, 2048, 16>}, {pipeline_mode = #tpu.pipeline_mode<synchronous>, transform_indices = @transform_3, window_bounds = array<i64: 256, 256>}, {pipeline_mode = #tpu.pipeline_mode<synchronous>, transform_indices = @transform_4, window_bounds = array<i64: 1, 256>}, {transform_indices = @transform_5, window_bounds = array<i64: 2048, 1>}, {pipeline_mode = #tpu.pipeline_mode<synchronous>, transform_indices = @transform_6, window_bounds = array<i64: 256, 12>}, {pipeline_mode = #tpu.pipeline_mode<synchronous>, transform_indices = @transform_7, window_bounds = array<i64: 1, 12>}, {pipeline_mode = #tpu.pipeline_mode<synchronous>, transform_indices = @transform_8, window_bounds = array<i64: 64, 12>}]} {
    %get3A = arith.constant 0 : index
    %get3A_0 = arith.constant 0 : index
    %get3A_1 = arith.constant 0 : index
    %get3A_2 = vector.load %arg3[%get3A, %get3A_0, %get3A_1] : memref<2x2048x16xf32, #tpu.memory_space<vmem>>, vector<1x2048x16xf32>
    %get3A_3 = vector.shape_cast %get3A_2 : vector<1x2048x16xf32> to vector<2048x16xf32>
    %slice3A = vector.extract_strided_slice %get3A_3 {offsets = [0, 0], sizes = [2048, 1], strides = [1, 1]} : vector<2048x16xf32> to vector<2048x1xf32>
    %add3A = arith.constant 1.000000e+00 : f32
    %add3A_4 = vector.broadcast %add3A : f32 to vector<2048x1xf32>
    %add3A_5 = arith.addf %add3A_4, %slice3A : vector<2048x1xf32>
    %get3A_6 = arith.constant 1 : index
    %get3A_7 = arith.constant 0 : index
    %get3A_8 = arith.constant 0 : index
    %get3A_9 = vector.load %arg3[%get3A_6, %get3A_7, %get3A_8] : memref<2x2048x16xf32, #tpu.memory_space<vmem>>, vector<1x2048x16xf32>
    %get3A_10 = vector.shape_cast %get3A_9 : vector<1x2048x16xf32> to vector<2048x16xf32>
    %slice3A_11 = vector.extract_strided_slice %get3A_10 {offsets = [0, 0], sizes = [2048, 1], strides = [1, 1]} : vector<2048x16xf32> to vector<2048x1xf32>
    %add3A_12 = arith.addf %add3A_5, %slice3A_11 : vector<2048x1xf32>
    %rsqrt3A = math.rsqrt %add3A_12 : vector<2048x1xf32>
    %get3A_13 = arith.constant 0 : index
    %get3A_14 = arith.constant 0 : index
    %get3A_15 = arith.constant 0 : index
    %get3A_16 = vector.load %arg1[%get3A_13, %get3A_14, %get3A_15] : memref<2x2048x128xf32, #tpu.memory_space<vmem>>, vector<1x2048x128xf32>
    %get3A_17 = vector.shape_cast %get3A_16 : vector<1x2048x128xf32> to vector<2048x128xf32>
    %get3A_18 = arith.constant 0 : index
    %get3A_19 = arith.constant 0 : index
    %get3A_20 = arith.constant 0 : index
    %get3A_21 = vector.load %arg2[%get3A_18, %get3A_19, %get3A_20] : memref<2x2048x128xf32, #tpu.memory_space<vmem>>, vector<1x2048x128xf32>
    %get3A_22 = vector.shape_cast %get3A_21 : vector<1x2048x128xf32> to vector<2048x128xf32>
    %add3A_23 = arith.addf %get3A_17, %get3A_22 : vector<2048x128xf32>
    %mul3A = vector.broadcast %rsqrt3A : vector<2048x1xf32> to vector<2048x128xf32>
    %mul3A_24 = arith.mulf %add3A_23, %mul3A : vector<2048x128xf32>
    %get3A_25 = arith.constant 1 : index
    %get3A_26 = arith.constant 0 : index
    %get3A_27 = arith.constant 0 : index
    %get3A_28 = vector.load %arg1[%get3A_25, %get3A_26, %get3A_27] : memref<2x2048x128xf32, #tpu.memory_space<vmem>>, vector<1x2048x128xf32>
    %get3A_29 = vector.shape_cast %get3A_28 : vector<1x2048x128xf32> to vector<2048x128xf32>
    %get3A_30 = arith.constant 1 : index
    %get3A_31 = arith.constant 0 : index
    %get3A_32 = arith.constant 0 : index
    %get3A_33 = vector.load %arg2[%get3A_30, %get3A_31, %get3A_32] : memref<2x2048x128xf32, #tpu.memory_space<vmem>>, vector<1x2048x128xf32>
    %get3A_34 = vector.shape_cast %get3A_33 : vector<1x2048x128xf32> to vector<2048x128xf32>
    %add3A_35 = arith.addf %get3A_29, %get3A_34 : vector<2048x128xf32>
    %mul3A_36 = vector.broadcast %rsqrt3A : vector<2048x1xf32> to vector<2048x128xf32>
    %mul3A_37 = arith.mulf %add3A_35, %mul3A_36 : vector<2048x128xf32>
    %get3A_38 = arith.constant 0 : index
    %get3A_39 = arith.constant 0 : index
    %get3A_40 = vector.load %arg4[%get3A_38, %get3A_39] : memref<256x256xf32, #tpu.memory_space<vmem>>, vector<128x256xf32>
    %dot_general3A = arith.constant dense<0.000000e+00> : vector<2048x256xf32>
    %dot_general3A_41 = tpu.matmul %mul3A_24, %get3A_40, %dot_general3A {dimension_numbers = #tpu.dot_dimension_numbers<[1], [0], [0], [1], [0, 0, 1, 1], [], []>, transpose_lhs_hint = false} : vector<2048x128xf32>, vector<128x256xf32>, vector<2048x256xf32> -> vector<2048x256xf32>
    %get3A_42 = arith.constant 128 : index
    %get3A_43 = arith.constant 0 : index
    %get3A_44 = vector.load %arg4[%get3A_42, %get3A_43] : memref<256x256xf32, #tpu.memory_space<vmem>>, vector<128x256xf32>
    %dot_general3A_45 = arith.constant dense<0.000000e+00> : vector<2048x256xf32>
    %dot_general3A_46 = tpu.matmul %mul3A_37, %get3A_44, %dot_general3A_45 {dimension_numbers = #tpu.dot_dimension_numbers<[1], [0], [0], [1], [0, 0, 1, 1], [], []>, transpose_lhs_hint = false} : vector<2048x128xf32>, vector<128x256xf32>, vector<2048x256xf32> -> vector<2048x256xf32>
    %add3A_47 = arith.addf %dot_general3A_41, %dot_general3A_46 : vector<2048x256xf32>
    %get3A_48 = arith.constant 0 : index
    %get3A_49 = arith.constant 0 : index
    %get3A_50 = vector.load %arg5[%get3A_48, %get3A_49] : memref<1x256xf32, #tpu.memory_space<vmem>>, vector<1x256xf32>
    %add3A_51 = vector.broadcast %get3A_50 : vector<1x256xf32> to vector<2048x256xf32>
    %add3A_52 = arith.addf %add3A_47, %add3A_51 : vector<2048x256xf32>
    %max3A = arith.constant 0.000000e+00 : f32
    %max3A_53 = vector.broadcast %max3A : f32 to vector<2048x256xf32>
    %max3A_54 = arith.maximumf %add3A_52, %max3A_53 : vector<2048x256xf32>
    %eq3A = arith.constant 0 : i32
    %eq3A_55 = arith.cmpi eq, %arg0, %eq3A : i32
    %convert_element_type3A = arith.extui %eq3A_55 : i1 to i32
    %cond3A = arith.constant 0 : i32
    %cond3A_56 = arith.cmpi ne, %convert_element_type3A, %cond3A : i32
    scf.if %cond3A_56 {
      %broadcast_in_dim3A = arith.constant 0xFF800000 : f32
      %broadcast_in_dim3A_80 = vector.broadcast %broadcast_in_dim3A : f32 to vector<64x256xf32>
      %swap3A = arith.constant 0 : index
      %swap3A_81 = arith.constant 0 : index
      %swap3A_82 = vector.load %arg10[%swap3A, %swap3A_81] : memref<64x256xf32, #tpu.memory_space<vmem>>, vector<64x256xf32>
      tpu.vector_store %arg10[%swap3A, %swap3A_81], %broadcast_in_dim3A_80 {strides = array<i32>} : memref<64x256xf32, #tpu.memory_space<vmem>>, vector<64x256xf32>,
    } else {
    }
    %get3A_57 = arith.constant 0 : index
    %get3A_58 = arith.constant 0 : index
    %get3A_59 = vector.load %arg6[%get3A_57, %get3A_58] : memref<2048x1xi32, #tpu.memory_space<vmem>>, vector<2048x1xi32>
    %slice3A_60 = vector.extract_strided_slice %get3A_59 {offsets = [0, 0], sizes = [1, 1], strides = [1, 1]} : vector<2048x1xi32> to vector<1x1xi32>
    %squeeze3A = vector.extract %slice3A_60[0, 0] : i32 from vector<1x1xi32>
    %slice3A_61 = vector.extract_strided_slice %get3A_59 {offsets = [2047, 0], sizes = [1, 1], strides = [1, 1]} : vector<2048x1xi32> to vector<1x1xi32>
    %squeeze3A_62 = vector.extract %slice3A_61[0, 0] : i32 from vector<1x1xi32>
    %min3A = arith.constant 63 : i32
    %min3A_63 = arith.minsi %squeeze3A_62, %min3A : i32
    %add3A_64 = arith.constant 1 : i32
    %add3A_65 = arith.addi %min3A_63, %add3A_64 : i32
    %while3A = arith.constant 0 : i32
    %while3A_66 = arith.constant 0xFF800000 : f32
    %while3A_67 = arith.subi %add3A_65, %squeeze3A : i32
    %while3A_68 = arith.addi %squeeze3A, %while3A_67 : i32
    %while3A_69 = arith.constant 1 : i32
    %while3A_70 = arith.divsi %while3A_67, %while3A_69 : i32
    %while3A_71 = arith.muli %while3A_70, %while3A_69 : i32
    %while3A_72 = arith.addi %squeeze3A, %while3A_71 : i32
    %while3A_73 = arith.constant 1 : i32
    scf.for %while3A_80 = %squeeze3A to %while3A_72 step %while3A_73  : i32 {
      %eq3A_81 = vector.broadcast %while3A_80 : i32 to vector<2048x1xi32>
      %eq3A_82 = arith.cmpi eq, %get3A_59, %eq3A_81 : vector<2048x1xi32>
      %broadcast_in_dim3A = vector.shape_cast %eq3A_82 : vector<2048x1xi1> to vector<2048x1xi1>
      %broadcast_in_dim3A_83 = vector.broadcast %broadcast_in_dim3A : vector<2048x1xi1> to vector<2048x256xi1>
      %broadcast_in_dim3A_84 = vector.broadcast %while3A_66 : f32 to vector<2048x256xf32>
      %select_n3A = arith.select %broadcast_in_dim3A_83, %max3A_54, %broadcast_in_dim3A_84 : vector<2048x256xi1>, vector<2048x256xf32>
      %reduce_max3A = arith.constant dense<0xFF800000> : vector<256xf32>
      %reduce_max3A_85 = vector.multi_reduction <maximumf>, %select_n3A, %reduce_max3A [0] : vector<2048x256xf32> to vector<256xf32>
      %broadcast_in_dim3A_86 = vector.shape_cast %reduce_max3A_85 : vector<256xf32> to vector<1x256xf32>
      %get3A_87 = arith.index_cast %while3A_80 : i32 to index
      %get3A_88 = arith.constant 0 : index
      %get3A_89 = vector.load %arg10[%get3A_87, %get3A_88] : memref<64x256xf32, #tpu.memory_space<vmem>>, vector<1x256xf32>
      %max3A_90 = arith.maximumf %get3A_89, %broadcast_in_dim3A_86 : vector<1x256xf32>
      %swap3A = arith.index_cast %while3A_80 : i32 to index
      %swap3A_91 = arith.constant 0 : index
      %swap3A_92 = vector.load %arg10[%swap3A, %swap3A_91] : memref<64x256xf32, #tpu.memory_space<vmem>>, vector<1x256xf32>
      tpu.vector_store %arg10[%swap3A, %swap3A_91], %max3A_90 {strides = array<i32>} : memref<64x256xf32, #tpu.memory_space<vmem>>, vector<1x256xf32>,
    }
    %while3A_74 = arith.constant 1 : i32
    scf.for %while3A_80 = %while3A_72 to %while3A_68 step %while3A_74  : i32 {
      %eq3A_81 = vector.broadcast %while3A_80 : i32 to vector<2048x1xi32>
      %eq3A_82 = arith.cmpi eq, %get3A_59, %eq3A_81 : vector<2048x1xi32>
      %broadcast_in_dim3A = vector.shape_cast %eq3A_82 : vector<2048x1xi1> to vector<2048x1xi1>
      %broadcast_in_dim3A_83 = vector.broadcast %broadcast_in_dim3A : vector<2048x1xi1> to vector<2048x256xi1>
      %broadcast_in_dim3A_84 = vector.broadcast %while3A_66 : f32 to vector<2048x256xf32>
      %select_n3A = arith.select %broadcast_in_dim3A_83, %max3A_54, %broadcast_in_dim3A_84 : vector<2048x256xi1>, vector<2048x256xf32>
      %reduce_max3A = arith.constant dense<0xFF800000> : vector<256xf32>
      %reduce_max3A_85 = vector.multi_reduction <maximumf>, %select_n3A, %reduce_max3A [0] : vector<2048x256xf32> to vector<256xf32>
      %broadcast_in_dim3A_86 = vector.shape_cast %reduce_max3A_85 : vector<256xf32> to vector<1x256xf32>
      %get3A_87 = arith.index_cast %while3A_80 : i32 to index
      %get3A_88 = arith.constant 0 : index
      %get3A_89 = vector.load %arg10[%get3A_87, %get3A_88] : memref<64x256xf32, #tpu.memory_space<vmem>>, vector<1x256xf32>
      %max3A_90 = arith.maximumf %get3A_89, %broadcast_in_dim3A_86 : vector<1x256xf32>
      %swap3A = arith.index_cast %while3A_80 : i32 to index
      %swap3A_91 = arith.constant 0 : index
      %swap3A_92 = vector.load %arg10[%swap3A, %swap3A_91] : memref<64x256xf32, #tpu.memory_space<vmem>>, vector<1x256xf32>
      tpu.vector_store %arg10[%swap3A, %swap3A_91], %max3A_90 {strides = array<i32>} : memref<64x256xf32, #tpu.memory_space<vmem>>, vector<1x256xf32>,
    }
    %eq3A_75 = arith.constant 4 : i32
    %eq3A_76 = arith.cmpi eq, %arg0, %eq3A_75 : i32
    %convert_element_type3A_77 = arith.extui %eq3A_76 : i1 to i32
    %cond3A_78 = arith.constant 0 : i32
    %cond3A_79 = arith.cmpi ne, %convert_element_type3A_77, %cond3A_78 : i32
    scf.if %cond3A_79 {
      %get3A_80 = arith.constant 0 : index
      %get3A_81 = arith.constant 0 : index
      %get3A_82 = vector.load %arg10[%get3A_80, %get3A_81] : memref<64x256xf32, #tpu.memory_space<vmem>>, vector<64x256xf32>
      %get3A_83 = arith.constant 0 : index
      %get3A_84 = arith.constant 0 : index
      %get3A_85 = vector.load %arg7[%get3A_83, %get3A_84] : memref<256x12xf32, #tpu.memory_space<vmem>>, vector<256x12xf32>
      %dot_general3A_86 = arith.constant dense<0.000000e+00> : vector<64x12xf32>
      %dot_general3A_87 = tpu.matmul %get3A_82, %get3A_85, %dot_general3A_86 {dimension_numbers = #tpu.dot_dimension_numbers<[1], [0], [0], [1], [0, 0, 1, 1], [], []>, transpose_lhs_hint = false} : vector<64x256xf32>, vector<256x12xf32>, vector<64x12xf32> -> vector<64x12xf32>
      %get3A_88 = arith.constant 0 : index
      %get3A_89 = arith.constant 0 : index
      %get3A_90 = vector.load %arg8[%get3A_88, %get3A_89] : memref<1x12xf32, #tpu.memory_space<vmem>>, vector<1x12xf32>
      %add3A_91 = vector.broadcast %get3A_90 : vector<1x12xf32> to vector<64x12xf32>
      %add3A_92 = arith.addf %dot_general3A_87, %add3A_91 : vector<64x12xf32>
      %reduce_max3A = arith.constant dense<0xFF800000> : vector<64xf32>
      %reduce_max3A_93 = vector.multi_reduction <maximumf>, %add3A_92, %reduce_max3A [1] : vector<64x12xf32> to vector<64xf32>
      %broadcast_in_dim3A = vector.shape_cast %reduce_max3A_93 : vector<64xf32> to vector<64x1xf32>
      %sub3A = vector.broadcast %broadcast_in_dim3A : vector<64x1xf32> to vector<64x12xf32>
      %sub3A_94 = arith.subf %add3A_92, %sub3A : vector<64x12xf32>
      %exp3A = math.exp %sub3A_94 : vector<64x12xf32>
      %reduce_sum3A = arith.constant dense<0.000000e+00> : vector<64xf32>
      %reduce_sum3A_95 = vector.multi_reduction <add>, %exp3A, %reduce_sum3A [1] : vector<64x12xf32> to vector<64xf32>
      %broadcast_in_dim3A_96 = vector.shape_cast %reduce_sum3A_95 : vector<64xf32> to vector<64x1xf32>
      %log3A = math.log %broadcast_in_dim3A_96 : vector<64x1xf32>
      %add3A_97 = arith.addf %log3A, %broadcast_in_dim3A : vector<64x1xf32>
      %sub3A_98 = vector.broadcast %add3A_97 : vector<64x1xf32> to vector<64x12xf32>
      %sub3A_99 = arith.subf %add3A_92, %sub3A_98 : vector<64x12xf32>
      %swap3A = arith.constant 0 : index
      %swap3A_100 = arith.constant 0 : index
      %swap3A_101 = vector.load %arg9[%swap3A, %swap3A_100] : memref<64x12xf32, #tpu.memory_space<vmem>>, vector<64x12xf32>
      tpu.vector_store %arg9[%swap3A, %swap3A_100], %sub3A_99 {strides = array<i32>} : memref<64x12xf32, #tpu.memory_space<vmem>>, vector<64x12xf32>,
    } else {
    }
    return
  }
  func.func @transform_0(%arg0: i32) -> (i32, i32, i32) {
    %c0_i32 = arith.constant 0 : i32
    %c0_i32_0 = arith.constant 0 : i32
    %c0_i32_1 = arith.constant 0 : i32
    return %c0_i32, %arg0, %c0_i32_0 : i32, i32, i32
  }
  func.func @transform_1(%arg0: i32) -> (i32, i32, i32) {
    %c0_i32 = arith.constant 0 : i32
    %c0_i32_0 = arith.constant 0 : i32
    %c0_i32_1 = arith.constant 0 : i32
    return %c0_i32, %arg0, %c0_i32_0 : i32, i32, i32
  }
  func.func @transform_2(%arg0: i32) -> (i32, i32, i32) {
    %c0_i32 = arith.constant 0 : i32
    %c0_i32_0 = arith.constant 0 : i32
    %c0_i32_1 = arith.constant 0 : i32
    return %c0_i32, %arg0, %c0_i32_0 : i32, i32, i32
  }
  func.func @transform_3(%arg0: i32) -> (i32, i32) {
    %c0_i32 = arith.constant 0 : i32
    %c0_i32_0 = arith.constant 0 : i32
    %c0_i32_1 = arith.constant 0 : i32
    return %c0_i32, %c0_i32_0 : i32, i32
  }
  func.func @transform_4(%arg0: i32) -> (i32, i32) {
    %c0_i32 = arith.constant 0 : i32
    %c0_i32_0 = arith.constant 0 : i32
    %c0_i32_1 = arith.constant 0 : i32
    return %c0_i32, %c0_i32_0 : i32, i32
  }
  func.func @transform_5(%arg0: i32) -> (i32, i32) {
    %c0_i32 = arith.constant 0 : i32
    %c0_i32_0 = arith.constant 0 : i32
    return %arg0, %c0_i32 : i32, i32
  }
  func.func @transform_6(%arg0: i32) -> (i32, i32) {
    %c0_i32 = arith.constant 0 : i32
    %c0_i32_0 = arith.constant 0 : i32
    %c0_i32_1 = arith.constant 0 : i32
    return %c0_i32, %c0_i32_0 : i32, i32
  }
  func.func @transform_7(%arg0: i32) -> (i32, i32) {
    %c0_i32 = arith.constant 0 : i32
    %c0_i32_0 = arith.constant 0 : i32
    %c0_i32_1 = arith.constant 0 : i32
    return %c0_i32, %c0_i32_0 : i32, i32
  }
  func.func @transform_8(%arg0: i32) -> (i32, i32) {
    %c0_i32 = arith.constant 0 : i32
    %c0_i32_0 = arith.constant 0 : i32
    %c0_i32_1 = arith.constant 0 : i32
    return %c0_i32, %c0_i32_0 : i32, i32
  }
}

</mosaic_0001>

<sc_bundles>
// kernel: kernel.11.cloned.1.call-start
scs
__scs_entry_jumppad:
0x0: {  	(pc) =	sbr.rel $0x88, $3  }
0x1: {  	(tag) =	ssettag $0x0;
	lr =	simm.s32 $0x1  }
0x2: {  	[smem:$0x3F98] =	sst lr;
	_ =	strace $0xD0000000  }
0x3: {  	_ = 	snop  }
0x4: {  	_ = 	snop  }
0x5: {  	_ = 	snop  }
0x6: {  	_ = 	snop  }
0x7: {  	_ = 	snop  }
__scs_overlays_trampoline_lowered:
0x8: {  	[smem:$0x3FA7] =	sst s0  }
0x9: {  	[smem:$0x3FA8] =	sst s1  }
0xa: {  	[smem:$0x3FA9] =	sst s2  }
0xb: {  	[smem:$0x3FAA] =	sst s3  }
0xc: {  	[smem:$0x3FAB] =	sst s4  }
0xd: {  	[smem:$0x3FAC] =	sst s5  }
0xe: {  	[smem:$0x3FAD] =	sst s6  }
0xf: {  	[smem:$0x3FAE] =	sst s7  }
0x10: {  	[smem:$0x3FAF] =	sst s8  }
0x11: {  	[smem:$0x3FB0] =	sst s9;
	s0 =	simm.s32 @!p0 $0x0  }
0x12: {  	s1 =	sld [smem:$0x3F96];
	s0 =	simm.s32 @p0 $0x1  }
0x13: {  	[smem:$0x3FB1] =	sst s0;
	s0 =	simm.s32 @!p1 $0x0  }
0x14: {  	s2 =	sld [smem:$0x3F95];
	s0 =	simm.s32 @p1 $0x1  }
0x15: {  	[smem:$0x3FB2] =	sst s0;
	s0 =	simm.s32 @!p2 $0x0  }
0x16: {  	s3 =	sld [smem:$0x3FDB];
	s0 =	simm.s32 @p2 $0x1  }
0x17: {  	s4 =	simm.s32 $0x1BF5;
	[smem:$0x3FB4] =	sst s0  }
0x18: {  	s0 =	sld [smem:$0x3F97];
	_ =	swait.ge [sflag:s4], $0x0  }
0x19: {  	s7 =	sld [smem:$0x3F98]  }
0x1a: {  	s8 =	sadd.s32 $0xFFFFE003, lr  }
0x1b: {  	s9 =	sadd.s32 $0xFFFFFEF7, lr;
	s5 =	simm.s32 $0xFFFFFFFF;
	p2 =	slt.u32 s8, $0xFFFFF086  }
0x1c: {  	p1 =	slt.u32 s9, $0xF7A;
	s5 =	simm.s32 @!p2 $0x0  }
0x1d: {  	s5 =	simm.s32 @p1 $0x1;
	p0 =	seq.s32 s7, s2  }
0x1e: {  	s7 =	smul.u32 @!p0 $0xF7A, s2;
	p2 =	seq.s32 @!p0 s5, $0x0  }
0x1f: {  	s9 =	smul.u32 $0xF7A, s1;
	s8 =	simm.s32 @!p0 $0x1BF5;
	p2 =	por !p2, p0  }
0x20: {  	[sflag:s8] =	ssyncset.s32 @!p0 $0xFFFFF086;
	s6 =	sadd.s32 @!p0 s3, s7;
	s7 =	simm.s32 @!p0 $0x108  }
0x21: {  	s3 =	sadd.s32 s3, s9;
	s6 =	sadd.s32 @!p0 $0x88, s6;
	s7 =	simm.s32 @p2 $0x1082  }
0x22: {  	[simem:s7], [sflag:s8] =	dma.local @!p0 [hbm:s6], $0xF7A  }
0x23: {  	s9 =	sor.u32 $0xD0000000, s2;
	s6 =	simm.s32 $0x108;
	_ =	swait.ge @!p0 [sflag:s8], $0x0  }
0x24: {  	s3 =	sadd.s32 $0x88, s3;
	s6 =	simm.s32 @!p1 $0x1082;
	[sflag:s4] =	ssyncset.s32 $0xFFFFF086  }
0x25: {  	[simem:s6], [sflag:s4] =	dma.local [hbm:s3], $0xF7A  }
0x26: {  	[smem:$0x3F98] =	sst s1;
	(tag) =	ssettag s2;
	_ =	strace s9  }
0x27: {  	s1 =	sld [smem:$0x3FA8]  }
0x28: {  	s2 =	sld [smem:$0x3FA9]  }
0x29: {  	s4 =	sld [smem:$0x3FAB]  }
0x2a: {  	p0 =	seq.s32 s5, $0x0;
	s5 =	sld [smem:$0x3FAC]  }
0x2b: {  	s6 =	sld [smem:$0x3FAD]  }
0x2c: {  	s7 =	sld [smem:$0x3FAE]  }
0x2d: {  	s3 =	simm.s32 $0x108;
	s8 =	sld [smem:$0x3FAF]  }
0x2e: {  	s3 =	simm.s32 @!p0 $0x1082;
	s9 =	sld [smem:$0x3FB0]  }
0x2f: {  	lr =	sadd.s32 s0, s3;
	s0 =	sld [smem:$0x3FA7]  }
0x30: {  	s3 =	sld [smem:$0x3FAA]  }
0x31: {  	[smem:$0x3FB3] =	sst s10  }
0x32: {  	s10 =	sld [smem:$0x3FB1];
	_ =	sdelay $0x3  }
0x33: {  	p0 =	seq.s32 s10, $0x1;
	s10 =	sld [smem:$0x3FB3];
	_ =	sdelay $0x3  }
0x34: {  	[smem:$0x3FB3] =	sst s10  }
0x35: {  	s10 =	sld [smem:$0x3FB2];
	_ =	sdelay $0x3  }
0x36: {  	p1 =	seq.s32 s10, $0x1;
	s10 =	sld [smem:$0x3FB3];
	_ =	sdelay $0x3  }
0x37: {  	[smem:$0x3FB3] =	sst s10  }
0x38: {  	s10 =	sld [smem:$0x3FB4]  }
0x39: {  	_ = 	snop;
	(pc) =	sbr.ind lr, $3  }
0x3a: {  	_ = 	snop  }
0x3b: {  	_ = 	snop  }
0x3c: {  	p2 =	seq.s32 s10, $0x1;
	s10 =	sld [smem:$0x3FB3]  }
0x3d: {  	_ =	shalt  }
0x3e: {  	_ =	shalt  }
0x3f: {  	_ =	shalt  }
0x40: {  	_ =	shalt  }
0x41: {  	_ =	shalt  }
0x42: {  	_ =	shalt  }
0x43: {  	_ =	shalt  }
0x44: {  	_ =	shalt  }
0x45: {  	_ =	shalt  }
0x46: {  	_ =	shalt  }
0x47: {  	_ =	shalt  }
0x48: {  	_ =	shalt  }
0x49: {  	_ =	shalt  }
0x4a: {  	_ =	shalt  }
0x4b: {  	_ =	shalt  }
0x4c: {  	_ =	shalt  }
0x4d: {  	_ =	shalt  }
0x4e: {  	_ =	shalt  }
0x4f: {  	_ =	shalt  }
0x50: {  	_ =	shalt  }
0x51: {  	_ =	shalt  }
0x52: {  	_ =	shalt  }
0x53: {  	_ =	shalt  }
0x54: {  	_ =	shalt  }
0x55: {  	_ =	shalt  }
0x56: {  	_ =	shalt  }
0x57: {  	_ =	shalt  }
0x58: {  	_ =	shalt  }
0x59: {  	_ =	shalt  }
0x5a: {  	_ =	shalt  }
0x5b: {  	_ =	shalt  }
0x5c: {  	_ =	shalt  }
0x5d: {  	_ =	shalt  }
0x5e: {  	_ =	shalt  }
0x5f: {  	_ =	shalt  }
0x60: {  	_ =	shalt  }
0x61: {  	_ =	shalt  }
0x62: {  	_ =	shalt  }
0x63: {  	_ =	shalt  }
0x64: {  	_ =	shalt  }
0x65: {  	_ =	shalt  }
0x66: {  	_ =	shalt  }
0x67: {  	_ =	shalt  }
0x68: {  	_ =	shalt  }
0x69: {  	_ =	shalt  }
0x6a: {  	_ =	shalt  }
0x6b: {  	_ =	shalt  }
0x6c: {  	_ =	shalt  }
0x6d: {  	_ =	shalt  }
0x6e: {  	_ =	shalt  }
0x6f: {  	_ =	shalt  }
0x70: {  	_ =	shalt  }
0x71: {  	_ =	shalt  }
0x72: {  	_ =	shalt  }
0x73: {  	_ =	shalt  }
0x74: {  	_ =	shalt  }
0x75: {  	_ =	shalt  }
0x76: {  	_ =	shalt  }
0x77: {  	_ =	shalt  }
0x78: {  	_ =	shalt  }
0x79: {  	_ =	shalt  }
0x7a: {  	_ =	shalt  }
0x7b: {  	_ =	shalt  }
0x7c: {  	_ =	shalt  }
0x7d: {  	_ =	shalt  }
0x7e: {  	_ =	shalt  }
0x7f: {  	_ =	shalt  }
0x80: {  	_ =	shalt  }
0x81: {  	_ =	shalt  }
0x82: {  	_ =	shalt  }
0x83: {  	_ =	shalt  }
0x84: {  	_ =	shalt  }
0x85: {  	_ =	shalt  }
0x86: {  	_ =	shalt  }
0x87: {  	_ =	shalt  }
.Lfunc_end0:
.L_simem_size_0:
called_computation.1_lowered:
.L_overlay_start_0:
0x88: {  	s2 =	sld [smem:$0x3FD9]  }
0x89: {  	s3 =	sld [smem:$0x3FFE];
	_ =	sdelay $0x1  }
0x8a: {  	s1 =	srdreg.scid  }
0x8b: {  	s0 =	sand.u32 $0x1, s1  }
0x8c: {  	s16 =	sshll.u32 s0, $0xA;
	s2 =	sadd.s32 s3, s2  }
0x8d: {  	s2 =	sadd.s32 s2, s16  }
0x8e: {  	[smem:$0x3FBF] =	sst s2  }
0x8f: {  	_ = 	snop  }
0x90: {  	(tm) =	ssettm $0x1  }
0x91: {  	s17 =	sld [smem:$0x3FFB];
	_ =	sdelay $0x3  }
0x92: {  	_ =	strace s17  }
0x93: {  	s2 =	sld [smem:$0x3FFC];
	_ =	sdelay $0x3  }
0x94: {  	_ =	strace s2  }
0x95: {  	s2 =	sld [smem:$0x3FFD];
	_ =	sdelay $0x3  }
0x96: {  	_ =	strace s2  }
0x97: {  	_ =	strace $0x8FFFFFFF  }
0x98: {  	s18 =	sld [smem:$0x3FDB];
	_ =	sdelay $0x1  }
0x99: {  	s19 =	simm.s32 $_scs_section_size  }
0x9a: {  	s4 =	simm.s32 $_size__tile_overlayer_lowered;
	s5 =	simm.s32 $_tile_overlayer_lowered  }
0x9b: {  	s22 =	simm.s32 $0x1BFF;
	s21 =	sshll.u32 s5, $0x1;
	s2 =	sadd.s32 s19, s18  }
0x9c: {  	s6 =	simm.s32 $0x0;
	s20 =	sshll.u32 s4, $0x1;
	s4 =	sadd.s32 s21, s2  }
0x9d: {  	[timem:s6], [sflag:s22] =	dma.local [hbm:s4], s20  }
0x9e: {  	_ =	swait.ge [sflag:s22], s20  }
0x9f: {  	s3 =	ssub.s32 $0x0, s20;
	[sflag:s22] =	ssyncset.done $0x0  }
0xa0: {  	[sflag:s22] =	ssyncadd.s32 s3;
	_ =	sdelay $0x1  }
0xa1: {  	s23 =	simm.s32 $0x1B8B  }
0xa2: {  	_ =	swait.ge [sflag:s23], $0x1  }
0xa3: {  	[sflag:s23] =	ssyncset.done $0x0  }
0xa4: {  	s25 =	simm.s32 $0x1B8E;
	s24 =	sld [smem:$0x3FFE];
	[sflag:s23] =	ssyncadd.s32 $0xFFFFFFFF  }
0xa5: {  	s26 =	simm.s32 $execute0_lowered;
	[smem:$0x3FD2] =	sst s25  }
0xa6: {  	s4 =	sshll.u32 s26, $0x1;
	_ =	strace $0x80000049;
	[dreg:$0x1] =	wrdreg $0xFFFFFFFF  }
0xa7: {  	s28 =	simm.s32 $_size_execute0_lowered;
	s2 =	sadd.s32 s2, s4;
	[dreg:$0x0] =	wrdreg $0x0  }
0xa8: {  	s4 =	sshll.u32 s28, $0x1;
	[dreg:$0x2] =	wrdreg s2  }
0xa9: {  	[dreg:$0x3] =	wrdreg s4  }
0xaa: {  	[dreg:$0x4] =	wrdreg $0xC0  }
0xab: {  	_ =	task [dreg:s6], $0x5FFFF  }
0xac: {  	[dreg:$0x1] =	wrdreg $0xFFFFFFFF  }
0xad: {  	[dreg:$0x0] =	wrdreg $0x60  }
0xae: {  	[dreg:$0x2] =	wrdreg s24  }
0xaf: {  	[dreg:$0x3] =	wrdreg $0xA0000  }
0xb0: {  	[dreg:$0x4] =	wrdreg $0x9  }
0xb1: {  	_ =	task.clear_ibuf [dreg:s6], $0x5FFFF;
	_ =	strace $0x90000049  }
0xb2: {  	s29 =	simm.s32 $0x9;
	_ =	strace $0x8000004B  }
0xb3: {  	_ =	swait.ge [sflag:s29], $0x1  }
0xb4: {  	[sflag:s29] =	ssyncadd.s32 $0xFFFFFFFF  }
0xb5: {  	_ =	strace $0x9000004B  }
0xb6: {  	_ =	sfence  }
0xb7: {  	s30 =	sld [smem:$0x0];
	_ =	sdelay $0x2  }
0xb8: {  	s31 =	sshll.u32 s1, $0xD;
	s1 =	sshrl.u32 s1, $0x2  }
0xb9: {  	s3 =	sand.u32 $0x4000, s31;
	s1 =	sadd.s32 s1, s30  }
0xba: {  	s0 =	sor.u32 s3, s0;
	s1 =	sshll.u32 s1, $0x11  }
0xbb: {  	s0 =	sor.u32 s1, s0  }
0xbc: {  	s0 =	sadd.s32 $0x8F2B, s0  }
0xbd: {  	[sflag:s0] =	ssyncadd.remote.s32 $0x1  }
0xbe: {  	_ =	sfence.sel $0xFFFF  }
0xbf: {  	[dreg:$0x0] =	wrdreg $0xFFFFFFFF;
	(pc) =	sbr.abs _section_cstart, $3  }
0xc0: {  	[dreg:$0x1] =	wrdreg $0xFFFFFFFF  }
0xc1: {  	_ =	task.clear_ibuf [dreg:s6], $0x2FFFF;
	_ =	strace $0x9FFFFFFF  }
0xc2: {  	(tm) =	ssettm $0x7FFFFFFF  }
0xc3: {  	_ =	shalt  }
tec
execute0_lowered:
.L_overlay_start_1:
0x0: {  	(tag) =	ssettag $0x1  }
0x1: {  	s7 =	rddreg [dreg:$0x0]  }
0x2: {  	s2 =	rddreg [dreg:$0x1];
	s3 =	simm.s32 $0x0  }
0x3: {  	s1 =	stileid.u32;
	s6 =	srdreg.scid;
	s17 =	simm.s32 $0x1  }
0x4: {  	s18 =	simm.s32 $0x80;
	s19 =	simm.s32 $0x2000;
	s20 =	simm.s32 $0x6000  }
0x5: {  	s21 =	simm.s32 $0x3;
	s22 =	simm.s32 $0x5;
	s23 =	simm.s32 $0x4  }
0x6: {  	s24 =	simm.s32 $0x6;
	s25 =	simm.s32 $0x0;
	[smem:$0x7FF] =	sst s3  }
0x7: {  	s8 =	smul.u32 $0x14000, s1;
	s4 =	sadd.s32 $0x9E800, s7;
	s5 =	sadd.s32 $0x3A800, s7  }
0x8: {  	s9 =	sand.u32 $0x1, s6;
	s6 =	sadd.s32 $0x17800, s7;
	s14 =	smul.u32 $0x50000, s1  }
0x9: {  	s31 =	sshll.u32 s1, $0x6;
	_ =	strace $0x8000004A;
	s11 =	smul.u32 $0x140000, s9  }
0xa: {  	s12 =	sshll.u32 s9, $0x4;
	s9 =	ssub.s32 $0x2, s9;
	s10 =	sshrl.u32 s8, $0x3  }
0xb: {  	s12 =	sor.u32 s1, s12;
	s13 =	sshrl.u32 s9, $0x1;
	s30 =	sshrl.u32 s14, $0x2  }
0xc: {  	s14 =	simm.s32 $0x1000;
	s10 =	sadd.s32 s10, s7;
	s29 =	smul.u32 $0xA00, s12  }
.Ltmp0:
0xd: {  	s8 =	sadd.s32 s8, s11;
	s13 =	ssub.s32 s9, s13;
	(pc) =	sbr.rel .LBB2_1-.Ltmp0, $4  }
0xe: {  	s16 =	sadd.s32 s30, s2;
	s11 =	smul.u32 $0x5000, s12;
	s8 =	sshrl.u32 s8, $0x3  }
0xf: {  	s9 =	sadd.s32 $0xC6800, s10;
	s10 =	sor.u32 $0x1C07, s31;
	s13 =	smax.u32 s13, $0x1  }
0x10: {  	s15 =	sadd.s32 s8, s7;
	s7 =	sadd.s32 s5, s29;
	s8 =	sadd.s32 s6, s29  }
0x11: {  	s12 =	sadd.s32 $0xEE800, s15;
	s15 =	sshrl.u32 s16, $0x3;
	s16 =	simm.s32 $0x7  }
.LBB2_5:
0x12: {  	s25 =	sadd.s32 $0x1, s25  }
0x13: {  	p0 =	sne.s32 s25, s13  }
.Ltmp1:
0x14: {  	[bflag:$0x0] =	sbarrier.arrive $0xFFFF;
	(pc) =	sbr.rel @!p0 .LBB2_6-.Ltmp1, $4  }
0x15: {  	[hbm:s12], [sflag:s10] =	dma.local [spmem:s15], $0x2800  }
0x16: {  	_ =	swait.ge [sflag:s16], $0x2800  }
0x17: {  	[sflag:s16] =	ssyncset.done $0x0  }
0x18: {  	[sflag:s16] =	ssyncadd.s32 $0xFFFFD800  }
.LBB2_1:
0x19: {  	[tilespmem:s3], [sflag:$0x1] =	stream.linear.gather [hbm4b:s7+s3], $0x800, $0x38;
	[tilespmem:$0x1E000] =	vst v63  }
0x1a: {  	_ = 	snop  }
0x1b: {  	[tilespmem:s14], [sflag:$0x1] =	stream.linear.gather [hbm4b:s8+s3], $0x800, $0x38;
	[tilespmem:$0x1E000] =	vst v63  }
0x1c: {  	[spmem:s15], [sflag:s10] =	dma.local [hbm:s9], $0x2800  }
0x1d: {  	_ =	swait.ge [sflag:s16], $0x2800  }
0x1e: {  	[sflag:s16] =	ssyncset.done $0x0  }
0x1f: {  	[sflag:s16] =	ssyncadd.s32 $0xFFFFD800  }
0x20: {  	_ =	swait.ge [sflag:s17], $0x800  }
0x21: {  	[sflag:s17] =	ssyncset.done $0x0  }
0x22: {  	[sflag:s17] =	ssyncadd.s32 $0xFFFFF800  }
.Ltmp2:
0x23: {  	_ =	swait.ge [sflag:s17], $0x800;
	(pc) =	sbr.rel .LBB2_2-.Ltmp2, $4  }
0x24: {  	[sflag:s17] =	ssyncset.done $0x0  }
0x25: {  	[sflag:s17] =	ssyncadd.s32 $0xFFFFF800  }
0x26: {  	[bflag:$0x0] =	sbarrier.arrive $0xFFFF  }
0x27: {  	s29 =	simm.s32 $0x0  }
.LBB2_4:
0x28: {  	s28 =	sshll.u32 s28, $0xB  }
0x29: {  	[tilespmem:s19], [sflag:$0x3] =	stream.indirect.gather [hbm4b:s4+s18], $0x80, s28, s18, $0xb8;
	[tilespmem:$0x1E000] =	vst v63  }
0x2a: {  	s0 =	sor.u32 $0x80, s28  }
0x2b: {  	[tilespmem:s20], [sflag:$0x4] =	stream.indirect.gather [hbm4b:s4+s18], $0x80, s0, s18, $0xb8;
	[tilespmem:$0x1E000] =	vst v63  }
0x2c: {  	_ =	swait.ge [sflag:s21], $0x4000  }
0x2d: {  	[sflag:s21] =	ssyncset.done $0x0  }
0x2e: {  	s30 =	sor.u32 $0x1000, s28;
	[sflag:s21] =	ssyncadd.s32 $0xFFFFC000  }
0x2f: {  	[spmem:s2] =	stream.indirect.scatter.add.f32 [tilespmem:s19], [sflag:$0x5], $0x80, s30, s18, $0xb8;
	[tilespmem:$0x1E000] =	vst v63  }
0x30: {  	_ =	swait.ge [sflag:s22], $0x4000  }
0x31: {  	[sflag:s22] =	ssyncset.done $0x0  }
0x32: {  	s31 =	sor.u32 $0x100, s28;
	[sflag:s22] =	ssyncadd.s32 $0xFFFFC000  }
0x33: {  	[tilespmem:s19], [sflag:$0x3] =	stream.indirect.gather [hbm4b:s4+s18], $0x80, s31, s18, $0xb8;
	[tilespmem:$0x1E000] =	vst v63  }
0x34: {  	_ =	swait.ge [sflag:s23], $0x4000  }
0x35: {  	[sflag:s23] =	ssyncset.done $0x0  }
0x36: {  	s30 =	sor.u32 $0x1080, s28;
	[sflag:s23] =	ssyncadd.s32 $0xFFFFC000  }
0x37: {  	[spmem:s2] =	stream.indirect.scatter.add.f32 [tilespmem:s20], [sflag:$0x6], $0x80, s30, s18, $0xb8;
	[tilespmem:$0x1E000] =	vst v63  }
0x38: {  	_ =	swait.ge [sflag:s24], $0x4000  }
0x39: {  	[sflag:s24] =	ssyncset.done $0x0  }
0x3a: {  	s31 =	sor.u32 $0x180, s28;
	[sflag:s24] =	ssyncadd.s32 $0xFFFFC000  }
0x3b: {  	[tilespmem:s20], [sflag:$0x4] =	stream.indirect.gather [hbm4b:s4+s18], $0x80, s31, s18, $0xb8;
	[tilespmem:$0x1E000] =	vst v63  }
0x3c: {  	_ =	swait.ge [sflag:s21], $0x4000  }
0x3d: {  	[sflag:s21] =	ssyncset.done $0x0  }
0x3e: {  	s30 =	sor.u32 $0x1100, s28;
	[sflag:s21] =	ssyncadd.s32 $0xFFFFC000  }
0x3f: {  	[spmem:s2] =	stream.indirect.scatter.add.f32 [tilespmem:s19], [sflag:$0x5], $0x80, s30, s18, $0xb8;
	[tilespmem:$0x1E000] =	vst v63  }
0x40: {  	_ =	swait.ge [sflag:s22], $0x4000  }
0x41: {  	[sflag:s22] =	ssyncset.done $0x0  }
0x42: {  	s31 =	sor.u32 $0x200, s28;
	[sflag:s22] =	ssyncadd.s32 $0xFFFFC000  }
0x43: {  	[tilespmem:s19], [sflag:$0x3] =	stream.indirect.gather [hbm4b:s4+s18], $0x80, s31, s18, $0xb8;
	[tilespmem:$0x1E000] =	vst v63  }
0x44: {  	_ =	swait.ge [sflag:s23], $0x4000  }
0x45: {  	[sflag:s23] =	ssyncset.done $0x0  }
0x46: {  	s30 =	sor.u32 $0x1180, s28;
	[sflag:s23] =	ssyncadd.s32 $0xFFFFC000  }
0x47: {  	[spmem:s2] =	stream.indirect.scatter.add.f32 [tilespmem:s20], [sflag:$0x6], $0x80, s30, s18, $0xb8;
	[tilespmem:$0x1E000] =	vst v63  }
0x48: {  	_ =	swait.ge [sflag:s24], $0x4000  }
0x49: {  	[sflag:s24] =	ssyncset.done $0x0  }
0x4a: {  	s31 =	sor.u32 $0x280, s28;
	[sflag:s24] =	ssyncadd.s32 $0xFFFFC000  }
0x4b: {  	[tilespmem:s20], [sflag:$0x4] =	stream.indirect.gather [hbm4b:s4+s18], $0x80, s31, s18, $0xb8;
	[tilespmem:$0x1E000] =	vst v63  }
0x4c: {  	_ =	swait.ge [sflag:s21], $0x4000  }
0x4d: {  	[sflag:s21] =	ssyncset.done $0x0  }
0x4e: {  	s30 =	sor.u32 $0x1200, s28;
	[sflag:s21] =	ssyncadd.s32 $0xFFFFC000  }
0x4f: {  	[spmem:s2] =	stream.indirect.scatter.add.f32 [tilespmem:s19], [sflag:$0x5], $0x80, s30, s18, $0xb8;
	[tilespmem:$0x1E000] =	vst v63  }
0x50: {  	_ =	swait.ge [sflag:s22], $0x4000  }
0x51: {  	[sflag:s22] =	ssyncset.done $0x0  }
0x52: {  	s31 =	sor.u32 $0x300, s28;
	[sflag:s22] =	ssyncadd.s32 $0xFFFFC000  }
0x53: {  	[tilespmem:s19], [sflag:$0x3] =	stream.indirect.gather [hbm4b:s4+s18], $0x80, s31, s18, $0xb8;
	[tilespmem:$0x1E000] =	vst v63  }
0x54: {  	_ =	swait.ge [sflag:s23], $0x4000  }
0x55: {  	[sflag:s23] =	ssyncset.done $0x0  }
0x56: {  	s30 =	sor.u32 $0x1280, s28;
	[sflag:s23] =	ssyncadd.s32 $0xFFFFC000  }
0x57: {  	[spmem:s2] =	stream.indirect.scatter.add.f32 [tilespmem:s20], [sflag:$0x6], $0x80, s30, s18, $0xb8;
	[tilespmem:$0x1E000] =	vst v63  }
0x58: {  	_ =	swait.ge [sflag:s24], $0x4000  }
0x59: {  	[sflag:s24] =	ssyncset.done $0x0  }
0x5a: {  	s31 =	sor.u32 $0x380, s28;
	[sflag:s24] =	ssyncadd.s32 $0xFFFFC000  }
0x5b: {  	[tilespmem:s20], [sflag:$0x4] =	stream.indirect.gather [hbm4b:s4+s18], $0x80, s31, s18, $0xb8;
	[tilespmem:$0x1E000] =	vst v63  }
0x5c: {  	_ =	swait.ge [sflag:s21], $0x4000  }
0x5d: {  	[sflag:s21] =	ssyncset.done $0x0  }
0x5e: {  	s30 =	sor.u32 $0x1300, s28;
	[sflag:s21] =	ssyncadd.s32 $0xFFFFC000  }
0x5f: {  	[spmem:s2] =	stream.indirect.scatter.add.f32 [tilespmem:s19], [sflag:$0x5], $0x80, s30, s18, $0xb8;
	[tilespmem:$0x1E000] =	vst v63  }
0x60: {  	_ =	swait.ge [sflag:s22], $0x4000  }
0x61: {  	[sflag:s22] =	ssyncset.done $0x0  }
0x62: {  	s31 =	sor.u32 $0x400, s28;
	[sflag:s22] =	ssyncadd.s32 $0xFFFFC000  }
0x63: {  	[tilespmem:s19], [sflag:$0x3] =	stream.indirect.gather [hbm4b:s4+s18], $0x80, s31, s18, $0xb8;
	[tilespmem:$0x1E000] =	vst v63  }
0x64: {  	_ =	swait.ge [sflag:s23], $0x4000  }
0x65: {  	[sflag:s23] =	ssyncset.done $0x0  }
0x66: {  	s30 =	sor.u32 $0x1380, s28;
	[sflag:s23] =	ssyncadd.s32 $0xFFFFC000  }
0x67: {  	[spmem:s2] =	stream.indirect.scatter.add.f32 [tilespmem:s20], [sflag:$0x6], $0x80, s30, s18, $0xb8;
	[tilespmem:$0x1E000] =	vst v63  }
0x68: {  	_ =	swait.ge [sflag:s24], $0x4000  }
0x69: {  	[sflag:s24] =	ssyncset.done $0x0  }
0x6a: {  	s31 =	sor.u32 $0x480, s28;
	[sflag:s24] =	ssyncadd.s32 $0xFFFFC000  }
0x6b: {  	[tilespmem:s20], [sflag:$0x4] =	stream.indirect.gather [hbm4b:s4+s18], $0x80, s31, s18, $0xb8;
	[tilespmem:$0x1E000] =	vst v63  }
0x6c: {  	_ =	swait.ge [sflag:s21], $0x4000  }
0x6d: {  	[sflag:s21] =	ssyncset.done $0x0  }
0x6e: {  	s30 =	sor.u32 $0x1400, s28;
	[sflag:s21] =	ssyncadd.s32 $0xFFFFC000  }
0x6f: {  	[spmem:s2] =	stream.indirect.scatter.add.f32 [tilespmem:s19], [sflag:$0x5], $0x80, s30, s18, $0xb8;
	[tilespmem:$0x1E000] =	vst v63  }
0x70: {  	_ =	swait.ge [sflag:s22], $0x4000  }
0x71: {  	[sflag:s22] =	ssyncset.done $0x0  }
0x72: {  	s31 =	sor.u32 $0x500, s28;
	[sflag:s22] =	ssyncadd.s32 $0xFFFFC000  }
0x73: {  	[tilespmem:s19], [sflag:$0x3] =	stream.indirect.gather [hbm4b:s4+s18], $0x80, s31, s18, $0xb8;
	[tilespmem:$0x1E000] =	vst v63  }
0x74: {  	_ =	swait.ge [sflag:s23], $0x4000  }
0x75: {  	[sflag:s23] =	ssyncset.done $0x0  }
0x76: {  	s30 =	sor.u32 $0x1480, s28;
	[sflag:s23] =	ssyncadd.s32 $0xFFFFC000  }
0x77: {  	[spmem:s2] =	stream.indirect.scatter.add.f32 [tilespmem:s20], [sflag:$0x6], $0x80, s30, s18, $0xb8;
	[tilespmem:$0x1E000] =	vst v63  }
0x78: {  	_ =	swait.ge [sflag:s24], $0x4000  }
0x79: {  	[sflag:s24] =	ssyncset.done $0x0  }
0x7a: {  	s31 =	sor.u32 $0x580, s28;
	[sflag:s24] =	ssyncadd.s32 $0xFFFFC000  }
0x7b: {  	[tilespmem:s20], [sflag:$0x4] =	stream.indirect.gather [hbm4b:s4+s18], $0x80, s31, s18, $0xb8;
	[tilespmem:$0x1E000] =	vst v63  }
0x7c: {  	_ =	swait.ge [sflag:s21], $0x4000  }
0x7d: {  	[sflag:s21] =	ssyncset.done $0x0  }
0x7e: {  	s30 =	sor.u32 $0x1500, s28;
	[sflag:s21] =	ssyncadd.s32 $0xFFFFC000  }
0x7f: {  	[spmem:s2] =	stream.indirect.scatter.add.f32 [tilespmem:s19], [sflag:$0x5], $0x80, s30, s18, $0xb8;
	[tilespmem:$0x1E000] =	vst v63  }
0x80: {  	_ =	swait.ge [sflag:s22], $0x4000  }
0x81: {  	[sflag:s22] =	ssyncset.done $0x0  }
0x82: {  	s31 =	sor.u32 $0x600, s28;
	[sflag:s22] =	ssyncadd.s32 $0xFFFFC000  }
0x83: {  	[tilespmem:s19], [sflag:$0x3] =	stream.indirect.gather [hbm4b:s4+s18], $0x80, s31, s18, $0xb8;
	[tilespmem:$0x1E000] =	vst v63  }
0x84: {  	_ =	swait.ge [sflag:s23], $0x4000  }
0x85: {  	[sflag:s23] =	ssyncset.done $0x0  }
0x86: {  	s30 =	sor.u32 $0x1580, s28;
	[sflag:s23] =	ssyncadd.s32 $0xFFFFC000  }
0x87: {  	[spmem:s2] =	stream.indirect.scatter.add.f32 [tilespmem:s20], [sflag:$0x6], $0x80, s30, s18, $0xb8;
	[tilespmem:$0x1E000] =	vst v63  }
0x88: {  	_ =	swait.ge [sflag:s24], $0x4000  }
0x89: {  	[sflag:s24] =	ssyncset.done $0x0  }
0x8a: {  	s31 =	sor.u32 $0x680, s28;
	[sflag:s24] =	ssyncadd.s32 $0xFFFFC000  }
0x8b: {  	[tilespmem:s20], [sflag:$0x4] =	stream.indirect.gather [hbm4b:s4+s18], $0x80, s31, s18, $0xb8;
	[tilespmem:$0x1E000] =	vst v63  }
0x8c: {  	_ =	swait.ge [sflag:s21], $0x4000  }
0x8d: {  	[sflag:s21] =	ssyncset.done $0x0  }
0x8e: {  	s30 =	sor.u32 $0x1600, s28;
	[sflag:s21] =	ssyncadd.s32 $0xFFFFC000  }
0x8f: {  	[spmem:s2] =	stream.indirect.scatter.add.f32 [tilespmem:s19], [sflag:$0x5], $0x80, s30, s18, $0xb8;
	[tilespmem:$0x1E000] =	vst v63  }
0x90: {  	_ =	swait.ge [sflag:s22], $0x4000  }
0x91: {  	[sflag:s22] =	ssyncset.done $0x0  }
0x92: {  	s31 =	sor.u32 $0x700, s28;
	[sflag:s22] =	ssyncadd.s32 $0xFFFFC000  }
0x93: {  	[tilespmem:s19], [sflag:$0x3] =	stream.indirect.gather [hbm4b:s4+s18], $0x80, s31, s18, $0xb8;
	[tilespmem:$0x1E000] =	vst v63  }
0x94: {  	_ =	swait.ge [sflag:s23], $0x4000  }
0x95: {  	[sflag:s23] =	ssyncset.done $0x0  }
0x96: {  	s30 =	sor.u32 $0x1680, s28;
	[sflag:s23] =	ssyncadd.s32 $0xFFFFC000  }
0x97: {  	[spmem:s2] =	stream.indirect.scatter.add.f32 [tilespmem:s20], [sflag:$0x6], $0x80, s30, s18, $0xb8;
	[tilespmem:$0x1E000] =	vst v63  }
0x98: {  	_ =	swait.ge [sflag:s24], $0x4000  }
0x99: {  	[sflag:s24] =	ssyncset.done $0x0  }
0x9a: {  	s31 =	sor.u32 $0x780, s28;
	[sflag:s24] =	ssyncadd.s32 $0xFFFFC000  }
0x9b: {  	[tilespmem:s20], [sflag:$0x4] =	stream.indirect.gather [hbm4b:s4+s18], $0x80, s31, s18, $0xb8;
	[tilespmem:$0x1E000] =	vst v63  }
0x9c: {  	_ =	swait.ge [sflag:s21], $0x4000  }
0x9d: {  	[sflag:s21] =	ssyncset.done $0x0  }
0x9e: {  	s30 =	sor.u32 $0x1700, s28;
	[sflag:s21] =	ssyncadd.s32 $0xFFFFC000  }
0x9f: {  	[spmem:s2] =	stream.indirect.scatter.add.f32 [tilespmem:s19], [sflag:$0x5], $0x80, s30, s18, $0xb8;
	[tilespmem:$0x1E000] =	vst v63  }
0xa0: {  	_ =	swait.ge [sflag:s23], $0x4000  }
0xa1: {  	[sflag:s23] =	ssyncset.done $0x0  }
0xa2: {  	s31 =	sor.u32 $0x1780, s28;
	[sflag:s23] =	ssyncadd.s32 $0xFFFFC000  }
0xa3: {  	[spmem:s2] =	stream.indirect.scatter.add.f32 [tilespmem:s20], [sflag:$0x6], $0x80, s31, s18, $0xb8;
	[tilespmem:$0x1E000] =	vst v63  }
0xa4: {  	p0 =	slt.u32 s26, $0xA;
	_ =	swait.ge [sflag:s22], $0x4000  }
.Ltmp3:
0xa5: {  	[sflag:s22] =	ssyncset.done $0x0;
	(pc) =	sbr.rel @!p0 .LBB2_5-.Ltmp3, $4  }
0xa6: {  	[sflag:s22] =	ssyncadd.s32 $0xFFFFC000  }
0xa7: {  	_ =	swait.ge [sflag:s24], $0x4000  }
0xa8: {  	[sflag:s24] =	ssyncset.done $0x0  }
0xa9: {  	s29 =	smov.u32 s26;
	[sflag:s24] =	ssyncadd.s32 $0xFFFFC000  }
.LBB2_2:
0xaa: {  	s28 =	sand.u32 $0x1, s29;
	p0 =	seq.s32 s29, $0x0  }
0xab: {  	s26 =	sadd.s32 @!p0 $0x1, s28;
	p1 =	seq.s32 @!p0 s29, $0x9  }
0xac: {  	_ =	swait.ge @!p0 [sflag:s26], $0x800;
	p1 =	por p0, !p1  }
.Ltmp4:
0xad: {  	[sflag:s26] =	ssyncset.done @!p0 $0x0;
	(pc) =	sbr.rel @!p1 .LBB2_4-.Ltmp4, $4  }
0xae: {  	[sflag:s26] =	ssyncadd.s32 @!p0 $0xFFFFF800  }
0xaf: {  	_ =	swait.ge @!p0 [sflag:s26], $0x800  }
0xb0: {  	[sflag:s26] =	ssyncset.done @!p0 $0x0  }
0xb1: {  	[sflag:s26] =	ssyncadd.s32 @!p0 $0xFFFFF800;
	s26 =	simm.s32 @!p0 $0xA  }
0xb2: {  	s26 =	sadd.s32 @!p0 $0x1, s29  }
0xb3: {  	s26 =	simm.s32 @p0 $0x1  }
0xb4: {  	s0 =	sshll.u32 s26, $0xB  }
0xb5: {  	s29 =	sadd.s32 s11, s0  }
.Ltmp5:
0xb6: {  	s30 =	sxor.u32 $0x1, s28;
	s29 =	sshrl.u32 s29, $0x3;
	(pc) =	sbr.rel .LBB2_4-.Ltmp5, $4  }
0xb7: {  	s31 =	sadd.s32 $0x1, s30;
	s30 =	sshll.u32 s30, $0xB;
	s0 =	sadd.s32 s5, s29  }
0xb8: {  	[tilespmem:s30], [sflag:s31] =	stream.linear.gather [hbm4b:s0+s3], $0x800, $0x38;
	[tilespmem:$0x1E000] =	vst v63  }
0xb9: {  	s29 =	sadd.s32 s6, s29;
	s30 =	sor.u32 $0x1000, s30  }
0xba: {  	[tilespmem:s30], [sflag:s31] =	stream.linear.gather [hbm4b:s29+s3], $0x800, $0x38;
	[tilespmem:$0x1E000] =	vst v63  }
.LBB2_6:
0xbb: {  	_ =	sfence.sel $0x180000  }
0xbc: {  	[bflag:$0x0] =	sbarrier.arrive $0xFFFF  }
0xbd: {  	_ =	strace $0x9000004A  }
0xbe: {  	[bflag:$0x2] =	sbarrier.arrive $0xFFFF  }
0xbf: {  	p0 =	sne.s32 s1, $0x0;
	s0 =	rddreg [dreg:$0x2]  }
0xc0: {  	s0 =	sadd.s32 @!p0 $0x100000, s0  }
0xc1: {  	[sflag:s0] =	ssyncadd.tile.s32 @!p0 $0x1;
	_ =	shalt  }
.Lfunc_end2:
_tile_overlayer_lowered:
.L_overlay_start_2:
0xc2: {  	(tag) =	ssettag $0x2  }
0xc3: {  	s0 =	rddreg [dreg:$0x0];
	s2 =	stileid.u32  }
0xc4: {  	s1 =	rddreg [dreg:$0x1];
	p0 =	sne.s32 s2, $0x0  }
0xc5: {  	s3 =	rddreg [dreg:$0x2];
	[bflag:$0x3] =	sbarrier.arrive $0xFFFF;
	s2 =	simm.s32 @!p0 $0x1C07  }
0xc6: {  	[timem:s3], [sflag:s2] =	dma.local @!p0 [hbm:s0], s1  }
0xc7: {  	s0 =	simm.s32 @!p0 $0x7  }
0xc8: {  	_ =	swait.ge @!p0 [sflag:s0], s1  }
0xc9: {  	s1 =	ssub.s32 @!p0 $0x0, s1;
	[sflag:s0] =	ssyncset.done @!p0 $0x0  }
0xca: {  	[sflag:s0] =	ssyncadd.s32 @!p0 s1  }
0xcb: {  	[bflag:$0x3] =	sbarrier.arrive $0xFFFF  }
0xcc: {  	_ =	shalt  }

// kernel: kernel.14.cloned.1.call-start
scs
__scs_entry_jumppad:
0x0: {  	(pc) =	sbr.rel $0x88, $3  }
0x1: {  	(tag) =	ssettag $0x0;
	lr =	simm.s32 $0x1  }
0x2: {  	[smem:$0x3F98] =	sst lr;
	_ =	strace $0xD0000000  }
0x3: {  	_ = 	snop  }
0x4: {  	_ = 	snop  }
0x5: {  	_ = 	snop  }
0x6: {  	_ = 	snop  }
0x7: {  	_ = 	snop  }
__scs_overlays_trampoline_lowered:
0x8: {  	[smem:$0x3FA7] =	sst s0  }
0x9: {  	[smem:$0x3FA8] =	sst s1  }
0xa: {  	[smem:$0x3FA9] =	sst s2  }
0xb: {  	[smem:$0x3FAA] =	sst s3  }
0xc: {  	[smem:$0x3FAB] =	sst s4  }
0xd: {  	[smem:$0x3FAC] =	sst s5  }
0xe: {  	[smem:$0x3FAD] =	sst s6  }
0xf: {  	[smem:$0x3FAE] =	sst s7  }
0x10: {  	[smem:$0x3FAF] =	sst s8  }
0x11: {  	[smem:$0x3FB0] =	sst s9;
	s0 =	simm.s32 @!p0 $0x0  }
0x12: {  	s1 =	sld [smem:$0x3F96];
	s0 =	simm.s32 @p0 $0x1  }
0x13: {  	[smem:$0x3FB1] =	sst s0;
	s0 =	simm.s32 @!p1 $0x0  }
0x14: {  	s2 =	sld [smem:$0x3F95];
	s0 =	simm.s32 @p1 $0x1  }
0x15: {  	[smem:$0x3FB2] =	sst s0;
	s0 =	simm.s32 @!p2 $0x0  }
0x16: {  	s3 =	sld [smem:$0x3FDB];
	s0 =	simm.s32 @p2 $0x1  }
0x17: {  	s4 =	simm.s32 $0x1BF5;
	[smem:$0x3FB4] =	sst s0  }
0x18: {  	s0 =	sld [smem:$0x3F97];
	_ =	swait.ge [sflag:s4], $0x0  }
0x19: {  	s7 =	sld [smem:$0x3F98]  }
0x1a: {  	s8 =	sadd.s32 $0xFFFFE003, lr  }
0x1b: {  	s9 =	sadd.s32 $0xFFFFFEF7, lr;
	s5 =	simm.s32 $0xFFFFFFFF;
	p2 =	slt.u32 s8, $0xFFFFF086  }
0x1c: {  	p1 =	slt.u32 s9, $0xF7A;
	s5 =	simm.s32 @!p2 $0x0  }
0x1d: {  	s5 =	simm.s32 @p1 $0x1;
	p0 =	seq.s32 s7, s2  }
0x1e: {  	s7 =	smul.u32 @!p0 $0xF7A, s2;
	p2 =	seq.s32 @!p0 s5, $0x0  }
0x1f: {  	s9 =	smul.u32 $0xF7A, s1;
	s8 =	simm.s32 @!p0 $0x1BF5;
	p2 =	por !p2, p0  }
0x20: {  	[sflag:s8] =	ssyncset.s32 @!p0 $0xFFFFF086;
	s6 =	sadd.s32 @!p0 s3, s7;
	s7 =	simm.s32 @!p0 $0x108  }
0x21: {  	s3 =	sadd.s32 s3, s9;
	s6 =	sadd.s32 @!p0 $0x88, s6;
	s7 =	simm.s32 @p2 $0x1082  }
0x22: {  	[simem:s7], [sflag:s8] =	dma.local @!p0 [hbm:s6], $0xF7A  }
0x23: {  	s9 =	sor.u32 $0xD0000000, s2;
	s6 =	simm.s32 $0x108;
	_ =	swait.ge @!p0 [sflag:s8], $0x0  }
0x24: {  	s3 =	sadd.s32 $0x88, s3;
	s6 =	simm.s32 @!p1 $0x1082;
	[sflag:s4] =	ssyncset.s32 $0xFFFFF086  }
0x25: {  	[simem:s6], [sflag:s4] =	dma.local [hbm:s3], $0xF7A  }
0x26: {  	[smem:$0x3F98] =	sst s1;
	(tag) =	ssettag s2;
	_ =	strace s9  }
0x27: {  	s1 =	sld [smem:$0x3FA8]  }
0x28: {  	s2 =	sld [smem:$0x3FA9]  }
0x29: {  	s4 =	sld [smem:$0x3FAB]  }
0x2a: {  	p0 =	seq.s32 s5, $0x0;
	s5 =	sld [smem:$0x3FAC]  }
0x2b: {  	s6 =	sld [smem:$0x3FAD]  }
0x2c: {  	s7 =	sld [smem:$0x3FAE]  }
0x2d: {  	s3 =	simm.s32 $0x108;
	s8 =	sld [smem:$0x3FAF]  }
0x2e: {  	s3 =	simm.s32 @!p0 $0x1082;
	s9 =	sld [smem:$0x3FB0]  }
0x2f: {  	lr =	sadd.s32 s0, s3;
	s0 =	sld [smem:$0x3FA7]  }
0x30: {  	s3 =	sld [smem:$0x3FAA]  }
0x31: {  	[smem:$0x3FB3] =	sst s10  }
0x32: {  	s10 =	sld [smem:$0x3FB1];
	_ =	sdelay $0x3  }
0x33: {  	p0 =	seq.s32 s10, $0x1;
	s10 =	sld [smem:$0x3FB3];
	_ =	sdelay $0x3  }
0x34: {  	[smem:$0x3FB3] =	sst s10  }
0x35: {  	s10 =	sld [smem:$0x3FB2];
	_ =	sdelay $0x3  }
0x36: {  	p1 =	seq.s32 s10, $0x1;
	s10 =	sld [smem:$0x3FB3];
	_ =	sdelay $0x3  }
0x37: {  	[smem:$0x3FB3] =	sst s10  }
0x38: {  	s10 =	sld [smem:$0x3FB4]  }
0x39: {  	_ = 	snop;
	(pc) =	sbr.ind lr, $3  }
0x3a: {  	_ = 	snop  }
0x3b: {  	_ = 	snop  }
0x3c: {  	p2 =	seq.s32 s10, $0x1;
	s10 =	sld [smem:$0x3FB3]  }
0x3d: {  	_ =	shalt  }
0x3e: {  	_ =	shalt  }
0x3f: {  	_ =	shalt  }
0x40: {  	_ =	shalt  }
0x41: {  	_ =	shalt  }
0x42: {  	_ =	shalt  }
0x43: {  	_ =	shalt  }
0x44: {  	_ =	shalt  }
0x45: {  	_ =	shalt  }
0x46: {  	_ =	shalt  }
0x47: {  	_ =	shalt  }
0x48: {  	_ =	shalt  }
0x49: {  	_ =	shalt  }
0x4a: {  	_ =	shalt  }
0x4b: {  	_ =	shalt  }
0x4c: {  	_ =	shalt  }
0x4d: {  	_ =	shalt  }
0x4e: {  	_ =	shalt  }
0x4f: {  	_ =	shalt  }
0x50: {  	_ =	shalt  }
0x51: {  	_ =	shalt  }
0x52: {  	_ =	shalt  }
0x53: {  	_ =	shalt  }
0x54: {  	_ =	shalt  }
0x55: {  	_ =	shalt  }
0x56: {  	_ =	shalt  }
0x57: {  	_ =	shalt  }
0x58: {  	_ =	shalt  }
0x59: {  	_ =	shalt  }
0x5a: {  	_ =	shalt  }
0x5b: {  	_ =	shalt  }
0x5c: {  	_ =	shalt  }
0x5d: {  	_ =	shalt  }
0x5e: {  	_ =	shalt  }
0x5f: {  	_ =	shalt  }
0x60: {  	_ =	shalt  }
0x61: {  	_ =	shalt  }
0x62: {  	_ =	shalt  }
0x63: {  	_ =	shalt  }
0x64: {  	_ =	shalt  }
0x65: {  	_ =	shalt  }
0x66: {  	_ =	shalt  }
0x67: {  	_ =	shalt  }
0x68: {  	_ =	shalt  }
0x69: {  	_ =	shalt  }
0x6a: {  	_ =	shalt  }
0x6b: {  	_ =	shalt  }
0x6c: {  	_ =	shalt  }
0x6d: {  	_ =	shalt  }
0x6e: {  	_ =	shalt  }
0x6f: {  	_ =	shalt  }
0x70: {  	_ =	shalt  }
0x71: {  	_ =	shalt  }
0x72: {  	_ =	shalt  }
0x73: {  	_ =	shalt  }
0x74: {  	_ =	shalt  }
0x75: {  	_ =	shalt  }
0x76: {  	_ =	shalt  }
0x77: {  	_ =	shalt  }
0x78: {  	_ =	shalt  }
0x79: {  	_ =	shalt  }
0x7a: {  	_ =	shalt  }
0x7b: {  	_ =	shalt  }
0x7c: {  	_ =	shalt  }
0x7d: {  	_ =	shalt  }
0x7e: {  	_ =	shalt  }
0x7f: {  	_ =	shalt  }
0x80: {  	_ =	shalt  }
0x81: {  	_ =	shalt  }
0x82: {  	_ =	shalt  }
0x83: {  	_ =	shalt  }
0x84: {  	_ =	shalt  }
0x85: {  	_ =	shalt  }
0x86: {  	_ =	shalt  }
0x87: {  	_ =	shalt  }
.Lfunc_end0:
.L_simem_size_0:
called_computation.2_lowered:
.L_overlay_start_0:
0x88: {  	s2 =	sld [smem:$0x3FD9]  }
0x89: {  	s3 =	sld [smem:$0x3FFE];
	_ =	sdelay $0x1  }
0x8a: {  	s1 =	srdreg.scid  }
0x8b: {  	s0 =	sand.u32 $0x1, s1  }
0x8c: {  	s16 =	sshll.u32 s0, $0xA;
	s2 =	sadd.s32 s3, s2  }
0x8d: {  	s2 =	sadd.s32 s2, s16  }
0x8e: {  	[smem:$0x3FBF] =	sst s2  }
0x8f: {  	_ = 	snop  }
0x90: {  	(tm) =	ssettm $0x1  }
0x91: {  	s17 =	sld [smem:$0x3FFB];
	_ =	sdelay $0x3  }
0x92: {  	_ =	strace s17  }
0x93: {  	s2 =	sld [smem:$0x3FFC];
	_ =	sdelay $0x3  }
0x94: {  	_ =	strace s2  }
0x95: {  	s2 =	sld [smem:$0x3FFD];
	_ =	sdelay $0x3  }
0x96: {  	_ =	strace s2  }
0x97: {  	_ =	strace $0x8FFFFFFF  }
0x98: {  	s18 =	sld [smem:$0x3FDB];
	_ =	sdelay $0x1  }
0x99: {  	s19 =	simm.s32 $_scs_section_size  }
0x9a: {  	s4 =	simm.s32 $_size__tile_overlayer_lowered;
	s5 =	simm.s32 $_tile_overlayer_lowered  }
0x9b: {  	s22 =	simm.s32 $0x1BFF;
	s21 =	sshll.u32 s5, $0x1;
	s2 =	sadd.s32 s19, s18  }
0x9c: {  	s6 =	simm.s32 $0x0;
	s20 =	sshll.u32 s4, $0x1;
	s4 =	sadd.s32 s21, s2  }
0x9d: {  	[timem:s6], [sflag:s22] =	dma.local [hbm:s4], s20  }
0x9e: {  	_ =	swait.ge [sflag:s22], s20  }
0x9f: {  	s3 =	ssub.s32 $0x0, s20;
	[sflag:s22] =	ssyncset.done $0x0  }
0xa0: {  	[sflag:s22] =	ssyncadd.s32 s3;
	_ =	sdelay $0x1  }
0xa1: {  	s23 =	simm.s32 $0x1B8B  }
0xa2: {  	_ =	swait.ge [sflag:s23], $0x1  }
0xa3: {  	[sflag:s23] =	ssyncset.done $0x0  }
0xa4: {  	s25 =	simm.s32 $0x1B8E;
	s24 =	sld [smem:$0x3FFE];
	[sflag:s23] =	ssyncadd.s32 $0xFFFFFFFF  }
0xa5: {  	s26 =	simm.s32 $execute0_lowered;
	[smem:$0x3FD2] =	sst s25  }
0xa6: {  	s4 =	sshll.u32 s26, $0x1;
	_ =	strace $0x8000004C;
	[dreg:$0x1] =	wrdreg $0xFFFFFFFF  }
0xa7: {  	s28 =	simm.s32 $_size_execute0_lowered;
	s2 =	sadd.s32 s2, s4;
	[dreg:$0x0] =	wrdreg $0x0  }
0xa8: {  	s4 =	sshll.u32 s28, $0x1;
	[dreg:$0x2] =	wrdreg s2  }
0xa9: {  	[dreg:$0x3] =	wrdreg s4  }
0xaa: {  	[dreg:$0x4] =	wrdreg $0xC0  }
0xab: {  	_ =	task [dreg:s6], $0x5FFFF  }
0xac: {  	[dreg:$0x1] =	wrdreg $0xFFFFFFFF  }
0xad: {  	[dreg:$0x0] =	wrdreg $0x60  }
0xae: {  	[dreg:$0x2] =	wrdreg s24  }
0xaf: {  	[dreg:$0x3] =	wrdreg $0xA0000  }
0xb0: {  	[dreg:$0x4] =	wrdreg $0x9  }
0xb1: {  	_ =	task.clear_ibuf [dreg:s6], $0x5FFFF;
	_ =	strace $0x9000004C  }
0xb2: {  	s29 =	simm.s32 $0x9;
	_ =	strace $0x8000004E  }
0xb3: {  	_ =	swait.ge [sflag:s29], $0x1  }
0xb4: {  	[sflag:s29] =	ssyncadd.s32 $0xFFFFFFFF  }
0xb5: {  	_ =	strace $0x9000004E  }
0xb6: {  	_ =	sfence  }
0xb7: {  	s30 =	sld [smem:$0x0];
	_ =	sdelay $0x2  }
0xb8: {  	s31 =	sshll.u32 s1, $0xD;
	s1 =	sshrl.u32 s1, $0x2  }
0xb9: {  	s3 =	sand.u32 $0x4000, s31;
	s1 =	sadd.s32 s1, s30  }
0xba: {  	s0 =	sor.u32 s3, s0;
	s1 =	sshll.u32 s1, $0x11  }
0xbb: {  	s0 =	sor.u32 s1, s0  }
0xbc: {  	s0 =	sadd.s32 $0x8F2B, s0  }
0xbd: {  	[sflag:s0] =	ssyncadd.remote.s32 $0x1  }
0xbe: {  	_ =	sfence.sel $0xFFFF  }
0xbf: {  	[dreg:$0x0] =	wrdreg $0xFFFFFFFF;
	(pc) =	sbr.abs _section_cstart, $3  }
0xc0: {  	[dreg:$0x1] =	wrdreg $0xFFFFFFFF  }
0xc1: {  	_ =	task.clear_ibuf [dreg:s6], $0x2FFFF;
	_ =	strace $0x9FFFFFFF  }
0xc2: {  	(tm) =	ssettm $0x7FFFFFFF  }
0xc3: {  	_ =	shalt  }
tec
execute0_lowered:
.L_overlay_start_1:
0x0: {  	(tag) =	ssettag $0x1  }
0x1: {  	s9 =	rddreg [dreg:$0x0]  }
0x2: {  	s2 =	rddreg [dreg:$0x1];
	s3 =	simm.s32 $0x0;
	s0 =	stileid.u32  }
0x3: {  	s4 =	srdreg.scid;
	s17 =	simm.s32 $0x7;
	s18 =	simm.s32 $0x1  }
0x4: {  	s19 =	simm.s32 $0x80;
	s20 =	simm.s32 $0x2000;
	s21 =	simm.s32 $0x6000  }
0x5: {  	s22 =	simm.s32 $0x3;
	s23 =	simm.s32 $0x5;
	s24 =	simm.s32 $0x4  }
0x6: {  	[smem:$0x7FF] =	sst s3;
	s8 =	smul.u32 $0x14000, s0;
	s10 =	sand.u32 $0x1, s4  }
0x7: {  	s4 =	sadd.s32 $0xEE800, s9;
	s5 =	sadd.s32 $0x13E800, s9;
	s14 =	smul.u32 $0x50000, s0  }
0x8: {  	s6 =	sadd.s32 $0x17800, s9;
	s31 =	sshll.u32 s0, $0x6;
	s7 =	smul.u32 $0x140000, s10  }
0x9: {  	_ =	strace $0x8000004D;
	s25 =	ssub.s32 $0x2, s10;
	s12 =	sshrl.u32 s8, $0x3  }
0xa: {  	s30 =	sshrl.u32 s14, $0x2;
	s11 =	sadd.s32 s8, s7;
	s7 =	smul.u32 $0xA0000, s10  }
0xb: {  	s8 =	smul.u32 $0xA000, s0;
	s12 =	sadd.s32 s12, s9;
	s10 =	sshrl.u32 s25, $0x1  }
0xc: {  	s16 =	sadd.s32 s30, s2;
	s11 =	sshrl.u32 s11, $0x3;
	s15 =	ssub.s32 s25, s10  }
.Ltmp0:
0xd: {  	s16 =	sshrl.u32 s16, $0x3;
	s25 =	simm.s32 $0x6;
	(pc) =	sbr.rel .LBB2_1-.Ltmp0, $4  }
0xe: {  	s13 =	sadd.s32 s11, s9;
	s26 =	sadd.s32 s8, s7;
	s29 =	sshrl.u32 s8, $0x3  }
0xf: {  	s11 =	sadd.s32 $0xC6800, s12;
	s12 =	sor.u32 $0x1C07, s31;
	s14 =	smax.u32 s15, $0x1  }
0x10: {  	s15 =	simm.s32 $0x1000;
	s28 =	sshrl.u32 s26, $0x3;
	s10 =	sadd.s32 s6, s29  }
0x11: {  	s13 =	sadd.s32 $0x166800, s13;
	s26 =	simm.s32 $0x0;
	s9 =	sadd.s32 s5, s28  }
.LBB2_5:
0x12: {  	s26 =	sadd.s32 $0x1, s26  }
0x13: {  	p0 =	sne.s32 s26, s14  }
.Ltmp1:
0x14: {  	[bflag:$0x0] =	sbarrier.arrive $0xFFFF;
	(pc) =	sbr.rel @!p0 .LBB2_6-.Ltmp1, $4  }
0x15: {  	[hbm:s13], [sflag:s12] =	dma.local [spmem:s16], $0x2800  }
0x16: {  	_ =	swait.ge [sflag:s17], $0x2800  }
0x17: {  	[sflag:s17] =	ssyncset.done $0x0  }
0x18: {  	[sflag:s17] =	ssyncadd.s32 $0xFFFFD800  }
.LBB2_1:
0x19: {  	[tilespmem:s3], [sflag:$0x1] =	stream.linear.gather [hbm4b:s9+s3], $0x800, $0x38;
	[tilespmem:$0x1E000] =	vst v63  }
0x1a: {  	_ = 	snop  }
0x1b: {  	[tilespmem:s15], [sflag:$0x1] =	stream.linear.gather [hbm4b:s10+s3], $0x800, $0x38;
	[tilespmem:$0x1E000] =	vst v63  }
0x1c: {  	[spmem:s16], [sflag:s12] =	dma.local [hbm:s11], $0x2800  }
0x1d: {  	_ =	swait.ge [sflag:s17], $0x2800  }
0x1e: {  	[sflag:s17] =	ssyncset.done $0x0  }
0x1f: {  	[sflag:s17] =	ssyncadd.s32 $0xFFFFD800  }
0x20: {  	_ =	swait.ge [sflag:s18], $0x800  }
0x21: {  	[sflag:s18] =	ssyncset.done $0x0  }
0x22: {  	[sflag:s18] =	ssyncadd.s32 $0xFFFFF800  }
.Ltmp2:
0x23: {  	_ =	swait.ge [sflag:s18], $0x800;
	(pc) =	sbr.rel .LBB2_2-.Ltmp2, $4  }
0x24: {  	[sflag:s18] =	ssyncset.done $0x0  }
0x25: {  	[sflag:s18] =	ssyncadd.s32 $0xFFFFF800  }
0x26: {  	[bflag:$0x0] =	sbarrier.arrive $0xFFFF  }
0x27: {  	s30 =	simm.s32 $0x0  }
.LBB2_4:
0x28: {  	s29 =	sshll.u32 s29, $0xB  }
0x29: {  	[tilespmem:s20], [sflag:$0x3] =	stream.indirect.gather [hbm4b:s4+s19], $0x80, s29, s19, $0xb8;
	[tilespmem:$0x1E000] =	vst v63  }
0x2a: {  	s0 =	sor.u32 $0x80, s29  }
0x2b: {  	[tilespmem:s21], [sflag:$0x4] =	stream.indirect.gather [hbm4b:s4+s19], $0x80, s0, s19, $0xb8;
	[tilespmem:$0x1E000] =	vst v63  }
0x2c: {  	_ =	swait.ge [sflag:s22], $0x4000  }
0x2d: {  	[sflag:s22] =	ssyncset.done $0x0  }
0x2e: {  	s1 =	sor.u32 $0x1000, s29;
	[sflag:s22] =	ssyncadd.s32 $0xFFFFC000  }
0x2f: {  	[spmem:s2] =	stream.indirect.scatter.add.f32 [tilespmem:s20], [sflag:$0x5], $0x80, s1, s19, $0xb8;
	[tilespmem:$0x1E000] =	vst v63  }
0x30: {  	_ =	swait.ge [sflag:s23], $0x4000  }
0x31: {  	[sflag:s23] =	ssyncset.done $0x0  }
0x32: {  	s31 =	sor.u32 $0x100, s29;
	[sflag:s23] =	ssyncadd.s32 $0xFFFFC000  }
0x33: {  	[tilespmem:s20], [sflag:$0x3] =	stream.indirect.gather [hbm4b:s4+s19], $0x80, s31, s19, $0xb8;
	[tilespmem:$0x1E000] =	vst v63  }
0x34: {  	_ =	swait.ge [sflag:s24], $0x4000  }
0x35: {  	[sflag:s24] =	ssyncset.done $0x0  }
0x36: {  	s1 =	sor.u32 $0x1080, s29;
	[sflag:s24] =	ssyncadd.s32 $0xFFFFC000  }
0x37: {  	[spmem:s2] =	stream.indirect.scatter.add.f32 [tilespmem:s21], [sflag:$0x6], $0x80, s1, s19, $0xb8;
	[tilespmem:$0x1E000] =	vst v63  }
0x38: {  	_ =	swait.ge [sflag:s25], $0x4000  }
0x39: {  	[sflag:s25] =	ssyncset.done $0x0  }
0x3a: {  	s31 =	sor.u32 $0x180, s29;
	[sflag:s25] =	ssyncadd.s32 $0xFFFFC000  }
0x3b: {  	[tilespmem:s21], [sflag:$0x4] =	stream.indirect.gather [hbm4b:s4+s19], $0x80, s31, s19, $0xb8;
	[tilespmem:$0x1E000] =	vst v63  }
0x3c: {  	_ =	swait.ge [sflag:s22], $0x4000  }
0x3d: {  	[sflag:s22] =	ssyncset.done $0x0  }
0x3e: {  	s1 =	sor.u32 $0x1100, s29;
	[sflag:s22] =	ssyncadd.s32 $0xFFFFC000  }
0x3f: {  	[spmem:s2] =	stream.indirect.scatter.add.f32 [tilespmem:s20], [sflag:$0x5], $0x80, s1, s19, $0xb8;
	[tilespmem:$0x1E000] =	vst v63  }
0x40: {  	_ =	swait.ge [sflag:s23], $0x4000  }
0x41: {  	[sflag:s23] =	ssyncset.done $0x0  }
0x42: {  	s31 =	sor.u32 $0x200, s29;
	[sflag:s23] =	ssyncadd.s32 $0xFFFFC000  }
0x43: {  	[tilespmem:s20], [sflag:$0x3] =	stream.indirect.gather [hbm4b:s4+s19], $0x80, s31, s19, $0xb8;
	[tilespmem:$0x1E000] =	vst v63  }
0x44: {  	_ =	swait.ge [sflag:s24], $0x4000  }
0x45: {  	[sflag:s24] =	ssyncset.done $0x0  }
0x46: {  	s1 =	sor.u32 $0x1180, s29;
	[sflag:s24] =	ssyncadd.s32 $0xFFFFC000  }
0x47: {  	[spmem:s2] =	stream.indirect.scatter.add.f32 [tilespmem:s21], [sflag:$0x6], $0x80, s1, s19, $0xb8;
	[tilespmem:$0x1E000] =	vst v63  }
0x48: {  	_ =	swait.ge [sflag:s25], $0x4000  }
0x49: {  	[sflag:s25] =	ssyncset.done $0x0  }
0x4a: {  	s31 =	sor.u32 $0x280, s29;
	[sflag:s25] =	ssyncadd.s32 $0xFFFFC000  }
0x4b: {  	[tilespmem:s21], [sflag:$0x4] =	stream.indirect.gather [hbm4b:s4+s19], $0x80, s31, s19, $0xb8;
	[tilespmem:$0x1E000] =	vst v63  }
0x4c: {  	_ =	swait.ge [sflag:s22], $0x4000  }
0x4d: {  	[sflag:s22] =	ssyncset.done $0x0  }
0x4e: {  	s1 =	sor.u32 $0x1200, s29;
	[sflag:s22] =	ssyncadd.s32 $0xFFFFC000  }
0x4f: {  	[spmem:s2] =	stream.indirect.scatter.add.f32 [tilespmem:s20], [sflag:$0x5], $0x80, s1, s19, $0xb8;
	[tilespmem:$0x1E000] =	vst v63  }
0x50: {  	_ =	swait.ge [sflag:s23], $0x4000  }
0x51: {  	[sflag:s23] =	ssyncset.done $0x0  }
0x52: {  	s31 =	sor.u32 $0x300, s29;
	[sflag:s23] =	ssyncadd.s32 $0xFFFFC000  }
0x53: {  	[tilespmem:s20], [sflag:$0x3] =	stream.indirect.gather [hbm4b:s4+s19], $0x80, s31, s19, $0xb8;
	[tilespmem:$0x1E000] =	vst v63  }
0x54: {  	_ =	swait.ge [sflag:s24], $0x4000  }
0x55: {  	[sflag:s24] =	ssyncset.done $0x0  }
0x56: {  	s1 =	sor.u32 $0x1280, s29;
	[sflag:s24] =	ssyncadd.s32 $0xFFFFC000  }
0x57: {  	[spmem:s2] =	stream.indirect.scatter.add.f32 [tilespmem:s21], [sflag:$0x6], $0x80, s1, s19, $0xb8;
	[tilespmem:$0x1E000] =	vst v63  }
0x58: {  	_ =	swait.ge [sflag:s25], $0x4000  }
0x59: {  	[sflag:s25] =	ssyncset.done $0x0  }
0x5a: {  	s31 =	sor.u32 $0x380, s29;
	[sflag:s25] =	ssyncadd.s32 $0xFFFFC000  }
0x5b: {  	[tilespmem:s21], [sflag:$0x4] =	stream.indirect.gather [hbm4b:s4+s19], $0x80, s31, s19, $0xb8;
	[tilespmem:$0x1E000] =	vst v63  }
0x5c: {  	_ =	swait.ge [sflag:s22], $0x4000  }
0x5d: {  	[sflag:s22] =	ssyncset.done $0x0  }
0x5e: {  	s1 =	sor.u32 $0x1300, s29;
	[sflag:s22] =	ssyncadd.s32 $0xFFFFC000  }
0x5f: {  	[spmem:s2] =	stream.indirect.scatter.add.f32 [tilespmem:s20], [sflag:$0x5], $0x80, s1, s19, $0xb8;
	[tilespmem:$0x1E000] =	vst v63  }
0x60: {  	_ =	swait.ge [sflag:s23], $0x4000  }
0x61: {  	[sflag:s23] =	ssyncset.done $0x0  }
0x62: {  	s31 =	sor.u32 $0x400, s29;
	[sflag:s23] =	ssyncadd.s32 $0xFFFFC000  }
0x63: {  	[tilespmem:s20], [sflag:$0x3] =	stream.indirect.gather [hbm4b:s4+s19], $0x80, s31, s19, $0xb8;
	[tilespmem:$0x1E000] =	vst v63  }
0x64: {  	_ =	swait.ge [sflag:s24], $0x4000  }
0x65: {  	[sflag:s24] =	ssyncset.done $0x0  }
0x66: {  	s1 =	sor.u32 $0x1380, s29;
	[sflag:s24] =	ssyncadd.s32 $0xFFFFC000  }
0x67: {  	[spmem:s2] =	stream.indirect.scatter.add.f32 [tilespmem:s21], [sflag:$0x6], $0x80, s1, s19, $0xb8;
	[tilespmem:$0x1E000] =	vst v63  }
0x68: {  	_ =	swait.ge [sflag:s25], $0x4000  }
0x69: {  	[sflag:s25] =	ssyncset.done $0x0  }
0x6a: {  	s31 =	sor.u32 $0x480, s29;
	[sflag:s25] =	ssyncadd.s32 $0xFFFFC000  }
0x6b: {  	[tilespmem:s21], [sflag:$0x4] =	stream.indirect.gather [hbm4b:s4+s19], $0x80, s31, s19, $0xb8;
	[tilespmem:$0x1E000] =	vst v63  }
0x6c: {  	_ =	swait.ge [sflag:s22], $0x4000  }
0x6d: {  	[sflag:s22] =	ssyncset.done $0x0  }
0x6e: {  	s1 =	sor.u32 $0x1400, s29;
	[sflag:s22] =	ssyncadd.s32 $0xFFFFC000  }
0x6f: {  	[spmem:s2] =	stream.indirect.scatter.add.f32 [tilespmem:s20], [sflag:$0x5], $0x80, s1, s19, $0xb8;
	[tilespmem:$0x1E000] =	vst v63  }
0x70: {  	_ =	swait.ge [sflag:s23], $0x4000  }
0x71: {  	[sflag:s23] =	ssyncset.done $0x0  }
0x72: {  	s31 =	sor.u32 $0x500, s29;
	[sflag:s23] =	ssyncadd.s32 $0xFFFFC000  }
0x73: {  	[tilespmem:s20], [sflag:$0x3] =	stream.indirect.gather [hbm4b:s4+s19], $0x80, s31, s19, $0xb8;
	[tilespmem:$0x1E000] =	vst v63  }
0x74: {  	_ =	swait.ge [sflag:s24], $0x4000  }
0x75: {  	[sflag:s24] =	ssyncset.done $0x0  }
0x76: {  	s1 =	sor.u32 $0x1480, s29;
	[sflag:s24] =	ssyncadd.s32 $0xFFFFC000  }
0x77: {  	[spmem:s2] =	stream.indirect.scatter.add.f32 [tilespmem:s21], [sflag:$0x6], $0x80, s1, s19, $0xb8;
	[tilespmem:$0x1E000] =	vst v63  }
0x78: {  	_ =	swait.ge [sflag:s25], $0x4000  }
0x79: {  	[sflag:s25] =	ssyncset.done $0x0  }
0x7a: {  	s31 =	sor.u32 $0x580, s29;
	[sflag:s25] =	ssyncadd.s32 $0xFFFFC000  }
0x7b: {  	[tilespmem:s21], [sflag:$0x4] =	stream.indirect.gather [hbm4b:s4+s19], $0x80, s31, s19, $0xb8;
	[tilespmem:$0x1E000] =	vst v63  }
0x7c: {  	_ =	swait.ge [sflag:s22], $0x4000  }
0x7d: {  	[sflag:s22] =	ssyncset.done $0x0  }
0x7e: {  	s1 =	sor.u32 $0x1500, s29;
	[sflag:s22] =	ssyncadd.s32 $0xFFFFC000  }
0x7f: {  	[spmem:s2] =	stream.indirect.scatter.add.f32 [tilespmem:s20], [sflag:$0x5], $0x80, s1, s19, $0xb8;
	[tilespmem:$0x1E000] =	vst v63  }
0x80: {  	_ =	swait.ge [sflag:s23], $0x4000  }
0x81: {  	[sflag:s23] =	ssyncset.done $0x0  }
0x82: {  	s31 =	sor.u32 $0x600, s29;
	[sflag:s23] =	ssyncadd.s32 $0xFFFFC000  }
0x83: {  	[tilespmem:s20], [sflag:$0x3] =	stream.indirect.gather [hbm4b:s4+s19], $0x80, s31, s19, $0xb8;
	[tilespmem:$0x1E000] =	vst v63  }
0x84: {  	_ =	swait.ge [sflag:s24], $0x4000  }
0x85: {  	[sflag:s24] =	ssyncset.done $0x0  }
0x86: {  	s1 =	sor.u32 $0x1580, s29;
	[sflag:s24] =	ssyncadd.s32 $0xFFFFC000  }
0x87: {  	[spmem:s2] =	stream.indirect.scatter.add.f32 [tilespmem:s21], [sflag:$0x6], $0x80, s1, s19, $0xb8;
	[tilespmem:$0x1E000] =	vst v63  }
0x88: {  	_ =	swait.ge [sflag:s25], $0x4000  }
0x89: {  	[sflag:s25] =	ssyncset.done $0x0  }
0x8a: {  	s31 =	sor.u32 $0x680, s29;
	[sflag:s25] =	ssyncadd.s32 $0xFFFFC000  }
0x8b: {  	[tilespmem:s21], [sflag:$0x4] =	stream.indirect.gather [hbm4b:s4+s19], $0x80, s31, s19, $0xb8;
	[tilespmem:$0x1E000] =	vst v63  }
0x8c: {  	_ =	swait.ge [sflag:s22], $0x4000  }
0x8d: {  	[sflag:s22] =	ssyncset.done $0x0  }
0x8e: {  	s1 =	sor.u32 $0x1600, s29;
	[sflag:s22] =	ssyncadd.s32 $0xFFFFC000  }
0x8f: {  	[spmem:s2] =	stream.indirect.scatter.add.f32 [tilespmem:s20], [sflag:$0x5], $0x80, s1, s19, $0xb8;
	[tilespmem:$0x1E000] =	vst v63  }
0x90: {  	_ =	swait.ge [sflag:s23], $0x4000  }
0x91: {  	[sflag:s23] =	ssyncset.done $0x0  }
0x92: {  	s31 =	sor.u32 $0x700, s29;
	[sflag:s23] =	ssyncadd.s32 $0xFFFFC000  }
0x93: {  	[tilespmem:s20], [sflag:$0x3] =	stream.indirect.gather [hbm4b:s4+s19], $0x80, s31, s19, $0xb8;
	[tilespmem:$0x1E000] =	vst v63  }
0x94: {  	_ =	swait.ge [sflag:s24], $0x4000  }
0x95: {  	[sflag:s24] =	ssyncset.done $0x0  }
0x96: {  	s1 =	sor.u32 $0x1680, s29;
	[sflag:s24] =	ssyncadd.s32 $0xFFFFC000  }
0x97: {  	[spmem:s2] =	stream.indirect.scatter.add.f32 [tilespmem:s21], [sflag:$0x6], $0x80, s1, s19, $0xb8;
	[tilespmem:$0x1E000] =	vst v63  }
0x98: {  	_ =	swait.ge [sflag:s25], $0x4000  }
0x99: {  	[sflag:s25] =	ssyncset.done $0x0  }
0x9a: {  	s31 =	sor.u32 $0x780, s29;
	[sflag:s25] =	ssyncadd.s32 $0xFFFFC000  }
0x9b: {  	[tilespmem:s21], [sflag:$0x4] =	stream.indirect.gather [hbm4b:s4+s19], $0x80, s31, s19, $0xb8;
	[tilespmem:$0x1E000] =	vst v63  }
0x9c: {  	_ =	swait.ge [sflag:s22], $0x4000  }
0x9d: {  	[sflag:s22] =	ssyncset.done $0x0  }
0x9e: {  	s1 =	sor.u32 $0x1700, s29;
	[sflag:s22] =	ssyncadd.s32 $0xFFFFC000  }
0x9f: {  	[spmem:s2] =	stream.indirect.scatter.add.f32 [tilespmem:s20], [sflag:$0x5], $0x80, s1, s19, $0xb8;
	[tilespmem:$0x1E000] =	vst v63  }
0xa0: {  	_ =	swait.ge [sflag:s24], $0x4000  }
0xa1: {  	[sflag:s24] =	ssyncset.done $0x0  }
0xa2: {  	s31 =	sor.u32 $0x1780, s29;
	[sflag:s24] =	ssyncadd.s32 $0xFFFFC000  }
0xa3: {  	[spmem:s2] =	stream.indirect.scatter.add.f32 [tilespmem:s21], [sflag:$0x6], $0x80, s31, s19, $0xb8;
	[tilespmem:$0x1E000] =	vst v63  }
0xa4: {  	p0 =	slt.u32 s28, $0x14;
	_ =	swait.ge [sflag:s23], $0x4000  }
.Ltmp3:
0xa5: {  	[sflag:s23] =	ssyncset.done $0x0;
	(pc) =	sbr.rel @!p0 .LBB2_5-.Ltmp3, $4  }
0xa6: {  	[sflag:s23] =	ssyncadd.s32 $0xFFFFC000  }
0xa7: {  	_ =	swait.ge [sflag:s25], $0x4000  }
0xa8: {  	[sflag:s25] =	ssyncset.done $0x0  }
0xa9: {  	s30 =	smov.u32 s28;
	[sflag:s25] =	ssyncadd.s32 $0xFFFFC000  }
.LBB2_2:
0xaa: {  	s29 =	sand.u32 $0x1, s30;
	p0 =	seq.s32 s30, $0x0  }
0xab: {  	s28 =	sadd.s32 @!p0 $0x1, s29;
	p1 =	seq.s32 @!p0 s30, $0x13  }
0xac: {  	_ =	swait.ge @!p0 [sflag:s28], $0x800;
	p1 =	por p0, !p1  }
.Ltmp4:
0xad: {  	[sflag:s28] =	ssyncset.done @!p0 $0x0;
	(pc) =	sbr.rel @!p1 .LBB2_4-.Ltmp4, $4  }
0xae: {  	[sflag:s28] =	ssyncadd.s32 @!p0 $0xFFFFF800  }
0xaf: {  	_ =	swait.ge @!p0 [sflag:s28], $0x800  }
0xb0: {  	[sflag:s28] =	ssyncset.done @!p0 $0x0  }
0xb1: {  	[sflag:s28] =	ssyncadd.s32 @!p0 $0xFFFFF800;
	s28 =	simm.s32 @!p0 $0x14  }
0xb2: {  	s28 =	sadd.s32 @!p0 $0x1, s30  }
0xb3: {  	s28 =	simm.s32 @p0 $0x1  }
0xb4: {  	s31 =	sshll.u32 s28, $0xB  }
0xb5: {  	s30 =	sadd.s32 s8, s31  }
0xb6: {  	s0 =	sxor.u32 $0x1, s29;
	s31 =	sadd.s32 s7, s30  }
.Ltmp5:
0xb7: {  	s1 =	sadd.s32 $0x1, s0;
	s31 =	sshrl.u32 s31, $0x3;
	(pc) =	sbr.rel .LBB2_4-.Ltmp5, $4  }
0xb8: {  	s0 =	sshll.u32 s0, $0xB;
	s30 =	sshrl.u32 s30, $0x3;
	s31 =	sadd.s32 s5, s31  }
0xb9: {  	[tilespmem:s0], [sflag:s1] =	stream.linear.gather [hbm4b:s31+s3], $0x800, $0x38;
	[tilespmem:$0x1E000] =	vst v63  }
0xba: {  	s30 =	sadd.s32 s6, s30;
	s0 =	sor.u32 $0x1000, s0  }
0xbb: {  	[tilespmem:s0], [sflag:s1] =	stream.linear.gather [hbm4b:s30+s3], $0x800, $0x38;
	[tilespmem:$0x1E000] =	vst v63  }
.LBB2_6:
0xbc: {  	_ =	sfence.sel $0x180000  }
0xbd: {  	[bflag:$0x0] =	sbarrier.arrive $0xFFFF  }
0xbe: {  	_ =	strace $0x9000004D  }
0xbf: {  	s0 =	stileid.u32;
	[bflag:$0x2] =	sbarrier.arrive $0xFFFF  }
0xc0: {  	p0 =	sne.s32 s0, $0x0;
	s0 =	rddreg [dreg:$0x2]  }
0xc1: {  	s0 =	sadd.s32 @!p0 $0x100000, s0  }
0xc2: {  	[sflag:s0] =	ssyncadd.tile.s32 @!p0 $0x1;
	_ =	shalt  }
.Lfunc_end2:
_tile_overlayer_lowered:
.L_overlay_start_2:
0xc3: {  	(tag) =	ssettag $0x2  }
0xc4: {  	s0 =	rddreg [dreg:$0x0];
	s2 =	stileid.u32  }
0xc5: {  	s1 =	rddreg [dreg:$0x1];
	p0 =	sne.s32 s2, $0x0  }
0xc6: {  	s3 =	rddreg [dreg:$0x2];
	[bflag:$0x3] =	sbarrier.arrive $0xFFFF;
	s2 =	simm.s32 @!p0 $0x1C07  }
0xc7: {  	[timem:s3], [sflag:s2] =	dma.local @!p0 [hbm:s0], s1  }
0xc8: {  	s0 =	simm.s32 @!p0 $0x7  }
0xc9: {  	_ =	swait.ge @!p0 [sflag:s0], s1  }
0xca: {  	s1 =	ssub.s32 @!p0 $0x0, s1;
	[sflag:s0] =	ssyncset.done @!p0 $0x0  }
0xcb: {  	[sflag:s0] =	ssyncadd.s32 @!p0 s1  }
0xcc: {  	[bflag:$0x3] =	sbarrier.arrive $0xFFFF  }
0xcd: {  	_ =	shalt  }

// kernel: kernel.8.cloned.1.call-start
scs
__scs_entry_jumppad:
0x0: {  	(pc) =	sbr.rel $0x88, $3  }
0x1: {  	(tag) =	ssettag $0x0;
	lr =	simm.s32 $0x1  }
0x2: {  	[smem:$0x3F98] =	sst lr;
	_ =	strace $0xD0000000  }
0x3: {  	_ = 	snop  }
0x4: {  	_ = 	snop  }
0x5: {  	_ = 	snop  }
0x6: {  	_ = 	snop  }
0x7: {  	_ = 	snop  }
__scs_overlays_trampoline_lowered:
0x8: {  	[smem:$0x3FA7] =	sst s0  }
0x9: {  	[smem:$0x3FA8] =	sst s1  }
0xa: {  	[smem:$0x3FA9] =	sst s2  }
0xb: {  	[smem:$0x3FAA] =	sst s3  }
0xc: {  	[smem:$0x3FAB] =	sst s4  }
0xd: {  	[smem:$0x3FAC] =	sst s5  }
0xe: {  	[smem:$0x3FAD] =	sst s6  }
0xf: {  	[smem:$0x3FAE] =	sst s7  }
0x10: {  	[smem:$0x3FAF] =	sst s8  }
0x11: {  	[smem:$0x3FB0] =	sst s9;
	s0 =	simm.s32 @!p0 $0x0  }
0x12: {  	s1 =	sld [smem:$0x3F96];
	s0 =	simm.s32 @p0 $0x1  }
0x13: {  	[smem:$0x3FB1] =	sst s0;
	s0 =	simm.s32 @!p1 $0x0  }
0x14: {  	s2 =	sld [smem:$0x3F95];
	s0 =	simm.s32 @p1 $0x1  }
0x15: {  	[smem:$0x3FB2] =	sst s0;
	s0 =	simm.s32 @!p2 $0x0  }
0x16: {  	s3 =	sld [smem:$0x3FDB];
	s0 =	simm.s32 @p2 $0x1  }
0x17: {  	s4 =	simm.s32 $0x1BF5;
	[smem:$0x3FB4] =	sst s0  }
0x18: {  	s0 =	sld [smem:$0x3F97];
	_ =	swait.ge [sflag:s4], $0x0  }
0x19: {  	s7 =	sld [smem:$0x3F98]  }
0x1a: {  	s8 =	sadd.s32 $0xFFFFE003, lr  }
0x1b: {  	s9 =	sadd.s32 $0xFFFFFEF7, lr;
	s5 =	simm.s32 $0xFFFFFFFF;
	p2 =	slt.u32 s8, $0xFFFFF086  }
0x1c: {  	p1 =	slt.u32 s9, $0xF7A;
	s5 =	simm.s32 @!p2 $0x0  }
0x1d: {  	s5 =	simm.s32 @p1 $0x1;
	p0 =	seq.s32 s7, s2  }
0x1e: {  	s7 =	smul.u32 @!p0 $0xF7A, s2;
	p2 =	seq.s32 @!p0 s5, $0x0  }
0x1f: {  	s9 =	smul.u32 $0xF7A, s1;
	s8 =	simm.s32 @!p0 $0x1BF5;
	p2 =	por !p2, p0  }
0x20: {  	[sflag:s8] =	ssyncset.s32 @!p0 $0xFFFFF086;
	s6 =	sadd.s32 @!p0 s3, s7;
	s7 =	simm.s32 @!p0 $0x108  }
0x21: {  	s3 =	sadd.s32 s3, s9;
	s6 =	sadd.s32 @!p0 $0x88, s6;
	s7 =	simm.s32 @p2 $0x1082  }
0x22: {  	[simem:s7], [sflag:s8] =	dma.local @!p0 [hbm:s6], $0xF7A  }
0x23: {  	s9 =	sor.u32 $0xD0000000, s2;
	s6 =	simm.s32 $0x108;
	_ =	swait.ge @!p0 [sflag:s8], $0x0  }
0x24: {  	s3 =	sadd.s32 $0x88, s3;
	s6 =	simm.s32 @!p1 $0x1082;
	[sflag:s4] =	ssyncset.s32 $0xFFFFF086  }
0x25: {  	[simem:s6], [sflag:s4] =	dma.local [hbm:s3], $0xF7A  }
0x26: {  	[smem:$0x3F98] =	sst s1;
	(tag) =	ssettag s2;
	_ =	strace s9  }
0x27: {  	s1 =	sld [smem:$0x3FA8]  }
0x28: {  	s2 =	sld [smem:$0x3FA9]  }
0x29: {  	s4 =	sld [smem:$0x3FAB]  }
0x2a: {  	p0 =	seq.s32 s5, $0x0;
	s5 =	sld [smem:$0x3FAC]  }
0x2b: {  	s6 =	sld [smem:$0x3FAD]  }
0x2c: {  	s7 =	sld [smem:$0x3FAE]  }
0x2d: {  	s3 =	simm.s32 $0x108;
	s8 =	sld [smem:$0x3FAF]  }
0x2e: {  	s3 =	simm.s32 @!p0 $0x1082;
	s9 =	sld [smem:$0x3FB0]  }
0x2f: {  	lr =	sadd.s32 s0, s3;
	s0 =	sld [smem:$0x3FA7]  }
0x30: {  	s3 =	sld [smem:$0x3FAA]  }
0x31: {  	[smem:$0x3FB3] =	sst s10  }
0x32: {  	s10 =	sld [smem:$0x3FB1];
	_ =	sdelay $0x3  }
0x33: {  	p0 =	seq.s32 s10, $0x1;
	s10 =	sld [smem:$0x3FB3];
	_ =	sdelay $0x3  }
0x34: {  	[smem:$0x3FB3] =	sst s10  }
0x35: {  	s10 =	sld [smem:$0x3FB2];
	_ =	sdelay $0x3  }
0x36: {  	p1 =	seq.s32 s10, $0x1;
	s10 =	sld [smem:$0x3FB3];
	_ =	sdelay $0x3  }
0x37: {  	[smem:$0x3FB3] =	sst s10  }
0x38: {  	s10 =	sld [smem:$0x3FB4]  }
0x39: {  	_ = 	snop;
	(pc) =	sbr.ind lr, $3  }
0x3a: {  	_ = 	snop  }
0x3b: {  	_ = 	snop  }
0x3c: {  	p2 =	seq.s32 s10, $0x1;
	s10 =	sld [smem:$0x3FB3]  }
0x3d: {  	_ =	shalt  }
0x3e: {  	_ =	shalt  }
0x3f: {  	_ =	shalt  }
0x40: {  	_ =	shalt  }
0x41: {  	_ =	shalt  }
0x42: {  	_ =	shalt  }
0x43: {  	_ =	shalt  }
0x44: {  	_ =	shalt  }
0x45: {  	_ =	shalt  }
0x46: {  	_ =	shalt  }
0x47: {  	_ =	shalt  }
0x48: {  	_ =	shalt  }
0x49: {  	_ =	shalt  }
0x4a: {  	_ =	shalt  }
0x4b: {  	_ =	shalt  }
0x4c: {  	_ =	shalt  }
0x4d: {  	_ =	shalt  }
0x4e: {  	_ =	shalt  }
0x4f: {  	_ =	shalt  }
0x50: {  	_ =	shalt  }
0x51: {  	_ =	shalt  }
0x52: {  	_ =	shalt  }
0x53: {  	_ =	shalt  }
0x54: {  	_ =	shalt  }
0x55: {  	_ =	shalt  }
0x56: {  	_ =	shalt  }
0x57: {  	_ =	shalt  }
0x58: {  	_ =	shalt  }
0x59: {  	_ =	shalt  }
0x5a: {  	_ =	shalt  }
0x5b: {  	_ =	shalt  }
0x5c: {  	_ =	shalt  }
0x5d: {  	_ =	shalt  }
0x5e: {  	_ =	shalt  }
0x5f: {  	_ =	shalt  }
0x60: {  	_ =	shalt  }
0x61: {  	_ =	shalt  }
0x62: {  	_ =	shalt  }
0x63: {  	_ =	shalt  }
0x64: {  	_ =	shalt  }
0x65: {  	_ =	shalt  }
0x66: {  	_ =	shalt  }
0x67: {  	_ =	shalt  }
0x68: {  	_ =	shalt  }
0x69: {  	_ =	shalt  }
0x6a: {  	_ =	shalt  }
0x6b: {  	_ =	shalt  }
0x6c: {  	_ =	shalt  }
0x6d: {  	_ =	shalt  }
0x6e: {  	_ =	shalt  }
0x6f: {  	_ =	shalt  }
0x70: {  	_ =	shalt  }
0x71: {  	_ =	shalt  }
0x72: {  	_ =	shalt  }
0x73: {  	_ =	shalt  }
0x74: {  	_ =	shalt  }
0x75: {  	_ =	shalt  }
0x76: {  	_ =	shalt  }
0x77: {  	_ =	shalt  }
0x78: {  	_ =	shalt  }
0x79: {  	_ =	shalt  }
0x7a: {  	_ =	shalt  }
0x7b: {  	_ =	shalt  }
0x7c: {  	_ =	shalt  }
0x7d: {  	_ =	shalt  }
0x7e: {  	_ =	shalt  }
0x7f: {  	_ =	shalt  }
0x80: {  	_ =	shalt  }
0x81: {  	_ =	shalt  }
0x82: {  	_ =	shalt  }
0x83: {  	_ =	shalt  }
0x84: {  	_ =	shalt  }
0x85: {  	_ =	shalt  }
0x86: {  	_ =	shalt  }
0x87: {  	_ =	shalt  }
.Lfunc_end0:
.L_simem_size_0:
called_computation_lowered:
.L_overlay_start_0:
0x88: {  	s2 =	sld [smem:$0x3FD9]  }
0x89: {  	s3 =	sld [smem:$0x3FFE];
	_ =	sdelay $0x1  }
0x8a: {  	s1 =	srdreg.scid  }
0x8b: {  	s0 =	sand.u32 $0x1, s1  }
0x8c: {  	s17 =	sshll.u32 s0, $0xA;
	s2 =	sadd.s32 s3, s2  }
0x8d: {  	s2 =	sadd.s32 s2, s17  }
0x8e: {  	[smem:$0x3FBF] =	sst s2  }
0x8f: {  	_ = 	snop  }
0x90: {  	s2 =	sld [smem:$0x3FD0];
	(tm) =	ssettm $0x1  }
0x91: {  	s18 =	sld [smem:$0x3FFB];
	_ =	sdelay $0x3  }
0x92: {  	_ =	strace s18  }
0x93: {  	s3 =	sld [smem:$0x3FFC];
	_ =	sdelay $0x3  }
0x94: {  	_ =	strace s3  }
0x95: {  	s3 =	sld [smem:$0x3FFD];
	_ =	sdelay $0x3  }
0x96: {  	_ =	strace s3  }
0x97: {  	_ =	strace $0x8FFFFFFF  }
0x98: {  	s19 =	sld [smem:$0x3FDB];
	_ =	sdelay $0x1  }
0x99: {  	s4 =	simm.s32 $_scs_section_size  }
0x9a: {  	s5 =	simm.s32 $_size__tile_overlayer_lowered;
	s6 =	simm.s32 $_tile_overlayer_lowered  }
0x9b: {  	s22 =	simm.s32 $0x1BFF;
	s21 =	sshll.u32 s6, $0x1;
	s3 =	sadd.s32 s4, s19  }
0x9c: {  	s7 =	simm.s32 $0x0;
	s20 =	sshll.u32 s5, $0x1;
	s5 =	sadd.s32 s21, s3  }
0x9d: {  	[timem:s7], [sflag:s22] =	dma.local [hbm:s5], s20  }
0x9e: {  	_ =	swait.ge [sflag:s22], s20  }
0x9f: {  	s4 =	ssub.s32 $0x0, s20;
	[sflag:s22] =	ssyncset.done $0x0  }
0xa0: {  	[sflag:s22] =	ssyncadd.s32 s4;
	_ =	sdelay $0x1  }
0xa1: {  	s23 =	simm.s32 $0x1B8B  }
0xa2: {  	_ =	swait.ge [sflag:s23], $0x1  }
0xa3: {  	[sflag:s23] =	ssyncset.done $0x0  }
0xa4: {  	s25 =	simm.s32 $0x1B8E;
	s24 =	sld [smem:$0x3FFE];
	[sflag:s23] =	ssyncadd.s32 $0xFFFFFFFF  }
0xa5: {  	s26 =	simm.s32 $execute0_lowered;
	[smem:$0x3FD2] =	sst s25  }
0xa6: {  	s5 =	sshll.u32 s26, $0x1;
	_ =	strace $0x80000046;
	[dreg:$0x1] =	wrdreg $0xFFFFFFFF  }
0xa7: {  	s28 =	simm.s32 $_size_execute0_lowered;
	s3 =	sadd.s32 s3, s5;
	[dreg:$0x0] =	wrdreg $0x0  }
0xa8: {  	s5 =	sshll.u32 s28, $0x1;
	[dreg:$0x2] =	wrdreg s3  }
0xa9: {  	[dreg:$0x3] =	wrdreg s5  }
0xaa: {  	[dreg:$0x4] =	wrdreg $0xC0  }
0xab: {  	_ =	task [dreg:s7], $0x5FFFF  }
0xac: {  	[dreg:$0x1] =	wrdreg $0xFFFFFFFF  }
0xad: {  	[dreg:$0x0] =	wrdreg $0x60  }
0xae: {  	[dreg:$0x2] =	wrdreg s24  }
0xaf: {  	[dreg:$0x3] =	wrdreg s2  }
0xb0: {  	[dreg:$0x4] =	wrdreg $0x58000  }
0xb1: {  	[dreg:$0x5] =	wrdreg $0x9  }
0xb2: {  	_ =	task.clear_ibuf [dreg:s7], $0x6FFFF;
	_ =	strace $0x90000046  }
0xb3: {  	s29 =	simm.s32 $0x9;
	_ =	strace $0x80000048  }
0xb4: {  	_ =	swait.ge [sflag:s29], $0x1  }
0xb5: {  	[sflag:s29] =	ssyncadd.s32 $0xFFFFFFFF  }
0xb6: {  	_ =	strace $0x90000048  }
0xb7: {  	_ =	sfence  }
0xb8: {  	s30 =	sld [smem:$0x0];
	_ =	sdelay $0x2  }
0xb9: {  	s31 =	sshll.u32 s1, $0xD;
	s1 =	sshrl.u32 s1, $0x2  }
0xba: {  	s3 =	sand.u32 $0x4000, s31;
	s1 =	sadd.s32 s1, s30  }
0xbb: {  	s0 =	sor.u32 s3, s0;
	s1 =	sshll.u32 s1, $0x11  }
0xbc: {  	s0 =	sor.u32 s1, s0  }
0xbd: {  	s0 =	sadd.s32 $0x8F2B, s0  }
0xbe: {  	[sflag:s0] =	ssyncadd.remote.s32 $0x1  }
0xbf: {  	_ =	sfence.sel $0xFFFF  }
0xc0: {  	[dreg:$0x0] =	wrdreg $0xFFFFFFFF;
	(pc) =	sbr.abs _section_cstart, $3  }
0xc1: {  	[dreg:$0x1] =	wrdreg $0xFFFFFFFF  }
0xc2: {  	_ =	task.clear_ibuf [dreg:s7], $0x2FFFF;
	_ =	strace $0x9FFFFFFF  }
0xc3: {  	(tm) =	ssettm $0x7FFFFFFF  }
tec
execute0_lowered:
.L_overlay_start_1:
0x0: {  	(tag) =	ssettag $0x1  }
0x1: {  	s6 =	rddreg [dreg:$0x0]  }
0x2: {  	s2 =	rddreg [dreg:$0x1]  }
0x3: {  	s0 =	srdreg.scid;
	s3 =	rddreg [dreg:$0x2]  }
0x4: {  	s4 =	simm.s32 $0x0;
	s13 =	simm.s32 $0x80;
	s14 =	simm.s32 $0x1  }
0x5: {  	s15 =	simm.s32 $0x0;
	s5 =	sand.u32 $0x1, s0;
	s0 =	stileid.u32  }
0x6: {  	[smem:$0x7FF] =	sst s4;
	s1 =	sshll.u32 s5, $0x4;
	s8 =	smul.u32 $0x2800, s0  }
0x7: {  	s9 =	smul.u32 $0x28000, s5;
	s5 =	ssub.s32 $0x2, s5;
	s1 =	sor.u32 s0, s1  }
0x8: {  	s31 =	sshll.u32 s0, $0x6;
	s11 =	sshrl.u32 s5, $0x1;
	s7 =	smul.u32 $0xA00, s1  }
0x9: {  	s1 =	rddreg [dreg:$0x3];
	_ =	strace $0x80000047;
	s10 =	sshrl.u32 s8, $0x3  }
0xa: {  	s9 =	sadd.s32 s8, s9;
	s11 =	ssub.s32 s5, s11;
	s12 =	sadd.s32 s8, s3  }
0xb: {  	s10 =	sadd.s32 s10, s6;
	s9 =	sshrl.u32 s9, $0x3;
	s7 =	sadd.s32 s7, s6  }
0xc: {  	s9 =	sadd.s32 s9, s6;
	s5 =	sadd.s32 $0x2B800, s10;
	s6 =	sor.u32 $0x1C02, s31  }
0xd: {  	s10 =	sshrl.u32 s12, $0x3;
	s12 =	simm.s32 $0x5000;
	s7 =	sadd.s32 $0x3800, s7  }
0xe: {  	s8 =	sadd.s32 $0x30800, s9;
	s9 =	smax.u32 s11, $0x1;
	s11 =	simm.s32 $0x2  }
.LBB2_1:
0xf: {  	[spmem:s10], [sflag:s6] =	dma.local [hbm:s5], $0x500  }
0x10: {  	_ =	swait.ge [sflag:s11], $0x500  }
0x11: {  	[sflag:s11] =	ssyncset.done $0x0  }
0x12: {  	[sflag:s11] =	ssyncadd.s32 $0xFFFFFB00  }
0x13: {  	[tilespmem:s12], [sflag:$0x2] =	stream.linear.gather [hbm4b:s2+s4], $0x800, $0x38;
	[tilespmem:$0x8000] =	vst v63  }
0x14: {  	_ =	swait.ge [sflag:s11], $0x800  }
0x15: {  	[sflag:s11] =	ssyncset.done $0x0  }
0x16: {  	[sflag:s11] =	ssyncadd.s32 $0xFFFFF800  }
0x17: {  	[tilespmem:s4], [sflag:$0x2] =	stream.linear.gather [hbm4b:s7+s4], $0x5000, $0x38;
	[tilespmem:$0x8000] =	vst v63  }
0x18: {  	_ =	swait.ge [sflag:s11], $0x5000  }
0x19: {  	[sflag:s11] =	ssyncset.done $0x0  }
0x1a: {  	[sflag:s11] =	ssyncadd.s32 $0xFFFFB000  }
0x1b: {  	s16 =	simm.s32 $0x0;
	[bflag:$0x0] =	sbarrier.arrive $0xFFFF  }
0x1c: {  	[spmem:s3] =	stream.indirect.scatter.add.f32 [tilespmem:s12], [sflag:$0x1], $0x10, s16, s13, $0xb8;
	[tilespmem:$0x8000] =	vst v63  }
0x1d: {  	s31 =	simm.s32 $0x80  }
0x1e: {  	[spmem:s3] =	stream.indirect.scatter.add.f32 [tilespmem:s12], [sflag:$0x1], $0x10, s31, s13, $0xb8;
	[tilespmem:$0x8000] =	vst v63  }
0x1f: {  	s17 =	simm.s32 $0x100  }
0x20: {  	[spmem:s3] =	stream.indirect.scatter.add.f32 [tilespmem:s12], [sflag:$0x1], $0x10, s17, s13, $0xb8;
	[tilespmem:$0x8000] =	vst v63  }
0x21: {  	s18 =	simm.s32 $0x180  }
0x22: {  	[spmem:s3] =	stream.indirect.scatter.add.f32 [tilespmem:s12], [sflag:$0x1], $0x10, s18, s13, $0xb8;
	[tilespmem:$0x8000] =	vst v63  }
0x23: {  	s19 =	simm.s32 $0x200  }
0x24: {  	[spmem:s3] =	stream.indirect.scatter.add.f32 [tilespmem:s12], [sflag:$0x1], $0x10, s19, s13, $0xb8;
	[tilespmem:$0x8000] =	vst v63  }
0x25: {  	s20 =	simm.s32 $0x280  }
0x26: {  	[spmem:s3] =	stream.indirect.scatter.add.f32 [tilespmem:s12], [sflag:$0x1], $0x10, s20, s13, $0xb8;
	[tilespmem:$0x8000] =	vst v63  }
0x27: {  	s21 =	simm.s32 $0x300  }
0x28: {  	[spmem:s3] =	stream.indirect.scatter.add.f32 [tilespmem:s12], [sflag:$0x1], $0x10, s21, s13, $0xb8;
	[tilespmem:$0x8000] =	vst v63  }
0x29: {  	s22 =	simm.s32 $0x380  }
0x2a: {  	[spmem:s3] =	stream.indirect.scatter.add.f32 [tilespmem:s12], [sflag:$0x1], $0x10, s22, s13, $0xb8;
	[tilespmem:$0x8000] =	vst v63  }
0x2b: {  	s23 =	simm.s32 $0x400  }
0x2c: {  	[spmem:s3] =	stream.indirect.scatter.add.f32 [tilespmem:s12], [sflag:$0x1], $0x10, s23, s13, $0xb8;
	[tilespmem:$0x8000] =	vst v63  }
0x2d: {  	s24 =	simm.s32 $0x480  }
0x2e: {  	[spmem:s3] =	stream.indirect.scatter.add.f32 [tilespmem:s12], [sflag:$0x1], $0x10, s24, s13, $0xb8;
	[tilespmem:$0x8000] =	vst v63  }
0x2f: {  	s25 =	simm.s32 $0x500  }
0x30: {  	[spmem:s3] =	stream.indirect.scatter.add.f32 [tilespmem:s12], [sflag:$0x1], $0x10, s25, s13, $0xb8;
	[tilespmem:$0x8000] =	vst v63  }
0x31: {  	s26 =	simm.s32 $0x580  }
0x32: {  	[spmem:s3] =	stream.indirect.scatter.add.f32 [tilespmem:s12], [sflag:$0x1], $0x10, s26, s13, $0xb8;
	[tilespmem:$0x8000] =	vst v63  }
0x33: {  	s28 =	simm.s32 $0x600  }
0x34: {  	[spmem:s3] =	stream.indirect.scatter.add.f32 [tilespmem:s12], [sflag:$0x1], $0x10, s28, s13, $0xb8;
	[tilespmem:$0x8000] =	vst v63  }
0x35: {  	s29 =	simm.s32 $0x680  }
0x36: {  	[spmem:s3] =	stream.indirect.scatter.add.f32 [tilespmem:s12], [sflag:$0x1], $0x10, s29, s13, $0xb8;
	[tilespmem:$0x8000] =	vst v63  }
0x37: {  	s30 =	simm.s32 $0x700  }
0x38: {  	[spmem:s3] =	stream.indirect.scatter.add.f32 [tilespmem:s12], [sflag:$0x1], $0x10, s30, s13, $0xb8;
	[tilespmem:$0x8000] =	vst v63  }
0x39: {  	s31 =	simm.s32 $0x780  }
0x3a: {  	[spmem:s3] =	stream.indirect.scatter.add.f32 [tilespmem:s12], [sflag:$0x1], $0x10, s31, s13, $0xb8;
	[tilespmem:$0x8000] =	vst v63  }
0x3b: {  	_ =	swait.ge [sflag:s14], $0x800  }
0x3c: {  	[sflag:s14] =	ssyncset.done $0x0  }
0x3d: {  	[sflag:s14] =	ssyncadd.s32 $0xFFFFF800  }
0x3e: {  	_ =	swait.ge [sflag:s14], $0x800  }
0x3f: {  	[sflag:s14] =	ssyncset.done $0x0  }
0x40: {  	[sflag:s14] =	ssyncadd.s32 $0xFFFFF800  }
0x41: {  	_ =	swait.ge [sflag:s14], $0x800  }
0x42: {  	[sflag:s14] =	ssyncset.done $0x0  }
0x43: {  	[sflag:s14] =	ssyncadd.s32 $0xFFFFF800  }
0x44: {  	_ =	swait.ge [sflag:s14], $0x800  }
0x45: {  	[sflag:s14] =	ssyncset.done $0x0  }
0x46: {  	[sflag:s14] =	ssyncadd.s32 $0xFFFFF800  }
0x47: {  	_ =	swait.ge [sflag:s14], $0x800  }
0x48: {  	[sflag:s14] =	ssyncset.done $0x0  }
0x49: {  	[sflag:s14] =	ssyncadd.s32 $0xFFFFF800  }
0x4a: {  	_ =	swait.ge [sflag:s14], $0x800  }
0x4b: {  	[sflag:s14] =	ssyncset.done $0x0  }
0x4c: {  	[sflag:s14] =	ssyncadd.s32 $0xFFFFF800  }
0x4d: {  	_ =	swait.ge [sflag:s14], $0x800  }
0x4e: {  	[sflag:s14] =	ssyncset.done $0x0  }
0x4f: {  	[sflag:s14] =	ssyncadd.s32 $0xFFFFF800  }
0x50: {  	_ =	swait.ge [sflag:s14], $0x800  }
0x51: {  	[sflag:s14] =	ssyncset.done $0x0  }
0x52: {  	[sflag:s14] =	ssyncadd.s32 $0xFFFFF800  }
0x53: {  	_ =	swait.ge [sflag:s14], $0x800  }
0x54: {  	[sflag:s14] =	ssyncset.done $0x0  }
0x55: {  	[sflag:s14] =	ssyncadd.s32 $0xFFFFF800  }
0x56: {  	_ =	swait.ge [sflag:s14], $0x800  }
0x57: {  	[sflag:s14] =	ssyncset.done $0x0  }
0x58: {  	[sflag:s14] =	ssyncadd.s32 $0xFFFFF800  }
0x59: {  	_ =	swait.ge [sflag:s14], $0x800  }
0x5a: {  	[sflag:s14] =	ssyncset.done $0x0  }
0x5b: {  	[sflag:s14] =	ssyncadd.s32 $0xFFFFF800  }
0x5c: {  	_ =	swait.ge [sflag:s14], $0x800  }
0x5d: {  	[sflag:s14] =	ssyncset.done $0x0  }
0x5e: {  	[sflag:s14] =	ssyncadd.s32 $0xFFFFF800  }
0x5f: {  	_ =	swait.ge [sflag:s14], $0x800  }
0x60: {  	[sflag:s14] =	ssyncset.done $0x0  }
0x61: {  	[sflag:s14] =	ssyncadd.s32 $0xFFFFF800  }
0x62: {  	_ =	swait.ge [sflag:s14], $0x800  }
0x63: {  	[sflag:s14] =	ssyncset.done $0x0  }
0x64: {  	[sflag:s14] =	ssyncadd.s32 $0xFFFFF800  }
0x65: {  	_ =	swait.ge [sflag:s14], $0x800  }
0x66: {  	[sflag:s14] =	ssyncset.done $0x0  }
0x67: {  	[sflag:s14] =	ssyncadd.s32 $0xFFFFF800  }
0x68: {  	_ =	swait.ge [sflag:s14], $0x800  }
0x69: {  	s16 =	simm.s32 $0x2000;
	s19 =	simm.s32 $0x4000;
	[sflag:s14] =	ssyncset.done $0x0  }
.LBB2_2:
0x6a: {  	s18 =	sshra.s32 s16, $0x2  }
0x6b: {  	[sflag:s14] =	ssyncadd.s32 $0xFFFFF800;
	s16 =	smov.u32 s19;
	s17 =	sadd.s32 $0x2000, s19  }
0x6c: {  	[spmem:s3] =	stream.indirect.scatter.add.f32 [tilespmem:s12], [sflag:$0x1], $0x10, s18, s13, $0xb8;
	[tilespmem:$0x8000] =	vst v63  }
0x6d: {  	p0 =	sne.s32 s19, $0x12000;
	s19 =	sadd.s32 $0x80, s18  }
0x6e: {  	[spmem:s3] =	stream.indirect.scatter.add.f32 [tilespmem:s12], [sflag:$0x1], $0x10, s19, s13, $0xb8;
	[tilespmem:$0x8000] =	vst v63  }
0x6f: {  	s19 =	sadd.s32 $0x100, s18  }
0x70: {  	[spmem:s3] =	stream.indirect.scatter.add.f32 [tilespmem:s12], [sflag:$0x1], $0x10, s19, s13, $0xb8;
	[tilespmem:$0x8000] =	vst v63  }
0x71: {  	s19 =	sadd.s32 $0x180, s18  }
0x72: {  	[spmem:s3] =	stream.indirect.scatter.add.f32 [tilespmem:s12], [sflag:$0x1], $0x10, s19, s13, $0xb8;
	[tilespmem:$0x8000] =	vst v63  }
0x73: {  	s19 =	sadd.s32 $0x200, s18  }
0x74: {  	[spmem:s3] =	stream.indirect.scatter.add.f32 [tilespmem:s12], [sflag:$0x1], $0x10, s19, s13, $0xb8;
	[tilespmem:$0x8000] =	vst v63  }
0x75: {  	s19 =	sadd.s32 $0x280, s18  }
0x76: {  	[spmem:s3] =	stream.indirect.scatter.add.f32 [tilespmem:s12], [sflag:$0x1], $0x10, s19, s13, $0xb8;
	[tilespmem:$0x8000] =	vst v63  }
0x77: {  	s19 =	sadd.s32 $0x300, s18  }
0x78: {  	[spmem:s3] =	stream.indirect.scatter.add.f32 [tilespmem:s12], [sflag:$0x1], $0x10, s19, s13, $0xb8;
	[tilespmem:$0x8000] =	vst v63  }
0x79: {  	s19 =	sadd.s32 $0x380, s18  }
0x7a: {  	[spmem:s3] =	stream.indirect.scatter.add.f32 [tilespmem:s12], [sflag:$0x1], $0x10, s19, s13, $0xb8;
	[tilespmem:$0x8000] =	vst v63  }
0x7b: {  	s19 =	sadd.s32 $0x400, s18  }
0x7c: {  	[spmem:s3] =	stream.indirect.scatter.add.f32 [tilespmem:s12], [sflag:$0x1], $0x10, s19, s13, $0xb8;
	[tilespmem:$0x8000] =	vst v63  }
0x7d: {  	s19 =	sadd.s32 $0x480, s18  }
0x7e: {  	[spmem:s3] =	stream.indirect.scatter.add.f32 [tilespmem:s12], [sflag:$0x1], $0x10, s19, s13, $0xb8;
	[tilespmem:$0x8000] =	vst v63  }
0x7f: {  	s19 =	sadd.s32 $0x500, s18  }
0x80: {  	[spmem:s3] =	stream.indirect.scatter.add.f32 [tilespmem:s12], [sflag:$0x1], $0x10, s19, s13, $0xb8;
	[tilespmem:$0x8000] =	vst v63  }
0x81: {  	s19 =	sadd.s32 $0x580, s18  }
0x82: {  	[spmem:s3] =	stream.indirect.scatter.add.f32 [tilespmem:s12], [sflag:$0x1], $0x10, s19, s13, $0xb8;
	[tilespmem:$0x8000] =	vst v63  }
0x83: {  	s19 =	sadd.s32 $0x600, s18  }
0x84: {  	[spmem:s3] =	stream.indirect.scatter.add.f32 [tilespmem:s12], [sflag:$0x1], $0x10, s19, s13, $0xb8;
	[tilespmem:$0x8000] =	vst v63  }
0x85: {  	s19 =	sadd.s32 $0x680, s18  }
0x86: {  	[spmem:s3] =	stream.indirect.scatter.add.f32 [tilespmem:s12], [sflag:$0x1], $0x10, s19, s13, $0xb8;
	[tilespmem:$0x8000] =	vst v63  }
0x87: {  	s19 =	sadd.s32 $0x700, s18  }
0x88: {  	[spmem:s3] =	stream.indirect.scatter.add.f32 [tilespmem:s12], [sflag:$0x1], $0x10, s19, s13, $0xb8;
	[tilespmem:$0x8000] =	vst v63  }
0x89: {  	s18 =	sadd.s32 $0x780, s18  }
0x8a: {  	[spmem:s3] =	stream.indirect.scatter.add.f32 [tilespmem:s12], [sflag:$0x1], $0x10, s18, s13, $0xb8;
	[tilespmem:$0x8000] =	vst v63  }
0x8b: {  	_ =	swait.ge [sflag:s14], $0x800  }
0x8c: {  	[sflag:s14] =	ssyncset.done $0x0  }
0x8d: {  	[sflag:s14] =	ssyncadd.s32 $0xFFFFF800  }
0x8e: {  	_ =	swait.ge [sflag:s14], $0x800  }
0x8f: {  	[sflag:s14] =	ssyncset.done $0x0  }
0x90: {  	[sflag:s14] =	ssyncadd.s32 $0xFFFFF800  }
0x91: {  	_ =	swait.ge [sflag:s14], $0x800  }
0x92: {  	[sflag:s14] =	ssyncset.done $0x0  }
0x93: {  	[sflag:s14] =	ssyncadd.s32 $0xFFFFF800  }
0x94: {  	_ =	swait.ge [sflag:s14], $0x800  }
0x95: {  	[sflag:s14] =	ssyncset.done $0x0  }
0x96: {  	[sflag:s14] =	ssyncadd.s32 $0xFFFFF800  }
0x97: {  	_ =	swait.ge [sflag:s14], $0x800  }
0x98: {  	[sflag:s14] =	ssyncset.done $0x0  }
0x99: {  	[sflag:s14] =	ssyncadd.s32 $0xFFFFF800  }
0x9a: {  	_ =	swait.ge [sflag:s14], $0x800  }
0x9b: {  	[sflag:s14] =	ssyncset.done $0x0  }
0x9c: {  	[sflag:s14] =	ssyncadd.s32 $0xFFFFF800  }
0x9d: {  	_ =	swait.ge [sflag:s14], $0x800  }
0x9e: {  	[sflag:s14] =	ssyncset.done $0x0  }
0x9f: {  	[sflag:s14] =	ssyncadd.s32 $0xFFFFF800  }
0xa0: {  	_ =	swait.ge [sflag:s14], $0x800  }
0xa1: {  	[sflag:s14] =	ssyncset.done $0x0  }
0xa2: {  	[sflag:s14] =	ssyncadd.s32 $0xFFFFF800  }
0xa3: {  	_ =	swait.ge [sflag:s14], $0x800  }
0xa4: {  	[sflag:s14] =	ssyncset.done $0x0  }
0xa5: {  	[sflag:s14] =	ssyncadd.s32 $0xFFFFF800  }
0xa6: {  	_ =	swait.ge [sflag:s14], $0x800  }
0xa7: {  	[sflag:s14] =	ssyncset.done $0x0  }
0xa8: {  	[sflag:s14] =	ssyncadd.s32 $0xFFFFF800  }
0xa9: {  	_ =	swait.ge [sflag:s14], $0x800  }
0xaa: {  	[sflag:s14] =	ssyncset.done $0x0  }
0xab: {  	[sflag:s14] =	ssyncadd.s32 $0xFFFFF800  }
0xac: {  	_ =	swait.ge [sflag:s14], $0x800  }
0xad: {  	[sflag:s14] =	ssyncset.done $0x0  }
0xae: {  	[sflag:s14] =	ssyncadd.s32 $0xFFFFF800  }
0xaf: {  	_ =	swait.ge [sflag:s14], $0x800  }
0xb0: {  	[sflag:s14] =	ssyncset.done $0x0  }
0xb1: {  	[sflag:s14] =	ssyncadd.s32 $0xFFFFF800  }
0xb2: {  	_ =	swait.ge [sflag:s14], $0x800  }
0xb3: {  	[sflag:s14] =	ssyncset.done $0x0  }
0xb4: {  	[sflag:s14] =	ssyncadd.s32 $0xFFFFF800  }
.Ltmp0:
0xb5: {  	_ =	swait.ge [sflag:s14], $0x800;
	(pc) =	sbr.rel @p0 .LBB2_2-.Ltmp0, $4  }
0xb6: {  	[sflag:s14] =	ssyncset.done $0x0  }
0xb7: {  	[sflag:s14] =	ssyncadd.s32 $0xFFFFF800  }
0xb8: {  	_ =	swait.ge [sflag:s14], $0x800  }
0xb9: {  	s19 =	smov.u32 s17;
	[sflag:s14] =	ssyncset.done $0x0  }
0xba: {  	s16 =	sshra.s32 s16, $0x2;
	[sflag:s14] =	ssyncadd.s32 $0xFFFFF800  }
0xbb: {  	[spmem:s3] =	stream.indirect.scatter.add.f32 [tilespmem:s12], [sflag:$0x1], $0x10, s16, s13, $0xb8;
	[tilespmem:$0x8000] =	vst v63  }
0xbc: {  	s17 =	sadd.s32 $0x80, s16  }
0xbd: {  	[spmem:s3] =	stream.indirect.scatter.add.f32 [tilespmem:s12], [sflag:$0x1], $0x10, s17, s13, $0xb8;
	[tilespmem:$0x8000] =	vst v63  }
0xbe: {  	s18 =	sadd.s32 $0x100, s16  }
0xbf: {  	[spmem:s3] =	stream.indirect.scatter.add.f32 [tilespmem:s12], [sflag:$0x1], $0x10, s18, s13, $0xb8;
	[tilespmem:$0x8000] =	vst v63  }
0xc0: {  	s19 =	sadd.s32 $0x180, s16  }
0xc1: {  	[spmem:s3] =	stream.indirect.scatter.add.f32 [tilespmem:s12], [sflag:$0x1], $0x10, s19, s13, $0xb8;
	[tilespmem:$0x8000] =	vst v63  }
0xc2: {  	s20 =	sadd.s32 $0x200, s16  }
0xc3: {  	[spmem:s3] =	stream.indirect.scatter.add.f32 [tilespmem:s12], [sflag:$0x1], $0x10, s20, s13, $0xb8;
	[tilespmem:$0x8000] =	vst v63  }
0xc4: {  	s21 =	sadd.s32 $0x280, s16  }
0xc5: {  	[spmem:s3] =	stream.indirect.scatter.add.f32 [tilespmem:s12], [sflag:$0x1], $0x10, s21, s13, $0xb8;
	[tilespmem:$0x8000] =	vst v63  }
0xc6: {  	s22 =	sadd.s32 $0x300, s16  }
0xc7: {  	[spmem:s3] =	stream.indirect.scatter.add.f32 [tilespmem:s12], [sflag:$0x1], $0x10, s22, s13, $0xb8;
	[tilespmem:$0x8000] =	vst v63  }
0xc8: {  	s23 =	sadd.s32 $0x380, s16  }
0xc9: {  	[spmem:s3] =	stream.indirect.scatter.add.f32 [tilespmem:s12], [sflag:$0x1], $0x10, s23, s13, $0xb8;
	[tilespmem:$0x8000] =	vst v63  }
0xca: {  	s24 =	sadd.s32 $0x400, s16  }
0xcb: {  	[spmem:s3] =	stream.indirect.scatter.add.f32 [tilespmem:s12], [sflag:$0x1], $0x10, s24, s13, $0xb8;
	[tilespmem:$0x8000] =	vst v63  }
0xcc: {  	s25 =	sadd.s32 $0x480, s16  }
0xcd: {  	[spmem:s3] =	stream.indirect.scatter.add.f32 [tilespmem:s12], [sflag:$0x1], $0x10, s25, s13, $0xb8;
	[tilespmem:$0x8000] =	vst v63  }
0xce: {  	s26 =	sadd.s32 $0x500, s16  }
0xcf: {  	[spmem:s3] =	stream.indirect.scatter.add.f32 [tilespmem:s12], [sflag:$0x1], $0x10, s26, s13, $0xb8;
	[tilespmem:$0x8000] =	vst v63  }
0xd0: {  	s28 =	sadd.s32 $0x580, s16  }
0xd1: {  	[spmem:s3] =	stream.indirect.scatter.add.f32 [tilespmem:s12], [sflag:$0x1], $0x10, s28, s13, $0xb8;
	[tilespmem:$0x8000] =	vst v63  }
0xd2: {  	s29 =	sadd.s32 $0x600, s16  }
0xd3: {  	[spmem:s3] =	stream.indirect.scatter.add.f32 [tilespmem:s12], [sflag:$0x1], $0x10, s29, s13, $0xb8;
	[tilespmem:$0x8000] =	vst v63  }
0xd4: {  	s30 =	sadd.s32 $0x680, s16  }
0xd5: {  	[spmem:s3] =	stream.indirect.scatter.add.f32 [tilespmem:s12], [sflag:$0x1], $0x10, s30, s13, $0xb8;
	[tilespmem:$0x8000] =	vst v63  }
0xd6: {  	s31 =	sadd.s32 $0x700, s16  }
0xd7: {  	[spmem:s3] =	stream.indirect.scatter.add.f32 [tilespmem:s12], [sflag:$0x1], $0x10, s31, s13, $0xb8;
	[tilespmem:$0x8000] =	vst v63  }
0xd8: {  	s16 =	sadd.s32 $0x780, s16  }
0xd9: {  	[spmem:s3] =	stream.indirect.scatter.add.f32 [tilespmem:s12], [sflag:$0x1], $0x10, s16, s13, $0xb8;
	[tilespmem:$0x8000] =	vst v63  }
0xda: {  	_ =	swait.ge [sflag:s14], $0x800  }
0xdb: {  	[sflag:s14] =	ssyncset.done $0x0  }
0xdc: {  	[sflag:s14] =	ssyncadd.s32 $0xFFFFF800  }
0xdd: {  	_ =	swait.ge [sflag:s14], $0x800  }
0xde: {  	[sflag:s14] =	ssyncset.done $0x0  }
0xdf: {  	[sflag:s14] =	ssyncadd.s32 $0xFFFFF800  }
0xe0: {  	_ =	swait.ge [sflag:s14], $0x800  }
0xe1: {  	[sflag:s14] =	ssyncset.done $0x0  }
0xe2: {  	[sflag:s14] =	ssyncadd.s32 $0xFFFFF800  }
0xe3: {  	_ =	swait.ge [sflag:s14], $0x800  }
0xe4: {  	[sflag:s14] =	ssyncset.done $0x0  }
0xe5: {  	[sflag:s14] =	ssyncadd.s32 $0xFFFFF800  }
0xe6: {  	_ =	swait.ge [sflag:s14], $0x800  }
0xe7: {  	[sflag:s14] =	ssyncset.done $0x0  }
0xe8: {  	[sflag:s14] =	ssyncadd.s32 $0xFFFFF800  }
0xe9: {  	_ =	swait.ge [sflag:s14], $0x800  }
0xea: {  	[sflag:s14] =	ssyncset.done $0x0  }
0xeb: {  	[sflag:s14] =	ssyncadd.s32 $0xFFFFF800  }
0xec: {  	_ =	swait.ge [sflag:s14], $0x800  }
0xed: {  	[sflag:s14] =	ssyncset.done $0x0  }
0xee: {  	[sflag:s14] =	ssyncadd.s32 $0xFFFFF800  }
0xef: {  	_ =	swait.ge [sflag:s14], $0x800  }
0xf0: {  	[sflag:s14] =	ssyncset.done $0x0  }
0xf1: {  	[sflag:s14] =	ssyncadd.s32 $0xFFFFF800  }
0xf2: {  	_ =	swait.ge [sflag:s14], $0x800  }
0xf3: {  	[sflag:s14] =	ssyncset.done $0x0  }
0xf4: {  	[sflag:s14] =	ssyncadd.s32 $0xFFFFF800  }
0xf5: {  	_ =	swait.ge [sflag:s14], $0x800  }
0xf6: {  	[sflag:s14] =	ssyncset.done $0x0  }
0xf7: {  	[sflag:s14] =	ssyncadd.s32 $0xFFFFF800  }
0xf8: {  	_ =	swait.ge [sflag:s14], $0x800  }
0xf9: {  	[sflag:s14] =	ssyncset.done $0x0  }
0xfa: {  	[sflag:s14] =	ssyncadd.s32 $0xFFFFF800  }
0xfb: {  	_ =	swait.ge [sflag:s14], $0x800  }
0xfc: {  	[sflag:s14] =	ssyncset.done $0x0  }
0xfd: {  	[sflag:s14] =	ssyncadd.s32 $0xFFFFF800  }
0xfe: {  	_ =	swait.ge [sflag:s14], $0x800  }
0xff: {  	[sflag:s14] =	ssyncset.done $0x0  }
0x100: {  	[sflag:s14] =	ssyncadd.s32 $0xFFFFF800  }
0x101: {  	_ =	swait.ge [sflag:s14], $0x800  }
0x102: {  	[sflag:s14] =	ssyncset.done $0x0  }
0x103: {  	[sflag:s14] =	ssyncadd.s32 $0xFFFFF800  }
0x104: {  	_ =	swait.ge [sflag:s14], $0x800  }
0x105: {  	[sflag:s14] =	ssyncset.done $0x0  }
0x106: {  	[sflag:s14] =	ssyncadd.s32 $0xFFFFF800  }
0x107: {  	_ =	swait.ge [sflag:s14], $0x800  }
0x108: {  	s15 =	sadd.s32 $0x1, s15;
	[sflag:s14] =	ssyncset.done $0x0  }
0x109: {  	p0 =	sne.s32 s15, s9;
	[sflag:s14] =	ssyncadd.s32 $0xFFFFF800  }
.Ltmp1:
0x10a: {  	[bflag:$0x0] =	sbarrier.arrive $0xFFFF;
	(pc) =	sbr.rel @p0 .LBB2_1-.Ltmp1, $4  }
0x10b: {  	[hbm:s8], [sflag:s6] =	dma.local [spmem:s10], $0x500  }
0x10c: {  	_ =	swait.ge [sflag:s11], $0x500  }
0x10d: {  	[sflag:s11] =	ssyncset.done $0x0  }
0x10e: {  	[sflag:s11] =	ssyncadd.s32 $0xFFFFFB00  }
0x10f: {  	_ =	sfence.sel $0x180000  }
0x110: {  	[bflag:$0x0] =	sbarrier.arrive $0xFFFF  }
0x111: {  	p0 =	sne.s32 s0, $0x0;
	_ =	strace $0x90000047  }
0x112: {  	s0 =	sadd.s32 @!p0 $0x100000, s1;
	[bflag:$0x2] =	sbarrier.arrive $0xFFFF  }
0x113: {  	[sflag:s0] =	ssyncadd.tile.s32 @!p0 $0x1;
	_ =	shalt  }
.Lfunc_end2:
_tile_overlayer_lowered:
.L_overlay_start_2:
0x114: {  	(tag) =	ssettag $0x2  }
0x115: {  	s0 =	rddreg [dreg:$0x0];
	s2 =	stileid.u32  }
0x116: {  	s1 =	rddreg [dreg:$0x1];
	p0 =	sne.s32 s2, $0x0  }
0x117: {  	s3 =	rddreg [dreg:$0x2];
	[bflag:$0x3] =	sbarrier.arrive $0xFFFF;
	s2 =	simm.s32 @!p0 $0x1C02  }
0x118: {  	[timem:s3], [sflag:s2] =	dma.local @!p0 [hbm:s0], s1  }
0x119: {  	s0 =	simm.s32 @!p0 $0x2  }
0x11a: {  	_ =	swait.ge @!p0 [sflag:s0], s1  }
0x11b: {  	s1 =	ssub.s32 @!p0 $0x0, s1;
	[sflag:s0] =	ssyncset.done @!p0 $0x0  }
0x11c: {  	[sflag:s0] =	ssyncadd.s32 @!p0 s1  }
0x11d: {  	[bflag:$0x3] =	sbarrier.arrive $0xFFFF  }
0x11e: {  	_ =	shalt  }

</sc_bundles>
